<compile_context>
chip_gen: v7x
topology: tpu7x:2x2x1
jax: 0.10.2.dev20260603
libtpu: 0.0.44.dev20260713+nightly
codegen_flags: <defaults>
</compile_context>

<pallas_src>
import functools

import jax
import jax.numpy as jnp
from jax import lax
from jax.experimental import pallas as pl
from jax.experimental.pallas import tpu as pltpu
from jax.experimental.pallas import tpu_sc as plsc

N = 10000
NP = 10240
E = 320000
D = 128
G = 64
NC, NS, L = 2, 16, 16
NT = NC * NS
CH = 128
CPT = 80
EPAD = NT * CPT * CH
NB = 2
NGR = CPT // NB
RPT = NP // NS

_mesh = plsc.VectorSubcoreMesh(core_axis_name="c", subcore_axis_name="s")


def _newton_rsqrt(d):
    i = plsc.bitcast(d, jnp.int32)
    i = jnp.int32(0x5F3759DF) - lax.shift_right_logical(i, 1)
    y = plsc.bitcast(i, jnp.float32)
    for _ in range(4):
        y = y * (1.5 - 0.5 * d * y * y)
    return y


@functools.partial(
    pl.kernel,
    out_type=jax.ShapeDtypeStruct((NP,), jnp.float32),
    mesh=_mesh,
    compiler_params=pltpu.CompilerParams(needs_layout_passes=False),
    scratch_types=[
        pltpu.VMEM((NP,), jnp.float32),
        pltpu.VMEM((CPT, CH), jnp.int32),
        pltpu.VMEM((RPT,), jnp.float32),
        pltpu.VMEM((RPT,), jnp.float32),
        pltpu.VMEM_SHARED((NS, NP), jnp.float32),
    ],
)
def _sc_deg(dstp_ref, dis_ref, hist, dstbuf, acc, tmp, hsh):
    c = lax.axis_index("c")
    s = lax.axis_index("s")
    ones = jnp.ones((L,), jnp.float32)

    @pl.when(c == 0)
    def _():
        def zhist(i, _):
            hist[pl.ds(i * L, L)] = jnp.zeros((L,), jnp.float32)
            return _
        lax.fori_loop(0, NP // L, zhist, 0)

        for t in range(2):
            w = s + t * NS
            pltpu.sync_copy(dstp_ref.at[w], dstbuf)

            def brow(r, _):
                for jj in range(CH // L):
                    idx = dstbuf[r, pl.ds(jj * L, L)]
                    plsc.addupdate_scatter(hist, [idx], ones)
                return _
            lax.fori_loop(0, CPT, brow, 0)

        pltpu.sync_copy(hist, hsh.at[s])
        plsc.subcore_barrier()

        base = s * RPT
        def zacc(i, _):
            acc[pl.ds(i * L, L)] = jnp.zeros((L,), jnp.float32)
            return _
        lax.fori_loop(0, RPT // L, zacc, 0)
        for k in range(NS):
            pltpu.sync_copy(hsh.at[k, pl.ds(base, RPT)], tmp)

            def radd(i, _):
                sl = pl.ds(i * L, L)
                acc[sl] = acc[sl] + tmp[sl]
                return _
            lax.fori_loop(0, RPT // L, radd, 0)

        def wdis(i, _):
            sl = pl.ds(i * L, L)
            deg = acc[sl] + 1.0
            y = _newton_rsqrt(deg)
            ids = base + i * L + lax.iota(jnp.int32, L)
            tmp[sl] = jnp.where(ids < N, y, 0.0)
            return _
        lax.fori_loop(0, RPT // L, wdis, 0)
        pltpu.sync_copy(tmp, dis_ref.at[pl.ds(base, RPT)])


@functools.partial(
    pl.kernel,
    out_type=jax.ShapeDtypeStruct((NC, NP, D), jnp.float32),
    mesh=_mesh,
    scratch_types=(
        [pltpu.VMEM((CH, D), jnp.float32) for _ in range(NB)]
        + [pltpu.VMEM((CH,), jnp.int32) for _ in range(NB)]
        + [pltpu.VMEM((CH,), jnp.int32) for _ in range(NB)]
        + [pltpu.SemaphoreType.DMA for _ in range(NB)]
        + [pltpu.VMEM_SHARED((NP, D), jnp.float32)]
    ),
)
def _sc_agg(srcp_ref, dstp_ref, hs_ref, zer_ref, z_ref, *scr):
    rows = scr[0:NB]
    isrc = scr[NB:2 * NB]
    idst = scr[2 * NB:3 * NB]
    gsem = scr[3 * NB:4 * NB]
    z_sh = scr[4 * NB]

    c = lax.axis_index("c")
    s = lax.axis_index("s")
    w = c * NS + s
    base = s * RPT

    @pl.when(c == 0)
    def _():
        for k in range(RPT // CH):
            pltpu.sync_copy(hs_ref.at[pl.ds(base + k * CH, CH)], rows[0])
            pltpu.sync_copy(rows[0], z_sh.at[pl.ds(base + k * CH, CH)])

    @pl.when(c == 1)
    def _():
        for k in range(RPT // CH):
            pltpu.sync_copy(zer_ref.at[pl.ds(base + k * CH, CH)], rows[0])
            pltpu.sync_copy(rows[0], z_sh.at[pl.ds(base + k * CH, CH)])

    plsc.subcore_barrier()

    for b in range(NB):
        pltpu.sync_copy(srcp_ref.at[w, b], isrc[b])
        pltpu.sync_copy(dstp_ref.at[w, b], idst[b])
        pltpu.async_copy(hs_ref.at[isrc[b]], rows[b], gsem[b])

    def group(g, carry):
        for b in range(NB):
            pltpu.make_async_copy(hs_ref.at[isrc[b]], rows[b], gsem[b]).wait()
            pltpu.sync_copy(rows[b], z_sh.at[idst[b]], add=True)

            @pl.when(g < NGR - 1)
            def _(b=b):
                jn = (g + 1) * NB + b
                pltpu.sync_copy(srcp_ref.at[w, jn], isrc[b])
                pltpu.sync_copy(dstp_ref.at[w, jn], idst[b])
                pltpu.async_copy(hs_ref.at[isrc[b]], rows[b], gsem[b])
        return carry

    lax.fori_loop(0, NGR, group, 0)
    plsc.subcore_barrier()

    for k in range(RPT // CH):
        sl = pl.ds(base + k * CH, CH)
        pltpu.sync_copy(z_sh.at[sl], z_ref.at[c, sl])


def _tc_first_body(x_ref, w_ref, dis_ref, hs_ref):
    h = lax.dot_general(x_ref[...], w_ref[...], (((1,), (0,)), ((), ())),
                        preferred_element_type=jnp.float32,
                        precision=lax.Precision.HIGHEST)
    hs_ref[...] = h * dis_ref[...]


def _tc_mid_body(z_ref, dis_ref, w_ref, b_ref, hs_ref):
    zsum = z_ref[0] + z_ref[1]
    xn = jnp.maximum(zsum * dis_ref[...] + b_ref[...], 0.0)
    h = lax.dot_general(xn, w_ref[...], (((1,), (0,)), ((), ())),
                        preferred_element_type=jnp.float32,
                        precision=lax.Precision.HIGHEST)
    hs_ref[...] = h * dis_ref[...]


def _tc_pool_body(z_ref, dis_ref, b_ref, batch_ref, out_ref):
    zsum = z_ref[0] + z_ref[1]
    h3 = (zsum * dis_ref[...] + b_ref[...])[:N, :]
    gi = lax.broadcasted_iota(jnp.int32, (G, N), 0)
    P = jnp.where(gi == batch_ref[...], 1.0, 0.0)
    sums = lax.dot_general(P, h3, (((1,), (0,)), ((), ())),
                           preferred_element_type=jnp.float32,
                           precision=lax.Precision.HIGHEST)
    cnt = jnp.sum(P, axis=1, keepdims=True)
    out_ref[...] = sums / jnp.maximum(cnt, 1.0)


_tc_first = pl.pallas_call(
    _tc_first_body, out_shape=jax.ShapeDtypeStruct((NP, D), jnp.float32))
_tc_mid = pl.pallas_call(
    _tc_mid_body, out_shape=jax.ShapeDtypeStruct((NP, D), jnp.float32))
_tc_pool = pl.pallas_call(
    _tc_pool_body, out_shape=jax.ShapeDtypeStruct((G, D), jnp.float32))


@jax.jit
def kernel(x, edge_index, batch, W1, b1, W2, b2, W3, b3):
    src = edge_index[0].astype(jnp.int32)
    dst = edge_index[1].astype(jnp.int32)
    pad = jnp.full((EPAD - E,), N, jnp.int32)
    srcp = jnp.concatenate([src, pad]).reshape(NT, CPT, CH)
    dstp = jnp.concatenate([dst, pad]).reshape(NT, CPT, CH)

    x0 = jnp.zeros((NP, D), jnp.float32).at[:N].set(x)
    zer = jnp.zeros((NP, D), jnp.float32)
    batch2d = batch.astype(jnp.int32).reshape(1, N)

    dis = _sc_deg(dstp)
    dis2d = dis.reshape(NP, 1)

    hs = _tc_first(x0, W1, dis2d)
    z = _sc_agg(srcp, dstp, hs, zer)
    hs = _tc_mid(z, dis2d, W2, b1.reshape(1, D))
    z = _sc_agg(srcp, dstp, hs, zer)
    hs = _tc_mid(z, dis2d, W3, b2.reshape(1, D))
    z = _sc_agg(srcp, dstp, hs, zer)
    return _tc_pool(z, dis2d, b3.reshape(1, D), batch2d)

# --- scband reference (transcript-rebuilt; emitter-appended) ---
"""Pipeline reference for scband-gcnencoder-37022618092193 (READ-ONLY COPY).

The authoritative reference and input builder live on the scoring server;
editing this copy changes nothing except your own understanding.
"""

import jax, jax.numpy as jnp
import numpy as np

N_NODES = 10000
N_EDGES = 320000
NUM_GRAPHS = 64
D = 128


def setup_inputs(seed: int = 0) -> dict:
    key = jax.random.key(seed)
    ks = jax.random.split(key, 10)
    x = jax.random.normal(ks[0], (N_NODES, D), dtype=jnp.float32)
    edge_index = jax.random.randint(ks[1], (2, N_EDGES), 0, N_NODES, dtype=jnp.int32)
    batch = jnp.sort(jax.random.randint(ks[2], (N_NODES,), 0, NUM_GRAPHS, dtype=jnp.int32))
    # GCNConv params for 3 layers: dims [128, 128, 128, 128]
    W1 = jax.random.normal(ks[3], (D, D), dtype=jnp.float32) * 0.05
    b1 = jnp.zeros((D,), dtype=jnp.float32)
    W2 = jax.random.normal(ks[4], (D, D), dtype=jnp.float32) * 0.05
    b2 = jnp.zeros((D,), dtype=jnp.float32)
    W3 = jax.random.normal(ks[5], (D, D), dtype=jnp.float32) * 0.05
    b3 = jnp.zeros((D,), dtype=jnp.float32)
    return {"x": x, "edge_index": edge_index, "batch": batch,
            "W1": W1, "b1": b1, "W2": W2, "b2": b2, "W3": W3, "b3": b3}


def _gcn_conv(x, src, dst, W, b):
    # PyG GCNConv: add self-loops, symmetric normalization D^-1/2 (A+I) D^-1/2 X W + b
    h = x @ W
    ones = jnp.ones(dst.shape[0], dtype=h.dtype)
    deg = jax.ops.segment_sum(ones, dst, num_segments=N_NODES)
    deg_inv_sqrt = jnp.where(deg > 0, jax.lax.rsqrt(jnp.maximum(deg, 1e-12)), 0.0)
    norm = deg_inv_sqrt[src] * deg_inv_sqrt[dst]
    msg = h[src] * norm[:, None]
    out = jax.ops.segment_sum(msg, dst, num_segments=N_NODES)
    return out + b


def reference(x, edge_index, batch, W1, b1, W2, b2, W3, b3):
    loops = jnp.arange(N_NODES, dtype=edge_index.dtype)
    src = jnp.concatenate([edge_index[0], loops])
    dst = jnp.concatenate([edge_index[1], loops])

    h = _gcn_conv(x, src, dst, W1, b1)
    h = jax.nn.relu(h)  # dropout is identity in eval mode
    h = _gcn_conv(h, src, dst, W2, b2)
    h = jax.nn.relu(h)
    h = _gcn_conv(h, src, dst, W3, b3)

    # global_mean_pool
    summed = jax.ops.segment_sum(h, batch, num_segments=NUM_GRAPHS)
    counts = jax.ops.segment_sum(jnp.ones((N_NODES,), dtype=h.dtype), batch, num_segments=NUM_GRAPHS)
    return summed / jnp.maximum(counts, 1.0)[:, None]

if __name__ == "__main__":
    import jax
    _d = setup_inputs()
    print(jax.jit(kernel)(*tuple(_d.values())))

</pallas_src>

<mosaic_0001>
#map = affine_map<(d0, d1) -> (0, 0, 0)>
#map1 = affine_map<(d0, d1) -> (0, 0)>
module attributes {stable_mosaic.version = 14 : i64} {
  func.func @_sc_agg(%arg0: i32, %arg1: i32, %arg2: memref<32x80x128xi32, #tpu.memory_space<hbm>>, %arg3: memref<32x80x128xi32, #tpu.memory_space<hbm>>, %arg4: memref<10240x128xf32, #tpu.memory_space<hbm>>, %arg5: memref<10240x128xf32, #tpu.memory_space<hbm>>, %arg6: memref<2x10240x128xf32, #tpu.memory_space<hbm>>, %arg7: memref<128x128xf32, #tpu.memory_space<vmem>>, %arg8: memref<128x128xf32, #tpu.memory_space<vmem>>, %arg9: memref<128xi32, #tpu.memory_space<vmem>>, %arg10: memref<128xi32, #tpu.memory_space<vmem>>, %arg11: memref<128xi32, #tpu.memory_space<vmem>>, %arg12: memref<128xi32, #tpu.memory_space<vmem>>, %arg13: memref<!tpu.dma_semaphore, #tpu.memory_space<semaphore_mem>>, %arg14: memref<!tpu.dma_semaphore, #tpu.memory_space<semaphore_mem>>, %arg15: memref<10240x128xf32, #tpu.memory_space<vmem_shared>>) attributes {dimension_semantics = [#tpu.dimension_semantics<core_parallel>, #tpu.dimension_semantics<subcore_parallel>], iteration_bounds = array<i64: 2, 16>, scalar_prefetch = 0 : i64, scratch_operands = 9 : i64, tpu.core_type = #tpu.core_type<sc_vector_subcore>, window_params = [{transform_indices = #map}, {transform_indices = #map}, {transform_indices = #map1}, {transform_indices = #map1}, {transform_indices = #map}]} {
    %mul3A = arith.constant 16 : i32
    %mul3A_0 = arith.muli %arg0, %mul3A : i32
    %add3A = arith.addi %mul3A_0, %arg1 : i32
    %mul3A_1 = arith.constant 640 : i32
    %mul3A_2 = arith.muli %arg1, %mul3A_1 : i32
    %eq3A = arith.constant 0 : i32
    %eq3A_3 = arith.cmpi eq, %arg0, %eq3A : i32
    %convert_element_type3A = arith.extui %eq3A_3 : i1 to i32
    %cond3A = arith.constant 0 : i32
    %cond3A_4 = arith.cmpi ne, %convert_element_type3A, %cond3A : i32
    scf.if %cond3A_4 {
      %add3A_34 = arith.constant 0 : i32
      %add3A_35 = arith.addi %mul3A_2, %add3A_34 : i32
      "tpu.region"() ({
        %run_scoped3A_54 = tpu.sem_alloc : memref<!tpu.dma_semaphore, #tpu.memory_space<semaphore_mem>>
        %dma_start3A_55 = arith.constant 0 : i32
        %dma_start3A_56 = tpu.memref_slice %arg4[%add3A_35, %dma_start3A_55] : memref<10240x128xf32, #tpu.memory_space<hbm>> -> memref<128x128xf32, #tpu.memory_space<hbm>>
        %dma_start3A_57 = arith.constant 0 : i32
        %dma_start3A_58 = tpu.memref_slice %arg4[%add3A_35, %dma_start3A_57] : memref<10240x128xf32, #tpu.memory_space<hbm>> -> memref<128x128xf32, #tpu.memory_space<hbm>>
        tpu.enqueue_dma source(%dma_start3A_58 : memref<128x128xf32, #tpu.memory_space<hbm>>) target(%arg7 : memref<128x128xf32, #tpu.memory_space<vmem>>) target_semaphore(%run_scoped3A_54 : memref<!tpu.dma_semaphore, #tpu.memory_space<semaphore_mem>>)
        %dma_wait3A = arith.constant 0 : i32
        %dma_wait3A_59 = tpu.memref_slice %arg4[%add3A_35, %dma_wait3A] : memref<10240x128xf32, #tpu.memory_space<hbm>> -> memref<128x128xf32, #tpu.memory_space<hbm>>
        %dma_wait3A_60 = arith.constant 0 : i32
        %dma_wait3A_61 = tpu.memref_slice %arg4[%add3A_35, %dma_wait3A_60] : memref<10240x128xf32, #tpu.memory_space<hbm>> -> memref<128x128xf32, #tpu.memory_space<hbm>>
        tpu.wait_dma2 semaphore(%run_scoped3A_54 : memref<!tpu.dma_semaphore, #tpu.memory_space<semaphore_mem>>) src(%dma_wait3A_61 : memref<128x128xf32, #tpu.memory_space<hbm>>) dst(%arg7 : memref<128x128xf32, #tpu.memory_space<vmem>>)
        tpu.yield
      }) : () -> ()
      %add3A_36 = arith.constant 0 : i32
      %add3A_37 = arith.addi %mul3A_2, %add3A_36 : i32
      "tpu.region"() ({
        %run_scoped3A_54 = tpu.sem_alloc : memref<!tpu.dma_semaphore, #tpu.memory_space<semaphore_mem>>
        %dma_start3A_55 = arith.constant 0 : i32
        %dma_start3A_56 = tpu.memref_slice %arg15[%add3A_37, %dma_start3A_55] : memref<10240x128xf32, #tpu.memory_space<vmem_shared>> -> memref<128x128xf32, #tpu.memory_space<vmem_shared>>
        %dma_start3A_57 = arith.constant 0 : i32
        %dma_start3A_58 = tpu.memref_slice %arg15[%add3A_37, %dma_start3A_57] : memref<10240x128xf32, #tpu.memory_space<vmem_shared>> -> memref<128x128xf32, #tpu.memory_space<vmem_shared>>
        tpu.enqueue_dma source(%arg7 : memref<128x128xf32, #tpu.memory_space<vmem>>) target(%dma_start3A_58 : memref<128x128xf32, #tpu.memory_space<vmem_shared>>) target_semaphore(%run_scoped3A_54 : memref<!tpu.dma_semaphore, #tpu.memory_space<semaphore_mem>>)
        %dma_wait3A = arith.constant 0 : i32
        %dma_wait3A_59 = tpu.memref_slice %arg15[%add3A_37, %dma_wait3A] : memref<10240x128xf32, #tpu.memory_space<vmem_shared>> -> memref<128x128xf32, #tpu.memory_space<vmem_shared>>
        %dma_wait3A_60 = arith.constant 0 : i32
        %dma_wait3A_61 = tpu.memref_slice %arg15[%add3A_37, %dma_wait3A_60] : memref<10240x128xf32, #tpu.memory_space<vmem_shared>> -> memref<128x128xf32, #tpu.memory_space<vmem_shared>>
        tpu.wait_dma2 semaphore(%run_scoped3A_54 : memref<!tpu.dma_semaphore, #tpu.memory_space<semaphore_mem>>) src(%arg7 : memref<128x128xf32, #tpu.memory_space<vmem>>) dst(%dma_wait3A_61 : memref<128x128xf32, #tpu.memory_space<vmem_shared>>)
        tpu.yield
      }) : () -> ()
      %add3A_38 = arith.constant 128 : i32
      %add3A_39 = arith.addi %mul3A_2, %add3A_38 : i32
      "tpu.region"() ({
        %run_scoped3A_54 = tpu.sem_alloc : memref<!tpu.dma_semaphore, #tpu.memory_space<semaphore_mem>>
        %dma_start3A_55 = arith.constant 0 : i32
        %dma_start3A_56 = tpu.memref_slice %arg4[%add3A_39, %dma_start3A_55] : memref<10240x128xf32, #tpu.memory_space<hbm>> -> memref<128x128xf32, #tpu.memory_space<hbm>>
        %dma_start3A_57 = arith.constant 0 : i32
        %dma_start3A_58 = tpu.memref_slice %arg4[%add3A_39, %dma_start3A_57] : memref<10240x128xf32, #tpu.memory_space<hbm>> -> memref<128x128xf32, #tpu.memory_space<hbm>>
        tpu.enqueue_dma source(%dma_start3A_58 : memref<128x128xf32, #tpu.memory_space<hbm>>) target(%arg7 : memref<128x128xf32, #tpu.memory_space<vmem>>) target_semaphore(%run_scoped3A_54 : memref<!tpu.dma_semaphore, #tpu.memory_space<semaphore_mem>>)
        %dma_wait3A = arith.constant 0 : i32
        %dma_wait3A_59 = tpu.memref_slice %arg4[%add3A_39, %dma_wait3A] : memref<10240x128xf32, #tpu.memory_space<hbm>> -> memref<128x128xf32, #tpu.memory_space<hbm>>
        %dma_wait3A_60 = arith.constant 0 : i32
        %dma_wait3A_61 = tpu.memref_slice %arg4[%add3A_39, %dma_wait3A_60] : memref<10240x128xf32, #tpu.memory_space<hbm>> -> memref<128x128xf32, #tpu.memory_space<hbm>>
        tpu.wait_dma2 semaphore(%run_scoped3A_54 : memref<!tpu.dma_semaphore, #tpu.memory_space<semaphore_mem>>) src(%dma_wait3A_61 : memref<128x128xf32, #tpu.memory_space<hbm>>) dst(%arg7 : memref<128x128xf32, #tpu.memory_space<vmem>>)
        tpu.yield
      }) : () -> ()
      %add3A_40 = arith.constant 128 : i32
      %add3A_41 = arith.addi %mul3A_2, %add3A_40 : i32
      "tpu.region"() ({
        %run_scoped3A_54 = tpu.sem_alloc : memref<!tpu.dma_semaphore, #tpu.memory_space<semaphore_mem>>
        %dma_start3A_55 = arith.constant 0 : i32
        %dma_start3A_56 = tpu.memref_slice %arg15[%add3A_41, %dma_start3A_55] : memref<10240x128xf32, #tpu.memory_space<vmem_shared>> -> memref<128x128xf32, #tpu.memory_space<vmem_shared>>
        %dma_start3A_57 = arith.constant 0 : i32
        %dma_start3A_58 = tpu.memref_slice %arg15[%add3A_41, %dma_start3A_57] : memref<10240x128xf32, #tpu.memory_space<vmem_shared>> -> memref<128x128xf32, #tpu.memory_space<vmem_shared>>
        tpu.enqueue_dma source(%arg7 : memref<128x128xf32, #tpu.memory_space<vmem>>) target(%dma_start3A_58 : memref<128x128xf32, #tpu.memory_space<vmem_shared>>) target_semaphore(%run_scoped3A_54 : memref<!tpu.dma_semaphore, #tpu.memory_space<semaphore_mem>>)
        %dma_wait3A = arith.constant 0 : i32
        %dma_wait3A_59 = tpu.memref_slice %arg15[%add3A_41, %dma_wait3A] : memref<10240x128xf32, #tpu.memory_space<vmem_shared>> -> memref<128x128xf32, #tpu.memory_space<vmem_shared>>
        %dma_wait3A_60 = arith.constant 0 : i32
        %dma_wait3A_61 = tpu.memref_slice %arg15[%add3A_41, %dma_wait3A_60] : memref<10240x128xf32, #tpu.memory_space<vmem_shared>> -> memref<128x128xf32, #tpu.memory_space<vmem_shared>>
        tpu.wait_dma2 semaphore(%run_scoped3A_54 : memref<!tpu.dma_semaphore, #tpu.memory_space<semaphore_mem>>) src(%arg7 : memref<128x128xf32, #tpu.memory_space<vmem>>) dst(%dma_wait3A_61 : memref<128x128xf32, #tpu.memory_space<vmem_shared>>)
        tpu.yield
      }) : () -> ()
      %add3A_42 = arith.constant 256 : i32
      %add3A_43 = arith.addi %mul3A_2, %add3A_42 : i32
      "tpu.region"() ({
        %run_scoped3A_54 = tpu.sem_alloc : memref<!tpu.dma_semaphore, #tpu.memory_space<semaphore_mem>>
        %dma_start3A_55 = arith.constant 0 : i32
        %dma_start3A_56 = tpu.memref_slice %arg4[%add3A_43, %dma_start3A_55] : memref<10240x128xf32, #tpu.memory_space<hbm>> -> memref<128x128xf32, #tpu.memory_space<hbm>>
        %dma_start3A_57 = arith.constant 0 : i32
        %dma_start3A_58 = tpu.memref_slice %arg4[%add3A_43, %dma_start3A_57] : memref<10240x128xf32, #tpu.memory_space<hbm>> -> memref<128x128xf32, #tpu.memory_space<hbm>>
        tpu.enqueue_dma source(%dma_start3A_58 : memref<128x128xf32, #tpu.memory_space<hbm>>) target(%arg7 : memref<128x128xf32, #tpu.memory_space<vmem>>) target_semaphore(%run_scoped3A_54 : memref<!tpu.dma_semaphore, #tpu.memory_space<semaphore_mem>>)
        %dma_wait3A = arith.constant 0 : i32
        %dma_wait3A_59 = tpu.memref_slice %arg4[%add3A_43, %dma_wait3A] : memref<10240x128xf32, #tpu.memory_space<hbm>> -> memref<128x128xf32, #tpu.memory_space<hbm>>
        %dma_wait3A_60 = arith.constant 0 : i32
        %dma_wait3A_61 = tpu.memref_slice %arg4[%add3A_43, %dma_wait3A_60] : memref<10240x128xf32, #tpu.memory_space<hbm>> -> memref<128x128xf32, #tpu.memory_space<hbm>>
        tpu.wait_dma2 semaphore(%run_scoped3A_54 : memref<!tpu.dma_semaphore, #tpu.memory_space<semaphore_mem>>) src(%dma_wait3A_61 : memref<128x128xf32, #tpu.memory_space<hbm>>) dst(%arg7 : memref<128x128xf32, #tpu.memory_space<vmem>>)
        tpu.yield
      }) : () -> ()
      %add3A_44 = arith.constant 256 : i32
      %add3A_45 = arith.addi %mul3A_2, %add3A_44 : i32
      "tpu.region"() ({
        %run_scoped3A_54 = tpu.sem_alloc : memref<!tpu.dma_semaphore, #tpu.memory_space<semaphore_mem>>
        %dma_start3A_55 = arith.constant 0 : i32
        %dma_start3A_56 = tpu.memref_slice %arg15[%add3A_45, %dma_start3A_55] : memref<10240x128xf32, #tpu.memory_space<vmem_shared>> -> memref<128x128xf32, #tpu.memory_space<vmem_shared>>
        %dma_start3A_57 = arith.constant 0 : i32
        %dma_start3A_58 = tpu.memref_slice %arg15[%add3A_45, %dma_start3A_57] : memref<10240x128xf32, #tpu.memory_space<vmem_shared>> -> memref<128x128xf32, #tpu.memory_space<vmem_shared>>
        tpu.enqueue_dma source(%arg7 : memref<128x128xf32, #tpu.memory_space<vmem>>) target(%dma_start3A_58 : memref<128x128xf32, #tpu.memory_space<vmem_shared>>) target_semaphore(%run_scoped3A_54 : memref<!tpu.dma_semaphore, #tpu.memory_space<semaphore_mem>>)
        %dma_wait3A = arith.constant 0 : i32
        %dma_wait3A_59 = tpu.memref_slice %arg15[%add3A_45, %dma_wait3A] : memref<10240x128xf32, #tpu.memory_space<vmem_shared>> -> memref<128x128xf32, #tpu.memory_space<vmem_shared>>
        %dma_wait3A_60 = arith.constant 0 : i32
        %dma_wait3A_61 = tpu.memref_slice %arg15[%add3A_45, %dma_wait3A_60] : memref<10240x128xf32, #tpu.memory_space<vmem_shared>> -> memref<128x128xf32, #tpu.memory_space<vmem_shared>>
        tpu.wait_dma2 semaphore(%run_scoped3A_54 : memref<!tpu.dma_semaphore, #tpu.memory_space<semaphore_mem>>) src(%arg7 : memref<128x128xf32, #tpu.memory_space<vmem>>) dst(%dma_wait3A_61 : memref<128x128xf32, #tpu.memory_space<vmem_shared>>)
        tpu.yield
      }) : () -> ()
      %add3A_46 = arith.constant 384 : i32
      %add3A_47 = arith.addi %mul3A_2, %add3A_46 : i32
      "tpu.region"() ({
        %run_scoped3A_54 = tpu.sem_alloc : memref<!tpu.dma_semaphore, #tpu.memory_space<semaphore_mem>>
        %dma_start3A_55 = arith.constant 0 : i32
        %dma_start3A_56 = tpu.memref_slice %arg4[%add3A_47, %dma_start3A_55] : memref<10240x128xf32, #tpu.memory_space<hbm>> -> memref<128x128xf32, #tpu.memory_space<hbm>>
        %dma_start3A_57 = arith.constant 0 : i32
        %dma_start3A_58 = tpu.memref_slice %arg4[%add3A_47, %dma_start3A_57] : memref<10240x128xf32, #tpu.memory_space<hbm>> -> memref<128x128xf32, #tpu.memory_space<hbm>>
        tpu.enqueue_dma source(%dma_start3A_58 : memref<128x128xf32, #tpu.memory_space<hbm>>) target(%arg7 : memref<128x128xf32, #tpu.memory_space<vmem>>) target_semaphore(%run_scoped3A_54 : memref<!tpu.dma_semaphore, #tpu.memory_space<semaphore_mem>>)
        %dma_wait3A = arith.constant 0 : i32
        %dma_wait3A_59 = tpu.memref_slice %arg4[%add3A_47, %dma_wait3A] : memref<10240x128xf32, #tpu.memory_space<hbm>> -> memref<128x128xf32, #tpu.memory_space<hbm>>
        %dma_wait3A_60 = arith.constant 0 : i32
        %dma_wait3A_61 = tpu.memref_slice %arg4[%add3A_47, %dma_wait3A_60] : memref<10240x128xf32, #tpu.memory_space<hbm>> -> memref<128x128xf32, #tpu.memory_space<hbm>>
        tpu.wait_dma2 semaphore(%run_scoped3A_54 : memref<!tpu.dma_semaphore, #tpu.memory_space<semaphore_mem>>) src(%dma_wait3A_61 : memref<128x128xf32, #tpu.memory_space<hbm>>) dst(%arg7 : memref<128x128xf32, #tpu.memory_space<vmem>>)
        tpu.yield
      }) : () -> ()
      %add3A_48 = arith.constant 384 : i32
      %add3A_49 = arith.addi %mul3A_2, %add3A_48 : i32
      "tpu.region"() ({
        %run_scoped3A_54 = tpu.sem_alloc : memref<!tpu.dma_semaphore, #tpu.memory_space<semaphore_mem>>
        %dma_start3A_55 = arith.constant 0 : i32
        %dma_start3A_56 = tpu.memref_slice %arg15[%add3A_49, %dma_start3A_55] : memref<10240x128xf32, #tpu.memory_space<vmem_shared>> -> memref<128x128xf32, #tpu.memory_space<vmem_shared>>
        %dma_start3A_57 = arith.constant 0 : i32
        %dma_start3A_58 = tpu.memref_slice %arg15[%add3A_49, %dma_start3A_57] : memref<10240x128xf32, #tpu.memory_space<vmem_shared>> -> memref<128x128xf32, #tpu.memory_space<vmem_shared>>
        tpu.enqueue_dma source(%arg7 : memref<128x128xf32, #tpu.memory_space<vmem>>) target(%dma_start3A_58 : memref<128x128xf32, #tpu.memory_space<vmem_shared>>) target_semaphore(%run_scoped3A_54 : memref<!tpu.dma_semaphore, #tpu.memory_space<semaphore_mem>>)
        %dma_wait3A = arith.constant 0 : i32
        %dma_wait3A_59 = tpu.memref_slice %arg15[%add3A_49, %dma_wait3A] : memref<10240x128xf32, #tpu.memory_space<vmem_shared>> -> memref<128x128xf32, #tpu.memory_space<vmem_shared>>
        %dma_wait3A_60 = arith.constant 0 : i32
        %dma_wait3A_61 = tpu.memref_slice %arg15[%add3A_49, %dma_wait3A_60] : memref<10240x128xf32, #tpu.memory_space<vmem_shared>> -> memref<128x128xf32, #tpu.memory_space<vmem_shared>>
        tpu.wait_dma2 semaphore(%run_scoped3A_54 : memref<!tpu.dma_semaphore, #tpu.memory_space<semaphore_mem>>) src(%arg7 : memref<128x128xf32, #tpu.memory_space<vmem>>) dst(%dma_wait3A_61 : memref<128x128xf32, #tpu.memory_space<vmem_shared>>)
        tpu.yield
      }) : () -> ()
      %add3A_50 = arith.constant 512 : i32
      %add3A_51 = arith.addi %mul3A_2, %add3A_50 : i32
      "tpu.region"() ({
        %run_scoped3A_54 = tpu.sem_alloc : memref<!tpu.dma_semaphore, #tpu.memory_space<semaphore_mem>>
        %dma_start3A_55 = arith.constant 0 : i32
        %dma_start3A_56 = tpu.memref_slice %arg4[%add3A_51, %dma_start3A_55] : memref<10240x128xf32, #tpu.memory_space<hbm>> -> memref<128x128xf32, #tpu.memory_space<hbm>>
        %dma_start3A_57 = arith.constant 0 : i32
        %dma_start3A_58 = tpu.memref_slice %arg4[%add3A_51, %dma_start3A_57] : memref<10240x128xf32, #tpu.memory_space<hbm>> -> memref<128x128xf32, #tpu.memory_space<hbm>>
        tpu.enqueue_dma source(%dma_start3A_58 : memref<128x128xf32, #tpu.memory_space<hbm>>) target(%arg7 : memref<128x128xf32, #tpu.memory_space<vmem>>) target_semaphore(%run_scoped3A_54 : memref<!tpu.dma_semaphore, #tpu.memory_space<semaphore_mem>>)
        %dma_wait3A = arith.constant 0 : i32
        %dma_wait3A_59 = tpu.memref_slice %arg4[%add3A_51, %dma_wait3A] : memref<10240x128xf32, #tpu.memory_space<hbm>> -> memref<128x128xf32, #tpu.memory_space<hbm>>
        %dma_wait3A_60 = arith.constant 0 : i32
        %dma_wait3A_61 = tpu.memref_slice %arg4[%add3A_51, %dma_wait3A_60] : memref<10240x128xf32, #tpu.memory_space<hbm>> -> memref<128x128xf32, #tpu.memory_space<hbm>>
        tpu.wait_dma2 semaphore(%run_scoped3A_54 : memref<!tpu.dma_semaphore, #tpu.memory_space<semaphore_mem>>) src(%dma_wait3A_61 : memref<128x128xf32, #tpu.memory_space<hbm>>) dst(%arg7 : memref<128x128xf32, #tpu.memory_space<vmem>>)
        tpu.yield
      }) : () -> ()
      %add3A_52 = arith.constant 512 : i32
      %add3A_53 = arith.addi %mul3A_2, %add3A_52 : i32
      "tpu.region"() ({
        %run_scoped3A_54 = tpu.sem_alloc : memref<!tpu.dma_semaphore, #tpu.memory_space<semaphore_mem>>
        %dma_start3A_55 = arith.constant 0 : i32
        %dma_start3A_56 = tpu.memref_slice %arg15[%add3A_53, %dma_start3A_55] : memref<10240x128xf32, #tpu.memory_space<vmem_shared>> -> memref<128x128xf32, #tpu.memory_space<vmem_shared>>
        %dma_start3A_57 = arith.constant 0 : i32
        %dma_start3A_58 = tpu.memref_slice %arg15[%add3A_53, %dma_start3A_57] : memref<10240x128xf32, #tpu.memory_space<vmem_shared>> -> memref<128x128xf32, #tpu.memory_space<vmem_shared>>
        tpu.enqueue_dma source(%arg7 : memref<128x128xf32, #tpu.memory_space<vmem>>) target(%dma_start3A_58 : memref<128x128xf32, #tpu.memory_space<vmem_shared>>) target_semaphore(%run_scoped3A_54 : memref<!tpu.dma_semaphore, #tpu.memory_space<semaphore_mem>>)
        %dma_wait3A = arith.constant 0 : i32
        %dma_wait3A_59 = tpu.memref_slice %arg15[%add3A_53, %dma_wait3A] : memref<10240x128xf32, #tpu.memory_space<vmem_shared>> -> memref<128x128xf32, #tpu.memory_space<vmem_shared>>
        %dma_wait3A_60 = arith.constant 0 : i32
        %dma_wait3A_61 = tpu.memref_slice %arg15[%add3A_53, %dma_wait3A_60] : memref<10240x128xf32, #tpu.memory_space<vmem_shared>> -> memref<128x128xf32, #tpu.memory_space<vmem_shared>>
        tpu.wait_dma2 semaphore(%run_scoped3A_54 : memref<!tpu.dma_semaphore, #tpu.memory_space<semaphore_mem>>) src(%arg7 : memref<128x128xf32, #tpu.memory_space<vmem>>) dst(%dma_wait3A_61 : memref<128x128xf32, #tpu.memory_space<vmem_shared>>)
        tpu.yield
      }) : () -> ()
    } else {
    }
    %eq3A_5 = arith.constant 1 : i32
    %eq3A_6 = arith.cmpi eq, %arg0, %eq3A_5 : i32
    %convert_element_type3A_7 = arith.extui %eq3A_6 : i1 to i32
    %cond3A_8 = arith.constant 0 : i32
    %cond3A_9 = arith.cmpi ne, %convert_element_type3A_7, %cond3A_8 : i32
    scf.if %cond3A_9 {
      %add3A_34 = arith.constant 0 : i32
      %add3A_35 = arith.addi %mul3A_2, %add3A_34 : i32
      "tpu.region"() ({
        %run_scoped3A_54 = tpu.sem_alloc : memref<!tpu.dma_semaphore, #tpu.memory_space<semaphore_mem>>
        %dma_start3A_55 = arith.constant 0 : i32
        %dma_start3A_56 = tpu.memref_slice %arg5[%add3A_35, %dma_start3A_55] : memref<10240x128xf32, #tpu.memory_space<hbm>> -> memref<128x128xf32, #tpu.memory_space<hbm>>
        %dma_start3A_57 = arith.constant 0 : i32
        %dma_start3A_58 = tpu.memref_slice %arg5[%add3A_35, %dma_start3A_57] : memref<10240x128xf32, #tpu.memory_space<hbm>> -> memref<128x128xf32, #tpu.memory_space<hbm>>
        tpu.enqueue_dma source(%dma_start3A_58 : memref<128x128xf32, #tpu.memory_space<hbm>>) target(%arg7 : memref<128x128xf32, #tpu.memory_space<vmem>>) target_semaphore(%run_scoped3A_54 : memref<!tpu.dma_semaphore, #tpu.memory_space<semaphore_mem>>)
        %dma_wait3A = arith.constant 0 : i32
        %dma_wait3A_59 = tpu.memref_slice %arg5[%add3A_35, %dma_wait3A] : memref<10240x128xf32, #tpu.memory_space<hbm>> -> memref<128x128xf32, #tpu.memory_space<hbm>>
        %dma_wait3A_60 = arith.constant 0 : i32
        %dma_wait3A_61 = tpu.memref_slice %arg5[%add3A_35, %dma_wait3A_60] : memref<10240x128xf32, #tpu.memory_space<hbm>> -> memref<128x128xf32, #tpu.memory_space<hbm>>
        tpu.wait_dma2 semaphore(%run_scoped3A_54 : memref<!tpu.dma_semaphore, #tpu.memory_space<semaphore_mem>>) src(%dma_wait3A_61 : memref<128x128xf32, #tpu.memory_space<hbm>>) dst(%arg7 : memref<128x128xf32, #tpu.memory_space<vmem>>)
        tpu.yield
      }) : () -> ()
      %add3A_36 = arith.constant 0 : i32
      %add3A_37 = arith.addi %mul3A_2, %add3A_36 : i32
      "tpu.region"() ({
        %run_scoped3A_54 = tpu.sem_alloc : memref<!tpu.dma_semaphore, #tpu.memory_space<semaphore_mem>>
        %dma_start3A_55 = arith.constant 0 : i32
        %dma_start3A_56 = tpu.memref_slice %arg15[%add3A_37, %dma_start3A_55] : memref<10240x128xf32, #tpu.memory_space<vmem_shared>> -> memref<128x128xf32, #tpu.memory_space<vmem_shared>>
        %dma_start3A_57 = arith.constant 0 : i32
        %dma_start3A_58 = tpu.memref_slice %arg15[%add3A_37, %dma_start3A_57] : memref<10240x128xf32, #tpu.memory_space<vmem_shared>> -> memref<128x128xf32, #tpu.memory_space<vmem_shared>>
        tpu.enqueue_dma source(%arg7 : memref<128x128xf32, #tpu.memory_space<vmem>>) target(%dma_start3A_58 : memref<128x128xf32, #tpu.memory_space<vmem_shared>>) target_semaphore(%run_scoped3A_54 : memref<!tpu.dma_semaphore, #tpu.memory_space<semaphore_mem>>)
        %dma_wait3A = arith.constant 0 : i32
        %dma_wait3A_59 = tpu.memref_slice %arg15[%add3A_37, %dma_wait3A] : memref<10240x128xf32, #tpu.memory_space<vmem_shared>> -> memref<128x128xf32, #tpu.memory_space<vmem_shared>>
        %dma_wait3A_60 = arith.constant 0 : i32
        %dma_wait3A_61 = tpu.memref_slice %arg15[%add3A_37, %dma_wait3A_60] : memref<10240x128xf32, #tpu.memory_space<vmem_shared>> -> memref<128x128xf32, #tpu.memory_space<vmem_shared>>
        tpu.wait_dma2 semaphore(%run_scoped3A_54 : memref<!tpu.dma_semaphore, #tpu.memory_space<semaphore_mem>>) src(%arg7 : memref<128x128xf32, #tpu.memory_space<vmem>>) dst(%dma_wait3A_61 : memref<128x128xf32, #tpu.memory_space<vmem_shared>>)
        tpu.yield
      }) : () -> ()
      %add3A_38 = arith.constant 128 : i32
      %add3A_39 = arith.addi %mul3A_2, %add3A_38 : i32
      "tpu.region"() ({
        %run_scoped3A_54 = tpu.sem_alloc : memref<!tpu.dma_semaphore, #tpu.memory_space<semaphore_mem>>
        %dma_start3A_55 = arith.constant 0 : i32
        %dma_start3A_56 = tpu.memref_slice %arg5[%add3A_39, %dma_start3A_55] : memref<10240x128xf32, #tpu.memory_space<hbm>> -> memref<128x128xf32, #tpu.memory_space<hbm>>
        %dma_start3A_57 = arith.constant 0 : i32
        %dma_start3A_58 = tpu.memref_slice %arg5[%add3A_39, %dma_start3A_57] : memref<10240x128xf32, #tpu.memory_space<hbm>> -> memref<128x128xf32, #tpu.memory_space<hbm>>
        tpu.enqueue_dma source(%dma_start3A_58 : memref<128x128xf32, #tpu.memory_space<hbm>>) target(%arg7 : memref<128x128xf32, #tpu.memory_space<vmem>>) target_semaphore(%run_scoped3A_54 : memref<!tpu.dma_semaphore, #tpu.memory_space<semaphore_mem>>)
        %dma_wait3A = arith.constant 0 : i32
        %dma_wait3A_59 = tpu.memref_slice %arg5[%add3A_39, %dma_wait3A] : memref<10240x128xf32, #tpu.memory_space<hbm>> -> memref<128x128xf32, #tpu.memory_space<hbm>>
        %dma_wait3A_60 = arith.constant 0 : i32
        %dma_wait3A_61 = tpu.memref_slice %arg5[%add3A_39, %dma_wait3A_60] : memref<10240x128xf32, #tpu.memory_space<hbm>> -> memref<128x128xf32, #tpu.memory_space<hbm>>
        tpu.wait_dma2 semaphore(%run_scoped3A_54 : memref<!tpu.dma_semaphore, #tpu.memory_space<semaphore_mem>>) src(%dma_wait3A_61 : memref<128x128xf32, #tpu.memory_space<hbm>>) dst(%arg7 : memref<128x128xf32, #tpu.memory_space<vmem>>)
        tpu.yield
      }) : () -> ()
      %add3A_40 = arith.constant 128 : i32
      %add3A_41 = arith.addi %mul3A_2, %add3A_40 : i32
      "tpu.region"() ({
        %run_scoped3A_54 = tpu.sem_alloc : memref<!tpu.dma_semaphore, #tpu.memory_space<semaphore_mem>>
        %dma_start3A_55 = arith.constant 0 : i32
        %dma_start3A_56 = tpu.memref_slice %arg15[%add3A_41, %dma_start3A_55] : memref<10240x128xf32, #tpu.memory_space<vmem_shared>> -> memref<128x128xf32, #tpu.memory_space<vmem_shared>>
        %dma_start3A_57 = arith.constant 0 : i32
        %dma_start3A_58 = tpu.memref_slice %arg15[%add3A_41, %dma_start3A_57] : memref<10240x128xf32, #tpu.memory_space<vmem_shared>> -> memref<128x128xf32, #tpu.memory_space<vmem_shared>>
        tpu.enqueue_dma source(%arg7 : memref<128x128xf32, #tpu.memory_space<vmem>>) target(%dma_start3A_58 : memref<128x128xf32, #tpu.memory_space<vmem_shared>>) target_semaphore(%run_scoped3A_54 : memref<!tpu.dma_semaphore, #tpu.memory_space<semaphore_mem>>)
        %dma_wait3A = arith.constant 0 : i32
        %dma_wait3A_59 = tpu.memref_slice %arg15[%add3A_41, %dma_wait3A] : memref<10240x128xf32, #tpu.memory_space<vmem_shared>> -> memref<128x128xf32, #tpu.memory_space<vmem_shared>>
        %dma_wait3A_60 = arith.constant 0 : i32
        %dma_wait3A_61 = tpu.memref_slice %arg15[%add3A_41, %dma_wait3A_60] : memref<10240x128xf32, #tpu.memory_space<vmem_shared>> -> memref<128x128xf32, #tpu.memory_space<vmem_shared>>
        tpu.wait_dma2 semaphore(%run_scoped3A_54 : memref<!tpu.dma_semaphore, #tpu.memory_space<semaphore_mem>>) src(%arg7 : memref<128x128xf32, #tpu.memory_space<vmem>>) dst(%dma_wait3A_61 : memref<128x128xf32, #tpu.memory_space<vmem_shared>>)
        tpu.yield
      }) : () -> ()
      %add3A_42 = arith.constant 256 : i32
      %add3A_43 = arith.addi %mul3A_2, %add3A_42 : i32
      "tpu.region"() ({
        %run_scoped3A_54 = tpu.sem_alloc : memref<!tpu.dma_semaphore, #tpu.memory_space<semaphore_mem>>
        %dma_start3A_55 = arith.constant 0 : i32
        %dma_start3A_56 = tpu.memref_slice %arg5[%add3A_43, %dma_start3A_55] : memref<10240x128xf32, #tpu.memory_space<hbm>> -> memref<128x128xf32, #tpu.memory_space<hbm>>
        %dma_start3A_57 = arith.constant 0 : i32
        %dma_start3A_58 = tpu.memref_slice %arg5[%add3A_43, %dma_start3A_57] : memref<10240x128xf32, #tpu.memory_space<hbm>> -> memref<128x128xf32, #tpu.memory_space<hbm>>
        tpu.enqueue_dma source(%dma_start3A_58 : memref<128x128xf32, #tpu.memory_space<hbm>>) target(%arg7 : memref<128x128xf32, #tpu.memory_space<vmem>>) target_semaphore(%run_scoped3A_54 : memref<!tpu.dma_semaphore, #tpu.memory_space<semaphore_mem>>)
        %dma_wait3A = arith.constant 0 : i32
        %dma_wait3A_59 = tpu.memref_slice %arg5[%add3A_43, %dma_wait3A] : memref<10240x128xf32, #tpu.memory_space<hbm>> -> memref<128x128xf32, #tpu.memory_space<hbm>>
        %dma_wait3A_60 = arith.constant 0 : i32
        %dma_wait3A_61 = tpu.memref_slice %arg5[%add3A_43, %dma_wait3A_60] : memref<10240x128xf32, #tpu.memory_space<hbm>> -> memref<128x128xf32, #tpu.memory_space<hbm>>
        tpu.wait_dma2 semaphore(%run_scoped3A_54 : memref<!tpu.dma_semaphore, #tpu.memory_space<semaphore_mem>>) src(%dma_wait3A_61 : memref<128x128xf32, #tpu.memory_space<hbm>>) dst(%arg7 : memref<128x128xf32, #tpu.memory_space<vmem>>)
        tpu.yield
      }) : () -> ()
      %add3A_44 = arith.constant 256 : i32
      %add3A_45 = arith.addi %mul3A_2, %add3A_44 : i32
      "tpu.region"() ({
        %run_scoped3A_54 = tpu.sem_alloc : memref<!tpu.dma_semaphore, #tpu.memory_space<semaphore_mem>>
        %dma_start3A_55 = arith.constant 0 : i32
        %dma_start3A_56 = tpu.memref_slice %arg15[%add3A_45, %dma_start3A_55] : memref<10240x128xf32, #tpu.memory_space<vmem_shared>> -> memref<128x128xf32, #tpu.memory_space<vmem_shared>>
        %dma_start3A_57 = arith.constant 0 : i32
        %dma_start3A_58 = tpu.memref_slice %arg15[%add3A_45, %dma_start3A_57] : memref<10240x128xf32, #tpu.memory_space<vmem_shared>> -> memref<128x128xf32, #tpu.memory_space<vmem_shared>>
        tpu.enqueue_dma source(%arg7 : memref<128x128xf32, #tpu.memory_space<vmem>>) target(%dma_start3A_58 : memref<128x128xf32, #tpu.memory_space<vmem_shared>>) target_semaphore(%run_scoped3A_54 : memref<!tpu.dma_semaphore, #tpu.memory_space<semaphore_mem>>)
        %dma_wait3A = arith.constant 0 : i32
        %dma_wait3A_59 = tpu.memref_slice %arg15[%add3A_45, %dma_wait3A] : memref<10240x128xf32, #tpu.memory_space<vmem_shared>> -> memref<128x128xf32, #tpu.memory_space<vmem_shared>>
        %dma_wait3A_60 = arith.constant 0 : i32
        %dma_wait3A_61 = tpu.memref_slice %arg15[%add3A_45, %dma_wait3A_60] : memref<10240x128xf32, #tpu.memory_space<vmem_shared>> -> memref<128x128xf32, #tpu.memory_space<vmem_shared>>
        tpu.wait_dma2 semaphore(%run_scoped3A_54 : memref<!tpu.dma_semaphore, #tpu.memory_space<semaphore_mem>>) src(%arg7 : memref<128x128xf32, #tpu.memory_space<vmem>>) dst(%dma_wait3A_61 : memref<128x128xf32, #tpu.memory_space<vmem_shared>>)
        tpu.yield
      }) : () -> ()
      %add3A_46 = arith.constant 384 : i32
      %add3A_47 = arith.addi %mul3A_2, %add3A_46 : i32
      "tpu.region"() ({
        %run_scoped3A_54 = tpu.sem_alloc : memref<!tpu.dma_semaphore, #tpu.memory_space<semaphore_mem>>
        %dma_start3A_55 = arith.constant 0 : i32
        %dma_start3A_56 = tpu.memref_slice %arg5[%add3A_47, %dma_start3A_55] : memref<10240x128xf32, #tpu.memory_space<hbm>> -> memref<128x128xf32, #tpu.memory_space<hbm>>
        %dma_start3A_57 = arith.constant 0 : i32
        %dma_start3A_58 = tpu.memref_slice %arg5[%add3A_47, %dma_start3A_57] : memref<10240x128xf32, #tpu.memory_space<hbm>> -> memref<128x128xf32, #tpu.memory_space<hbm>>
        tpu.enqueue_dma source(%dma_start3A_58 : memref<128x128xf32, #tpu.memory_space<hbm>>) target(%arg7 : memref<128x128xf32, #tpu.memory_space<vmem>>) target_semaphore(%run_scoped3A_54 : memref<!tpu.dma_semaphore, #tpu.memory_space<semaphore_mem>>)
        %dma_wait3A = arith.constant 0 : i32
        %dma_wait3A_59 = tpu.memref_slice %arg5[%add3A_47, %dma_wait3A] : memref<10240x128xf32, #tpu.memory_space<hbm>> -> memref<128x128xf32, #tpu.memory_space<hbm>>
        %dma_wait3A_60 = arith.constant 0 : i32
        %dma_wait3A_61 = tpu.memref_slice %arg5[%add3A_47, %dma_wait3A_60] : memref<10240x128xf32, #tpu.memory_space<hbm>> -> memref<128x128xf32, #tpu.memory_space<hbm>>
        tpu.wait_dma2 semaphore(%run_scoped3A_54 : memref<!tpu.dma_semaphore, #tpu.memory_space<semaphore_mem>>) src(%dma_wait3A_61 : memref<128x128xf32, #tpu.memory_space<hbm>>) dst(%arg7 : memref<128x128xf32, #tpu.memory_space<vmem>>)
        tpu.yield
      }) : () -> ()
      %add3A_48 = arith.constant 384 : i32
      %add3A_49 = arith.addi %mul3A_2, %add3A_48 : i32
      "tpu.region"() ({
        %run_scoped3A_54 = tpu.sem_alloc : memref<!tpu.dma_semaphore, #tpu.memory_space<semaphore_mem>>
        %dma_start3A_55 = arith.constant 0 : i32
        %dma_start3A_56 = tpu.memref_slice %arg15[%add3A_49, %dma_start3A_55] : memref<10240x128xf32, #tpu.memory_space<vmem_shared>> -> memref<128x128xf32, #tpu.memory_space<vmem_shared>>
        %dma_start3A_57 = arith.constant 0 : i32
        %dma_start3A_58 = tpu.memref_slice %arg15[%add3A_49, %dma_start3A_57] : memref<10240x128xf32, #tpu.memory_space<vmem_shared>> -> memref<128x128xf32, #tpu.memory_space<vmem_shared>>
        tpu.enqueue_dma source(%arg7 : memref<128x128xf32, #tpu.memory_space<vmem>>) target(%dma_start3A_58 : memref<128x128xf32, #tpu.memory_space<vmem_shared>>) target_semaphore(%run_scoped3A_54 : memref<!tpu.dma_semaphore, #tpu.memory_space<semaphore_mem>>)
        %dma_wait3A = arith.constant 0 : i32
        %dma_wait3A_59 = tpu.memref_slice %arg15[%add3A_49, %dma_wait3A] : memref<10240x128xf32, #tpu.memory_space<vmem_shared>> -> memref<128x128xf32, #tpu.memory_space<vmem_shared>>
        %dma_wait3A_60 = arith.constant 0 : i32
        %dma_wait3A_61 = tpu.memref_slice %arg15[%add3A_49, %dma_wait3A_60] : memref<10240x128xf32, #tpu.memory_space<vmem_shared>> -> memref<128x128xf32, #tpu.memory_space<vmem_shared>>
        tpu.wait_dma2 semaphore(%run_scoped3A_54 : memref<!tpu.dma_semaphore, #tpu.memory_space<semaphore_mem>>) src(%arg7 : memref<128x128xf32, #tpu.memory_space<vmem>>) dst(%dma_wait3A_61 : memref<128x128xf32, #tpu.memory_space<vmem_shared>>)
        tpu.yield
      }) : () -> ()
      %add3A_50 = arith.constant 512 : i32
      %add3A_51 = arith.addi %mul3A_2, %add3A_50 : i32
      "tpu.region"() ({
        %run_scoped3A_54 = tpu.sem_alloc : memref<!tpu.dma_semaphore, #tpu.memory_space<semaphore_mem>>
        %dma_start3A_55 = arith.constant 0 : i32
        %dma_start3A_56 = tpu.memref_slice %arg5[%add3A_51, %dma_start3A_55] : memref<10240x128xf32, #tpu.memory_space<hbm>> -> memref<128x128xf32, #tpu.memory_space<hbm>>
        %dma_start3A_57 = arith.constant 0 : i32
        %dma_start3A_58 = tpu.memref_slice %arg5[%add3A_51, %dma_start3A_57] : memref<10240x128xf32, #tpu.memory_space<hbm>> -> memref<128x128xf32, #tpu.memory_space<hbm>>
        tpu.enqueue_dma source(%dma_start3A_58 : memref<128x128xf32, #tpu.memory_space<hbm>>) target(%arg7 : memref<128x128xf32, #tpu.memory_space<vmem>>) target_semaphore(%run_scoped3A_54 : memref<!tpu.dma_semaphore, #tpu.memory_space<semaphore_mem>>)
        %dma_wait3A = arith.constant 0 : i32
        %dma_wait3A_59 = tpu.memref_slice %arg5[%add3A_51, %dma_wait3A] : memref<10240x128xf32, #tpu.memory_space<hbm>> -> memref<128x128xf32, #tpu.memory_space<hbm>>
        %dma_wait3A_60 = arith.constant 0 : i32
        %dma_wait3A_61 = tpu.memref_slice %arg5[%add3A_51, %dma_wait3A_60] : memref<10240x128xf32, #tpu.memory_space<hbm>> -> memref<128x128xf32, #tpu.memory_space<hbm>>
        tpu.wait_dma2 semaphore(%run_scoped3A_54 : memref<!tpu.dma_semaphore, #tpu.memory_space<semaphore_mem>>) src(%dma_wait3A_61 : memref<128x128xf32, #tpu.memory_space<hbm>>) dst(%arg7 : memref<128x128xf32, #tpu.memory_space<vmem>>)
        tpu.yield
      }) : () -> ()
      %add3A_52 = arith.constant 512 : i32
      %add3A_53 = arith.addi %mul3A_2, %add3A_52 : i32
      "tpu.region"() ({
        %run_scoped3A_54 = tpu.sem_alloc : memref<!tpu.dma_semaphore, #tpu.memory_space<semaphore_mem>>
        %dma_start3A_55 = arith.constant 0 : i32
        %dma_start3A_56 = tpu.memref_slice %arg15[%add3A_53, %dma_start3A_55] : memref<10240x128xf32, #tpu.memory_space<vmem_shared>> -> memref<128x128xf32, #tpu.memory_space<vmem_shared>>
        %dma_start3A_57 = arith.constant 0 : i32
        %dma_start3A_58 = tpu.memref_slice %arg15[%add3A_53, %dma_start3A_57] : memref<10240x128xf32, #tpu.memory_space<vmem_shared>> -> memref<128x128xf32, #tpu.memory_space<vmem_shared>>
        tpu.enqueue_dma source(%arg7 : memref<128x128xf32, #tpu.memory_space<vmem>>) target(%dma_start3A_58 : memref<128x128xf32, #tpu.memory_space<vmem_shared>>) target_semaphore(%run_scoped3A_54 : memref<!tpu.dma_semaphore, #tpu.memory_space<semaphore_mem>>)
        %dma_wait3A = arith.constant 0 : i32
        %dma_wait3A_59 = tpu.memref_slice %arg15[%add3A_53, %dma_wait3A] : memref<10240x128xf32, #tpu.memory_space<vmem_shared>> -> memref<128x128xf32, #tpu.memory_space<vmem_shared>>
        %dma_wait3A_60 = arith.constant 0 : i32
        %dma_wait3A_61 = tpu.memref_slice %arg15[%add3A_53, %dma_wait3A_60] : memref<10240x128xf32, #tpu.memory_space<vmem_shared>> -> memref<128x128xf32, #tpu.memory_space<vmem_shared>>
        tpu.wait_dma2 semaphore(%run_scoped3A_54 : memref<!tpu.dma_semaphore, #tpu.memory_space<semaphore_mem>>) src(%arg7 : memref<128x128xf32, #tpu.memory_space<vmem>>) dst(%dma_wait3A_61 : memref<128x128xf32, #tpu.memory_space<vmem_shared>>)
        tpu.yield
      }) : () -> ()
    } else {
    }
    %barrier3A = arith.constant 0 : index
    tpu.barrier barrier_id(%barrier3A)
    %run_scoped3A = arith.constant 0 : i32
    "tpu.region"() ({
      %run_scoped3A_34 = tpu.sem_alloc : memref<!tpu.dma_semaphore, #tpu.memory_space<semaphore_mem>>
      %dma_start3A_35 = arith.constant 0 : i32
      %dma_start3A_36 = tpu.memref_slice %arg2[%add3A, %run_scoped3A, %dma_start3A_35] : memref<32x80x128xi32, #tpu.memory_space<hbm>> -> memref<1x1x128xi32, #tpu.memory_space<hbm>>
      %dma_start3A_37 = tpu.memref_squeeze %dma_start3A_36 : memref<1x1x128xi32, #tpu.memory_space<hbm>> -> memref<128xi32, #tpu.memory_space<hbm>>
      %dma_start3A_38 = arith.constant 0 : i32
      %dma_start3A_39 = tpu.memref_slice %arg2[%add3A, %run_scoped3A, %dma_start3A_38] : memref<32x80x128xi32, #tpu.memory_space<hbm>> -> memref<1x1x128xi32, #tpu.memory_space<hbm>>
      %dma_start3A_40 = tpu.memref_squeeze %dma_start3A_39 : memref<1x1x128xi32, #tpu.memory_space<hbm>> -> memref<128xi32, #tpu.memory_space<hbm>>
      tpu.enqueue_dma source(%dma_start3A_40 : memref<128xi32, #tpu.memory_space<hbm>>) target(%arg9 : memref<128xi32, #tpu.memory_space<vmem>>) target_semaphore(%run_scoped3A_34 : memref<!tpu.dma_semaphore, #tpu.memory_space<semaphore_mem>>)
      %dma_wait3A = arith.constant 0 : i32
      %dma_wait3A_41 = tpu.memref_slice %arg2[%add3A, %run_scoped3A, %dma_wait3A] : memref<32x80x128xi32, #tpu.memory_space<hbm>> -> memref<1x1x128xi32, #tpu.memory_space<hbm>>
      %dma_wait3A_42 = tpu.memref_squeeze %dma_wait3A_41 : memref<1x1x128xi32, #tpu.memory_space<hbm>> -> memref<128xi32, #tpu.memory_space<hbm>>
      %dma_wait3A_43 = arith.constant 0 : i32
      %dma_wait3A_44 = tpu.memref_slice %arg2[%add3A, %run_scoped3A, %dma_wait3A_43] : memref<32x80x128xi32, #tpu.memory_space<hbm>> -> memref<1x1x128xi32, #tpu.memory_space<hbm>>
      %dma_wait3A_45 = tpu.memref_squeeze %dma_wait3A_44 : memref<1x1x128xi32, #tpu.memory_space<hbm>> -> memref<128xi32, #tpu.memory_space<hbm>>
      tpu.wait_dma2 semaphore(%run_scoped3A_34 : memref<!tpu.dma_semaphore, #tpu.memory_space<semaphore_mem>>) src(%dma_wait3A_45 : memref<128xi32, #tpu.memory_space<hbm>>) dst(%arg9 : memref<128xi32, #tpu.memory_space<vmem>>)
      tpu.yield
    }) : () -> ()
    %run_scoped3A_10 = arith.constant 0 : i32
    "tpu.region"() ({
      %run_scoped3A_34 = tpu.sem_alloc : memref<!tpu.dma_semaphore, #tpu.memory_space<semaphore_mem>>
      %dma_start3A_35 = arith.constant 0 : i32
      %dma_start3A_36 = tpu.memref_slice %arg3[%add3A, %run_scoped3A_10, %dma_start3A_35] : memref<32x80x128xi32, #tpu.memory_space<hbm>> -> memref<1x1x128xi32, #tpu.memory_space<hbm>>
      %dma_start3A_37 = tpu.memref_squeeze %dma_start3A_36 : memref<1x1x128xi32, #tpu.memory_space<hbm>> -> memref<128xi32, #tpu.memory_space<hbm>>
      %dma_start3A_38 = arith.constant 0 : i32
      %dma_start3A_39 = tpu.memref_slice %arg3[%add3A, %run_scoped3A_10, %dma_start3A_38] : memref<32x80x128xi32, #tpu.memory_space<hbm>> -> memref<1x1x128xi32, #tpu.memory_space<hbm>>
      %dma_start3A_40 = tpu.memref_squeeze %dma_start3A_39 : memref<1x1x128xi32, #tpu.memory_space<hbm>> -> memref<128xi32, #tpu.memory_space<hbm>>
      tpu.enqueue_dma source(%dma_start3A_40 : memref<128xi32, #tpu.memory_space<hbm>>) target(%arg11 : memref<128xi32, #tpu.memory_space<vmem>>) target_semaphore(%run_scoped3A_34 : memref<!tpu.dma_semaphore, #tpu.memory_space<semaphore_mem>>)
      %dma_wait3A = arith.constant 0 : i32
      %dma_wait3A_41 = tpu.memref_slice %arg3[%add3A, %run_scoped3A_10, %dma_wait3A] : memref<32x80x128xi32, #tpu.memory_space<hbm>> -> memref<1x1x128xi32, #tpu.memory_space<hbm>>
      %dma_wait3A_42 = tpu.memref_squeeze %dma_wait3A_41 : memref<1x1x128xi32, #tpu.memory_space<hbm>> -> memref<128xi32, #tpu.memory_space<hbm>>
      %dma_wait3A_43 = arith.constant 0 : i32
      %dma_wait3A_44 = tpu.memref_slice %arg3[%add3A, %run_scoped3A_10, %dma_wait3A_43] : memref<32x80x128xi32, #tpu.memory_space<hbm>> -> memref<1x1x128xi32, #tpu.memory_space<hbm>>
      %dma_wait3A_45 = tpu.memref_squeeze %dma_wait3A_44 : memref<1x1x128xi32, #tpu.memory_space<hbm>> -> memref<128xi32, #tpu.memory_space<hbm>>
      tpu.wait_dma2 semaphore(%run_scoped3A_34 : memref<!tpu.dma_semaphore, #tpu.memory_space<semaphore_mem>>) src(%dma_wait3A_45 : memref<128xi32, #tpu.memory_space<hbm>>) dst(%arg11 : memref<128xi32, #tpu.memory_space<vmem>>)
      tpu.yield
    }) : () -> ()
    %dma_start3A = arith.constant 0 : i32
    %dma_start3A_11 = arith.constant 0 : i32
    %dma_start3A_12 = tpu.memref_slice %arg4[%dma_start3A, %dma_start3A_11] : memref<10240x128xf32, #tpu.memory_space<hbm>> -> memref<10240x128xf32, #tpu.memory_space<hbm>>
    tpu.enqueue_indirect_dma source(%dma_start3A_12 : memref<10240x128xf32, #tpu.memory_space<hbm>>) target(%arg7 : memref<128x128xf32, #tpu.memory_space<vmem>>) offsets(%arg9 : memref<128xi32, #tpu.memory_space<vmem>>) semaphore(%arg13 : memref<!tpu.dma_semaphore, #tpu.memory_space<semaphore_mem>>)
    %run_scoped3A_13 = arith.constant 1 : i32
    "tpu.region"() ({
      %run_scoped3A_34 = tpu.sem_alloc : memref<!tpu.dma_semaphore, #tpu.memory_space<semaphore_mem>>
      %dma_start3A_35 = arith.constant 0 : i32
      %dma_start3A_36 = tpu.memref_slice %arg2[%add3A, %run_scoped3A_13, %dma_start3A_35] : memref<32x80x128xi32, #tpu.memory_space<hbm>> -> memref<1x1x128xi32, #tpu.memory_space<hbm>>
      %dma_start3A_37 = tpu.memref_squeeze %dma_start3A_36 : memref<1x1x128xi32, #tpu.memory_space<hbm>> -> memref<128xi32, #tpu.memory_space<hbm>>
      %dma_start3A_38 = arith.constant 0 : i32
      %dma_start3A_39 = tpu.memref_slice %arg2[%add3A, %run_scoped3A_13, %dma_start3A_38] : memref<32x80x128xi32, #tpu.memory_space<hbm>> -> memref<1x1x128xi32, #tpu.memory_space<hbm>>
      %dma_start3A_40 = tpu.memref_squeeze %dma_start3A_39 : memref<1x1x128xi32, #tpu.memory_space<hbm>> -> memref<128xi32, #tpu.memory_space<hbm>>
      tpu.enqueue_dma source(%dma_start3A_40 : memref<128xi32, #tpu.memory_space<hbm>>) target(%arg10 : memref<128xi32, #tpu.memory_space<vmem>>) target_semaphore(%run_scoped3A_34 : memref<!tpu.dma_semaphore, #tpu.memory_space<semaphore_mem>>)
      %dma_wait3A = arith.constant 0 : i32
      %dma_wait3A_41 = tpu.memref_slice %arg2[%add3A, %run_scoped3A_13, %dma_wait3A] : memref<32x80x128xi32, #tpu.memory_space<hbm>> -> memref<1x1x128xi32, #tpu.memory_space<hbm>>
      %dma_wait3A_42 = tpu.memref_squeeze %dma_wait3A_41 : memref<1x1x128xi32, #tpu.memory_space<hbm>> -> memref<128xi32, #tpu.memory_space<hbm>>
      %dma_wait3A_43 = arith.constant 0 : i32
      %dma_wait3A_44 = tpu.memref_slice %arg2[%add3A, %run_scoped3A_13, %dma_wait3A_43] : memref<32x80x128xi32, #tpu.memory_space<hbm>> -> memref<1x1x128xi32, #tpu.memory_space<hbm>>
      %dma_wait3A_45 = tpu.memref_squeeze %dma_wait3A_44 : memref<1x1x128xi32, #tpu.memory_space<hbm>> -> memref<128xi32, #tpu.memory_space<hbm>>
      tpu.wait_dma2 semaphore(%run_scoped3A_34 : memref<!tpu.dma_semaphore, #tpu.memory_space<semaphore_mem>>) src(%dma_wait3A_45 : memref<128xi32, #tpu.memory_space<hbm>>) dst(%arg10 : memref<128xi32, #tpu.memory_space<vmem>>)
      tpu.yield
    }) : () -> ()
    %run_scoped3A_14 = arith.constant 1 : i32
    "tpu.region"() ({
      %run_scoped3A_34 = tpu.sem_alloc : memref<!tpu.dma_semaphore, #tpu.memory_space<semaphore_mem>>
      %dma_start3A_35 = arith.constant 0 : i32
      %dma_start3A_36 = tpu.memref_slice %arg3[%add3A, %run_scoped3A_14, %dma_start3A_35] : memref<32x80x128xi32, #tpu.memory_space<hbm>> -> memref<1x1x128xi32, #tpu.memory_space<hbm>>
      %dma_start3A_37 = tpu.memref_squeeze %dma_start3A_36 : memref<1x1x128xi32, #tpu.memory_space<hbm>> -> memref<128xi32, #tpu.memory_space<hbm>>
      %dma_start3A_38 = arith.constant 0 : i32
      %dma_start3A_39 = tpu.memref_slice %arg3[%add3A, %run_scoped3A_14, %dma_start3A_38] : memref<32x80x128xi32, #tpu.memory_space<hbm>> -> memref<1x1x128xi32, #tpu.memory_space<hbm>>
      %dma_start3A_40 = tpu.memref_squeeze %dma_start3A_39 : memref<1x1x128xi32, #tpu.memory_space<hbm>> -> memref<128xi32, #tpu.memory_space<hbm>>
      tpu.enqueue_dma source(%dma_start3A_40 : memref<128xi32, #tpu.memory_space<hbm>>) target(%arg12 : memref<128xi32, #tpu.memory_space<vmem>>) target_semaphore(%run_scoped3A_34 : memref<!tpu.dma_semaphore, #tpu.memory_space<semaphore_mem>>)
      %dma_wait3A = arith.constant 0 : i32
      %dma_wait3A_41 = tpu.memref_slice %arg3[%add3A, %run_scoped3A_14, %dma_wait3A] : memref<32x80x128xi32, #tpu.memory_space<hbm>> -> memref<1x1x128xi32, #tpu.memory_space<hbm>>
      %dma_wait3A_42 = tpu.memref_squeeze %dma_wait3A_41 : memref<1x1x128xi32, #tpu.memory_space<hbm>> -> memref<128xi32, #tpu.memory_space<hbm>>
      %dma_wait3A_43 = arith.constant 0 : i32
      %dma_wait3A_44 = tpu.memref_slice %arg3[%add3A, %run_scoped3A_14, %dma_wait3A_43] : memref<32x80x128xi32, #tpu.memory_space<hbm>> -> memref<1x1x128xi32, #tpu.memory_space<hbm>>
      %dma_wait3A_45 = tpu.memref_squeeze %dma_wait3A_44 : memref<1x1x128xi32, #tpu.memory_space<hbm>> -> memref<128xi32, #tpu.memory_space<hbm>>
      tpu.wait_dma2 semaphore(%run_scoped3A_34 : memref<!tpu.dma_semaphore, #tpu.memory_space<semaphore_mem>>) src(%dma_wait3A_45 : memref<128xi32, #tpu.memory_space<hbm>>) dst(%arg12 : memref<128xi32, #tpu.memory_space<vmem>>)
      tpu.yield
    }) : () -> ()
    %dma_start3A_15 = arith.constant 0 : i32
    %dma_start3A_16 = arith.constant 0 : i32
    %dma_start3A_17 = tpu.memref_slice %arg4[%dma_start3A_15, %dma_start3A_16] : memref<10240x128xf32, #tpu.memory_space<hbm>> -> memref<10240x128xf32, #tpu.memory_space<hbm>>
    tpu.enqueue_indirect_dma source(%dma_start3A_17 : memref<10240x128xf32, #tpu.memory_space<hbm>>) target(%arg8 : memref<128x128xf32, #tpu.memory_space<vmem>>) offsets(%arg10 : memref<128xi32, #tpu.memory_space<vmem>>) semaphore(%arg14 : memref<!tpu.dma_semaphore, #tpu.memory_space<semaphore_mem>>)
    %scan3A = arith.constant 0 : i32
    %scan3A_18 = arith.constant 0 : i32
    %scan3A_19 = arith.constant 40 : i32
    %scan3A_20 = arith.addi %scan3A_18, %scan3A_19 : i32
    %scan3A_21 = arith.constant 1 : i32
    scf.for %scan3A_34 = %scan3A_18 to %scan3A_20 step %scan3A_21  : i32 {
      %dma_wait3A = arith.constant 0 : i32
      %dma_wait3A_35 = arith.constant 0 : i32
      %dma_wait3A_36 = tpu.memref_slice %arg4[%dma_wait3A, %dma_wait3A_35] : memref<10240x128xf32, #tpu.memory_space<hbm>> -> memref<10240x128xf32, #tpu.memory_space<hbm>>
      tpu.wait_indirect_dma semaphore(%arg13 : memref<!tpu.dma_semaphore, #tpu.memory_space<semaphore_mem>>) src(%dma_wait3A_36 : memref<10240x128xf32, #tpu.memory_space<hbm>>) dst(%arg7 : memref<128x128xf32, #tpu.memory_space<vmem>>)
      "tpu.region"() ({
        %run_scoped3A_49 = tpu.sem_alloc : memref<!tpu.dma_semaphore, #tpu.memory_space<semaphore_mem>>
        %dma_start3A_50 = arith.constant 0 : i32
        %dma_start3A_51 = arith.constant 0 : i32
        %dma_start3A_52 = tpu.memref_slice %arg15[%dma_start3A_50, %dma_start3A_51] : memref<10240x128xf32, #tpu.memory_space<vmem_shared>> -> memref<10240x128xf32, #tpu.memory_space<vmem_shared>>
        tpu.enqueue_indirect_dma source(%arg7 : memref<128x128xf32, #tpu.memory_space<vmem>>) target(%dma_start3A_52 : memref<10240x128xf32, #tpu.memory_space<vmem_shared>>) offsets(%arg11 : memref<128xi32, #tpu.memory_space<vmem>>) semaphore(%run_scoped3A_49 : memref<!tpu.dma_semaphore, #tpu.memory_space<semaphore_mem>>) {add = true}
        %dma_wait3A_53 = arith.constant 0 : i32
        %dma_wait3A_54 = arith.constant 0 : i32
        %dma_wait3A_55 = tpu.memref_slice %arg15[%dma_wait3A_53, %dma_wait3A_54] : memref<10240x128xf32, #tpu.memory_space<vmem_shared>> -> memref<10240x128xf32, #tpu.memory_space<vmem_shared>>
        tpu.wait_indirect_dma semaphore(%run_scoped3A_49 : memref<!tpu.dma_semaphore, #tpu.memory_space<semaphore_mem>>) src(%arg7 : memref<128x128xf32, #tpu.memory_space<vmem>>) dst(%dma_wait3A_55 : memref<10240x128xf32, #tpu.memory_space<vmem_shared>>)
        tpu.yield
      }) : () -> ()
      %lt3A = arith.constant 39 : i32
      %lt3A_37 = arith.cmpi slt, %scan3A_34, %lt3A : i32
      %convert_element_type3A_38 = arith.extui %lt3A_37 : i1 to i32
      %cond3A_39 = arith.constant 0 : i32
      %cond3A_40 = arith.cmpi ne, %convert_element_type3A_38, %cond3A_39 : i32
      scf.if %cond3A_40 {
        %add3A_49 = arith.constant 1 : i32
        %add3A_50 = arith.addi %scan3A_34, %add3A_49 : i32
        %mul3A_51 = arith.constant 2 : i32
        %mul3A_52 = arith.muli %add3A_50, %mul3A_51 : i32
        %add3A_53 = arith.constant 0 : i32
        %add3A_54 = arith.addi %mul3A_52, %add3A_53 : i32
        "tpu.region"() ({
          %run_scoped3A_58 = tpu.sem_alloc : memref<!tpu.dma_semaphore, #tpu.memory_space<semaphore_mem>>
          %dma_start3A_59 = arith.constant 0 : i32
          %dma_start3A_60 = tpu.memref_slice %arg2[%add3A, %add3A_54, %dma_start3A_59] : memref<32x80x128xi32, #tpu.memory_space<hbm>> -> memref<1x1x128xi32, #tpu.memory_space<hbm>>
          %dma_start3A_61 = tpu.memref_squeeze %dma_start3A_60 : memref<1x1x128xi32, #tpu.memory_space<hbm>> -> memref<128xi32, #tpu.memory_space<hbm>>
          %dma_start3A_62 = arith.constant 0 : i32
          %dma_start3A_63 = tpu.memref_slice %arg2[%add3A, %add3A_54, %dma_start3A_62] : memref<32x80x128xi32, #tpu.memory_space<hbm>> -> memref<1x1x128xi32, #tpu.memory_space<hbm>>
          %dma_start3A_64 = tpu.memref_squeeze %dma_start3A_63 : memref<1x1x128xi32, #tpu.memory_space<hbm>> -> memref<128xi32, #tpu.memory_space<hbm>>
          tpu.enqueue_dma source(%dma_start3A_64 : memref<128xi32, #tpu.memory_space<hbm>>) target(%arg9 : memref<128xi32, #tpu.memory_space<vmem>>) target_semaphore(%run_scoped3A_58 : memref<!tpu.dma_semaphore, #tpu.memory_space<semaphore_mem>>)
          %dma_wait3A_65 = arith.constant 0 : i32
          %dma_wait3A_66 = tpu.memref_slice %arg2[%add3A, %add3A_54, %dma_wait3A_65] : memref<32x80x128xi32, #tpu.memory_space<hbm>> -> memref<1x1x128xi32, #tpu.memory_space<hbm>>
          %dma_wait3A_67 = tpu.memref_squeeze %dma_wait3A_66 : memref<1x1x128xi32, #tpu.memory_space<hbm>> -> memref<128xi32, #tpu.memory_space<hbm>>
          %dma_wait3A_68 = arith.constant 0 : i32
          %dma_wait3A_69 = tpu.memref_slice %arg2[%add3A, %add3A_54, %dma_wait3A_68] : memref<32x80x128xi32, #tpu.memory_space<hbm>> -> memref<1x1x128xi32, #tpu.memory_space<hbm>>
          %dma_wait3A_70 = tpu.memref_squeeze %dma_wait3A_69 : memref<1x1x128xi32, #tpu.memory_space<hbm>> -> memref<128xi32, #tpu.memory_space<hbm>>
          tpu.wait_dma2 semaphore(%run_scoped3A_58 : memref<!tpu.dma_semaphore, #tpu.memory_space<semaphore_mem>>) src(%dma_wait3A_70 : memref<128xi32, #tpu.memory_space<hbm>>) dst(%arg9 : memref<128xi32, #tpu.memory_space<vmem>>)
          tpu.yield
        }) : () -> ()
        "tpu.region"() ({
          %run_scoped3A_58 = tpu.sem_alloc : memref<!tpu.dma_semaphore, #tpu.memory_space<semaphore_mem>>
          %dma_start3A_59 = arith.constant 0 : i32
          %dma_start3A_60 = tpu.memref_slice %arg3[%add3A, %add3A_54, %dma_start3A_59] : memref<32x80x128xi32, #tpu.memory_space<hbm>> -> memref<1x1x128xi32, #tpu.memory_space<hbm>>
          %dma_start3A_61 = tpu.memref_squeeze %dma_start3A_60 : memref<1x1x128xi32, #tpu.memory_space<hbm>> -> memref<128xi32, #tpu.memory_space<hbm>>
          %dma_start3A_62 = arith.constant 0 : i32
          %dma_start3A_63 = tpu.memref_slice %arg3[%add3A, %add3A_54, %dma_start3A_62] : memref<32x80x128xi32, #tpu.memory_space<hbm>> -> memref<1x1x128xi32, #tpu.memory_space<hbm>>
          %dma_start3A_64 = tpu.memref_squeeze %dma_start3A_63 : memref<1x1x128xi32, #tpu.memory_space<hbm>> -> memref<128xi32, #tpu.memory_space<hbm>>
          tpu.enqueue_dma source(%dma_start3A_64 : memref<128xi32, #tpu.memory_space<hbm>>) target(%arg11 : memref<128xi32, #tpu.memory_space<vmem>>) target_semaphore(%run_scoped3A_58 : memref<!tpu.dma_semaphore, #tpu.memory_space<semaphore_mem>>)
          %dma_wait3A_65 = arith.constant 0 : i32
          %dma_wait3A_66 = tpu.memref_slice %arg3[%add3A, %add3A_54, %dma_wait3A_65] : memref<32x80x128xi32, #tpu.memory_space<hbm>> -> memref<1x1x128xi32, #tpu.memory_space<hbm>>
          %dma_wait3A_67 = tpu.memref_squeeze %dma_wait3A_66 : memref<1x1x128xi32, #tpu.memory_space<hbm>> -> memref<128xi32, #tpu.memory_space<hbm>>
          %dma_wait3A_68 = arith.constant 0 : i32
          %dma_wait3A_69 = tpu.memref_slice %arg3[%add3A, %add3A_54, %dma_wait3A_68] : memref<32x80x128xi32, #tpu.memory_space<hbm>> -> memref<1x1x128xi32, #tpu.memory_space<hbm>>
          %dma_wait3A_70 = tpu.memref_squeeze %dma_wait3A_69 : memref<1x1x128xi32, #tpu.memory_space<hbm>> -> memref<128xi32, #tpu.memory_space<hbm>>
          tpu.wait_dma2 semaphore(%run_scoped3A_58 : memref<!tpu.dma_semaphore, #tpu.memory_space<semaphore_mem>>) src(%dma_wait3A_70 : memref<128xi32, #tpu.memory_space<hbm>>) dst(%arg11 : memref<128xi32, #tpu.memory_space<vmem>>)
          tpu.yield
        }) : () -> ()
        %dma_start3A_55 = arith.constant 0 : i32
        %dma_start3A_56 = arith.constant 0 : i32
        %dma_start3A_57 = tpu.memref_slice %arg4[%dma_start3A_55, %dma_start3A_56] : memref<10240x128xf32, #tpu.memory_space<hbm>> -> memref<10240x128xf32, #tpu.memory_space<hbm>>
        tpu.enqueue_indirect_dma source(%dma_start3A_57 : memref<10240x128xf32, #tpu.memory_space<hbm>>) target(%arg7 : memref<128x128xf32, #tpu.memory_space<vmem>>) offsets(%arg9 : memref<128xi32, #tpu.memory_space<vmem>>) semaphore(%arg13 : memref<!tpu.dma_semaphore, #tpu.memory_space<semaphore_mem>>)
      } else {
      }
      %dma_wait3A_41 = arith.constant 0 : i32
      %dma_wait3A_42 = arith.constant 0 : i32
      %dma_wait3A_43 = tpu.memref_slice %arg4[%dma_wait3A_41, %dma_wait3A_42] : memref<10240x128xf32, #tpu.memory_space<hbm>> -> memref<10240x128xf32, #tpu.memory_space<hbm>>
      tpu.wait_indirect_dma semaphore(%arg14 : memref<!tpu.dma_semaphore, #tpu.memory_space<semaphore_mem>>) src(%dma_wait3A_43 : memref<10240x128xf32, #tpu.memory_space<hbm>>) dst(%arg8 : memref<128x128xf32, #tpu.memory_space<vmem>>)
      "tpu.region"() ({
        %run_scoped3A_49 = tpu.sem_alloc : memref<!tpu.dma_semaphore, #tpu.memory_space<semaphore_mem>>
        %dma_start3A_50 = arith.constant 0 : i32
        %dma_start3A_51 = arith.constant 0 : i32
        %dma_start3A_52 = tpu.memref_slice %arg15[%dma_start3A_50, %dma_start3A_51] : memref<10240x128xf32, #tpu.memory_space<vmem_shared>> -> memref<10240x128xf32, #tpu.memory_space<vmem_shared>>
        tpu.enqueue_indirect_dma source(%arg8 : memref<128x128xf32, #tpu.memory_space<vmem>>) target(%dma_start3A_52 : memref<10240x128xf32, #tpu.memory_space<vmem_shared>>) offsets(%arg12 : memref<128xi32, #tpu.memory_space<vmem>>) semaphore(%run_scoped3A_49 : memref<!tpu.dma_semaphore, #tpu.memory_space<semaphore_mem>>) {add = true}
        %dma_wait3A_53 = arith.constant 0 : i32
        %dma_wait3A_54 = arith.constant 0 : i32
        %dma_wait3A_55 = tpu.memref_slice %arg15[%dma_wait3A_53, %dma_wait3A_54] : memref<10240x128xf32, #tpu.memory_space<vmem_shared>> -> memref<10240x128xf32, #tpu.memory_space<vmem_shared>>
        tpu.wait_indirect_dma semaphore(%run_scoped3A_49 : memref<!tpu.dma_semaphore, #tpu.memory_space<semaphore_mem>>) src(%arg8 : memref<128x128xf32, #tpu.memory_space<vmem>>) dst(%dma_wait3A_55 : memref<10240x128xf32, #tpu.memory_space<vmem_shared>>)
        tpu.yield
      }) : () -> ()
      %lt3A_44 = arith.constant 39 : i32
      %lt3A_45 = arith.cmpi slt, %scan3A_34, %lt3A_44 : i32
      %convert_element_type3A_46 = arith.extui %lt3A_45 : i1 to i32
      %cond3A_47 = arith.constant 0 : i32
      %cond3A_48 = arith.cmpi ne, %convert_element_type3A_46, %cond3A_47 : i32
      scf.if %cond3A_48 {
        %add3A_49 = arith.constant 1 : i32
        %add3A_50 = arith.addi %scan3A_34, %add3A_49 : i32
        %mul3A_51 = arith.constant 2 : i32
        %mul3A_52 = arith.muli %add3A_50, %mul3A_51 : i32
        %add3A_53 = arith.constant 1 : i32
        %add3A_54 = arith.addi %mul3A_52, %add3A_53 : i32
        "tpu.region"() ({
          %run_scoped3A_58 = tpu.sem_alloc : memref<!tpu.dma_semaphore, #tpu.memory_space<semaphore_mem>>
          %dma_start3A_59 = arith.constant 0 : i32
          %dma_start3A_60 = tpu.memref_slice %arg2[%add3A, %add3A_54, %dma_start3A_59] : memref<32x80x128xi32, #tpu.memory_space<hbm>> -> memref<1x1x128xi32, #tpu.memory_space<hbm>>
          %dma_start3A_61 = tpu.memref_squeeze %dma_start3A_60 : memref<1x1x128xi32, #tpu.memory_space<hbm>> -> memref<128xi32, #tpu.memory_space<hbm>>
          %dma_start3A_62 = arith.constant 0 : i32
          %dma_start3A_63 = tpu.memref_slice %arg2[%add3A, %add3A_54, %dma_start3A_62] : memref<32x80x128xi32, #tpu.memory_space<hbm>> -> memref<1x1x128xi32, #tpu.memory_space<hbm>>
          %dma_start3A_64 = tpu.memref_squeeze %dma_start3A_63 : memref<1x1x128xi32, #tpu.memory_space<hbm>> -> memref<128xi32, #tpu.memory_space<hbm>>
          tpu.enqueue_dma source(%dma_start3A_64 : memref<128xi32, #tpu.memory_space<hbm>>) target(%arg10 : memref<128xi32, #tpu.memory_space<vmem>>) target_semaphore(%run_scoped3A_58 : memref<!tpu.dma_semaphore, #tpu.memory_space<semaphore_mem>>)
          %dma_wait3A_65 = arith.constant 0 : i32
          %dma_wait3A_66 = tpu.memref_slice %arg2[%add3A, %add3A_54, %dma_wait3A_65] : memref<32x80x128xi32, #tpu.memory_space<hbm>> -> memref<1x1x128xi32, #tpu.memory_space<hbm>>
          %dma_wait3A_67 = tpu.memref_squeeze %dma_wait3A_66 : memref<1x1x128xi32, #tpu.memory_space<hbm>> -> memref<128xi32, #tpu.memory_space<hbm>>
          %dma_wait3A_68 = arith.constant 0 : i32
          %dma_wait3A_69 = tpu.memref_slice %arg2[%add3A, %add3A_54, %dma_wait3A_68] : memref<32x80x128xi32, #tpu.memory_space<hbm>> -> memref<1x1x128xi32, #tpu.memory_space<hbm>>
          %dma_wait3A_70 = tpu.memref_squeeze %dma_wait3A_69 : memref<1x1x128xi32, #tpu.memory_space<hbm>> -> memref<128xi32, #tpu.memory_space<hbm>>
          tpu.wait_dma2 semaphore(%run_scoped3A_58 : memref<!tpu.dma_semaphore, #tpu.memory_space<semaphore_mem>>) src(%dma_wait3A_70 : memref<128xi32, #tpu.memory_space<hbm>>) dst(%arg10 : memref<128xi32, #tpu.memory_space<vmem>>)
          tpu.yield
        }) : () -> ()
        "tpu.region"() ({
          %run_scoped3A_58 = tpu.sem_alloc : memref<!tpu.dma_semaphore, #tpu.memory_space<semaphore_mem>>
          %dma_start3A_59 = arith.constant 0 : i32
          %dma_start3A_60 = tpu.memref_slice %arg3[%add3A, %add3A_54, %dma_start3A_59] : memref<32x80x128xi32, #tpu.memory_space<hbm>> -> memref<1x1x128xi32, #tpu.memory_space<hbm>>
          %dma_start3A_61 = tpu.memref_squeeze %dma_start3A_60 : memref<1x1x128xi32, #tpu.memory_space<hbm>> -> memref<128xi32, #tpu.memory_space<hbm>>
          %dma_start3A_62 = arith.constant 0 : i32
          %dma_start3A_63 = tpu.memref_slice %arg3[%add3A, %add3A_54, %dma_start3A_62] : memref<32x80x128xi32, #tpu.memory_space<hbm>> -> memref<1x1x128xi32, #tpu.memory_space<hbm>>
          %dma_start3A_64 = tpu.memref_squeeze %dma_start3A_63 : memref<1x1x128xi32, #tpu.memory_space<hbm>> -> memref<128xi32, #tpu.memory_space<hbm>>
          tpu.enqueue_dma source(%dma_start3A_64 : memref<128xi32, #tpu.memory_space<hbm>>) target(%arg12 : memref<128xi32, #tpu.memory_space<vmem>>) target_semaphore(%run_scoped3A_58 : memref<!tpu.dma_semaphore, #tpu.memory_space<semaphore_mem>>)
          %dma_wait3A_65 = arith.constant 0 : i32
          %dma_wait3A_66 = tpu.memref_slice %arg3[%add3A, %add3A_54, %dma_wait3A_65] : memref<32x80x128xi32, #tpu.memory_space<hbm>> -> memref<1x1x128xi32, #tpu.memory_space<hbm>>
          %dma_wait3A_67 = tpu.memref_squeeze %dma_wait3A_66 : memref<1x1x128xi32, #tpu.memory_space<hbm>> -> memref<128xi32, #tpu.memory_space<hbm>>
          %dma_wait3A_68 = arith.constant 0 : i32
          %dma_wait3A_69 = tpu.memref_slice %arg3[%add3A, %add3A_54, %dma_wait3A_68] : memref<32x80x128xi32, #tpu.memory_space<hbm>> -> memref<1x1x128xi32, #tpu.memory_space<hbm>>
          %dma_wait3A_70 = tpu.memref_squeeze %dma_wait3A_69 : memref<1x1x128xi32, #tpu.memory_space<hbm>> -> memref<128xi32, #tpu.memory_space<hbm>>
          tpu.wait_dma2 semaphore(%run_scoped3A_58 : memref<!tpu.dma_semaphore, #tpu.memory_space<semaphore_mem>>) src(%dma_wait3A_70 : memref<128xi32, #tpu.memory_space<hbm>>) dst(%arg12 : memref<128xi32, #tpu.memory_space<vmem>>)
          tpu.yield
        }) : () -> ()
        %dma_start3A_55 = arith.constant 0 : i32
        %dma_start3A_56 = arith.constant 0 : i32
        %dma_start3A_57 = tpu.memref_slice %arg4[%dma_start3A_55, %dma_start3A_56] : memref<10240x128xf32, #tpu.memory_space<hbm>> -> memref<10240x128xf32, #tpu.memory_space<hbm>>
        tpu.enqueue_indirect_dma source(%dma_start3A_57 : memref<10240x128xf32, #tpu.memory_space<hbm>>) target(%arg8 : memref<128x128xf32, #tpu.memory_space<vmem>>) offsets(%arg10 : memref<128xi32, #tpu.memory_space<vmem>>) semaphore(%arg14 : memref<!tpu.dma_semaphore, #tpu.memory_space<semaphore_mem>>)
      } else {
      }
    }
    %scan3A_22 = arith.constant 40 : i32
    %barrier3A_23 = arith.constant 0 : index
    tpu.barrier barrier_id(%barrier3A_23)
    %add3A_24 = arith.constant 0 : i32
    %add3A_25 = arith.addi %mul3A_2, %add3A_24 : i32
    "tpu.region"() ({
      %run_scoped3A_34 = tpu.sem_alloc : memref<!tpu.dma_semaphore, #tpu.memory_space<semaphore_mem>>
      %dma_start3A_35 = arith.constant 0 : i32
      %dma_start3A_36 = tpu.memref_slice %arg6[%arg0, %add3A_25, %dma_start3A_35] : memref<2x10240x128xf32, #tpu.memory_space<hbm>> -> memref<1x128x128xf32, #tpu.memory_space<hbm>>
      %dma_start3A_37 = tpu.memref_squeeze %dma_start3A_36 : memref<1x128x128xf32, #tpu.memory_space<hbm>> -> memref<128x128xf32, #tpu.memory_space<hbm>>
      %dma_start3A_38 = arith.constant 0 : i32
      %dma_start3A_39 = tpu.memref_slice %arg15[%add3A_25, %dma_start3A_38] : memref<10240x128xf32, #tpu.memory_space<vmem_shared>> -> memref<128x128xf32, #tpu.memory_space<vmem_shared>>
      tpu.enqueue_dma source(%dma_start3A_39 : memref<128x128xf32, #tpu.memory_space<vmem_shared>>) target(%dma_start3A_37 : memref<128x128xf32, #tpu.memory_space<hbm>>) target_semaphore(%run_scoped3A_34 : memref<!tpu.dma_semaphore, #tpu.memory_space<semaphore_mem>>)
      %dma_wait3A = arith.constant 0 : i32
      %dma_wait3A_40 = tpu.memref_slice %arg6[%arg0, %add3A_25, %dma_wait3A] : memref<2x10240x128xf32, #tpu.memory_space<hbm>> -> memref<1x128x128xf32, #tpu.memory_space<hbm>>
      %dma_wait3A_41 = tpu.memref_squeeze %dma_wait3A_40 : memref<1x128x128xf32, #tpu.memory_space<hbm>> -> memref<128x128xf32, #tpu.memory_space<hbm>>
      %dma_wait3A_42 = arith.constant 0 : i32
      %dma_wait3A_43 = tpu.memref_slice %arg15[%add3A_25, %dma_wait3A_42] : memref<10240x128xf32, #tpu.memory_space<vmem_shared>> -> memref<128x128xf32, #tpu.memory_space<vmem_shared>>
      tpu.wait_dma2 semaphore(%run_scoped3A_34 : memref<!tpu.dma_semaphore, #tpu.memory_space<semaphore_mem>>) src(%dma_wait3A_43 : memref<128x128xf32, #tpu.memory_space<vmem_shared>>) dst(%dma_wait3A_41 : memref<128x128xf32, #tpu.memory_space<hbm>>)
      tpu.yield
    }) : () -> ()
    %add3A_26 = arith.constant 128 : i32
    %add3A_27 = arith.addi %mul3A_2, %add3A_26 : i32
    "tpu.region"() ({
      %run_scoped3A_34 = tpu.sem_alloc : memref<!tpu.dma_semaphore, #tpu.memory_space<semaphore_mem>>
      %dma_start3A_35 = arith.constant 0 : i32
      %dma_start3A_36 = tpu.memref_slice %arg6[%arg0, %add3A_27, %dma_start3A_35] : memref<2x10240x128xf32, #tpu.memory_space<hbm>> -> memref<1x128x128xf32, #tpu.memory_space<hbm>>
      %dma_start3A_37 = tpu.memref_squeeze %dma_start3A_36 : memref<1x128x128xf32, #tpu.memory_space<hbm>> -> memref<128x128xf32, #tpu.memory_space<hbm>>
      %dma_start3A_38 = arith.constant 0 : i32
      %dma_start3A_39 = tpu.memref_slice %arg15[%add3A_27, %dma_start3A_38] : memref<10240x128xf32, #tpu.memory_space<vmem_shared>> -> memref<128x128xf32, #tpu.memory_space<vmem_shared>>
      tpu.enqueue_dma source(%dma_start3A_39 : memref<128x128xf32, #tpu.memory_space<vmem_shared>>) target(%dma_start3A_37 : memref<128x128xf32, #tpu.memory_space<hbm>>) target_semaphore(%run_scoped3A_34 : memref<!tpu.dma_semaphore, #tpu.memory_space<semaphore_mem>>)
      %dma_wait3A = arith.constant 0 : i32
      %dma_wait3A_40 = tpu.memref_slice %arg6[%arg0, %add3A_27, %dma_wait3A] : memref<2x10240x128xf32, #tpu.memory_space<hbm>> -> memref<1x128x128xf32, #tpu.memory_space<hbm>>
      %dma_wait3A_41 = tpu.memref_squeeze %dma_wait3A_40 : memref<1x128x128xf32, #tpu.memory_space<hbm>> -> memref<128x128xf32, #tpu.memory_space<hbm>>
      %dma_wait3A_42 = arith.constant 0 : i32
      %dma_wait3A_43 = tpu.memref_slice %arg15[%add3A_27, %dma_wait3A_42] : memref<10240x128xf32, #tpu.memory_space<vmem_shared>> -> memref<128x128xf32, #tpu.memory_space<vmem_shared>>
      tpu.wait_dma2 semaphore(%run_scoped3A_34 : memref<!tpu.dma_semaphore, #tpu.memory_space<semaphore_mem>>) src(%dma_wait3A_43 : memref<128x128xf32, #tpu.memory_space<vmem_shared>>) dst(%dma_wait3A_41 : memref<128x128xf32, #tpu.memory_space<hbm>>)
      tpu.yield
    }) : () -> ()
    %add3A_28 = arith.constant 256 : i32
    %add3A_29 = arith.addi %mul3A_2, %add3A_28 : i32
    "tpu.region"() ({
      %run_scoped3A_34 = tpu.sem_alloc : memref<!tpu.dma_semaphore, #tpu.memory_space<semaphore_mem>>
      %dma_start3A_35 = arith.constant 0 : i32
      %dma_start3A_36 = tpu.memref_slice %arg6[%arg0, %add3A_29, %dma_start3A_35] : memref<2x10240x128xf32, #tpu.memory_space<hbm>> -> memref<1x128x128xf32, #tpu.memory_space<hbm>>
      %dma_start3A_37 = tpu.memref_squeeze %dma_start3A_36 : memref<1x128x128xf32, #tpu.memory_space<hbm>> -> memref<128x128xf32, #tpu.memory_space<hbm>>
      %dma_start3A_38 = arith.constant 0 : i32
      %dma_start3A_39 = tpu.memref_slice %arg15[%add3A_29, %dma_start3A_38] : memref<10240x128xf32, #tpu.memory_space<vmem_shared>> -> memref<128x128xf32, #tpu.memory_space<vmem_shared>>
      tpu.enqueue_dma source(%dma_start3A_39 : memref<128x128xf32, #tpu.memory_space<vmem_shared>>) target(%dma_start3A_37 : memref<128x128xf32, #tpu.memory_space<hbm>>) target_semaphore(%run_scoped3A_34 : memref<!tpu.dma_semaphore, #tpu.memory_space<semaphore_mem>>)
      %dma_wait3A = arith.constant 0 : i32
      %dma_wait3A_40 = tpu.memref_slice %arg6[%arg0, %add3A_29, %dma_wait3A] : memref<2x10240x128xf32, #tpu.memory_space<hbm>> -> memref<1x128x128xf32, #tpu.memory_space<hbm>>
      %dma_wait3A_41 = tpu.memref_squeeze %dma_wait3A_40 : memref<1x128x128xf32, #tpu.memory_space<hbm>> -> memref<128x128xf32, #tpu.memory_space<hbm>>
      %dma_wait3A_42 = arith.constant 0 : i32
      %dma_wait3A_43 = tpu.memref_slice %arg15[%add3A_29, %dma_wait3A_42] : memref<10240x128xf32, #tpu.memory_space<vmem_shared>> -> memref<128x128xf32, #tpu.memory_space<vmem_shared>>
      tpu.wait_dma2 semaphore(%run_scoped3A_34 : memref<!tpu.dma_semaphore, #tpu.memory_space<semaphore_mem>>) src(%dma_wait3A_43 : memref<128x128xf32, #tpu.memory_space<vmem_shared>>) dst(%dma_wait3A_41 : memref<128x128xf32, #tpu.memory_space<hbm>>)
      tpu.yield
    }) : () -> ()
    %add3A_30 = arith.constant 384 : i32
    %add3A_31 = arith.addi %mul3A_2, %add3A_30 : i32
    "tpu.region"() ({
      %run_scoped3A_34 = tpu.sem_alloc : memref<!tpu.dma_semaphore, #tpu.memory_space<semaphore_mem>>
      %dma_start3A_35 = arith.constant 0 : i32
      %dma_start3A_36 = tpu.memref_slice %arg6[%arg0, %add3A_31, %dma_start3A_35] : memref<2x10240x128xf32, #tpu.memory_space<hbm>> -> memref<1x128x128xf32, #tpu.memory_space<hbm>>
      %dma_start3A_37 = tpu.memref_squeeze %dma_start3A_36 : memref<1x128x128xf32, #tpu.memory_space<hbm>> -> memref<128x128xf32, #tpu.memory_space<hbm>>
      %dma_start3A_38 = arith.constant 0 : i32
      %dma_start3A_39 = tpu.memref_slice %arg15[%add3A_31, %dma_start3A_38] : memref<10240x128xf32, #tpu.memory_space<vmem_shared>> -> memref<128x128xf32, #tpu.memory_space<vmem_shared>>
      tpu.enqueue_dma source(%dma_start3A_39 : memref<128x128xf32, #tpu.memory_space<vmem_shared>>) target(%dma_start3A_37 : memref<128x128xf32, #tpu.memory_space<hbm>>) target_semaphore(%run_scoped3A_34 : memref<!tpu.dma_semaphore, #tpu.memory_space<semaphore_mem>>)
      %dma_wait3A = arith.constant 0 : i32
      %dma_wait3A_40 = tpu.memref_slice %arg6[%arg0, %add3A_31, %dma_wait3A] : memref<2x10240x128xf32, #tpu.memory_space<hbm>> -> memref<1x128x128xf32, #tpu.memory_space<hbm>>
      %dma_wait3A_41 = tpu.memref_squeeze %dma_wait3A_40 : memref<1x128x128xf32, #tpu.memory_space<hbm>> -> memref<128x128xf32, #tpu.memory_space<hbm>>
      %dma_wait3A_42 = arith.constant 0 : i32
      %dma_wait3A_43 = tpu.memref_slice %arg15[%add3A_31, %dma_wait3A_42] : memref<10240x128xf32, #tpu.memory_space<vmem_shared>> -> memref<128x128xf32, #tpu.memory_space<vmem_shared>>
      tpu.wait_dma2 semaphore(%run_scoped3A_34 : memref<!tpu.dma_semaphore, #tpu.memory_space<semaphore_mem>>) src(%dma_wait3A_43 : memref<128x128xf32, #tpu.memory_space<vmem_shared>>) dst(%dma_wait3A_41 : memref<128x128xf32, #tpu.memory_space<hbm>>)
      tpu.yield
    }) : () -> ()
    %add3A_32 = arith.constant 512 : i32
    %add3A_33 = arith.addi %mul3A_2, %add3A_32 : i32
    "tpu.region"() ({
      %run_scoped3A_34 = tpu.sem_alloc : memref<!tpu.dma_semaphore, #tpu.memory_space<semaphore_mem>>
      %dma_start3A_35 = arith.constant 0 : i32
      %dma_start3A_36 = tpu.memref_slice %arg6[%arg0, %add3A_33, %dma_start3A_35] : memref<2x10240x128xf32, #tpu.memory_space<hbm>> -> memref<1x128x128xf32, #tpu.memory_space<hbm>>
      %dma_start3A_37 = tpu.memref_squeeze %dma_start3A_36 : memref<1x128x128xf32, #tpu.memory_space<hbm>> -> memref<128x128xf32, #tpu.memory_space<hbm>>
      %dma_start3A_38 = arith.constant 0 : i32
      %dma_start3A_39 = tpu.memref_slice %arg15[%add3A_33, %dma_start3A_38] : memref<10240x128xf32, #tpu.memory_space<vmem_shared>> -> memref<128x128xf32, #tpu.memory_space<vmem_shared>>
      tpu.enqueue_dma source(%dma_start3A_39 : memref<128x128xf32, #tpu.memory_space<vmem_shared>>) target(%dma_start3A_37 : memref<128x128xf32, #tpu.memory_space<hbm>>) target_semaphore(%run_scoped3A_34 : memref<!tpu.dma_semaphore, #tpu.memory_space<semaphore_mem>>)
      %dma_wait3A = arith.constant 0 : i32
      %dma_wait3A_40 = tpu.memref_slice %arg6[%arg0, %add3A_33, %dma_wait3A] : memref<2x10240x128xf32, #tpu.memory_space<hbm>> -> memref<1x128x128xf32, #tpu.memory_space<hbm>>
      %dma_wait3A_41 = tpu.memref_squeeze %dma_wait3A_40 : memref<1x128x128xf32, #tpu.memory_space<hbm>> -> memref<128x128xf32, #tpu.memory_space<hbm>>
      %dma_wait3A_42 = arith.constant 0 : i32
      %dma_wait3A_43 = tpu.memref_slice %arg15[%add3A_33, %dma_wait3A_42] : memref<10240x128xf32, #tpu.memory_space<vmem_shared>> -> memref<128x128xf32, #tpu.memory_space<vmem_shared>>
      tpu.wait_dma2 semaphore(%run_scoped3A_34 : memref<!tpu.dma_semaphore, #tpu.memory_space<semaphore_mem>>) src(%dma_wait3A_43 : memref<128x128xf32, #tpu.memory_space<vmem_shared>>) dst(%dma_wait3A_41 : memref<128x128xf32, #tpu.memory_space<hbm>>)
      tpu.yield
    }) : () -> ()
    return
  }
}

#map = affine_map<(d0, d1) -> (0, 0, 0)>
#map1 = affine_map<(d0, d1) -> (0)>
module attributes {stable_mosaic.version = 14 : i64} {
  func.func @_sc_deg(%arg0: i32, %arg1: i32, %arg2: memref<32x80x128xi32, #tpu.memory_space<hbm>>, %arg3: memref<10240xf32, #tpu.memory_space<hbm>>, %arg4: memref<10240xf32, #tpu.memory_space<vmem>>, %arg5: memref<80x128xi32, #tpu.memory_space<vmem>>, %arg6: memref<640xf32, #tpu.memory_space<vmem>>, %arg7: memref<640xf32, #tpu.memory_space<vmem>>, %arg8: memref<16x10240xf32, #tpu.memory_space<vmem_shared>>) attributes {dimension_semantics = [#tpu.dimension_semantics<core_parallel>, #tpu.dimension_semantics<subcore_parallel>], iteration_bounds = array<i64: 2, 16>, scalar_prefetch = 0 : i64, scratch_operands = 5 : i64, tpu.core_type = #tpu.core_type<sc_vector_subcore>, window_params = [{transform_indices = #map}, {transform_indices = #map1}]} {
    %broadcast_in_dim3A = arith.constant 1.000000e+00 : f32
    %broadcast_in_dim3A_0 = vector.broadcast %broadcast_in_dim3A : f32 to vector<16xf32>
    %eq3A = arith.constant 0 : i32
    %eq3A_1 = arith.cmpi eq, %arg0, %eq3A : i32
    %convert_element_type3A = arith.extui %eq3A_1 : i1 to i32
    %cond3A = arith.constant 0 : i32
    %cond3A_2 = arith.cmpi ne, %convert_element_type3A, %cond3A : i32
    scf.if %cond3A_2 {
      %scan3A = arith.constant 0 : i32
      %scan3A_3 = arith.constant 0 : i32
      %scan3A_4 = arith.constant 640 : i32
      %scan3A_5 = arith.addi %scan3A_3, %scan3A_4 : i32
      %scan3A_6 = arith.constant 1 : i32
      scf.for %scan3A_147 = %scan3A_3 to %scan3A_5 step %scan3A_6  : i32 {
        %broadcast_in_dim3A_148 = arith.constant 0.000000e+00 : f32
        %broadcast_in_dim3A_149 = vector.broadcast %broadcast_in_dim3A_148 : f32 to vector<16xf32>
        %mul3A_150 = arith.constant 16 : i32
        %mul3A_151 = arith.muli %scan3A_147, %mul3A_150 : i32
        %swap3A = arith.index_cast %mul3A_151 : i32 to index
        %swap3A_152 = tpu.vector_load %arg4[%swap3A] {strides = array<i32>} : memref<10240xf32, #tpu.memory_space<vmem>>, vector<16xf32>,
        tpu.vector_store %arg4[%swap3A], %broadcast_in_dim3A_149 {strides = array<i32>} : memref<10240xf32, #tpu.memory_space<vmem>>, vector<16xf32>,
      }
      %scan3A_7 = arith.constant 640 : i32
      %add3A = arith.constant 0 : i32
      %add3A_8 = arith.addi %arg1, %add3A : i32
      "tpu.region"() ({
        %run_scoped3A_147 = tpu.sem_alloc : memref<!tpu.dma_semaphore, #tpu.memory_space<semaphore_mem>>
        %dma_start3A = arith.constant 0 : i32
        %dma_start3A_148 = arith.constant 0 : i32
        %dma_start3A_149 = tpu.memref_slice %arg2[%add3A_8, %dma_start3A, %dma_start3A_148] : memref<32x80x128xi32, #tpu.memory_space<hbm>> -> memref<1x80x128xi32, #tpu.memory_space<hbm>>
        %dma_start3A_150 = tpu.memref_squeeze %dma_start3A_149 : memref<1x80x128xi32, #tpu.memory_space<hbm>> -> memref<80x128xi32, #tpu.memory_space<hbm>>
        %dma_start3A_151 = arith.constant 0 : i32
        %dma_start3A_152 = arith.constant 0 : i32
        %dma_start3A_153 = tpu.memref_slice %arg2[%add3A_8, %dma_start3A_151, %dma_start3A_152] : memref<32x80x128xi32, #tpu.memory_space<hbm>> -> memref<1x80x128xi32, #tpu.memory_space<hbm>>
        %dma_start3A_154 = tpu.memref_squeeze %dma_start3A_153 : memref<1x80x128xi32, #tpu.memory_space<hbm>> -> memref<80x128xi32, #tpu.memory_space<hbm>>
        tpu.enqueue_dma source(%dma_start3A_154 : memref<80x128xi32, #tpu.memory_space<hbm>>) target(%arg5 : memref<80x128xi32, #tpu.memory_space<vmem>>) target_semaphore(%run_scoped3A_147 : memref<!tpu.dma_semaphore, #tpu.memory_space<semaphore_mem>>)
        %dma_wait3A = arith.constant 0 : i32
        %dma_wait3A_155 = arith.constant 0 : i32
        %dma_wait3A_156 = tpu.memref_slice %arg2[%add3A_8, %dma_wait3A, %dma_wait3A_155] : memref<32x80x128xi32, #tpu.memory_space<hbm>> -> memref<1x80x128xi32, #tpu.memory_space<hbm>>
        %dma_wait3A_157 = tpu.memref_squeeze %dma_wait3A_156 : memref<1x80x128xi32, #tpu.memory_space<hbm>> -> memref<80x128xi32, #tpu.memory_space<hbm>>
        %dma_wait3A_158 = arith.constant 0 : i32
        %dma_wait3A_159 = arith.constant 0 : i32
        %dma_wait3A_160 = tpu.memref_slice %arg2[%add3A_8, %dma_wait3A_158, %dma_wait3A_159] : memref<32x80x128xi32, #tpu.memory_space<hbm>> -> memref<1x80x128xi32, #tpu.memory_space<hbm>>
        %dma_wait3A_161 = tpu.memref_squeeze %dma_wait3A_160 : memref<1x80x128xi32, #tpu.memory_space<hbm>> -> memref<80x128xi32, #tpu.memory_space<hbm>>
        tpu.wait_dma2 semaphore(%run_scoped3A_147 : memref<!tpu.dma_semaphore, #tpu.memory_space<semaphore_mem>>) src(%dma_wait3A_161 : memref<80x128xi32, #tpu.memory_space<hbm>>) dst(%arg5 : memref<80x128xi32, #tpu.memory_space<vmem>>)
        tpu.yield
      }) : () -> ()
      %scan3A_9 = arith.constant 0 : i32
      %scan3A_10 = arith.constant 0 : i32
      %scan3A_11 = arith.constant 80 : i32
      %scan3A_12 = arith.addi %scan3A_10, %scan3A_11 : i32
      %scan3A_13 = arith.constant 1 : i32
      scf.for %scan3A_147 = %scan3A_10 to %scan3A_12 step %scan3A_13  : i32 {
        %get3A = arith.index_cast %scan3A_147 : i32 to index
        %get3A_148 = arith.constant 0 : index
        %get3A_149 = tpu.vector_load %arg5[%get3A, %get3A_148] {strides = array<i32>} : memref<80x128xi32, #tpu.memory_space<vmem>>, vector<16xi32>,
        tpu.vector_store_idx %arg4[%get3A_149], %broadcast_in_dim3A_0 {add = true} : memref<10240xf32, #tpu.memory_space<vmem>>[vector<16xi32>], vector<16xf32>,
        %get3A_150 = arith.index_cast %scan3A_147 : i32 to index
        %get3A_151 = arith.constant 16 : index
        %get3A_152 = tpu.vector_load %arg5[%get3A_150, %get3A_151] {strides = array<i32>} : memref<80x128xi32, #tpu.memory_space<vmem>>, vector<16xi32>,
        tpu.vector_store_idx %arg4[%get3A_152], %broadcast_in_dim3A_0 {add = true} : memref<10240xf32, #tpu.memory_space<vmem>>[vector<16xi32>], vector<16xf32>,
        %get3A_153 = arith.index_cast %scan3A_147 : i32 to index
        %get3A_154 = arith.constant 32 : index
        %get3A_155 = tpu.vector_load %arg5[%get3A_153, %get3A_154] {strides = array<i32>} : memref<80x128xi32, #tpu.memory_space<vmem>>, vector<16xi32>,
        tpu.vector_store_idx %arg4[%get3A_155], %broadcast_in_dim3A_0 {add = true} : memref<10240xf32, #tpu.memory_space<vmem>>[vector<16xi32>], vector<16xf32>,
        %get3A_156 = arith.index_cast %scan3A_147 : i32 to index
        %get3A_157 = arith.constant 48 : index
        %get3A_158 = tpu.vector_load %arg5[%get3A_156, %get3A_157] {strides = array<i32>} : memref<80x128xi32, #tpu.memory_space<vmem>>, vector<16xi32>,
        tpu.vector_store_idx %arg4[%get3A_158], %broadcast_in_dim3A_0 {add = true} : memref<10240xf32, #tpu.memory_space<vmem>>[vector<16xi32>], vector<16xf32>,
        %get3A_159 = arith.index_cast %scan3A_147 : i32 to index
        %get3A_160 = arith.constant 64 : index
        %get3A_161 = tpu.vector_load %arg5[%get3A_159, %get3A_160] {strides = array<i32>} : memref<80x128xi32, #tpu.memory_space<vmem>>, vector<16xi32>,
        tpu.vector_store_idx %arg4[%get3A_161], %broadcast_in_dim3A_0 {add = true} : memref<10240xf32, #tpu.memory_space<vmem>>[vector<16xi32>], vector<16xf32>,
        %get3A_162 = arith.index_cast %scan3A_147 : i32 to index
        %get3A_163 = arith.constant 80 : index
        %get3A_164 = tpu.vector_load %arg5[%get3A_162, %get3A_163] {strides = array<i32>} : memref<80x128xi32, #tpu.memory_space<vmem>>, vector<16xi32>,
        tpu.vector_store_idx %arg4[%get3A_164], %broadcast_in_dim3A_0 {add = true} : memref<10240xf32, #tpu.memory_space<vmem>>[vector<16xi32>], vector<16xf32>,
        %get3A_165 = arith.index_cast %scan3A_147 : i32 to index
        %get3A_166 = arith.constant 96 : index
        %get3A_167 = tpu.vector_load %arg5[%get3A_165, %get3A_166] {strides = array<i32>} : memref<80x128xi32, #tpu.memory_space<vmem>>, vector<16xi32>,
        tpu.vector_store_idx %arg4[%get3A_167], %broadcast_in_dim3A_0 {add = true} : memref<10240xf32, #tpu.memory_space<vmem>>[vector<16xi32>], vector<16xf32>,
        %get3A_168 = arith.index_cast %scan3A_147 : i32 to index
        %get3A_169 = arith.constant 112 : index
        %get3A_170 = tpu.vector_load %arg5[%get3A_168, %get3A_169] {strides = array<i32>} : memref<80x128xi32, #tpu.memory_space<vmem>>, vector<16xi32>,
        tpu.vector_store_idx %arg4[%get3A_170], %broadcast_in_dim3A_0 {add = true} : memref<10240xf32, #tpu.memory_space<vmem>>[vector<16xi32>], vector<16xf32>,
      }
      %scan3A_14 = arith.constant 80 : i32
      %add3A_15 = arith.constant 16 : i32
      %add3A_16 = arith.addi %arg1, %add3A_15 : i32
      "tpu.region"() ({
        %run_scoped3A_147 = tpu.sem_alloc : memref<!tpu.dma_semaphore, #tpu.memory_space<semaphore_mem>>
        %dma_start3A = arith.constant 0 : i32
        %dma_start3A_148 = arith.constant 0 : i32
        %dma_start3A_149 = tpu.memref_slice %arg2[%add3A_16, %dma_start3A, %dma_start3A_148] : memref<32x80x128xi32, #tpu.memory_space<hbm>> -> memref<1x80x128xi32, #tpu.memory_space<hbm>>
        %dma_start3A_150 = tpu.memref_squeeze %dma_start3A_149 : memref<1x80x128xi32, #tpu.memory_space<hbm>> -> memref<80x128xi32, #tpu.memory_space<hbm>>
        %dma_start3A_151 = arith.constant 0 : i32
        %dma_start3A_152 = arith.constant 0 : i32
        %dma_start3A_153 = tpu.memref_slice %arg2[%add3A_16, %dma_start3A_151, %dma_start3A_152] : memref<32x80x128xi32, #tpu.memory_space<hbm>> -> memref<1x80x128xi32, #tpu.memory_space<hbm>>
        %dma_start3A_154 = tpu.memref_squeeze %dma_start3A_153 : memref<1x80x128xi32, #tpu.memory_space<hbm>> -> memref<80x128xi32, #tpu.memory_space<hbm>>
        tpu.enqueue_dma source(%dma_start3A_154 : memref<80x128xi32, #tpu.memory_space<hbm>>) target(%arg5 : memref<80x128xi32, #tpu.memory_space<vmem>>) target_semaphore(%run_scoped3A_147 : memref<!tpu.dma_semaphore, #tpu.memory_space<semaphore_mem>>)
        %dma_wait3A = arith.constant 0 : i32
        %dma_wait3A_155 = arith.constant 0 : i32
        %dma_wait3A_156 = tpu.memref_slice %arg2[%add3A_16, %dma_wait3A, %dma_wait3A_155] : memref<32x80x128xi32, #tpu.memory_space<hbm>> -> memref<1x80x128xi32, #tpu.memory_space<hbm>>
        %dma_wait3A_157 = tpu.memref_squeeze %dma_wait3A_156 : memref<1x80x128xi32, #tpu.memory_space<hbm>> -> memref<80x128xi32, #tpu.memory_space<hbm>>
        %dma_wait3A_158 = arith.constant 0 : i32
        %dma_wait3A_159 = arith.constant 0 : i32
        %dma_wait3A_160 = tpu.memref_slice %arg2[%add3A_16, %dma_wait3A_158, %dma_wait3A_159] : memref<32x80x128xi32, #tpu.memory_space<hbm>> -> memref<1x80x128xi32, #tpu.memory_space<hbm>>
        %dma_wait3A_161 = tpu.memref_squeeze %dma_wait3A_160 : memref<1x80x128xi32, #tpu.memory_space<hbm>> -> memref<80x128xi32, #tpu.memory_space<hbm>>
        tpu.wait_dma2 semaphore(%run_scoped3A_147 : memref<!tpu.dma_semaphore, #tpu.memory_space<semaphore_mem>>) src(%dma_wait3A_161 : memref<80x128xi32, #tpu.memory_space<hbm>>) dst(%arg5 : memref<80x128xi32, #tpu.memory_space<vmem>>)
        tpu.yield
      }) : () -> ()
      %scan3A_17 = arith.constant 0 : i32
      %scan3A_18 = arith.constant 0 : i32
      %scan3A_19 = arith.constant 80 : i32
      %scan3A_20 = arith.addi %scan3A_18, %scan3A_19 : i32
      %scan3A_21 = arith.constant 1 : i32
      scf.for %scan3A_147 = %scan3A_18 to %scan3A_20 step %scan3A_21  : i32 {
        %get3A = arith.index_cast %scan3A_147 : i32 to index
        %get3A_148 = arith.constant 0 : index
        %get3A_149 = tpu.vector_load %arg5[%get3A, %get3A_148] {strides = array<i32>} : memref<80x128xi32, #tpu.memory_space<vmem>>, vector<16xi32>,
        tpu.vector_store_idx %arg4[%get3A_149], %broadcast_in_dim3A_0 {add = true} : memref<10240xf32, #tpu.memory_space<vmem>>[vector<16xi32>], vector<16xf32>,
        %get3A_150 = arith.index_cast %scan3A_147 : i32 to index
        %get3A_151 = arith.constant 16 : index
        %get3A_152 = tpu.vector_load %arg5[%get3A_150, %get3A_151] {strides = array<i32>} : memref<80x128xi32, #tpu.memory_space<vmem>>, vector<16xi32>,
        tpu.vector_store_idx %arg4[%get3A_152], %broadcast_in_dim3A_0 {add = true} : memref<10240xf32, #tpu.memory_space<vmem>>[vector<16xi32>], vector<16xf32>,
        %get3A_153 = arith.index_cast %scan3A_147 : i32 to index
        %get3A_154 = arith.constant 32 : index
        %get3A_155 = tpu.vector_load %arg5[%get3A_153, %get3A_154] {strides = array<i32>} : memref<80x128xi32, #tpu.memory_space<vmem>>, vector<16xi32>,
        tpu.vector_store_idx %arg4[%get3A_155], %broadcast_in_dim3A_0 {add = true} : memref<10240xf32, #tpu.memory_space<vmem>>[vector<16xi32>], vector<16xf32>,
        %get3A_156 = arith.index_cast %scan3A_147 : i32 to index
        %get3A_157 = arith.constant 48 : index
        %get3A_158 = tpu.vector_load %arg5[%get3A_156, %get3A_157] {strides = array<i32>} : memref<80x128xi32, #tpu.memory_space<vmem>>, vector<16xi32>,
        tpu.vector_store_idx %arg4[%get3A_158], %broadcast_in_dim3A_0 {add = true} : memref<10240xf32, #tpu.memory_space<vmem>>[vector<16xi32>], vector<16xf32>,
        %get3A_159 = arith.index_cast %scan3A_147 : i32 to index
        %get3A_160 = arith.constant 64 : index
        %get3A_161 = tpu.vector_load %arg5[%get3A_159, %get3A_160] {strides = array<i32>} : memref<80x128xi32, #tpu.memory_space<vmem>>, vector<16xi32>,
        tpu.vector_store_idx %arg4[%get3A_161], %broadcast_in_dim3A_0 {add = true} : memref<10240xf32, #tpu.memory_space<vmem>>[vector<16xi32>], vector<16xf32>,
        %get3A_162 = arith.index_cast %scan3A_147 : i32 to index
        %get3A_163 = arith.constant 80 : index
        %get3A_164 = tpu.vector_load %arg5[%get3A_162, %get3A_163] {strides = array<i32>} : memref<80x128xi32, #tpu.memory_space<vmem>>, vector<16xi32>,
        tpu.vector_store_idx %arg4[%get3A_164], %broadcast_in_dim3A_0 {add = true} : memref<10240xf32, #tpu.memory_space<vmem>>[vector<16xi32>], vector<16xf32>,
        %get3A_165 = arith.index_cast %scan3A_147 : i32 to index
        %get3A_166 = arith.constant 96 : index
        %get3A_167 = tpu.vector_load %arg5[%get3A_165, %get3A_166] {strides = array<i32>} : memref<80x128xi32, #tpu.memory_space<vmem>>, vector<16xi32>,
        tpu.vector_store_idx %arg4[%get3A_167], %broadcast_in_dim3A_0 {add = true} : memref<10240xf32, #tpu.memory_space<vmem>>[vector<16xi32>], vector<16xf32>,
        %get3A_168 = arith.index_cast %scan3A_147 : i32 to index
        %get3A_169 = arith.constant 112 : index
        %get3A_170 = tpu.vector_load %arg5[%get3A_168, %get3A_169] {strides = array<i32>} : memref<80x128xi32, #tpu.memory_space<vmem>>, vector<16xi32>,
        tpu.vector_store_idx %arg4[%get3A_170], %broadcast_in_dim3A_0 {add = true} : memref<10240xf32, #tpu.memory_space<vmem>>[vector<16xi32>], vector<16xf32>,
      }
      %scan3A_22 = arith.constant 80 : i32
      "tpu.region"() ({
        %run_scoped3A_147 = tpu.sem_alloc : memref<!tpu.dma_semaphore, #tpu.memory_space<semaphore_mem>>
        %dma_start3A = arith.constant 0 : i32
        %dma_start3A_148 = tpu.memref_slice %arg8[%arg1, %dma_start3A] : memref<16x10240xf32, #tpu.memory_space<vmem_shared>> -> memref<1x10240xf32, #tpu.memory_space<vmem_shared>>
        %dma_start3A_149 = tpu.memref_squeeze %dma_start3A_148 : memref<1x10240xf32, #tpu.memory_space<vmem_shared>> -> memref<10240xf32, #tpu.memory_space<vmem_shared>>
        %dma_start3A_150 = arith.constant 0 : i32
        %dma_start3A_151 = tpu.memref_slice %arg8[%arg1, %dma_start3A_150] : memref<16x10240xf32, #tpu.memory_space<vmem_shared>> -> memref<1x10240xf32, #tpu.memory_space<vmem_shared>>
        %dma_start3A_152 = tpu.memref_squeeze %dma_start3A_151 : memref<1x10240xf32, #tpu.memory_space<vmem_shared>> -> memref<10240xf32, #tpu.memory_space<vmem_shared>>
        tpu.enqueue_dma source(%arg4 : memref<10240xf32, #tpu.memory_space<vmem>>) target(%dma_start3A_152 : memref<10240xf32, #tpu.memory_space<vmem_shared>>) target_semaphore(%run_scoped3A_147 : memref<!tpu.dma_semaphore, #tpu.memory_space<semaphore_mem>>)
        %dma_wait3A = arith.constant 0 : i32
        %dma_wait3A_153 = tpu.memref_slice %arg8[%arg1, %dma_wait3A] : memref<16x10240xf32, #tpu.memory_space<vmem_shared>> -> memref<1x10240xf32, #tpu.memory_space<vmem_shared>>
        %dma_wait3A_154 = tpu.memref_squeeze %dma_wait3A_153 : memref<1x10240xf32, #tpu.memory_space<vmem_shared>> -> memref<10240xf32, #tpu.memory_space<vmem_shared>>
        %dma_wait3A_155 = arith.constant 0 : i32
        %dma_wait3A_156 = tpu.memref_slice %arg8[%arg1, %dma_wait3A_155] : memref<16x10240xf32, #tpu.memory_space<vmem_shared>> -> memref<1x10240xf32, #tpu.memory_space<vmem_shared>>
        %dma_wait3A_157 = tpu.memref_squeeze %dma_wait3A_156 : memref<1x10240xf32, #tpu.memory_space<vmem_shared>> -> memref<10240xf32, #tpu.memory_space<vmem_shared>>
        tpu.wait_dma2 semaphore(%run_scoped3A_147 : memref<!tpu.dma_semaphore, #tpu.memory_space<semaphore_mem>>) src(%arg4 : memref<10240xf32, #tpu.memory_space<vmem>>) dst(%dma_wait3A_157 : memref<10240xf32, #tpu.memory_space<vmem_shared>>)
        tpu.yield
      }) : () -> ()
      %barrier3A = arith.constant 0 : index
      tpu.barrier barrier_id(%barrier3A)
      %mul3A = arith.constant 640 : i32
      %mul3A_23 = arith.muli %arg1, %mul3A : i32
      %scan3A_24 = arith.constant 0 : i32
      %scan3A_25 = arith.constant 0 : i32
      %scan3A_26 = arith.constant 40 : i32
      %scan3A_27 = arith.addi %scan3A_25, %scan3A_26 : i32
      %scan3A_28 = arith.constant 1 : i32
      scf.for %scan3A_147 = %scan3A_25 to %scan3A_27 step %scan3A_28  : i32 {
        %broadcast_in_dim3A_148 = arith.constant 0.000000e+00 : f32
        %broadcast_in_dim3A_149 = vector.broadcast %broadcast_in_dim3A_148 : f32 to vector<16xf32>
        %mul3A_150 = arith.constant 16 : i32
        %mul3A_151 = arith.muli %scan3A_147, %mul3A_150 : i32
        %swap3A = arith.index_cast %mul3A_151 : i32 to index
        %swap3A_152 = tpu.vector_load %arg6[%swap3A] {strides = array<i32>} : memref<640xf32, #tpu.memory_space<vmem>>, vector<16xf32>,
        tpu.vector_store %arg6[%swap3A], %broadcast_in_dim3A_149 {strides = array<i32>} : memref<640xf32, #tpu.memory_space<vmem>>, vector<16xf32>,
      }
      %scan3A_29 = arith.constant 40 : i32
      %run_scoped3A = arith.constant 0 : i32
      "tpu.region"() ({
        %run_scoped3A_147 = tpu.sem_alloc : memref<!tpu.dma_semaphore, #tpu.memory_space<semaphore_mem>>
        %dma_start3A = tpu.memref_slice %arg8[%run_scoped3A, %mul3A_23] : memref<16x10240xf32, #tpu.memory_space<vmem_shared>> -> memref<1x640xf32, #tpu.memory_space<vmem_shared>>
        %dma_start3A_148 = tpu.memref_squeeze %dma_start3A : memref<1x640xf32, #tpu.memory_space<vmem_shared>> -> memref<640xf32, #tpu.memory_space<vmem_shared>>
        %dma_start3A_149 = tpu.memref_slice %arg8[%run_scoped3A, %mul3A_23] : memref<16x10240xf32, #tpu.memory_space<vmem_shared>> -> memref<1x640xf32, #tpu.memory_space<vmem_shared>>
        %dma_start3A_150 = tpu.memref_squeeze %dma_start3A_149 : memref<1x640xf32, #tpu.memory_space<vmem_shared>> -> memref<640xf32, #tpu.memory_space<vmem_shared>>
        tpu.enqueue_dma source(%dma_start3A_150 : memref<640xf32, #tpu.memory_space<vmem_shared>>) target(%arg7 : memref<640xf32, #tpu.memory_space<vmem>>) target_semaphore(%run_scoped3A_147 : memref<!tpu.dma_semaphore, #tpu.memory_space<semaphore_mem>>)
        %dma_wait3A = tpu.memref_slice %arg8[%run_scoped3A, %mul3A_23] : memref<16x10240xf32, #tpu.memory_space<vmem_shared>> -> memref<1x640xf32, #tpu.memory_space<vmem_shared>>
        %dma_wait3A_151 = tpu.memref_squeeze %dma_wait3A : memref<1x640xf32, #tpu.memory_space<vmem_shared>> -> memref<640xf32, #tpu.memory_space<vmem_shared>>
        %dma_wait3A_152 = tpu.memref_slice %arg8[%run_scoped3A, %mul3A_23] : memref<16x10240xf32, #tpu.memory_space<vmem_shared>> -> memref<1x640xf32, #tpu.memory_space<vmem_shared>>
        %dma_wait3A_153 = tpu.memref_squeeze %dma_wait3A_152 : memref<1x640xf32, #tpu.memory_space<vmem_shared>> -> memref<640xf32, #tpu.memory_space<vmem_shared>>
        tpu.wait_dma2 semaphore(%run_scoped3A_147 : memref<!tpu.dma_semaphore, #tpu.memory_space<semaphore_mem>>) src(%dma_wait3A_153 : memref<640xf32, #tpu.memory_space<vmem_shared>>) dst(%arg7 : memref<640xf32, #tpu.memory_space<vmem>>)
        tpu.yield
      }) : () -> ()
      %scan3A_30 = arith.constant 0 : i32
      %scan3A_31 = arith.constant 0 : i32
      %scan3A_32 = arith.constant 40 : i32
      %scan3A_33 = arith.addi %scan3A_31, %scan3A_32 : i32
      %scan3A_34 = arith.constant 1 : i32
      scf.for %scan3A_147 = %scan3A_31 to %scan3A_33 step %scan3A_34  : i32 {
        %mul3A_148 = arith.constant 16 : i32
        %mul3A_149 = arith.muli %scan3A_147, %mul3A_148 : i32
        %get3A = arith.index_cast %mul3A_149 : i32 to index
        %get3A_150 = tpu.vector_load %arg6[%get3A] {strides = array<i32>} : memref<640xf32, #tpu.memory_space<vmem>>, vector<16xf32>,
        %get3A_151 = arith.index_cast %mul3A_149 : i32 to index
        %get3A_152 = tpu.vector_load %arg7[%get3A_151] {strides = array<i32>} : memref<640xf32, #tpu.memory_space<vmem>>, vector<16xf32>,
        %add3A_153 = arith.addf %get3A_150, %get3A_152 : vector<16xf32>
        %swap3A = arith.index_cast %mul3A_149 : i32 to index
        %swap3A_154 = tpu.vector_load %arg6[%swap3A] {strides = array<i32>} : memref<640xf32, #tpu.memory_space<vmem>>, vector<16xf32>,
        tpu.vector_store %arg6[%swap3A], %add3A_153 {strides = array<i32>} : memref<640xf32, #tpu.memory_space<vmem>>, vector<16xf32>,
      }
      %scan3A_35 = arith.constant 40 : i32
      %run_scoped3A_36 = arith.constant 1 : i32
      "tpu.region"() ({
        %run_scoped3A_147 = tpu.sem_alloc : memref<!tpu.dma_semaphore, #tpu.memory_space<semaphore_mem>>
        %dma_start3A = tpu.memref_slice %arg8[%run_scoped3A_36, %mul3A_23] : memref<16x10240xf32, #tpu.memory_space<vmem_shared>> -> memref<1x640xf32, #tpu.memory_space<vmem_shared>>
        %dma_start3A_148 = tpu.memref_squeeze %dma_start3A : memref<1x640xf32, #tpu.memory_space<vmem_shared>> -> memref<640xf32, #tpu.memory_space<vmem_shared>>
        %dma_start3A_149 = tpu.memref_slice %arg8[%run_scoped3A_36, %mul3A_23] : memref<16x10240xf32, #tpu.memory_space<vmem_shared>> -> memref<1x640xf32, #tpu.memory_space<vmem_shared>>
        %dma_start3A_150 = tpu.memref_squeeze %dma_start3A_149 : memref<1x640xf32, #tpu.memory_space<vmem_shared>> -> memref<640xf32, #tpu.memory_space<vmem_shared>>
        tpu.enqueue_dma source(%dma_start3A_150 : memref<640xf32, #tpu.memory_space<vmem_shared>>) target(%arg7 : memref<640xf32, #tpu.memory_space<vmem>>) target_semaphore(%run_scoped3A_147 : memref<!tpu.dma_semaphore, #tpu.memory_space<semaphore_mem>>)
        %dma_wait3A = tpu.memref_slice %arg8[%run_scoped3A_36, %mul3A_23] : memref<16x10240xf32, #tpu.memory_space<vmem_shared>> -> memref<1x640xf32, #tpu.memory_space<vmem_shared>>
        %dma_wait3A_151 = tpu.memref_squeeze %dma_wait3A : memref<1x640xf32, #tpu.memory_space<vmem_shared>> -> memref<640xf32, #tpu.memory_space<vmem_shared>>
        %dma_wait3A_152 = tpu.memref_slice %arg8[%run_scoped3A_36, %mul3A_23] : memref<16x10240xf32, #tpu.memory_space<vmem_shared>> -> memref<1x640xf32, #tpu.memory_space<vmem_shared>>
        %dma_wait3A_153 = tpu.memref_squeeze %dma_wait3A_152 : memref<1x640xf32, #tpu.memory_space<vmem_shared>> -> memref<640xf32, #tpu.memory_space<vmem_shared>>
        tpu.wait_dma2 semaphore(%run_scoped3A_147 : memref<!tpu.dma_semaphore, #tpu.memory_space<semaphore_mem>>) src(%dma_wait3A_153 : memref<640xf32, #tpu.memory_space<vmem_shared>>) dst(%arg7 : memref<640xf32, #tpu.memory_space<vmem>>)
        tpu.yield
      }) : () -> ()
      %scan3A_37 = arith.constant 0 : i32
      %scan3A_38 = arith.constant 0 : i32
      %scan3A_39 = arith.constant 40 : i32
      %scan3A_40 = arith.addi %scan3A_38, %scan3A_39 : i32
      %scan3A_41 = arith.constant 1 : i32
      scf.for %scan3A_147 = %scan3A_38 to %scan3A_40 step %scan3A_41  : i32 {
        %mul3A_148 = arith.constant 16 : i32
        %mul3A_149 = arith.muli %scan3A_147, %mul3A_148 : i32
        %get3A = arith.index_cast %mul3A_149 : i32 to index
        %get3A_150 = tpu.vector_load %arg6[%get3A] {strides = array<i32>} : memref<640xf32, #tpu.memory_space<vmem>>, vector<16xf32>,
        %get3A_151 = arith.index_cast %mul3A_149 : i32 to index
        %get3A_152 = tpu.vector_load %arg7[%get3A_151] {strides = array<i32>} : memref<640xf32, #tpu.memory_space<vmem>>, vector<16xf32>,
        %add3A_153 = arith.addf %get3A_150, %get3A_152 : vector<16xf32>
        %swap3A = arith.index_cast %mul3A_149 : i32 to index
        %swap3A_154 = tpu.vector_load %arg6[%swap3A] {strides = array<i32>} : memref<640xf32, #tpu.memory_space<vmem>>, vector<16xf32>,
        tpu.vector_store %arg6[%swap3A], %add3A_153 {strides = array<i32>} : memref<640xf32, #tpu.memory_space<vmem>>, vector<16xf32>,
      }
      %scan3A_42 = arith.constant 40 : i32
      %run_scoped3A_43 = arith.constant 2 : i32
      "tpu.region"() ({
        %run_scoped3A_147 = tpu.sem_alloc : memref<!tpu.dma_semaphore, #tpu.memory_space<semaphore_mem>>
        %dma_start3A = tpu.memref_slice %arg8[%run_scoped3A_43, %mul3A_23] : memref<16x10240xf32, #tpu.memory_space<vmem_shared>> -> memref<1x640xf32, #tpu.memory_space<vmem_shared>>
        %dma_start3A_148 = tpu.memref_squeeze %dma_start3A : memref<1x640xf32, #tpu.memory_space<vmem_shared>> -> memref<640xf32, #tpu.memory_space<vmem_shared>>
        %dma_start3A_149 = tpu.memref_slice %arg8[%run_scoped3A_43, %mul3A_23] : memref<16x10240xf32, #tpu.memory_space<vmem_shared>> -> memref<1x640xf32, #tpu.memory_space<vmem_shared>>
        %dma_start3A_150 = tpu.memref_squeeze %dma_start3A_149 : memref<1x640xf32, #tpu.memory_space<vmem_shared>> -> memref<640xf32, #tpu.memory_space<vmem_shared>>
        tpu.enqueue_dma source(%dma_start3A_150 : memref<640xf32, #tpu.memory_space<vmem_shared>>) target(%arg7 : memref<640xf32, #tpu.memory_space<vmem>>) target_semaphore(%run_scoped3A_147 : memref<!tpu.dma_semaphore, #tpu.memory_space<semaphore_mem>>)
        %dma_wait3A = tpu.memref_slice %arg8[%run_scoped3A_43, %mul3A_23] : memref<16x10240xf32, #tpu.memory_space<vmem_shared>> -> memref<1x640xf32, #tpu.memory_space<vmem_shared>>
        %dma_wait3A_151 = tpu.memref_squeeze %dma_wait3A : memref<1x640xf32, #tpu.memory_space<vmem_shared>> -> memref<640xf32, #tpu.memory_space<vmem_shared>>
        %dma_wait3A_152 = tpu.memref_slice %arg8[%run_scoped3A_43, %mul3A_23] : memref<16x10240xf32, #tpu.memory_space<vmem_shared>> -> memref<1x640xf32, #tpu.memory_space<vmem_shared>>
        %dma_wait3A_153 = tpu.memref_squeeze %dma_wait3A_152 : memref<1x640xf32, #tpu.memory_space<vmem_shared>> -> memref<640xf32, #tpu.memory_space<vmem_shared>>
        tpu.wait_dma2 semaphore(%run_scoped3A_147 : memref<!tpu.dma_semaphore, #tpu.memory_space<semaphore_mem>>) src(%dma_wait3A_153 : memref<640xf32, #tpu.memory_space<vmem_shared>>) dst(%arg7 : memref<640xf32, #tpu.memory_space<vmem>>)
        tpu.yield
      }) : () -> ()
      %scan3A_44 = arith.constant 0 : i32
      %scan3A_45 = arith.constant 0 : i32
      %scan3A_46 = arith.constant 40 : i32
      %scan3A_47 = arith.addi %scan3A_45, %scan3A_46 : i32
      %scan3A_48 = arith.constant 1 : i32
      scf.for %scan3A_147 = %scan3A_45 to %scan3A_47 step %scan3A_48  : i32 {
        %mul3A_148 = arith.constant 16 : i32
        %mul3A_149 = arith.muli %scan3A_147, %mul3A_148 : i32
        %get3A = arith.index_cast %mul3A_149 : i32 to index
        %get3A_150 = tpu.vector_load %arg6[%get3A] {strides = array<i32>} : memref<640xf32, #tpu.memory_space<vmem>>, vector<16xf32>,
        %get3A_151 = arith.index_cast %mul3A_149 : i32 to index
        %get3A_152 = tpu.vector_load %arg7[%get3A_151] {strides = array<i32>} : memref<640xf32, #tpu.memory_space<vmem>>, vector<16xf32>,
        %add3A_153 = arith.addf %get3A_150, %get3A_152 : vector<16xf32>
        %swap3A = arith.index_cast %mul3A_149 : i32 to index
        %swap3A_154 = tpu.vector_load %arg6[%swap3A] {strides = array<i32>} : memref<640xf32, #tpu.memory_space<vmem>>, vector<16xf32>,
        tpu.vector_store %arg6[%swap3A], %add3A_153 {strides = array<i32>} : memref<640xf32, #tpu.memory_space<vmem>>, vector<16xf32>,
      }
      %scan3A_49 = arith.constant 40 : i32
      %run_scoped3A_50 = arith.constant 3 : i32
      "tpu.region"() ({
        %run_scoped3A_147 = tpu.sem_alloc : memref<!tpu.dma_semaphore, #tpu.memory_space<semaphore_mem>>
        %dma_start3A = tpu.memref_slice %arg8[%run_scoped3A_50, %mul3A_23] : memref<16x10240xf32, #tpu.memory_space<vmem_shared>> -> memref<1x640xf32, #tpu.memory_space<vmem_shared>>
        %dma_start3A_148 = tpu.memref_squeeze %dma_start3A : memref<1x640xf32, #tpu.memory_space<vmem_shared>> -> memref<640xf32, #tpu.memory_space<vmem_shared>>
        %dma_start3A_149 = tpu.memref_slice %arg8[%run_scoped3A_50, %mul3A_23] : memref<16x10240xf32, #tpu.memory_space<vmem_shared>> -> memref<1x640xf32, #tpu.memory_space<vmem_shared>>
        %dma_start3A_150 = tpu.memref_squeeze %dma_start3A_149 : memref<1x640xf32, #tpu.memory_space<vmem_shared>> -> memref<640xf32, #tpu.memory_space<vmem_shared>>
        tpu.enqueue_dma source(%dma_start3A_150 : memref<640xf32, #tpu.memory_space<vmem_shared>>) target(%arg7 : memref<640xf32, #tpu.memory_space<vmem>>) target_semaphore(%run_scoped3A_147 : memref<!tpu.dma_semaphore, #tpu.memory_space<semaphore_mem>>)
        %dma_wait3A = tpu.memref_slice %arg8[%run_scoped3A_50, %mul3A_23] : memref<16x10240xf32, #tpu.memory_space<vmem_shared>> -> memref<1x640xf32, #tpu.memory_space<vmem_shared>>
        %dma_wait3A_151 = tpu.memref_squeeze %dma_wait3A : memref<1x640xf32, #tpu.memory_space<vmem_shared>> -> memref<640xf32, #tpu.memory_space<vmem_shared>>
        %dma_wait3A_152 = tpu.memref_slice %arg8[%run_scoped3A_50, %mul3A_23] : memref<16x10240xf32, #tpu.memory_space<vmem_shared>> -> memref<1x640xf32, #tpu.memory_space<vmem_shared>>
        %dma_wait3A_153 = tpu.memref_squeeze %dma_wait3A_152 : memref<1x640xf32, #tpu.memory_space<vmem_shared>> -> memref<640xf32, #tpu.memory_space<vmem_shared>>
        tpu.wait_dma2 semaphore(%run_scoped3A_147 : memref<!tpu.dma_semaphore, #tpu.memory_space<semaphore_mem>>) src(%dma_wait3A_153 : memref<640xf32, #tpu.memory_space<vmem_shared>>) dst(%arg7 : memref<640xf32, #tpu.memory_space<vmem>>)
        tpu.yield
      }) : () -> ()
      %scan3A_51 = arith.constant 0 : i32
      %scan3A_52 = arith.constant 0 : i32
      %scan3A_53 = arith.constant 40 : i32
      %scan3A_54 = arith.addi %scan3A_52, %scan3A_53 : i32
      %scan3A_55 = arith.constant 1 : i32
      scf.for %scan3A_147 = %scan3A_52 to %scan3A_54 step %scan3A_55  : i32 {
        %mul3A_148 = arith.constant 16 : i32
        %mul3A_149 = arith.muli %scan3A_147, %mul3A_148 : i32
        %get3A = arith.index_cast %mul3A_149 : i32 to index
        %get3A_150 = tpu.vector_load %arg6[%get3A] {strides = array<i32>} : memref<640xf32, #tpu.memory_space<vmem>>, vector<16xf32>,
        %get3A_151 = arith.index_cast %mul3A_149 : i32 to index
        %get3A_152 = tpu.vector_load %arg7[%get3A_151] {strides = array<i32>} : memref<640xf32, #tpu.memory_space<vmem>>, vector<16xf32>,
        %add3A_153 = arith.addf %get3A_150, %get3A_152 : vector<16xf32>
        %swap3A = arith.index_cast %mul3A_149 : i32 to index
        %swap3A_154 = tpu.vector_load %arg6[%swap3A] {strides = array<i32>} : memref<640xf32, #tpu.memory_space<vmem>>, vector<16xf32>,
        tpu.vector_store %arg6[%swap3A], %add3A_153 {strides = array<i32>} : memref<640xf32, #tpu.memory_space<vmem>>, vector<16xf32>,
      }
      %scan3A_56 = arith.constant 40 : i32
      %run_scoped3A_57 = arith.constant 4 : i32
      "tpu.region"() ({
        %run_scoped3A_147 = tpu.sem_alloc : memref<!tpu.dma_semaphore, #tpu.memory_space<semaphore_mem>>
        %dma_start3A = tpu.memref_slice %arg8[%run_scoped3A_57, %mul3A_23] : memref<16x10240xf32, #tpu.memory_space<vmem_shared>> -> memref<1x640xf32, #tpu.memory_space<vmem_shared>>
        %dma_start3A_148 = tpu.memref_squeeze %dma_start3A : memref<1x640xf32, #tpu.memory_space<vmem_shared>> -> memref<640xf32, #tpu.memory_space<vmem_shared>>
        %dma_start3A_149 = tpu.memref_slice %arg8[%run_scoped3A_57, %mul3A_23] : memref<16x10240xf32, #tpu.memory_space<vmem_shared>> -> memref<1x640xf32, #tpu.memory_space<vmem_shared>>
        %dma_start3A_150 = tpu.memref_squeeze %dma_start3A_149 : memref<1x640xf32, #tpu.memory_space<vmem_shared>> -> memref<640xf32, #tpu.memory_space<vmem_shared>>
        tpu.enqueue_dma source(%dma_start3A_150 : memref<640xf32, #tpu.memory_space<vmem_shared>>) target(%arg7 : memref<640xf32, #tpu.memory_space<vmem>>) target_semaphore(%run_scoped3A_147 : memref<!tpu.dma_semaphore, #tpu.memory_space<semaphore_mem>>)
        %dma_wait3A = tpu.memref_slice %arg8[%run_scoped3A_57, %mul3A_23] : memref<16x10240xf32, #tpu.memory_space<vmem_shared>> -> memref<1x640xf32, #tpu.memory_space<vmem_shared>>
        %dma_wait3A_151 = tpu.memref_squeeze %dma_wait3A : memref<1x640xf32, #tpu.memory_space<vmem_shared>> -> memref<640xf32, #tpu.memory_space<vmem_shared>>
        %dma_wait3A_152 = tpu.memref_slice %arg8[%run_scoped3A_57, %mul3A_23] : memref<16x10240xf32, #tpu.memory_space<vmem_shared>> -> memref<1x640xf32, #tpu.memory_space<vmem_shared>>
        %dma_wait3A_153 = tpu.memref_squeeze %dma_wait3A_152 : memref<1x640xf32, #tpu.memory_space<vmem_shared>> -> memref<640xf32, #tpu.memory_space<vmem_shared>>
        tpu.wait_dma2 semaphore(%run_scoped3A_147 : memref<!tpu.dma_semaphore, #tpu.memory_space<semaphore_mem>>) src(%dma_wait3A_153 : memref<640xf32, #tpu.memory_space<vmem_shared>>) dst(%arg7 : memref<640xf32, #tpu.memory_space<vmem>>)
        tpu.yield
      }) : () -> ()
      %scan3A_58 = arith.constant 0 : i32
      %scan3A_59 = arith.constant 0 : i32
      %scan3A_60 = arith.constant 40 : i32
      %scan3A_61 = arith.addi %scan3A_59, %scan3A_60 : i32
      %scan3A_62 = arith.constant 1 : i32
      scf.for %scan3A_147 = %scan3A_59 to %scan3A_61 step %scan3A_62  : i32 {
        %mul3A_148 = arith.constant 16 : i32
        %mul3A_149 = arith.muli %scan3A_147, %mul3A_148 : i32
        %get3A = arith.index_cast %mul3A_149 : i32 to index
        %get3A_150 = tpu.vector_load %arg6[%get3A] {strides = array<i32>} : memref<640xf32, #tpu.memory_space<vmem>>, vector<16xf32>,
        %get3A_151 = arith.index_cast %mul3A_149 : i32 to index
        %get3A_152 = tpu.vector_load %arg7[%get3A_151] {strides = array<i32>} : memref<640xf32, #tpu.memory_space<vmem>>, vector<16xf32>,
        %add3A_153 = arith.addf %get3A_150, %get3A_152 : vector<16xf32>
        %swap3A = arith.index_cast %mul3A_149 : i32 to index
        %swap3A_154 = tpu.vector_load %arg6[%swap3A] {strides = array<i32>} : memref<640xf32, #tpu.memory_space<vmem>>, vector<16xf32>,
        tpu.vector_store %arg6[%swap3A], %add3A_153 {strides = array<i32>} : memref<640xf32, #tpu.memory_space<vmem>>, vector<16xf32>,
      }
      %scan3A_63 = arith.constant 40 : i32
      %run_scoped3A_64 = arith.constant 5 : i32
      "tpu.region"() ({
        %run_scoped3A_147 = tpu.sem_alloc : memref<!tpu.dma_semaphore, #tpu.memory_space<semaphore_mem>>
        %dma_start3A = tpu.memref_slice %arg8[%run_scoped3A_64, %mul3A_23] : memref<16x10240xf32, #tpu.memory_space<vmem_shared>> -> memref<1x640xf32, #tpu.memory_space<vmem_shared>>
        %dma_start3A_148 = tpu.memref_squeeze %dma_start3A : memref<1x640xf32, #tpu.memory_space<vmem_shared>> -> memref<640xf32, #tpu.memory_space<vmem_shared>>
        %dma_start3A_149 = tpu.memref_slice %arg8[%run_scoped3A_64, %mul3A_23] : memref<16x10240xf32, #tpu.memory_space<vmem_shared>> -> memref<1x640xf32, #tpu.memory_space<vmem_shared>>
        %dma_start3A_150 = tpu.memref_squeeze %dma_start3A_149 : memref<1x640xf32, #tpu.memory_space<vmem_shared>> -> memref<640xf32, #tpu.memory_space<vmem_shared>>
        tpu.enqueue_dma source(%dma_start3A_150 : memref<640xf32, #tpu.memory_space<vmem_shared>>) target(%arg7 : memref<640xf32, #tpu.memory_space<vmem>>) target_semaphore(%run_scoped3A_147 : memref<!tpu.dma_semaphore, #tpu.memory_space<semaphore_mem>>)
        %dma_wait3A = tpu.memref_slice %arg8[%run_scoped3A_64, %mul3A_23] : memref<16x10240xf32, #tpu.memory_space<vmem_shared>> -> memref<1x640xf32, #tpu.memory_space<vmem_shared>>
        %dma_wait3A_151 = tpu.memref_squeeze %dma_wait3A : memref<1x640xf32, #tpu.memory_space<vmem_shared>> -> memref<640xf32, #tpu.memory_space<vmem_shared>>
        %dma_wait3A_152 = tpu.memref_slice %arg8[%run_scoped3A_64, %mul3A_23] : memref<16x10240xf32, #tpu.memory_space<vmem_shared>> -> memref<1x640xf32, #tpu.memory_space<vmem_shared>>
        %dma_wait3A_153 = tpu.memref_squeeze %dma_wait3A_152 : memref<1x640xf32, #tpu.memory_space<vmem_shared>> -> memref<640xf32, #tpu.memory_space<vmem_shared>>
        tpu.wait_dma2 semaphore(%run_scoped3A_147 : memref<!tpu.dma_semaphore, #tpu.memory_space<semaphore_mem>>) src(%dma_wait3A_153 : memref<640xf32, #tpu.memory_space<vmem_shared>>) dst(%arg7 : memref<640xf32, #tpu.memory_space<vmem>>)
        tpu.yield
      }) : () -> ()
      %scan3A_65 = arith.constant 0 : i32
      %scan3A_66 = arith.constant 0 : i32
      %scan3A_67 = arith.constant 40 : i32
      %scan3A_68 = arith.addi %scan3A_66, %scan3A_67 : i32
      %scan3A_69 = arith.constant 1 : i32
      scf.for %scan3A_147 = %scan3A_66 to %scan3A_68 step %scan3A_69  : i32 {
        %mul3A_148 = arith.constant 16 : i32
        %mul3A_149 = arith.muli %scan3A_147, %mul3A_148 : i32
        %get3A = arith.index_cast %mul3A_149 : i32 to index
        %get3A_150 = tpu.vector_load %arg6[%get3A] {strides = array<i32>} : memref<640xf32, #tpu.memory_space<vmem>>, vector<16xf32>,
        %get3A_151 = arith.index_cast %mul3A_149 : i32 to index
        %get3A_152 = tpu.vector_load %arg7[%get3A_151] {strides = array<i32>} : memref<640xf32, #tpu.memory_space<vmem>>, vector<16xf32>,
        %add3A_153 = arith.addf %get3A_150, %get3A_152 : vector<16xf32>
        %swap3A = arith.index_cast %mul3A_149 : i32 to index
        %swap3A_154 = tpu.vector_load %arg6[%swap3A] {strides = array<i32>} : memref<640xf32, #tpu.memory_space<vmem>>, vector<16xf32>,
        tpu.vector_store %arg6[%swap3A], %add3A_153 {strides = array<i32>} : memref<640xf32, #tpu.memory_space<vmem>>, vector<16xf32>,
      }
      %scan3A_70 = arith.constant 40 : i32
      %run_scoped3A_71 = arith.constant 6 : i32
      "tpu.region"() ({
        %run_scoped3A_147 = tpu.sem_alloc : memref<!tpu.dma_semaphore, #tpu.memory_space<semaphore_mem>>
        %dma_start3A = tpu.memref_slice %arg8[%run_scoped3A_71, %mul3A_23] : memref<16x10240xf32, #tpu.memory_space<vmem_shared>> -> memref<1x640xf32, #tpu.memory_space<vmem_shared>>
        %dma_start3A_148 = tpu.memref_squeeze %dma_start3A : memref<1x640xf32, #tpu.memory_space<vmem_shared>> -> memref<640xf32, #tpu.memory_space<vmem_shared>>
        %dma_start3A_149 = tpu.memref_slice %arg8[%run_scoped3A_71, %mul3A_23] : memref<16x10240xf32, #tpu.memory_space<vmem_shared>> -> memref<1x640xf32, #tpu.memory_space<vmem_shared>>
        %dma_start3A_150 = tpu.memref_squeeze %dma_start3A_149 : memref<1x640xf32, #tpu.memory_space<vmem_shared>> -> memref<640xf32, #tpu.memory_space<vmem_shared>>
        tpu.enqueue_dma source(%dma_start3A_150 : memref<640xf32, #tpu.memory_space<vmem_shared>>) target(%arg7 : memref<640xf32, #tpu.memory_space<vmem>>) target_semaphore(%run_scoped3A_147 : memref<!tpu.dma_semaphore, #tpu.memory_space<semaphore_mem>>)
        %dma_wait3A = tpu.memref_slice %arg8[%run_scoped3A_71, %mul3A_23] : memref<16x10240xf32, #tpu.memory_space<vmem_shared>> -> memref<1x640xf32, #tpu.memory_space<vmem_shared>>
        %dma_wait3A_151 = tpu.memref_squeeze %dma_wait3A : memref<1x640xf32, #tpu.memory_space<vmem_shared>> -> memref<640xf32, #tpu.memory_space<vmem_shared>>
        %dma_wait3A_152 = tpu.memref_slice %arg8[%run_scoped3A_71, %mul3A_23] : memref<16x10240xf32, #tpu.memory_space<vmem_shared>> -> memref<1x640xf32, #tpu.memory_space<vmem_shared>>
        %dma_wait3A_153 = tpu.memref_squeeze %dma_wait3A_152 : memref<1x640xf32, #tpu.memory_space<vmem_shared>> -> memref<640xf32, #tpu.memory_space<vmem_shared>>
        tpu.wait_dma2 semaphore(%run_scoped3A_147 : memref<!tpu.dma_semaphore, #tpu.memory_space<semaphore_mem>>) src(%dma_wait3A_153 : memref<640xf32, #tpu.memory_space<vmem_shared>>) dst(%arg7 : memref<640xf32, #tpu.memory_space<vmem>>)
        tpu.yield
      }) : () -> ()
      %scan3A_72 = arith.constant 0 : i32
      %scan3A_73 = arith.constant 0 : i32
      %scan3A_74 = arith.constant 40 : i32
      %scan3A_75 = arith.addi %scan3A_73, %scan3A_74 : i32
      %scan3A_76 = arith.constant 1 : i32
      scf.for %scan3A_147 = %scan3A_73 to %scan3A_75 step %scan3A_76  : i32 {
        %mul3A_148 = arith.constant 16 : i32
        %mul3A_149 = arith.muli %scan3A_147, %mul3A_148 : i32
        %get3A = arith.index_cast %mul3A_149 : i32 to index
        %get3A_150 = tpu.vector_load %arg6[%get3A] {strides = array<i32>} : memref<640xf32, #tpu.memory_space<vmem>>, vector<16xf32>,
        %get3A_151 = arith.index_cast %mul3A_149 : i32 to index
        %get3A_152 = tpu.vector_load %arg7[%get3A_151] {strides = array<i32>} : memref<640xf32, #tpu.memory_space<vmem>>, vector<16xf32>,
        %add3A_153 = arith.addf %get3A_150, %get3A_152 : vector<16xf32>
        %swap3A = arith.index_cast %mul3A_149 : i32 to index
        %swap3A_154 = tpu.vector_load %arg6[%swap3A] {strides = array<i32>} : memref<640xf32, #tpu.memory_space<vmem>>, vector<16xf32>,
        tpu.vector_store %arg6[%swap3A], %add3A_153 {strides = array<i32>} : memref<640xf32, #tpu.memory_space<vmem>>, vector<16xf32>,
      }
      %scan3A_77 = arith.constant 40 : i32
      %run_scoped3A_78 = arith.constant 7 : i32
      "tpu.region"() ({
        %run_scoped3A_147 = tpu.sem_alloc : memref<!tpu.dma_semaphore, #tpu.memory_space<semaphore_mem>>
        %dma_start3A = tpu.memref_slice %arg8[%run_scoped3A_78, %mul3A_23] : memref<16x10240xf32, #tpu.memory_space<vmem_shared>> -> memref<1x640xf32, #tpu.memory_space<vmem_shared>>
        %dma_start3A_148 = tpu.memref_squeeze %dma_start3A : memref<1x640xf32, #tpu.memory_space<vmem_shared>> -> memref<640xf32, #tpu.memory_space<vmem_shared>>
        %dma_start3A_149 = tpu.memref_slice %arg8[%run_scoped3A_78, %mul3A_23] : memref<16x10240xf32, #tpu.memory_space<vmem_shared>> -> memref<1x640xf32, #tpu.memory_space<vmem_shared>>
        %dma_start3A_150 = tpu.memref_squeeze %dma_start3A_149 : memref<1x640xf32, #tpu.memory_space<vmem_shared>> -> memref<640xf32, #tpu.memory_space<vmem_shared>>
        tpu.enqueue_dma source(%dma_start3A_150 : memref<640xf32, #tpu.memory_space<vmem_shared>>) target(%arg7 : memref<640xf32, #tpu.memory_space<vmem>>) target_semaphore(%run_scoped3A_147 : memref<!tpu.dma_semaphore, #tpu.memory_space<semaphore_mem>>)
        %dma_wait3A = tpu.memref_slice %arg8[%run_scoped3A_78, %mul3A_23] : memref<16x10240xf32, #tpu.memory_space<vmem_shared>> -> memref<1x640xf32, #tpu.memory_space<vmem_shared>>
        %dma_wait3A_151 = tpu.memref_squeeze %dma_wait3A : memref<1x640xf32, #tpu.memory_space<vmem_shared>> -> memref<640xf32, #tpu.memory_space<vmem_shared>>
        %dma_wait3A_152 = tpu.memref_slice %arg8[%run_scoped3A_78, %mul3A_23] : memref<16x10240xf32, #tpu.memory_space<vmem_shared>> -> memref<1x640xf32, #tpu.memory_space<vmem_shared>>
        %dma_wait3A_153 = tpu.memref_squeeze %dma_wait3A_152 : memref<1x640xf32, #tpu.memory_space<vmem_shared>> -> memref<640xf32, #tpu.memory_space<vmem_shared>>
        tpu.wait_dma2 semaphore(%run_scoped3A_147 : memref<!tpu.dma_semaphore, #tpu.memory_space<semaphore_mem>>) src(%dma_wait3A_153 : memref<640xf32, #tpu.memory_space<vmem_shared>>) dst(%arg7 : memref<640xf32, #tpu.memory_space<vmem>>)
        tpu.yield
      }) : () -> ()
      %scan3A_79 = arith.constant 0 : i32
      %scan3A_80 = arith.constant 0 : i32
      %scan3A_81 = arith.constant 40 : i32
      %scan3A_82 = arith.addi %scan3A_80, %scan3A_81 : i32
      %scan3A_83 = arith.constant 1 : i32
      scf.for %scan3A_147 = %scan3A_80 to %scan3A_82 step %scan3A_83  : i32 {
        %mul3A_148 = arith.constant 16 : i32
        %mul3A_149 = arith.muli %scan3A_147, %mul3A_148 : i32
        %get3A = arith.index_cast %mul3A_149 : i32 to index
        %get3A_150 = tpu.vector_load %arg6[%get3A] {strides = array<i32>} : memref<640xf32, #tpu.memory_space<vmem>>, vector<16xf32>,
        %get3A_151 = arith.index_cast %mul3A_149 : i32 to index
        %get3A_152 = tpu.vector_load %arg7[%get3A_151] {strides = array<i32>} : memref<640xf32, #tpu.memory_space<vmem>>, vector<16xf32>,
        %add3A_153 = arith.addf %get3A_150, %get3A_152 : vector<16xf32>
        %swap3A = arith.index_cast %mul3A_149 : i32 to index
        %swap3A_154 = tpu.vector_load %arg6[%swap3A] {strides = array<i32>} : memref<640xf32, #tpu.memory_space<vmem>>, vector<16xf32>,
        tpu.vector_store %arg6[%swap3A], %add3A_153 {strides = array<i32>} : memref<640xf32, #tpu.memory_space<vmem>>, vector<16xf32>,
      }
      %scan3A_84 = arith.constant 40 : i32
      %run_scoped3A_85 = arith.constant 8 : i32
      "tpu.region"() ({
        %run_scoped3A_147 = tpu.sem_alloc : memref<!tpu.dma_semaphore, #tpu.memory_space<semaphore_mem>>
        %dma_start3A = tpu.memref_slice %arg8[%run_scoped3A_85, %mul3A_23] : memref<16x10240xf32, #tpu.memory_space<vmem_shared>> -> memref<1x640xf32, #tpu.memory_space<vmem_shared>>
        %dma_start3A_148 = tpu.memref_squeeze %dma_start3A : memref<1x640xf32, #tpu.memory_space<vmem_shared>> -> memref<640xf32, #tpu.memory_space<vmem_shared>>
        %dma_start3A_149 = tpu.memref_slice %arg8[%run_scoped3A_85, %mul3A_23] : memref<16x10240xf32, #tpu.memory_space<vmem_shared>> -> memref<1x640xf32, #tpu.memory_space<vmem_shared>>
        %dma_start3A_150 = tpu.memref_squeeze %dma_start3A_149 : memref<1x640xf32, #tpu.memory_space<vmem_shared>> -> memref<640xf32, #tpu.memory_space<vmem_shared>>
        tpu.enqueue_dma source(%dma_start3A_150 : memref<640xf32, #tpu.memory_space<vmem_shared>>) target(%arg7 : memref<640xf32, #tpu.memory_space<vmem>>) target_semaphore(%run_scoped3A_147 : memref<!tpu.dma_semaphore, #tpu.memory_space<semaphore_mem>>)
        %dma_wait3A = tpu.memref_slice %arg8[%run_scoped3A_85, %mul3A_23] : memref<16x10240xf32, #tpu.memory_space<vmem_shared>> -> memref<1x640xf32, #tpu.memory_space<vmem_shared>>
        %dma_wait3A_151 = tpu.memref_squeeze %dma_wait3A : memref<1x640xf32, #tpu.memory_space<vmem_shared>> -> memref<640xf32, #tpu.memory_space<vmem_shared>>
        %dma_wait3A_152 = tpu.memref_slice %arg8[%run_scoped3A_85, %mul3A_23] : memref<16x10240xf32, #tpu.memory_space<vmem_shared>> -> memref<1x640xf32, #tpu.memory_space<vmem_shared>>
        %dma_wait3A_153 = tpu.memref_squeeze %dma_wait3A_152 : memref<1x640xf32, #tpu.memory_space<vmem_shared>> -> memref<640xf32, #tpu.memory_space<vmem_shared>>
        tpu.wait_dma2 semaphore(%run_scoped3A_147 : memref<!tpu.dma_semaphore, #tpu.memory_space<semaphore_mem>>) src(%dma_wait3A_153 : memref<640xf32, #tpu.memory_space<vmem_shared>>) dst(%arg7 : memref<640xf32, #tpu.memory_space<vmem>>)
        tpu.yield
      }) : () -> ()
      %scan3A_86 = arith.constant 0 : i32
      %scan3A_87 = arith.constant 0 : i32
      %scan3A_88 = arith.constant 40 : i32
      %scan3A_89 = arith.addi %scan3A_87, %scan3A_88 : i32
      %scan3A_90 = arith.constant 1 : i32
      scf.for %scan3A_147 = %scan3A_87 to %scan3A_89 step %scan3A_90  : i32 {
        %mul3A_148 = arith.constant 16 : i32
        %mul3A_149 = arith.muli %scan3A_147, %mul3A_148 : i32
        %get3A = arith.index_cast %mul3A_149 : i32 to index
        %get3A_150 = tpu.vector_load %arg6[%get3A] {strides = array<i32>} : memref<640xf32, #tpu.memory_space<vmem>>, vector<16xf32>,
        %get3A_151 = arith.index_cast %mul3A_149 : i32 to index
        %get3A_152 = tpu.vector_load %arg7[%get3A_151] {strides = array<i32>} : memref<640xf32, #tpu.memory_space<vmem>>, vector<16xf32>,
        %add3A_153 = arith.addf %get3A_150, %get3A_152 : vector<16xf32>
        %swap3A = arith.index_cast %mul3A_149 : i32 to index
        %swap3A_154 = tpu.vector_load %arg6[%swap3A] {strides = array<i32>} : memref<640xf32, #tpu.memory_space<vmem>>, vector<16xf32>,
        tpu.vector_store %arg6[%swap3A], %add3A_153 {strides = array<i32>} : memref<640xf32, #tpu.memory_space<vmem>>, vector<16xf32>,
      }
      %scan3A_91 = arith.constant 40 : i32
      %run_scoped3A_92 = arith.constant 9 : i32
      "tpu.region"() ({
        %run_scoped3A_147 = tpu.sem_alloc : memref<!tpu.dma_semaphore, #tpu.memory_space<semaphore_mem>>
        %dma_start3A = tpu.memref_slice %arg8[%run_scoped3A_92, %mul3A_23] : memref<16x10240xf32, #tpu.memory_space<vmem_shared>> -> memref<1x640xf32, #tpu.memory_space<vmem_shared>>
        %dma_start3A_148 = tpu.memref_squeeze %dma_start3A : memref<1x640xf32, #tpu.memory_space<vmem_shared>> -> memref<640xf32, #tpu.memory_space<vmem_shared>>
        %dma_start3A_149 = tpu.memref_slice %arg8[%run_scoped3A_92, %mul3A_23] : memref<16x10240xf32, #tpu.memory_space<vmem_shared>> -> memref<1x640xf32, #tpu.memory_space<vmem_shared>>
        %dma_start3A_150 = tpu.memref_squeeze %dma_start3A_149 : memref<1x640xf32, #tpu.memory_space<vmem_shared>> -> memref<640xf32, #tpu.memory_space<vmem_shared>>
        tpu.enqueue_dma source(%dma_start3A_150 : memref<640xf32, #tpu.memory_space<vmem_shared>>) target(%arg7 : memref<640xf32, #tpu.memory_space<vmem>>) target_semaphore(%run_scoped3A_147 : memref<!tpu.dma_semaphore, #tpu.memory_space<semaphore_mem>>)
        %dma_wait3A = tpu.memref_slice %arg8[%run_scoped3A_92, %mul3A_23] : memref<16x10240xf32, #tpu.memory_space<vmem_shared>> -> memref<1x640xf32, #tpu.memory_space<vmem_shared>>
        %dma_wait3A_151 = tpu.memref_squeeze %dma_wait3A : memref<1x640xf32, #tpu.memory_space<vmem_shared>> -> memref<640xf32, #tpu.memory_space<vmem_shared>>
        %dma_wait3A_152 = tpu.memref_slice %arg8[%run_scoped3A_92, %mul3A_23] : memref<16x10240xf32, #tpu.memory_space<vmem_shared>> -> memref<1x640xf32, #tpu.memory_space<vmem_shared>>
        %dma_wait3A_153 = tpu.memref_squeeze %dma_wait3A_152 : memref<1x640xf32, #tpu.memory_space<vmem_shared>> -> memref<640xf32, #tpu.memory_space<vmem_shared>>
        tpu.wait_dma2 semaphore(%run_scoped3A_147 : memref<!tpu.dma_semaphore, #tpu.memory_space<semaphore_mem>>) src(%dma_wait3A_153 : memref<640xf32, #tpu.memory_space<vmem_shared>>) dst(%arg7 : memref<640xf32, #tpu.memory_space<vmem>>)
        tpu.yield
      }) : () -> ()
      %scan3A_93 = arith.constant 0 : i32
      %scan3A_94 = arith.constant 0 : i32
      %scan3A_95 = arith.constant 40 : i32
      %scan3A_96 = arith.addi %scan3A_94, %scan3A_95 : i32
      %scan3A_97 = arith.constant 1 : i32
      scf.for %scan3A_147 = %scan3A_94 to %scan3A_96 step %scan3A_97  : i32 {
        %mul3A_148 = arith.constant 16 : i32
        %mul3A_149 = arith.muli %scan3A_147, %mul3A_148 : i32
        %get3A = arith.index_cast %mul3A_149 : i32 to index
        %get3A_150 = tpu.vector_load %arg6[%get3A] {strides = array<i32>} : memref<640xf32, #tpu.memory_space<vmem>>, vector<16xf32>,
        %get3A_151 = arith.index_cast %mul3A_149 : i32 to index
        %get3A_152 = tpu.vector_load %arg7[%get3A_151] {strides = array<i32>} : memref<640xf32, #tpu.memory_space<vmem>>, vector<16xf32>,
        %add3A_153 = arith.addf %get3A_150, %get3A_152 : vector<16xf32>
        %swap3A = arith.index_cast %mul3A_149 : i32 to index
        %swap3A_154 = tpu.vector_load %arg6[%swap3A] {strides = array<i32>} : memref<640xf32, #tpu.memory_space<vmem>>, vector<16xf32>,
        tpu.vector_store %arg6[%swap3A], %add3A_153 {strides = array<i32>} : memref<640xf32, #tpu.memory_space<vmem>>, vector<16xf32>,
      }
      %scan3A_98 = arith.constant 40 : i32
      %run_scoped3A_99 = arith.constant 10 : i32
      "tpu.region"() ({
        %run_scoped3A_147 = tpu.sem_alloc : memref<!tpu.dma_semaphore, #tpu.memory_space<semaphore_mem>>
        %dma_start3A = tpu.memref_slice %arg8[%run_scoped3A_99, %mul3A_23] : memref<16x10240xf32, #tpu.memory_space<vmem_shared>> -> memref<1x640xf32, #tpu.memory_space<vmem_shared>>
        %dma_start3A_148 = tpu.memref_squeeze %dma_start3A : memref<1x640xf32, #tpu.memory_space<vmem_shared>> -> memref<640xf32, #tpu.memory_space<vmem_shared>>
        %dma_start3A_149 = tpu.memref_slice %arg8[%run_scoped3A_99, %mul3A_23] : memref<16x10240xf32, #tpu.memory_space<vmem_shared>> -> memref<1x640xf32, #tpu.memory_space<vmem_shared>>
        %dma_start3A_150 = tpu.memref_squeeze %dma_start3A_149 : memref<1x640xf32, #tpu.memory_space<vmem_shared>> -> memref<640xf32, #tpu.memory_space<vmem_shared>>
        tpu.enqueue_dma source(%dma_start3A_150 : memref<640xf32, #tpu.memory_space<vmem_shared>>) target(%arg7 : memref<640xf32, #tpu.memory_space<vmem>>) target_semaphore(%run_scoped3A_147 : memref<!tpu.dma_semaphore, #tpu.memory_space<semaphore_mem>>)
        %dma_wait3A = tpu.memref_slice %arg8[%run_scoped3A_99, %mul3A_23] : memref<16x10240xf32, #tpu.memory_space<vmem_shared>> -> memref<1x640xf32, #tpu.memory_space<vmem_shared>>
        %dma_wait3A_151 = tpu.memref_squeeze %dma_wait3A : memref<1x640xf32, #tpu.memory_space<vmem_shared>> -> memref<640xf32, #tpu.memory_space<vmem_shared>>
        %dma_wait3A_152 = tpu.memref_slice %arg8[%run_scoped3A_99, %mul3A_23] : memref<16x10240xf32, #tpu.memory_space<vmem_shared>> -> memref<1x640xf32, #tpu.memory_space<vmem_shared>>
        %dma_wait3A_153 = tpu.memref_squeeze %dma_wait3A_152 : memref<1x640xf32, #tpu.memory_space<vmem_shared>> -> memref<640xf32, #tpu.memory_space<vmem_shared>>
        tpu.wait_dma2 semaphore(%run_scoped3A_147 : memref<!tpu.dma_semaphore, #tpu.memory_space<semaphore_mem>>) src(%dma_wait3A_153 : memref<640xf32, #tpu.memory_space<vmem_shared>>) dst(%arg7 : memref<640xf32, #tpu.memory_space<vmem>>)
        tpu.yield
      }) : () -> ()
      %scan3A_100 = arith.constant 0 : i32
      %scan3A_101 = arith.constant 0 : i32
      %scan3A_102 = arith.constant 40 : i32
      %scan3A_103 = arith.addi %scan3A_101, %scan3A_102 : i32
      %scan3A_104 = arith.constant 1 : i32
      scf.for %scan3A_147 = %scan3A_101 to %scan3A_103 step %scan3A_104  : i32 {
        %mul3A_148 = arith.constant 16 : i32
        %mul3A_149 = arith.muli %scan3A_147, %mul3A_148 : i32
        %get3A = arith.index_cast %mul3A_149 : i32 to index
        %get3A_150 = tpu.vector_load %arg6[%get3A] {strides = array<i32>} : memref<640xf32, #tpu.memory_space<vmem>>, vector<16xf32>,
        %get3A_151 = arith.index_cast %mul3A_149 : i32 to index
        %get3A_152 = tpu.vector_load %arg7[%get3A_151] {strides = array<i32>} : memref<640xf32, #tpu.memory_space<vmem>>, vector<16xf32>,
        %add3A_153 = arith.addf %get3A_150, %get3A_152 : vector<16xf32>
        %swap3A = arith.index_cast %mul3A_149 : i32 to index
        %swap3A_154 = tpu.vector_load %arg6[%swap3A] {strides = array<i32>} : memref<640xf32, #tpu.memory_space<vmem>>, vector<16xf32>,
        tpu.vector_store %arg6[%swap3A], %add3A_153 {strides = array<i32>} : memref<640xf32, #tpu.memory_space<vmem>>, vector<16xf32>,
      }
      %scan3A_105 = arith.constant 40 : i32
      %run_scoped3A_106 = arith.constant 11 : i32
      "tpu.region"() ({
        %run_scoped3A_147 = tpu.sem_alloc : memref<!tpu.dma_semaphore, #tpu.memory_space<semaphore_mem>>
        %dma_start3A = tpu.memref_slice %arg8[%run_scoped3A_106, %mul3A_23] : memref<16x10240xf32, #tpu.memory_space<vmem_shared>> -> memref<1x640xf32, #tpu.memory_space<vmem_shared>>
        %dma_start3A_148 = tpu.memref_squeeze %dma_start3A : memref<1x640xf32, #tpu.memory_space<vmem_shared>> -> memref<640xf32, #tpu.memory_space<vmem_shared>>
        %dma_start3A_149 = tpu.memref_slice %arg8[%run_scoped3A_106, %mul3A_23] : memref<16x10240xf32, #tpu.memory_space<vmem_shared>> -> memref<1x640xf32, #tpu.memory_space<vmem_shared>>
        %dma_start3A_150 = tpu.memref_squeeze %dma_start3A_149 : memref<1x640xf32, #tpu.memory_space<vmem_shared>> -> memref<640xf32, #tpu.memory_space<vmem_shared>>
        tpu.enqueue_dma source(%dma_start3A_150 : memref<640xf32, #tpu.memory_space<vmem_shared>>) target(%arg7 : memref<640xf32, #tpu.memory_space<vmem>>) target_semaphore(%run_scoped3A_147 : memref<!tpu.dma_semaphore, #tpu.memory_space<semaphore_mem>>)
        %dma_wait3A = tpu.memref_slice %arg8[%run_scoped3A_106, %mul3A_23] : memref<16x10240xf32, #tpu.memory_space<vmem_shared>> -> memref<1x640xf32, #tpu.memory_space<vmem_shared>>
        %dma_wait3A_151 = tpu.memref_squeeze %dma_wait3A : memref<1x640xf32, #tpu.memory_space<vmem_shared>> -> memref<640xf32, #tpu.memory_space<vmem_shared>>
        %dma_wait3A_152 = tpu.memref_slice %arg8[%run_scoped3A_106, %mul3A_23] : memref<16x10240xf32, #tpu.memory_space<vmem_shared>> -> memref<1x640xf32, #tpu.memory_space<vmem_shared>>
        %dma_wait3A_153 = tpu.memref_squeeze %dma_wait3A_152 : memref<1x640xf32, #tpu.memory_space<vmem_shared>> -> memref<640xf32, #tpu.memory_space<vmem_shared>>
        tpu.wait_dma2 semaphore(%run_scoped3A_147 : memref<!tpu.dma_semaphore, #tpu.memory_space<semaphore_mem>>) src(%dma_wait3A_153 : memref<640xf32, #tpu.memory_space<vmem_shared>>) dst(%arg7 : memref<640xf32, #tpu.memory_space<vmem>>)
        tpu.yield
      }) : () -> ()
      %scan3A_107 = arith.constant 0 : i32
      %scan3A_108 = arith.constant 0 : i32
      %scan3A_109 = arith.constant 40 : i32
      %scan3A_110 = arith.addi %scan3A_108, %scan3A_109 : i32
      %scan3A_111 = arith.constant 1 : i32
      scf.for %scan3A_147 = %scan3A_108 to %scan3A_110 step %scan3A_111  : i32 {
        %mul3A_148 = arith.constant 16 : i32
        %mul3A_149 = arith.muli %scan3A_147, %mul3A_148 : i32
        %get3A = arith.index_cast %mul3A_149 : i32 to index
        %get3A_150 = tpu.vector_load %arg6[%get3A] {strides = array<i32>} : memref<640xf32, #tpu.memory_space<vmem>>, vector<16xf32>,
        %get3A_151 = arith.index_cast %mul3A_149 : i32 to index
        %get3A_152 = tpu.vector_load %arg7[%get3A_151] {strides = array<i32>} : memref<640xf32, #tpu.memory_space<vmem>>, vector<16xf32>,
        %add3A_153 = arith.addf %get3A_150, %get3A_152 : vector<16xf32>
        %swap3A = arith.index_cast %mul3A_149 : i32 to index
        %swap3A_154 = tpu.vector_load %arg6[%swap3A] {strides = array<i32>} : memref<640xf32, #tpu.memory_space<vmem>>, vector<16xf32>,
        tpu.vector_store %arg6[%swap3A], %add3A_153 {strides = array<i32>} : memref<640xf32, #tpu.memory_space<vmem>>, vector<16xf32>,
      }
      %scan3A_112 = arith.constant 40 : i32
      %run_scoped3A_113 = arith.constant 12 : i32
      "tpu.region"() ({
        %run_scoped3A_147 = tpu.sem_alloc : memref<!tpu.dma_semaphore, #tpu.memory_space<semaphore_mem>>
        %dma_start3A = tpu.memref_slice %arg8[%run_scoped3A_113, %mul3A_23] : memref<16x10240xf32, #tpu.memory_space<vmem_shared>> -> memref<1x640xf32, #tpu.memory_space<vmem_shared>>
        %dma_start3A_148 = tpu.memref_squeeze %dma_start3A : memref<1x640xf32, #tpu.memory_space<vmem_shared>> -> memref<640xf32, #tpu.memory_space<vmem_shared>>
        %dma_start3A_149 = tpu.memref_slice %arg8[%run_scoped3A_113, %mul3A_23] : memref<16x10240xf32, #tpu.memory_space<vmem_shared>> -> memref<1x640xf32, #tpu.memory_space<vmem_shared>>
        %dma_start3A_150 = tpu.memref_squeeze %dma_start3A_149 : memref<1x640xf32, #tpu.memory_space<vmem_shared>> -> memref<640xf32, #tpu.memory_space<vmem_shared>>
        tpu.enqueue_dma source(%dma_start3A_150 : memref<640xf32, #tpu.memory_space<vmem_shared>>) target(%arg7 : memref<640xf32, #tpu.memory_space<vmem>>) target_semaphore(%run_scoped3A_147 : memref<!tpu.dma_semaphore, #tpu.memory_space<semaphore_mem>>)
        %dma_wait3A = tpu.memref_slice %arg8[%run_scoped3A_113, %mul3A_23] : memref<16x10240xf32, #tpu.memory_space<vmem_shared>> -> memref<1x640xf32, #tpu.memory_space<vmem_shared>>
        %dma_wait3A_151 = tpu.memref_squeeze %dma_wait3A : memref<1x640xf32, #tpu.memory_space<vmem_shared>> -> memref<640xf32, #tpu.memory_space<vmem_shared>>
        %dma_wait3A_152 = tpu.memref_slice %arg8[%run_scoped3A_113, %mul3A_23] : memref<16x10240xf32, #tpu.memory_space<vmem_shared>> -> memref<1x640xf32, #tpu.memory_space<vmem_shared>>
        %dma_wait3A_153 = tpu.memref_squeeze %dma_wait3A_152 : memref<1x640xf32, #tpu.memory_space<vmem_shared>> -> memref<640xf32, #tpu.memory_space<vmem_shared>>
        tpu.wait_dma2 semaphore(%run_scoped3A_147 : memref<!tpu.dma_semaphore, #tpu.memory_space<semaphore_mem>>) src(%dma_wait3A_153 : memref<640xf32, #tpu.memory_space<vmem_shared>>) dst(%arg7 : memref<640xf32, #tpu.memory_space<vmem>>)
        tpu.yield
      }) : () -> ()
      %scan3A_114 = arith.constant 0 : i32
      %scan3A_115 = arith.constant 0 : i32
      %scan3A_116 = arith.constant 40 : i32
      %scan3A_117 = arith.addi %scan3A_115, %scan3A_116 : i32
      %scan3A_118 = arith.constant 1 : i32
      scf.for %scan3A_147 = %scan3A_115 to %scan3A_117 step %scan3A_118  : i32 {
        %mul3A_148 = arith.constant 16 : i32
        %mul3A_149 = arith.muli %scan3A_147, %mul3A_148 : i32
        %get3A = arith.index_cast %mul3A_149 : i32 to index
        %get3A_150 = tpu.vector_load %arg6[%get3A] {strides = array<i32>} : memref<640xf32, #tpu.memory_space<vmem>>, vector<16xf32>,
        %get3A_151 = arith.index_cast %mul3A_149 : i32 to index
        %get3A_152 = tpu.vector_load %arg7[%get3A_151] {strides = array<i32>} : memref<640xf32, #tpu.memory_space<vmem>>, vector<16xf32>,
        %add3A_153 = arith.addf %get3A_150, %get3A_152 : vector<16xf32>
        %swap3A = arith.index_cast %mul3A_149 : i32 to index
        %swap3A_154 = tpu.vector_load %arg6[%swap3A] {strides = array<i32>} : memref<640xf32, #tpu.memory_space<vmem>>, vector<16xf32>,
        tpu.vector_store %arg6[%swap3A], %add3A_153 {strides = array<i32>} : memref<640xf32, #tpu.memory_space<vmem>>, vector<16xf32>,
      }
      %scan3A_119 = arith.constant 40 : i32
      %run_scoped3A_120 = arith.constant 13 : i32
      "tpu.region"() ({
        %run_scoped3A_147 = tpu.sem_alloc : memref<!tpu.dma_semaphore, #tpu.memory_space<semaphore_mem>>
        %dma_start3A = tpu.memref_slice %arg8[%run_scoped3A_120, %mul3A_23] : memref<16x10240xf32, #tpu.memory_space<vmem_shared>> -> memref<1x640xf32, #tpu.memory_space<vmem_shared>>
        %dma_start3A_148 = tpu.memref_squeeze %dma_start3A : memref<1x640xf32, #tpu.memory_space<vmem_shared>> -> memref<640xf32, #tpu.memory_space<vmem_shared>>
        %dma_start3A_149 = tpu.memref_slice %arg8[%run_scoped3A_120, %mul3A_23] : memref<16x10240xf32, #tpu.memory_space<vmem_shared>> -> memref<1x640xf32, #tpu.memory_space<vmem_shared>>
        %dma_start3A_150 = tpu.memref_squeeze %dma_start3A_149 : memref<1x640xf32, #tpu.memory_space<vmem_shared>> -> memref<640xf32, #tpu.memory_space<vmem_shared>>
        tpu.enqueue_dma source(%dma_start3A_150 : memref<640xf32, #tpu.memory_space<vmem_shared>>) target(%arg7 : memref<640xf32, #tpu.memory_space<vmem>>) target_semaphore(%run_scoped3A_147 : memref<!tpu.dma_semaphore, #tpu.memory_space<semaphore_mem>>)
        %dma_wait3A = tpu.memref_slice %arg8[%run_scoped3A_120, %mul3A_23] : memref<16x10240xf32, #tpu.memory_space<vmem_shared>> -> memref<1x640xf32, #tpu.memory_space<vmem_shared>>
        %dma_wait3A_151 = tpu.memref_squeeze %dma_wait3A : memref<1x640xf32, #tpu.memory_space<vmem_shared>> -> memref<640xf32, #tpu.memory_space<vmem_shared>>
        %dma_wait3A_152 = tpu.memref_slice %arg8[%run_scoped3A_120, %mul3A_23] : memref<16x10240xf32, #tpu.memory_space<vmem_shared>> -> memref<1x640xf32, #tpu.memory_space<vmem_shared>>
        %dma_wait3A_153 = tpu.memref_squeeze %dma_wait3A_152 : memref<1x640xf32, #tpu.memory_space<vmem_shared>> -> memref<640xf32, #tpu.memory_space<vmem_shared>>
        tpu.wait_dma2 semaphore(%run_scoped3A_147 : memref<!tpu.dma_semaphore, #tpu.memory_space<semaphore_mem>>) src(%dma_wait3A_153 : memref<640xf32, #tpu.memory_space<vmem_shared>>) dst(%arg7 : memref<640xf32, #tpu.memory_space<vmem>>)
        tpu.yield
      }) : () -> ()
      %scan3A_121 = arith.constant 0 : i32
      %scan3A_122 = arith.constant 0 : i32
      %scan3A_123 = arith.constant 40 : i32
      %scan3A_124 = arith.addi %scan3A_122, %scan3A_123 : i32
      %scan3A_125 = arith.constant 1 : i32
      scf.for %scan3A_147 = %scan3A_122 to %scan3A_124 step %scan3A_125  : i32 {
        %mul3A_148 = arith.constant 16 : i32
        %mul3A_149 = arith.muli %scan3A_147, %mul3A_148 : i32
        %get3A = arith.index_cast %mul3A_149 : i32 to index
        %get3A_150 = tpu.vector_load %arg6[%get3A] {strides = array<i32>} : memref<640xf32, #tpu.memory_space<vmem>>, vector<16xf32>,
        %get3A_151 = arith.index_cast %mul3A_149 : i32 to index
        %get3A_152 = tpu.vector_load %arg7[%get3A_151] {strides = array<i32>} : memref<640xf32, #tpu.memory_space<vmem>>, vector<16xf32>,
        %add3A_153 = arith.addf %get3A_150, %get3A_152 : vector<16xf32>
        %swap3A = arith.index_cast %mul3A_149 : i32 to index
        %swap3A_154 = tpu.vector_load %arg6[%swap3A] {strides = array<i32>} : memref<640xf32, #tpu.memory_space<vmem>>, vector<16xf32>,
        tpu.vector_store %arg6[%swap3A], %add3A_153 {strides = array<i32>} : memref<640xf32, #tpu.memory_space<vmem>>, vector<16xf32>,
      }
      %scan3A_126 = arith.constant 40 : i32
      %run_scoped3A_127 = arith.constant 14 : i32
      "tpu.region"() ({
        %run_scoped3A_147 = tpu.sem_alloc : memref<!tpu.dma_semaphore, #tpu.memory_space<semaphore_mem>>
        %dma_start3A = tpu.memref_slice %arg8[%run_scoped3A_127, %mul3A_23] : memref<16x10240xf32, #tpu.memory_space<vmem_shared>> -> memref<1x640xf32, #tpu.memory_space<vmem_shared>>
        %dma_start3A_148 = tpu.memref_squeeze %dma_start3A : memref<1x640xf32, #tpu.memory_space<vmem_shared>> -> memref<640xf32, #tpu.memory_space<vmem_shared>>
        %dma_start3A_149 = tpu.memref_slice %arg8[%run_scoped3A_127, %mul3A_23] : memref<16x10240xf32, #tpu.memory_space<vmem_shared>> -> memref<1x640xf32, #tpu.memory_space<vmem_shared>>
        %dma_start3A_150 = tpu.memref_squeeze %dma_start3A_149 : memref<1x640xf32, #tpu.memory_space<vmem_shared>> -> memref<640xf32, #tpu.memory_space<vmem_shared>>
        tpu.enqueue_dma source(%dma_start3A_150 : memref<640xf32, #tpu.memory_space<vmem_shared>>) target(%arg7 : memref<640xf32, #tpu.memory_space<vmem>>) target_semaphore(%run_scoped3A_147 : memref<!tpu.dma_semaphore, #tpu.memory_space<semaphore_mem>>)
        %dma_wait3A = tpu.memref_slice %arg8[%run_scoped3A_127, %mul3A_23] : memref<16x10240xf32, #tpu.memory_space<vmem_shared>> -> memref<1x640xf32, #tpu.memory_space<vmem_shared>>
        %dma_wait3A_151 = tpu.memref_squeeze %dma_wait3A : memref<1x640xf32, #tpu.memory_space<vmem_shared>> -> memref<640xf32, #tpu.memory_space<vmem_shared>>
        %dma_wait3A_152 = tpu.memref_slice %arg8[%run_scoped3A_127, %mul3A_23] : memref<16x10240xf32, #tpu.memory_space<vmem_shared>> -> memref<1x640xf32, #tpu.memory_space<vmem_shared>>
        %dma_wait3A_153 = tpu.memref_squeeze %dma_wait3A_152 : memref<1x640xf32, #tpu.memory_space<vmem_shared>> -> memref<640xf32, #tpu.memory_space<vmem_shared>>
        tpu.wait_dma2 semaphore(%run_scoped3A_147 : memref<!tpu.dma_semaphore, #tpu.memory_space<semaphore_mem>>) src(%dma_wait3A_153 : memref<640xf32, #tpu.memory_space<vmem_shared>>) dst(%arg7 : memref<640xf32, #tpu.memory_space<vmem>>)
        tpu.yield
      }) : () -> ()
      %scan3A_128 = arith.constant 0 : i32
      %scan3A_129 = arith.constant 0 : i32
      %scan3A_130 = arith.constant 40 : i32
      %scan3A_131 = arith.addi %scan3A_129, %scan3A_130 : i32
      %scan3A_132 = arith.constant 1 : i32
      scf.for %scan3A_147 = %scan3A_129 to %scan3A_131 step %scan3A_132  : i32 {
        %mul3A_148 = arith.constant 16 : i32
        %mul3A_149 = arith.muli %scan3A_147, %mul3A_148 : i32
        %get3A = arith.index_cast %mul3A_149 : i32 to index
        %get3A_150 = tpu.vector_load %arg6[%get3A] {strides = array<i32>} : memref<640xf32, #tpu.memory_space<vmem>>, vector<16xf32>,
        %get3A_151 = arith.index_cast %mul3A_149 : i32 to index
        %get3A_152 = tpu.vector_load %arg7[%get3A_151] {strides = array<i32>} : memref<640xf32, #tpu.memory_space<vmem>>, vector<16xf32>,
        %add3A_153 = arith.addf %get3A_150, %get3A_152 : vector<16xf32>
        %swap3A = arith.index_cast %mul3A_149 : i32 to index
        %swap3A_154 = tpu.vector_load %arg6[%swap3A] {strides = array<i32>} : memref<640xf32, #tpu.memory_space<vmem>>, vector<16xf32>,
        tpu.vector_store %arg6[%swap3A], %add3A_153 {strides = array<i32>} : memref<640xf32, #tpu.memory_space<vmem>>, vector<16xf32>,
      }
      %scan3A_133 = arith.constant 40 : i32
      %run_scoped3A_134 = arith.constant 15 : i32
      "tpu.region"() ({
        %run_scoped3A_147 = tpu.sem_alloc : memref<!tpu.dma_semaphore, #tpu.memory_space<semaphore_mem>>
        %dma_start3A = tpu.memref_slice %arg8[%run_scoped3A_134, %mul3A_23] : memref<16x10240xf32, #tpu.memory_space<vmem_shared>> -> memref<1x640xf32, #tpu.memory_space<vmem_shared>>
        %dma_start3A_148 = tpu.memref_squeeze %dma_start3A : memref<1x640xf32, #tpu.memory_space<vmem_shared>> -> memref<640xf32, #tpu.memory_space<vmem_shared>>
        %dma_start3A_149 = tpu.memref_slice %arg8[%run_scoped3A_134, %mul3A_23] : memref<16x10240xf32, #tpu.memory_space<vmem_shared>> -> memref<1x640xf32, #tpu.memory_space<vmem_shared>>
        %dma_start3A_150 = tpu.memref_squeeze %dma_start3A_149 : memref<1x640xf32, #tpu.memory_space<vmem_shared>> -> memref<640xf32, #tpu.memory_space<vmem_shared>>
        tpu.enqueue_dma source(%dma_start3A_150 : memref<640xf32, #tpu.memory_space<vmem_shared>>) target(%arg7 : memref<640xf32, #tpu.memory_space<vmem>>) target_semaphore(%run_scoped3A_147 : memref<!tpu.dma_semaphore, #tpu.memory_space<semaphore_mem>>)
        %dma_wait3A = tpu.memref_slice %arg8[%run_scoped3A_134, %mul3A_23] : memref<16x10240xf32, #tpu.memory_space<vmem_shared>> -> memref<1x640xf32, #tpu.memory_space<vmem_shared>>
        %dma_wait3A_151 = tpu.memref_squeeze %dma_wait3A : memref<1x640xf32, #tpu.memory_space<vmem_shared>> -> memref<640xf32, #tpu.memory_space<vmem_shared>>
        %dma_wait3A_152 = tpu.memref_slice %arg8[%run_scoped3A_134, %mul3A_23] : memref<16x10240xf32, #tpu.memory_space<vmem_shared>> -> memref<1x640xf32, #tpu.memory_space<vmem_shared>>
        %dma_wait3A_153 = tpu.memref_squeeze %dma_wait3A_152 : memref<1x640xf32, #tpu.memory_space<vmem_shared>> -> memref<640xf32, #tpu.memory_space<vmem_shared>>
        tpu.wait_dma2 semaphore(%run_scoped3A_147 : memref<!tpu.dma_semaphore, #tpu.memory_space<semaphore_mem>>) src(%dma_wait3A_153 : memref<640xf32, #tpu.memory_space<vmem_shared>>) dst(%arg7 : memref<640xf32, #tpu.memory_space<vmem>>)
        tpu.yield
      }) : () -> ()
      %scan3A_135 = arith.constant 0 : i32
      %scan3A_136 = arith.constant 0 : i32
      %scan3A_137 = arith.constant 40 : i32
      %scan3A_138 = arith.addi %scan3A_136, %scan3A_137 : i32
      %scan3A_139 = arith.constant 1 : i32
      scf.for %scan3A_147 = %scan3A_136 to %scan3A_138 step %scan3A_139  : i32 {
        %mul3A_148 = arith.constant 16 : i32
        %mul3A_149 = arith.muli %scan3A_147, %mul3A_148 : i32
        %get3A = arith.index_cast %mul3A_149 : i32 to index
        %get3A_150 = tpu.vector_load %arg6[%get3A] {strides = array<i32>} : memref<640xf32, #tpu.memory_space<vmem>>, vector<16xf32>,
        %get3A_151 = arith.index_cast %mul3A_149 : i32 to index
        %get3A_152 = tpu.vector_load %arg7[%get3A_151] {strides = array<i32>} : memref<640xf32, #tpu.memory_space<vmem>>, vector<16xf32>,
        %add3A_153 = arith.addf %get3A_150, %get3A_152 : vector<16xf32>
        %swap3A = arith.index_cast %mul3A_149 : i32 to index
        %swap3A_154 = tpu.vector_load %arg6[%swap3A] {strides = array<i32>} : memref<640xf32, #tpu.memory_space<vmem>>, vector<16xf32>,
        tpu.vector_store %arg6[%swap3A], %add3A_153 {strides = array<i32>} : memref<640xf32, #tpu.memory_space<vmem>>, vector<16xf32>,
      }
      %scan3A_140 = arith.constant 40 : i32
      %scan3A_141 = arith.constant 0 : i32
      %scan3A_142 = arith.constant 0 : i32
      %scan3A_143 = arith.constant 40 : i32
      %scan3A_144 = arith.addi %scan3A_142, %scan3A_143 : i32
      %scan3A_145 = arith.constant 1 : i32
      scf.for %scan3A_147 = %scan3A_142 to %scan3A_144 step %scan3A_145  : i32 {
        %mul3A_148 = arith.constant 16 : i32
        %mul3A_149 = arith.muli %scan3A_147, %mul3A_148 : i32
        %get3A = arith.index_cast %mul3A_149 : i32 to index
        %get3A_150 = tpu.vector_load %arg6[%get3A] {strides = array<i32>} : memref<640xf32, #tpu.memory_space<vmem>>, vector<16xf32>,
        %add3A_151 = arith.constant 1.000000e+00 : f32
        %add3A_152 = vector.broadcast %add3A_151 : f32 to vector<16xf32>
        %add3A_153 = arith.addf %get3A_150, %add3A_152 : vector<16xf32>
        %bitcast3A = vector.bitcast %add3A_153 : vector<16xf32> to vector<16xi32>
        %shift_right_logical3A = arith.constant 1 : i32
        %shift_right_logical3A_154 = vector.broadcast %shift_right_logical3A : i32 to vector<16xi32>
        %shift_right_logical3A_155 = arith.shrui %bitcast3A, %shift_right_logical3A_154 : vector<16xi32>
        %sub3A = arith.constant 1597463007 : i32
        %sub3A_156 = vector.broadcast %sub3A : i32 to vector<16xi32>
        %sub3A_157 = arith.subi %sub3A_156, %shift_right_logical3A_155 : vector<16xi32>
        %bitcast3A_158 = vector.bitcast %sub3A_157 : vector<16xi32> to vector<16xf32>
        %mul3A_159 = arith.constant 5.000000e-01 : f32
        %mul3A_160 = vector.broadcast %mul3A_159 : f32 to vector<16xf32>
        %mul3A_161 = arith.mulf %mul3A_160, %add3A_153 : vector<16xf32>
        %mul3A_162 = arith.mulf %mul3A_161, %bitcast3A_158 : vector<16xf32>
        %mul3A_163 = arith.mulf %mul3A_162, %bitcast3A_158 : vector<16xf32>
        %sub3A_164 = arith.constant 1.500000e+00 : f32
        %sub3A_165 = vector.broadcast %sub3A_164 : f32 to vector<16xf32>
        %sub3A_166 = arith.subf %sub3A_165, %mul3A_163 : vector<16xf32>
        %mul3A_167 = arith.mulf %bitcast3A_158, %sub3A_166 : vector<16xf32>
        %mul3A_168 = arith.constant 5.000000e-01 : f32
        %mul3A_169 = vector.broadcast %mul3A_168 : f32 to vector<16xf32>
        %mul3A_170 = arith.mulf %mul3A_169, %add3A_153 : vector<16xf32>
        %mul3A_171 = arith.mulf %mul3A_170, %mul3A_167 : vector<16xf32>
        %mul3A_172 = arith.mulf %mul3A_171, %mul3A_167 : vector<16xf32>
        %sub3A_173 = arith.constant 1.500000e+00 : f32
        %sub3A_174 = vector.broadcast %sub3A_173 : f32 to vector<16xf32>
        %sub3A_175 = arith.subf %sub3A_174, %mul3A_172 : vector<16xf32>
        %mul3A_176 = arith.mulf %mul3A_167, %sub3A_175 : vector<16xf32>
        %mul3A_177 = arith.constant 5.000000e-01 : f32
        %mul3A_178 = vector.broadcast %mul3A_177 : f32 to vector<16xf32>
        %mul3A_179 = arith.mulf %mul3A_178, %add3A_153 : vector<16xf32>
        %mul3A_180 = arith.mulf %mul3A_179, %mul3A_176 : vector<16xf32>
        %mul3A_181 = arith.mulf %mul3A_180, %mul3A_176 : vector<16xf32>
        %sub3A_182 = arith.constant 1.500000e+00 : f32
        %sub3A_183 = vector.broadcast %sub3A_182 : f32 to vector<16xf32>
        %sub3A_184 = arith.subf %sub3A_183, %mul3A_181 : vector<16xf32>
        %mul3A_185 = arith.mulf %mul3A_176, %sub3A_184 : vector<16xf32>
        %mul3A_186 = arith.constant 5.000000e-01 : f32
        %mul3A_187 = vector.broadcast %mul3A_186 : f32 to vector<16xf32>
        %mul3A_188 = arith.mulf %mul3A_187, %add3A_153 : vector<16xf32>
        %mul3A_189 = arith.mulf %mul3A_188, %mul3A_185 : vector<16xf32>
        %mul3A_190 = arith.mulf %mul3A_189, %mul3A_185 : vector<16xf32>
        %sub3A_191 = arith.constant 1.500000e+00 : f32
        %sub3A_192 = vector.broadcast %sub3A_191 : f32 to vector<16xf32>
        %sub3A_193 = arith.subf %sub3A_192, %mul3A_190 : vector<16xf32>
        %mul3A_194 = arith.mulf %mul3A_185, %sub3A_193 : vector<16xf32>
        %mul3A_195 = arith.constant 16 : i32
        %mul3A_196 = arith.muli %scan3A_147, %mul3A_195 : i32
        %add3A_197 = arith.addi %mul3A_23, %mul3A_196 : i32
        %iota3A = tpu.iota {dimensions = array<i32: 0>} : vector<16xi32>
        %add3A_198 = vector.broadcast %add3A_197 : i32 to vector<16xi32>
        %add3A_199 = arith.addi %add3A_198, %iota3A : vector<16xi32>
        %lt3A = arith.constant 10000 : i32
        %lt3A_200 = vector.broadcast %lt3A : i32 to vector<16xi32>
        %lt3A_201 = arith.cmpi slt, %add3A_199, %lt3A_200 : vector<16xi32>
        %jit3A = arith.constant 0.000000e+00 : f32
        %broadcast_in_dim3A_202 = vector.broadcast %jit3A : f32 to vector<16xf32>
        %select_n3A = arith.select %lt3A_201, %mul3A_194, %broadcast_in_dim3A_202 : vector<16xi1>, vector<16xf32>
        %swap3A = arith.index_cast %mul3A_149 : i32 to index
        %swap3A_203 = tpu.vector_load %arg7[%swap3A] {strides = array<i32>} : memref<640xf32, #tpu.memory_space<vmem>>, vector<16xf32>,
        tpu.vector_store %arg7[%swap3A], %select_n3A {strides = array<i32>} : memref<640xf32, #tpu.memory_space<vmem>>, vector<16xf32>,
      }
      %scan3A_146 = arith.constant 40 : i32
      "tpu.region"() ({
        %run_scoped3A_147 = tpu.sem_alloc : memref<!tpu.dma_semaphore, #tpu.memory_space<semaphore_mem>>
        %dma_start3A = tpu.memref_slice %arg3[%mul3A_23] : memref<10240xf32, #tpu.memory_space<hbm>> -> memref<640xf32, #tpu.memory_space<hbm>>
        %dma_start3A_148 = tpu.memref_slice %arg3[%mul3A_23] : memref<10240xf32, #tpu.memory_space<hbm>> -> memref<640xf32, #tpu.memory_space<hbm>>
        tpu.enqueue_dma source(%arg7 : memref<640xf32, #tpu.memory_space<vmem>>) target(%dma_start3A_148 : memref<640xf32, #tpu.memory_space<hbm>>) target_semaphore(%run_scoped3A_147 : memref<!tpu.dma_semaphore, #tpu.memory_space<semaphore_mem>>)
        %dma_wait3A = tpu.memref_slice %arg3[%mul3A_23] : memref<10240xf32, #tpu.memory_space<hbm>> -> memref<640xf32, #tpu.memory_space<hbm>>
        %dma_wait3A_149 = tpu.memref_slice %arg3[%mul3A_23] : memref<10240xf32, #tpu.memory_space<hbm>> -> memref<640xf32, #tpu.memory_space<hbm>>
        tpu.wait_dma2 semaphore(%run_scoped3A_147 : memref<!tpu.dma_semaphore, #tpu.memory_space<semaphore_mem>>) src(%arg7 : memref<640xf32, #tpu.memory_space<vmem>>) dst(%dma_wait3A_149 : memref<640xf32, #tpu.memory_space<hbm>>)
        tpu.yield
      }) : () -> ()
    } else {
    }
    return
  }
}

#map = affine_map<(d0, d1) -> (0, 0, 0)>
#map1 = affine_map<(d0, d1) -> (0, 0)>
module attributes {stable_mosaic.version = 14 : i64} {
  func.func @_sc_agg(%arg0: i32, %arg1: i32, %arg2: memref<32x80x128xi32, #tpu.memory_space<hbm>>, %arg3: memref<32x80x128xi32, #tpu.memory_space<hbm>>, %arg4: memref<10240x128xf32, #tpu.memory_space<hbm>>, %arg5: memref<10240x128xf32, #tpu.memory_space<hbm>>, %arg6: memref<2x10240x128xf32, #tpu.memory_space<hbm>>, %arg7: memref<128x128xf32, #tpu.memory_space<vmem>>, %arg8: memref<128x128xf32, #tpu.memory_space<vmem>>, %arg9: memref<128xi32, #tpu.memory_space<vmem>>, %arg10: memref<128xi32, #tpu.memory_space<vmem>>, %arg11: memref<128xi32, #tpu.memory_space<vmem>>, %arg12: memref<128xi32, #tpu.memory_space<vmem>>, %arg13: memref<!tpu.dma_semaphore, #tpu.memory_space<semaphore_mem>>, %arg14: memref<!tpu.dma_semaphore, #tpu.memory_space<semaphore_mem>>, %arg15: memref<10240x128xf32, #tpu.memory_space<vmem_shared>>) attributes {dimension_semantics = [#tpu.dimension_semantics<core_parallel>, #tpu.dimension_semantics<subcore_parallel>], iteration_bounds = array<i64: 2, 16>, scalar_prefetch = 0 : i64, scratch_operands = 9 : i64, tpu.core_type = #tpu.core_type<sc_vector_subcore>, window_params = [{transform_indices = #map}, {transform_indices = #map}, {transform_indices = #map1}, {transform_indices = #map1}, {transform_indices = #map}]} {
    %mul3A = arith.constant 16 : i32
    %mul3A_0 = arith.muli %arg0, %mul3A : i32
    %add3A = arith.addi %mul3A_0, %arg1 : i32
    %mul3A_1 = arith.constant 640 : i32
    %mul3A_2 = arith.muli %arg1, %mul3A_1 : i32
    %eq3A = arith.constant 0 : i32
    %eq3A_3 = arith.cmpi eq, %arg0, %eq3A : i32
    %convert_element_type3A = arith.extui %eq3A_3 : i1 to i32
    %cond3A = arith.constant 0 : i32
    %cond3A_4 = arith.cmpi ne, %convert_element_type3A, %cond3A : i32
    scf.if %cond3A_4 {
      %add3A_34 = arith.constant 0 : i32
      %add3A_35 = arith.addi %mul3A_2, %add3A_34 : i32
      "tpu.region"() ({
        %run_scoped3A_54 = tpu.sem_alloc : memref<!tpu.dma_semaphore, #tpu.memory_space<semaphore_mem>>
        %dma_start3A_55 = arith.constant 0 : i32
        %dma_start3A_56 = tpu.memref_slice %arg4[%add3A_35, %dma_start3A_55] : memref<10240x128xf32, #tpu.memory_space<hbm>> -> memref<128x128xf32, #tpu.memory_space<hbm>>
        %dma_start3A_57 = arith.constant 0 : i32
        %dma_start3A_58 = tpu.memref_slice %arg4[%add3A_35, %dma_start3A_57] : memref<10240x128xf32, #tpu.memory_space<hbm>> -> memref<128x128xf32, #tpu.memory_space<hbm>>
        tpu.enqueue_dma source(%dma_start3A_58 : memref<128x128xf32, #tpu.memory_space<hbm>>) target(%arg7 : memref<128x128xf32, #tpu.memory_space<vmem>>) target_semaphore(%run_scoped3A_54 : memref<!tpu.dma_semaphore, #tpu.memory_space<semaphore_mem>>)
        %dma_wait3A = arith.constant 0 : i32
        %dma_wait3A_59 = tpu.memref_slice %arg4[%add3A_35, %dma_wait3A] : memref<10240x128xf32, #tpu.memory_space<hbm>> -> memref<128x128xf32, #tpu.memory_space<hbm>>
        %dma_wait3A_60 = arith.constant 0 : i32
        %dma_wait3A_61 = tpu.memref_slice %arg4[%add3A_35, %dma_wait3A_60] : memref<10240x128xf32, #tpu.memory_space<hbm>> -> memref<128x128xf32, #tpu.memory_space<hbm>>
        tpu.wait_dma2 semaphore(%run_scoped3A_54 : memref<!tpu.dma_semaphore, #tpu.memory_space<semaphore_mem>>) src(%dma_wait3A_61 : memref<128x128xf32, #tpu.memory_space<hbm>>) dst(%arg7 : memref<128x128xf32, #tpu.memory_space<vmem>>)
        tpu.yield
      }) : () -> ()
      %add3A_36 = arith.constant 0 : i32
      %add3A_37 = arith.addi %mul3A_2, %add3A_36 : i32
      "tpu.region"() ({
        %run_scoped3A_54 = tpu.sem_alloc : memref<!tpu.dma_semaphore, #tpu.memory_space<semaphore_mem>>
        %dma_start3A_55 = arith.constant 0 : i32
        %dma_start3A_56 = tpu.memref_slice %arg15[%add3A_37, %dma_start3A_55] : memref<10240x128xf32, #tpu.memory_space<vmem_shared>> -> memref<128x128xf32, #tpu.memory_space<vmem_shared>>
        %dma_start3A_57 = arith.constant 0 : i32
        %dma_start3A_58 = tpu.memref_slice %arg15[%add3A_37, %dma_start3A_57] : memref<10240x128xf32, #tpu.memory_space<vmem_shared>> -> memref<128x128xf32, #tpu.memory_space<vmem_shared>>
        tpu.enqueue_dma source(%arg7 : memref<128x128xf32, #tpu.memory_space<vmem>>) target(%dma_start3A_58 : memref<128x128xf32, #tpu.memory_space<vmem_shared>>) target_semaphore(%run_scoped3A_54 : memref<!tpu.dma_semaphore, #tpu.memory_space<semaphore_mem>>)
        %dma_wait3A = arith.constant 0 : i32
        %dma_wait3A_59 = tpu.memref_slice %arg15[%add3A_37, %dma_wait3A] : memref<10240x128xf32, #tpu.memory_space<vmem_shared>> -> memref<128x128xf32, #tpu.memory_space<vmem_shared>>
        %dma_wait3A_60 = arith.constant 0 : i32
        %dma_wait3A_61 = tpu.memref_slice %arg15[%add3A_37, %dma_wait3A_60] : memref<10240x128xf32, #tpu.memory_space<vmem_shared>> -> memref<128x128xf32, #tpu.memory_space<vmem_shared>>
        tpu.wait_dma2 semaphore(%run_scoped3A_54 : memref<!tpu.dma_semaphore, #tpu.memory_space<semaphore_mem>>) src(%arg7 : memref<128x128xf32, #tpu.memory_space<vmem>>) dst(%dma_wait3A_61 : memref<128x128xf32, #tpu.memory_space<vmem_shared>>)
        tpu.yield
      }) : () -> ()
      %add3A_38 = arith.constant 128 : i32
      %add3A_39 = arith.addi %mul3A_2, %add3A_38 : i32
      "tpu.region"() ({
        %run_scoped3A_54 = tpu.sem_alloc : memref<!tpu.dma_semaphore, #tpu.memory_space<semaphore_mem>>
        %dma_start3A_55 = arith.constant 0 : i32
        %dma_start3A_56 = tpu.memref_slice %arg4[%add3A_39, %dma_start3A_55] : memref<10240x128xf32, #tpu.memory_space<hbm>> -> memref<128x128xf32, #tpu.memory_space<hbm>>
        %dma_start3A_57 = arith.constant 0 : i32
        %dma_start3A_58 = tpu.memref_slice %arg4[%add3A_39, %dma_start3A_57] : memref<10240x128xf32, #tpu.memory_space<hbm>> -> memref<128x128xf32, #tpu.memory_space<hbm>>
        tpu.enqueue_dma source(%dma_start3A_58 : memref<128x128xf32, #tpu.memory_space<hbm>>) target(%arg7 : memref<128x128xf32, #tpu.memory_space<vmem>>) target_semaphore(%run_scoped3A_54 : memref<!tpu.dma_semaphore, #tpu.memory_space<semaphore_mem>>)
        %dma_wait3A = arith.constant 0 : i32
        %dma_wait3A_59 = tpu.memref_slice %arg4[%add3A_39, %dma_wait3A] : memref<10240x128xf32, #tpu.memory_space<hbm>> -> memref<128x128xf32, #tpu.memory_space<hbm>>
        %dma_wait3A_60 = arith.constant 0 : i32
        %dma_wait3A_61 = tpu.memref_slice %arg4[%add3A_39, %dma_wait3A_60] : memref<10240x128xf32, #tpu.memory_space<hbm>> -> memref<128x128xf32, #tpu.memory_space<hbm>>
        tpu.wait_dma2 semaphore(%run_scoped3A_54 : memref<!tpu.dma_semaphore, #tpu.memory_space<semaphore_mem>>) src(%dma_wait3A_61 : memref<128x128xf32, #tpu.memory_space<hbm>>) dst(%arg7 : memref<128x128xf32, #tpu.memory_space<vmem>>)
        tpu.yield
      }) : () -> ()
      %add3A_40 = arith.constant 128 : i32
      %add3A_41 = arith.addi %mul3A_2, %add3A_40 : i32
      "tpu.region"() ({
        %run_scoped3A_54 = tpu.sem_alloc : memref<!tpu.dma_semaphore, #tpu.memory_space<semaphore_mem>>
        %dma_start3A_55 = arith.constant 0 : i32
        %dma_start3A_56 = tpu.memref_slice %arg15[%add3A_41, %dma_start3A_55] : memref<10240x128xf32, #tpu.memory_space<vmem_shared>> -> memref<128x128xf32, #tpu.memory_space<vmem_shared>>
        %dma_start3A_57 = arith.constant 0 : i32
        %dma_start3A_58 = tpu.memref_slice %arg15[%add3A_41, %dma_start3A_57] : memref<10240x128xf32, #tpu.memory_space<vmem_shared>> -> memref<128x128xf32, #tpu.memory_space<vmem_shared>>
        tpu.enqueue_dma source(%arg7 : memref<128x128xf32, #tpu.memory_space<vmem>>) target(%dma_start3A_58 : memref<128x128xf32, #tpu.memory_space<vmem_shared>>) target_semaphore(%run_scoped3A_54 : memref<!tpu.dma_semaphore, #tpu.memory_space<semaphore_mem>>)
        %dma_wait3A = arith.constant 0 : i32
        %dma_wait3A_59 = tpu.memref_slice %arg15[%add3A_41, %dma_wait3A] : memref<10240x128xf32, #tpu.memory_space<vmem_shared>> -> memref<128x128xf32, #tpu.memory_space<vmem_shared>>
        %dma_wait3A_60 = arith.constant 0 : i32
        %dma_wait3A_61 = tpu.memref_slice %arg15[%add3A_41, %dma_wait3A_60] : memref<10240x128xf32, #tpu.memory_space<vmem_shared>> -> memref<128x128xf32, #tpu.memory_space<vmem_shared>>
        tpu.wait_dma2 semaphore(%run_scoped3A_54 : memref<!tpu.dma_semaphore, #tpu.memory_space<semaphore_mem>>) src(%arg7 : memref<128x128xf32, #tpu.memory_space<vmem>>) dst(%dma_wait3A_61 : memref<128x128xf32, #tpu.memory_space<vmem_shared>>)
        tpu.yield
      }) : () -> ()
      %add3A_42 = arith.constant 256 : i32
      %add3A_43 = arith.addi %mul3A_2, %add3A_42 : i32
      "tpu.region"() ({
        %run_scoped3A_54 = tpu.sem_alloc : memref<!tpu.dma_semaphore, #tpu.memory_space<semaphore_mem>>
        %dma_start3A_55 = arith.constant 0 : i32
        %dma_start3A_56 = tpu.memref_slice %arg4[%add3A_43, %dma_start3A_55] : memref<10240x128xf32, #tpu.memory_space<hbm>> -> memref<128x128xf32, #tpu.memory_space<hbm>>
        %dma_start3A_57 = arith.constant 0 : i32
        %dma_start3A_58 = tpu.memref_slice %arg4[%add3A_43, %dma_start3A_57] : memref<10240x128xf32, #tpu.memory_space<hbm>> -> memref<128x128xf32, #tpu.memory_space<hbm>>
        tpu.enqueue_dma source(%dma_start3A_58 : memref<128x128xf32, #tpu.memory_space<hbm>>) target(%arg7 : memref<128x128xf32, #tpu.memory_space<vmem>>) target_semaphore(%run_scoped3A_54 : memref<!tpu.dma_semaphore, #tpu.memory_space<semaphore_mem>>)
        %dma_wait3A = arith.constant 0 : i32
        %dma_wait3A_59 = tpu.memref_slice %arg4[%add3A_43, %dma_wait3A] : memref<10240x128xf32, #tpu.memory_space<hbm>> -> memref<128x128xf32, #tpu.memory_space<hbm>>
        %dma_wait3A_60 = arith.constant 0 : i32
        %dma_wait3A_61 = tpu.memref_slice %arg4[%add3A_43, %dma_wait3A_60] : memref<10240x128xf32, #tpu.memory_space<hbm>> -> memref<128x128xf32, #tpu.memory_space<hbm>>
        tpu.wait_dma2 semaphore(%run_scoped3A_54 : memref<!tpu.dma_semaphore, #tpu.memory_space<semaphore_mem>>) src(%dma_wait3A_61 : memref<128x128xf32, #tpu.memory_space<hbm>>) dst(%arg7 : memref<128x128xf32, #tpu.memory_space<vmem>>)
        tpu.yield
      }) : () -> ()
      %add3A_44 = arith.constant 256 : i32
      %add3A_45 = arith.addi %mul3A_2, %add3A_44 : i32
      "tpu.region"() ({
        %run_scoped3A_54 = tpu.sem_alloc : memref<!tpu.dma_semaphore, #tpu.memory_space<semaphore_mem>>
        %dma_start3A_55 = arith.constant 0 : i32
        %dma_start3A_56 = tpu.memref_slice %arg15[%add3A_45, %dma_start3A_55] : memref<10240x128xf32, #tpu.memory_space<vmem_shared>> -> memref<128x128xf32, #tpu.memory_space<vmem_shared>>
        %dma_start3A_57 = arith.constant 0 : i32
        %dma_start3A_58 = tpu.memref_slice %arg15[%add3A_45, %dma_start3A_57] : memref<10240x128xf32, #tpu.memory_space<vmem_shared>> -> memref<128x128xf32, #tpu.memory_space<vmem_shared>>
        tpu.enqueue_dma source(%arg7 : memref<128x128xf32, #tpu.memory_space<vmem>>) target(%dma_start3A_58 : memref<128x128xf32, #tpu.memory_space<vmem_shared>>) target_semaphore(%run_scoped3A_54 : memref<!tpu.dma_semaphore, #tpu.memory_space<semaphore_mem>>)
        %dma_wait3A = arith.constant 0 : i32
        %dma_wait3A_59 = tpu.memref_slice %arg15[%add3A_45, %dma_wait3A] : memref<10240x128xf32, #tpu.memory_space<vmem_shared>> -> memref<128x128xf32, #tpu.memory_space<vmem_shared>>
        %dma_wait3A_60 = arith.constant 0 : i32
        %dma_wait3A_61 = tpu.memref_slice %arg15[%add3A_45, %dma_wait3A_60] : memref<10240x128xf32, #tpu.memory_space<vmem_shared>> -> memref<128x128xf32, #tpu.memory_space<vmem_shared>>
        tpu.wait_dma2 semaphore(%run_scoped3A_54 : memref<!tpu.dma_semaphore, #tpu.memory_space<semaphore_mem>>) src(%arg7 : memref<128x128xf32, #tpu.memory_space<vmem>>) dst(%dma_wait3A_61 : memref<128x128xf32, #tpu.memory_space<vmem_shared>>)
        tpu.yield
      }) : () -> ()
      %add3A_46 = arith.constant 384 : i32
      %add3A_47 = arith.addi %mul3A_2, %add3A_46 : i32
      "tpu.region"() ({
        %run_scoped3A_54 = tpu.sem_alloc : memref<!tpu.dma_semaphore, #tpu.memory_space<semaphore_mem>>
        %dma_start3A_55 = arith.constant 0 : i32
        %dma_start3A_56 = tpu.memref_slice %arg4[%add3A_47, %dma_start3A_55] : memref<10240x128xf32, #tpu.memory_space<hbm>> -> memref<128x128xf32, #tpu.memory_space<hbm>>
        %dma_start3A_57 = arith.constant 0 : i32
        %dma_start3A_58 = tpu.memref_slice %arg4[%add3A_47, %dma_start3A_57] : memref<10240x128xf32, #tpu.memory_space<hbm>> -> memref<128x128xf32, #tpu.memory_space<hbm>>
        tpu.enqueue_dma source(%dma_start3A_58 : memref<128x128xf32, #tpu.memory_space<hbm>>) target(%arg7 : memref<128x128xf32, #tpu.memory_space<vmem>>) target_semaphore(%run_scoped3A_54 : memref<!tpu.dma_semaphore, #tpu.memory_space<semaphore_mem>>)
        %dma_wait3A = arith.constant 0 : i32
        %dma_wait3A_59 = tpu.memref_slice %arg4[%add3A_47, %dma_wait3A] : memref<10240x128xf32, #tpu.memory_space<hbm>> -> memref<128x128xf32, #tpu.memory_space<hbm>>
        %dma_wait3A_60 = arith.constant 0 : i32
        %dma_wait3A_61 = tpu.memref_slice %arg4[%add3A_47, %dma_wait3A_60] : memref<10240x128xf32, #tpu.memory_space<hbm>> -> memref<128x128xf32, #tpu.memory_space<hbm>>
        tpu.wait_dma2 semaphore(%run_scoped3A_54 : memref<!tpu.dma_semaphore, #tpu.memory_space<semaphore_mem>>) src(%dma_wait3A_61 : memref<128x128xf32, #tpu.memory_space<hbm>>) dst(%arg7 : memref<128x128xf32, #tpu.memory_space<vmem>>)
        tpu.yield
      }) : () -> ()
      %add3A_48 = arith.constant 384 : i32
      %add3A_49 = arith.addi %mul3A_2, %add3A_48 : i32
      "tpu.region"() ({
        %run_scoped3A_54 = tpu.sem_alloc : memref<!tpu.dma_semaphore, #tpu.memory_space<semaphore_mem>>
        %dma_start3A_55 = arith.constant 0 : i32
        %dma_start3A_56 = tpu.memref_slice %arg15[%add3A_49, %dma_start3A_55] : memref<10240x128xf32, #tpu.memory_space<vmem_shared>> -> memref<128x128xf32, #tpu.memory_space<vmem_shared>>
        %dma_start3A_57 = arith.constant 0 : i32
        %dma_start3A_58 = tpu.memref_slice %arg15[%add3A_49, %dma_start3A_57] : memref<10240x128xf32, #tpu.memory_space<vmem_shared>> -> memref<128x128xf32, #tpu.memory_space<vmem_shared>>
        tpu.enqueue_dma source(%arg7 : memref<128x128xf32, #tpu.memory_space<vmem>>) target(%dma_start3A_58 : memref<128x128xf32, #tpu.memory_space<vmem_shared>>) target_semaphore(%run_scoped3A_54 : memref<!tpu.dma_semaphore, #tpu.memory_space<semaphore_mem>>)
        %dma_wait3A = arith.constant 0 : i32
        %dma_wait3A_59 = tpu.memref_slice %arg15[%add3A_49, %dma_wait3A] : memref<10240x128xf32, #tpu.memory_space<vmem_shared>> -> memref<128x128xf32, #tpu.memory_space<vmem_shared>>
        %dma_wait3A_60 = arith.constant 0 : i32
        %dma_wait3A_61 = tpu.memref_slice %arg15[%add3A_49, %dma_wait3A_60] : memref<10240x128xf32, #tpu.memory_space<vmem_shared>> -> memref<128x128xf32, #tpu.memory_space<vmem_shared>>
        tpu.wait_dma2 semaphore(%run_scoped3A_54 : memref<!tpu.dma_semaphore, #tpu.memory_space<semaphore_mem>>) src(%arg7 : memref<128x128xf32, #tpu.memory_space<vmem>>) dst(%dma_wait3A_61 : memref<128x128xf32, #tpu.memory_space<vmem_shared>>)
        tpu.yield
      }) : () -> ()
      %add3A_50 = arith.constant 512 : i32
      %add3A_51 = arith.addi %mul3A_2, %add3A_50 : i32
      "tpu.region"() ({
        %run_scoped3A_54 = tpu.sem_alloc : memref<!tpu.dma_semaphore, #tpu.memory_space<semaphore_mem>>
        %dma_start3A_55 = arith.constant 0 : i32
        %dma_start3A_56 = tpu.memref_slice %arg4[%add3A_51, %dma_start3A_55] : memref<10240x128xf32, #tpu.memory_space<hbm>> -> memref<128x128xf32, #tpu.memory_space<hbm>>
        %dma_start3A_57 = arith.constant 0 : i32
        %dma_start3A_58 = tpu.memref_slice %arg4[%add3A_51, %dma_start3A_57] : memref<10240x128xf32, #tpu.memory_space<hbm>> -> memref<128x128xf32, #tpu.memory_space<hbm>>
        tpu.enqueue_dma source(%dma_start3A_58 : memref<128x128xf32, #tpu.memory_space<hbm>>) target(%arg7 : memref<128x128xf32, #tpu.memory_space<vmem>>) target_semaphore(%run_scoped3A_54 : memref<!tpu.dma_semaphore, #tpu.memory_space<semaphore_mem>>)
        %dma_wait3A = arith.constant 0 : i32
        %dma_wait3A_59 = tpu.memref_slice %arg4[%add3A_51, %dma_wait3A] : memref<10240x128xf32, #tpu.memory_space<hbm>> -> memref<128x128xf32, #tpu.memory_space<hbm>>
        %dma_wait3A_60 = arith.constant 0 : i32
        %dma_wait3A_61 = tpu.memref_slice %arg4[%add3A_51, %dma_wait3A_60] : memref<10240x128xf32, #tpu.memory_space<hbm>> -> memref<128x128xf32, #tpu.memory_space<hbm>>
        tpu.wait_dma2 semaphore(%run_scoped3A_54 : memref<!tpu.dma_semaphore, #tpu.memory_space<semaphore_mem>>) src(%dma_wait3A_61 : memref<128x128xf32, #tpu.memory_space<hbm>>) dst(%arg7 : memref<128x128xf32, #tpu.memory_space<vmem>>)
        tpu.yield
      }) : () -> ()
      %add3A_52 = arith.constant 512 : i32
      %add3A_53 = arith.addi %mul3A_2, %add3A_52 : i32
      "tpu.region"() ({
        %run_scoped3A_54 = tpu.sem_alloc : memref<!tpu.dma_semaphore, #tpu.memory_space<semaphore_mem>>
        %dma_start3A_55 = arith.constant 0 : i32
        %dma_start3A_56 = tpu.memref_slice %arg15[%add3A_53, %dma_start3A_55] : memref<10240x128xf32, #tpu.memory_space<vmem_shared>> -> memref<128x128xf32, #tpu.memory_space<vmem_shared>>
        %dma_start3A_57 = arith.constant 0 : i32
        %dma_start3A_58 = tpu.memref_slice %arg15[%add3A_53, %dma_start3A_57] : memref<10240x128xf32, #tpu.memory_space<vmem_shared>> -> memref<128x128xf32, #tpu.memory_space<vmem_shared>>
        tpu.enqueue_dma source(%arg7 : memref<128x128xf32, #tpu.memory_space<vmem>>) target(%dma_start3A_58 : memref<128x128xf32, #tpu.memory_space<vmem_shared>>) target_semaphore(%run_scoped3A_54 : memref<!tpu.dma_semaphore, #tpu.memory_space<semaphore_mem>>)
        %dma_wait3A = arith.constant 0 : i32
        %dma_wait3A_59 = tpu.memref_slice %arg15[%add3A_53, %dma_wait3A] : memref<10240x128xf32, #tpu.memory_space<vmem_shared>> -> memref<128x128xf32, #tpu.memory_space<vmem_shared>>
        %dma_wait3A_60 = arith.constant 0 : i32
        %dma_wait3A_61 = tpu.memref_slice %arg15[%add3A_53, %dma_wait3A_60] : memref<10240x128xf32, #tpu.memory_space<vmem_shared>> -> memref<128x128xf32, #tpu.memory_space<vmem_shared>>
        tpu.wait_dma2 semaphore(%run_scoped3A_54 : memref<!tpu.dma_semaphore, #tpu.memory_space<semaphore_mem>>) src(%arg7 : memref<128x128xf32, #tpu.memory_space<vmem>>) dst(%dma_wait3A_61 : memref<128x128xf32, #tpu.memory_space<vmem_shared>>)
        tpu.yield
      }) : () -> ()
    } else {
    }
    %eq3A_5 = arith.constant 1 : i32
    %eq3A_6 = arith.cmpi eq, %arg0, %eq3A_5 : i32
    %convert_element_type3A_7 = arith.extui %eq3A_6 : i1 to i32
    %cond3A_8 = arith.constant 0 : i32
    %cond3A_9 = arith.cmpi ne, %convert_element_type3A_7, %cond3A_8 : i32
    scf.if %cond3A_9 {
      %add3A_34 = arith.constant 0 : i32
      %add3A_35 = arith.addi %mul3A_2, %add3A_34 : i32
      "tpu.region"() ({
        %run_scoped3A_54 = tpu.sem_alloc : memref<!tpu.dma_semaphore, #tpu.memory_space<semaphore_mem>>
        %dma_start3A_55 = arith.constant 0 : i32
        %dma_start3A_56 = tpu.memref_slice %arg5[%add3A_35, %dma_start3A_55] : memref<10240x128xf32, #tpu.memory_space<hbm>> -> memref<128x128xf32, #tpu.memory_space<hbm>>
        %dma_start3A_57 = arith.constant 0 : i32
        %dma_start3A_58 = tpu.memref_slice %arg5[%add3A_35, %dma_start3A_57] : memref<10240x128xf32, #tpu.memory_space<hbm>> -> memref<128x128xf32, #tpu.memory_space<hbm>>
        tpu.enqueue_dma source(%dma_start3A_58 : memref<128x128xf32, #tpu.memory_space<hbm>>) target(%arg7 : memref<128x128xf32, #tpu.memory_space<vmem>>) target_semaphore(%run_scoped3A_54 : memref<!tpu.dma_semaphore, #tpu.memory_space<semaphore_mem>>)
        %dma_wait3A = arith.constant 0 : i32
        %dma_wait3A_59 = tpu.memref_slice %arg5[%add3A_35, %dma_wait3A] : memref<10240x128xf32, #tpu.memory_space<hbm>> -> memref<128x128xf32, #tpu.memory_space<hbm>>
        %dma_wait3A_60 = arith.constant 0 : i32
        %dma_wait3A_61 = tpu.memref_slice %arg5[%add3A_35, %dma_wait3A_60] : memref<10240x128xf32, #tpu.memory_space<hbm>> -> memref<128x128xf32, #tpu.memory_space<hbm>>
        tpu.wait_dma2 semaphore(%run_scoped3A_54 : memref<!tpu.dma_semaphore, #tpu.memory_space<semaphore_mem>>) src(%dma_wait3A_61 : memref<128x128xf32, #tpu.memory_space<hbm>>) dst(%arg7 : memref<128x128xf32, #tpu.memory_space<vmem>>)
        tpu.yield
      }) : () -> ()
      %add3A_36 = arith.constant 0 : i32
      %add3A_37 = arith.addi %mul3A_2, %add3A_36 : i32
      "tpu.region"() ({
        %run_scoped3A_54 = tpu.sem_alloc : memref<!tpu.dma_semaphore, #tpu.memory_space<semaphore_mem>>
        %dma_start3A_55 = arith.constant 0 : i32
        %dma_start3A_56 = tpu.memref_slice %arg15[%add3A_37, %dma_start3A_55] : memref<10240x128xf32, #tpu.memory_space<vmem_shared>> -> memref<128x128xf32, #tpu.memory_space<vmem_shared>>
        %dma_start3A_57 = arith.constant 0 : i32
        %dma_start3A_58 = tpu.memref_slice %arg15[%add3A_37, %dma_start3A_57] : memref<10240x128xf32, #tpu.memory_space<vmem_shared>> -> memref<128x128xf32, #tpu.memory_space<vmem_shared>>
        tpu.enqueue_dma source(%arg7 : memref<128x128xf32, #tpu.memory_space<vmem>>) target(%dma_start3A_58 : memref<128x128xf32, #tpu.memory_space<vmem_shared>>) target_semaphore(%run_scoped3A_54 : memref<!tpu.dma_semaphore, #tpu.memory_space<semaphore_mem>>)
        %dma_wait3A = arith.constant 0 : i32
        %dma_wait3A_59 = tpu.memref_slice %arg15[%add3A_37, %dma_wait3A] : memref<10240x128xf32, #tpu.memory_space<vmem_shared>> -> memref<128x128xf32, #tpu.memory_space<vmem_shared>>
        %dma_wait3A_60 = arith.constant 0 : i32
        %dma_wait3A_61 = tpu.memref_slice %arg15[%add3A_37, %dma_wait3A_60] : memref<10240x128xf32, #tpu.memory_space<vmem_shared>> -> memref<128x128xf32, #tpu.memory_space<vmem_shared>>
        tpu.wait_dma2 semaphore(%run_scoped3A_54 : memref<!tpu.dma_semaphore, #tpu.memory_space<semaphore_mem>>) src(%arg7 : memref<128x128xf32, #tpu.memory_space<vmem>>) dst(%dma_wait3A_61 : memref<128x128xf32, #tpu.memory_space<vmem_shared>>)
        tpu.yield
      }) : () -> ()
      %add3A_38 = arith.constant 128 : i32
      %add3A_39 = arith.addi %mul3A_2, %add3A_38 : i32
      "tpu.region"() ({
        %run_scoped3A_54 = tpu.sem_alloc : memref<!tpu.dma_semaphore, #tpu.memory_space<semaphore_mem>>
        %dma_start3A_55 = arith.constant 0 : i32
        %dma_start3A_56 = tpu.memref_slice %arg5[%add3A_39, %dma_start3A_55] : memref<10240x128xf32, #tpu.memory_space<hbm>> -> memref<128x128xf32, #tpu.memory_space<hbm>>
        %dma_start3A_57 = arith.constant 0 : i32
        %dma_start3A_58 = tpu.memref_slice %arg5[%add3A_39, %dma_start3A_57] : memref<10240x128xf32, #tpu.memory_space<hbm>> -> memref<128x128xf32, #tpu.memory_space<hbm>>
        tpu.enqueue_dma source(%dma_start3A_58 : memref<128x128xf32, #tpu.memory_space<hbm>>) target(%arg7 : memref<128x128xf32, #tpu.memory_space<vmem>>) target_semaphore(%run_scoped3A_54 : memref<!tpu.dma_semaphore, #tpu.memory_space<semaphore_mem>>)
        %dma_wait3A = arith.constant 0 : i32
        %dma_wait3A_59 = tpu.memref_slice %arg5[%add3A_39, %dma_wait3A] : memref<10240x128xf32, #tpu.memory_space<hbm>> -> memref<128x128xf32, #tpu.memory_space<hbm>>
        %dma_wait3A_60 = arith.constant 0 : i32
        %dma_wait3A_61 = tpu.memref_slice %arg5[%add3A_39, %dma_wait3A_60] : memref<10240x128xf32, #tpu.memory_space<hbm>> -> memref<128x128xf32, #tpu.memory_space<hbm>>
        tpu.wait_dma2 semaphore(%run_scoped3A_54 : memref<!tpu.dma_semaphore, #tpu.memory_space<semaphore_mem>>) src(%dma_wait3A_61 : memref<128x128xf32, #tpu.memory_space<hbm>>) dst(%arg7 : memref<128x128xf32, #tpu.memory_space<vmem>>)
        tpu.yield
      }) : () -> ()
      %add3A_40 = arith.constant 128 : i32
      %add3A_41 = arith.addi %mul3A_2, %add3A_40 : i32
      "tpu.region"() ({
        %run_scoped3A_54 = tpu.sem_alloc : memref<!tpu.dma_semaphore, #tpu.memory_space<semaphore_mem>>
        %dma_start3A_55 = arith.constant 0 : i32
        %dma_start3A_56 = tpu.memref_slice %arg15[%add3A_41, %dma_start3A_55] : memref<10240x128xf32, #tpu.memory_space<vmem_shared>> -> memref<128x128xf32, #tpu.memory_space<vmem_shared>>
        %dma_start3A_57 = arith.constant 0 : i32
        %dma_start3A_58 = tpu.memref_slice %arg15[%add3A_41, %dma_start3A_57] : memref<10240x128xf32, #tpu.memory_space<vmem_shared>> -> memref<128x128xf32, #tpu.memory_space<vmem_shared>>
        tpu.enqueue_dma source(%arg7 : memref<128x128xf32, #tpu.memory_space<vmem>>) target(%dma_start3A_58 : memref<128x128xf32, #tpu.memory_space<vmem_shared>>) target_semaphore(%run_scoped3A_54 : memref<!tpu.dma_semaphore, #tpu.memory_space<semaphore_mem>>)
        %dma_wait3A = arith.constant 0 : i32
        %dma_wait3A_59 = tpu.memref_slice %arg15[%add3A_41, %dma_wait3A] : memref<10240x128xf32, #tpu.memory_space<vmem_shared>> -> memref<128x128xf32, #tpu.memory_space<vmem_shared>>
        %dma_wait3A_60 = arith.constant 0 : i32
        %dma_wait3A_61 = tpu.memref_slice %arg15[%add3A_41, %dma_wait3A_60] : memref<10240x128xf32, #tpu.memory_space<vmem_shared>> -> memref<128x128xf32, #tpu.memory_space<vmem_shared>>
        tpu.wait_dma2 semaphore(%run_scoped3A_54 : memref<!tpu.dma_semaphore, #tpu.memory_space<semaphore_mem>>) src(%arg7 : memref<128x128xf32, #tpu.memory_space<vmem>>) dst(%dma_wait3A_61 : memref<128x128xf32, #tpu.memory_space<vmem_shared>>)
        tpu.yield
      }) : () -> ()
      %add3A_42 = arith.constant 256 : i32
      %add3A_43 = arith.addi %mul3A_2, %add3A_42 : i32
      "tpu.region"() ({
        %run_scoped3A_54 = tpu.sem_alloc : memref<!tpu.dma_semaphore, #tpu.memory_space<semaphore_mem>>
        %dma_start3A_55 = arith.constant 0 : i32
        %dma_start3A_56 = tpu.memref_slice %arg5[%add3A_43, %dma_start3A_55] : memref<10240x128xf32, #tpu.memory_space<hbm>> -> memref<128x128xf32, #tpu.memory_space<hbm>>
        %dma_start3A_57 = arith.constant 0 : i32
        %dma_start3A_58 = tpu.memref_slice %arg5[%add3A_43, %dma_start3A_57] : memref<10240x128xf32, #tpu.memory_space<hbm>> -> memref<128x128xf32, #tpu.memory_space<hbm>>
        tpu.enqueue_dma source(%dma_start3A_58 : memref<128x128xf32, #tpu.memory_space<hbm>>) target(%arg7 : memref<128x128xf32, #tpu.memory_space<vmem>>) target_semaphore(%run_scoped3A_54 : memref<!tpu.dma_semaphore, #tpu.memory_space<semaphore_mem>>)
        %dma_wait3A = arith.constant 0 : i32
        %dma_wait3A_59 = tpu.memref_slice %arg5[%add3A_43, %dma_wait3A] : memref<10240x128xf32, #tpu.memory_space<hbm>> -> memref<128x128xf32, #tpu.memory_space<hbm>>
        %dma_wait3A_60 = arith.constant 0 : i32
        %dma_wait3A_61 = tpu.memref_slice %arg5[%add3A_43, %dma_wait3A_60] : memref<10240x128xf32, #tpu.memory_space<hbm>> -> memref<128x128xf32, #tpu.memory_space<hbm>>
        tpu.wait_dma2 semaphore(%run_scoped3A_54 : memref<!tpu.dma_semaphore, #tpu.memory_space<semaphore_mem>>) src(%dma_wait3A_61 : memref<128x128xf32, #tpu.memory_space<hbm>>) dst(%arg7 : memref<128x128xf32, #tpu.memory_space<vmem>>)
        tpu.yield
      }) : () -> ()
      %add3A_44 = arith.constant 256 : i32
      %add3A_45 = arith.addi %mul3A_2, %add3A_44 : i32
      "tpu.region"() ({
        %run_scoped3A_54 = tpu.sem_alloc : memref<!tpu.dma_semaphore, #tpu.memory_space<semaphore_mem>>
        %dma_start3A_55 = arith.constant 0 : i32
        %dma_start3A_56 = tpu.memref_slice %arg15[%add3A_45, %dma_start3A_55] : memref<10240x128xf32, #tpu.memory_space<vmem_shared>> -> memref<128x128xf32, #tpu.memory_space<vmem_shared>>
        %dma_start3A_57 = arith.constant 0 : i32
        %dma_start3A_58 = tpu.memref_slice %arg15[%add3A_45, %dma_start3A_57] : memref<10240x128xf32, #tpu.memory_space<vmem_shared>> -> memref<128x128xf32, #tpu.memory_space<vmem_shared>>
        tpu.enqueue_dma source(%arg7 : memref<128x128xf32, #tpu.memory_space<vmem>>) target(%dma_start3A_58 : memref<128x128xf32, #tpu.memory_space<vmem_shared>>) target_semaphore(%run_scoped3A_54 : memref<!tpu.dma_semaphore, #tpu.memory_space<semaphore_mem>>)
        %dma_wait3A = arith.constant 0 : i32
        %dma_wait3A_59 = tpu.memref_slice %arg15[%add3A_45, %dma_wait3A] : memref<10240x128xf32, #tpu.memory_space<vmem_shared>> -> memref<128x128xf32, #tpu.memory_space<vmem_shared>>
        %dma_wait3A_60 = arith.constant 0 : i32
        %dma_wait3A_61 = tpu.memref_slice %arg15[%add3A_45, %dma_wait3A_60] : memref<10240x128xf32, #tpu.memory_space<vmem_shared>> -> memref<128x128xf32, #tpu.memory_space<vmem_shared>>
        tpu.wait_dma2 semaphore(%run_scoped3A_54 : memref<!tpu.dma_semaphore, #tpu.memory_space<semaphore_mem>>) src(%arg7 : memref<128x128xf32, #tpu.memory_space<vmem>>) dst(%dma_wait3A_61 : memref<128x128xf32, #tpu.memory_space<vmem_shared>>)
        tpu.yield
      }) : () -> ()
      %add3A_46 = arith.constant 384 : i32
      %add3A_47 = arith.addi %mul3A_2, %add3A_46 : i32
      "tpu.region"() ({
        %run_scoped3A_54 = tpu.sem_alloc : memref<!tpu.dma_semaphore, #tpu.memory_space<semaphore_mem>>
        %dma_start3A_55 = arith.constant 0 : i32
        %dma_start3A_56 = tpu.memref_slice %arg5[%add3A_47, %dma_start3A_55] : memref<10240x128xf32, #tpu.memory_space<hbm>> -> memref<128x128xf32, #tpu.memory_space<hbm>>
        %dma_start3A_57 = arith.constant 0 : i32
        %dma_start3A_58 = tpu.memref_slice %arg5[%add3A_47, %dma_start3A_57] : memref<10240x128xf32, #tpu.memory_space<hbm>> -> memref<128x128xf32, #tpu.memory_space<hbm>>
        tpu.enqueue_dma source(%dma_start3A_58 : memref<128x128xf32, #tpu.memory_space<hbm>>) target(%arg7 : memref<128x128xf32, #tpu.memory_space<vmem>>) target_semaphore(%run_scoped3A_54 : memref<!tpu.dma_semaphore, #tpu.memory_space<semaphore_mem>>)
        %dma_wait3A = arith.constant 0 : i32
        %dma_wait3A_59 = tpu.memref_slice %arg5[%add3A_47, %dma_wait3A] : memref<10240x128xf32, #tpu.memory_space<hbm>> -> memref<128x128xf32, #tpu.memory_space<hbm>>
        %dma_wait3A_60 = arith.constant 0 : i32
        %dma_wait3A_61 = tpu.memref_slice %arg5[%add3A_47, %dma_wait3A_60] : memref<10240x128xf32, #tpu.memory_space<hbm>> -> memref<128x128xf32, #tpu.memory_space<hbm>>
        tpu.wait_dma2 semaphore(%run_scoped3A_54 : memref<!tpu.dma_semaphore, #tpu.memory_space<semaphore_mem>>) src(%dma_wait3A_61 : memref<128x128xf32, #tpu.memory_space<hbm>>) dst(%arg7 : memref<128x128xf32, #tpu.memory_space<vmem>>)
        tpu.yield
      }) : () -> ()
      %add3A_48 = arith.constant 384 : i32
      %add3A_49 = arith.addi %mul3A_2, %add3A_48 : i32
      "tpu.region"() ({
        %run_scoped3A_54 = tpu.sem_alloc : memref<!tpu.dma_semaphore, #tpu.memory_space<semaphore_mem>>
        %dma_start3A_55 = arith.constant 0 : i32
        %dma_start3A_56 = tpu.memref_slice %arg15[%add3A_49, %dma_start3A_55] : memref<10240x128xf32, #tpu.memory_space<vmem_shared>> -> memref<128x128xf32, #tpu.memory_space<vmem_shared>>
        %dma_start3A_57 = arith.constant 0 : i32
        %dma_start3A_58 = tpu.memref_slice %arg15[%add3A_49, %dma_start3A_57] : memref<10240x128xf32, #tpu.memory_space<vmem_shared>> -> memref<128x128xf32, #tpu.memory_space<vmem_shared>>
        tpu.enqueue_dma source(%arg7 : memref<128x128xf32, #tpu.memory_space<vmem>>) target(%dma_start3A_58 : memref<128x128xf32, #tpu.memory_space<vmem_shared>>) target_semaphore(%run_scoped3A_54 : memref<!tpu.dma_semaphore, #tpu.memory_space<semaphore_mem>>)
        %dma_wait3A = arith.constant 0 : i32
        %dma_wait3A_59 = tpu.memref_slice %arg15[%add3A_49, %dma_wait3A] : memref<10240x128xf32, #tpu.memory_space<vmem_shared>> -> memref<128x128xf32, #tpu.memory_space<vmem_shared>>
        %dma_wait3A_60 = arith.constant 0 : i32
        %dma_wait3A_61 = tpu.memref_slice %arg15[%add3A_49, %dma_wait3A_60] : memref<10240x128xf32, #tpu.memory_space<vmem_shared>> -> memref<128x128xf32, #tpu.memory_space<vmem_shared>>
        tpu.wait_dma2 semaphore(%run_scoped3A_54 : memref<!tpu.dma_semaphore, #tpu.memory_space<semaphore_mem>>) src(%arg7 : memref<128x128xf32, #tpu.memory_space<vmem>>) dst(%dma_wait3A_61 : memref<128x128xf32, #tpu.memory_space<vmem_shared>>)
        tpu.yield
      }) : () -> ()
      %add3A_50 = arith.constant 512 : i32
      %add3A_51 = arith.addi %mul3A_2, %add3A_50 : i32
      "tpu.region"() ({
        %run_scoped3A_54 = tpu.sem_alloc : memref<!tpu.dma_semaphore, #tpu.memory_space<semaphore_mem>>
        %dma_start3A_55 = arith.constant 0 : i32
        %dma_start3A_56 = tpu.memref_slice %arg5[%add3A_51, %dma_start3A_55] : memref<10240x128xf32, #tpu.memory_space<hbm>> -> memref<128x128xf32, #tpu.memory_space<hbm>>
        %dma_start3A_57 = arith.constant 0 : i32
        %dma_start3A_58 = tpu.memref_slice %arg5[%add3A_51, %dma_start3A_57] : memref<10240x128xf32, #tpu.memory_space<hbm>> -> memref<128x128xf32, #tpu.memory_space<hbm>>
        tpu.enqueue_dma source(%dma_start3A_58 : memref<128x128xf32, #tpu.memory_space<hbm>>) target(%arg7 : memref<128x128xf32, #tpu.memory_space<vmem>>) target_semaphore(%run_scoped3A_54 : memref<!tpu.dma_semaphore, #tpu.memory_space<semaphore_mem>>)
        %dma_wait3A = arith.constant 0 : i32
        %dma_wait3A_59 = tpu.memref_slice %arg5[%add3A_51, %dma_wait3A] : memref<10240x128xf32, #tpu.memory_space<hbm>> -> memref<128x128xf32, #tpu.memory_space<hbm>>
        %dma_wait3A_60 = arith.constant 0 : i32
        %dma_wait3A_61 = tpu.memref_slice %arg5[%add3A_51, %dma_wait3A_60] : memref<10240x128xf32, #tpu.memory_space<hbm>> -> memref<128x128xf32, #tpu.memory_space<hbm>>
        tpu.wait_dma2 semaphore(%run_scoped3A_54 : memref<!tpu.dma_semaphore, #tpu.memory_space<semaphore_mem>>) src(%dma_wait3A_61 : memref<128x128xf32, #tpu.memory_space<hbm>>) dst(%arg7 : memref<128x128xf32, #tpu.memory_space<vmem>>)
        tpu.yield
      }) : () -> ()
      %add3A_52 = arith.constant 512 : i32
      %add3A_53 = arith.addi %mul3A_2, %add3A_52 : i32
      "tpu.region"() ({
        %run_scoped3A_54 = tpu.sem_alloc : memref<!tpu.dma_semaphore, #tpu.memory_space<semaphore_mem>>
        %dma_start3A_55 = arith.constant 0 : i32
        %dma_start3A_56 = tpu.memref_slice %arg15[%add3A_53, %dma_start3A_55] : memref<10240x128xf32, #tpu.memory_space<vmem_shared>> -> memref<128x128xf32, #tpu.memory_space<vmem_shared>>
        %dma_start3A_57 = arith.constant 0 : i32
        %dma_start3A_58 = tpu.memref_slice %arg15[%add3A_53, %dma_start3A_57] : memref<10240x128xf32, #tpu.memory_space<vmem_shared>> -> memref<128x128xf32, #tpu.memory_space<vmem_shared>>
        tpu.enqueue_dma source(%arg7 : memref<128x128xf32, #tpu.memory_space<vmem>>) target(%dma_start3A_58 : memref<128x128xf32, #tpu.memory_space<vmem_shared>>) target_semaphore(%run_scoped3A_54 : memref<!tpu.dma_semaphore, #tpu.memory_space<semaphore_mem>>)
        %dma_wait3A = arith.constant 0 : i32
        %dma_wait3A_59 = tpu.memref_slice %arg15[%add3A_53, %dma_wait3A] : memref<10240x128xf32, #tpu.memory_space<vmem_shared>> -> memref<128x128xf32, #tpu.memory_space<vmem_shared>>
        %dma_wait3A_60 = arith.constant 0 : i32
        %dma_wait3A_61 = tpu.memref_slice %arg15[%add3A_53, %dma_wait3A_60] : memref<10240x128xf32, #tpu.memory_space<vmem_shared>> -> memref<128x128xf32, #tpu.memory_space<vmem_shared>>
        tpu.wait_dma2 semaphore(%run_scoped3A_54 : memref<!tpu.dma_semaphore, #tpu.memory_space<semaphore_mem>>) src(%arg7 : memref<128x128xf32, #tpu.memory_space<vmem>>) dst(%dma_wait3A_61 : memref<128x128xf32, #tpu.memory_space<vmem_shared>>)
        tpu.yield
      }) : () -> ()
    } else {
    }
    %barrier3A = arith.constant 0 : index
    tpu.barrier barrier_id(%barrier3A)
    %run_scoped3A = arith.constant 0 : i32
    "tpu.region"() ({
      %run_scoped3A_34 = tpu.sem_alloc : memref<!tpu.dma_semaphore, #tpu.memory_space<semaphore_mem>>
      %dma_start3A_35 = arith.constant 0 : i32
      %dma_start3A_36 = tpu.memref_slice %arg2[%add3A, %run_scoped3A, %dma_start3A_35] : memref<32x80x128xi32, #tpu.memory_space<hbm>> -> memref<1x1x128xi32, #tpu.memory_space<hbm>>
      %dma_start3A_37 = tpu.memref_squeeze %dma_start3A_36 : memref<1x1x128xi32, #tpu.memory_space<hbm>> -> memref<128xi32, #tpu.memory_space<hbm>>
      %dma_start3A_38 = arith.constant 0 : i32
      %dma_start3A_39 = tpu.memref_slice %arg2[%add3A, %run_scoped3A, %dma_start3A_38] : memref<32x80x128xi32, #tpu.memory_space<hbm>> -> memref<1x1x128xi32, #tpu.memory_space<hbm>>
      %dma_start3A_40 = tpu.memref_squeeze %dma_start3A_39 : memref<1x1x128xi32, #tpu.memory_space<hbm>> -> memref<128xi32, #tpu.memory_space<hbm>>
      tpu.enqueue_dma source(%dma_start3A_40 : memref<128xi32, #tpu.memory_space<hbm>>) target(%arg9 : memref<128xi32, #tpu.memory_space<vmem>>) target_semaphore(%run_scoped3A_34 : memref<!tpu.dma_semaphore, #tpu.memory_space<semaphore_mem>>)
      %dma_wait3A = arith.constant 0 : i32
      %dma_wait3A_41 = tpu.memref_slice %arg2[%add3A, %run_scoped3A, %dma_wait3A] : memref<32x80x128xi32, #tpu.memory_space<hbm>> -> memref<1x1x128xi32, #tpu.memory_space<hbm>>
      %dma_wait3A_42 = tpu.memref_squeeze %dma_wait3A_41 : memref<1x1x128xi32, #tpu.memory_space<hbm>> -> memref<128xi32, #tpu.memory_space<hbm>>
      %dma_wait3A_43 = arith.constant 0 : i32
      %dma_wait3A_44 = tpu.memref_slice %arg2[%add3A, %run_scoped3A, %dma_wait3A_43] : memref<32x80x128xi32, #tpu.memory_space<hbm>> -> memref<1x1x128xi32, #tpu.memory_space<hbm>>
      %dma_wait3A_45 = tpu.memref_squeeze %dma_wait3A_44 : memref<1x1x128xi32, #tpu.memory_space<hbm>> -> memref<128xi32, #tpu.memory_space<hbm>>
      tpu.wait_dma2 semaphore(%run_scoped3A_34 : memref<!tpu.dma_semaphore, #tpu.memory_space<semaphore_mem>>) src(%dma_wait3A_45 : memref<128xi32, #tpu.memory_space<hbm>>) dst(%arg9 : memref<128xi32, #tpu.memory_space<vmem>>)
      tpu.yield
    }) : () -> ()
    %run_scoped3A_10 = arith.constant 0 : i32
    "tpu.region"() ({
      %run_scoped3A_34 = tpu.sem_alloc : memref<!tpu.dma_semaphore, #tpu.memory_space<semaphore_mem>>
      %dma_start3A_35 = arith.constant 0 : i32
      %dma_start3A_36 = tpu.memref_slice %arg3[%add3A, %run_scoped3A_10, %dma_start3A_35] : memref<32x80x128xi32, #tpu.memory_space<hbm>> -> memref<1x1x128xi32, #tpu.memory_space<hbm>>
      %dma_start3A_37 = tpu.memref_squeeze %dma_start3A_36 : memref<1x1x128xi32, #tpu.memory_space<hbm>> -> memref<128xi32, #tpu.memory_space<hbm>>
      %dma_start3A_38 = arith.constant 0 : i32
      %dma_start3A_39 = tpu.memref_slice %arg3[%add3A, %run_scoped3A_10, %dma_start3A_38] : memref<32x80x128xi32, #tpu.memory_space<hbm>> -> memref<1x1x128xi32, #tpu.memory_space<hbm>>
      %dma_start3A_40 = tpu.memref_squeeze %dma_start3A_39 : memref<1x1x128xi32, #tpu.memory_space<hbm>> -> memref<128xi32, #tpu.memory_space<hbm>>
      tpu.enqueue_dma source(%dma_start3A_40 : memref<128xi32, #tpu.memory_space<hbm>>) target(%arg11 : memref<128xi32, #tpu.memory_space<vmem>>) target_semaphore(%run_scoped3A_34 : memref<!tpu.dma_semaphore, #tpu.memory_space<semaphore_mem>>)
      %dma_wait3A = arith.constant 0 : i32
      %dma_wait3A_41 = tpu.memref_slice %arg3[%add3A, %run_scoped3A_10, %dma_wait3A] : memref<32x80x128xi32, #tpu.memory_space<hbm>> -> memref<1x1x128xi32, #tpu.memory_space<hbm>>
      %dma_wait3A_42 = tpu.memref_squeeze %dma_wait3A_41 : memref<1x1x128xi32, #tpu.memory_space<hbm>> -> memref<128xi32, #tpu.memory_space<hbm>>
      %dma_wait3A_43 = arith.constant 0 : i32
      %dma_wait3A_44 = tpu.memref_slice %arg3[%add3A, %run_scoped3A_10, %dma_wait3A_43] : memref<32x80x128xi32, #tpu.memory_space<hbm>> -> memref<1x1x128xi32, #tpu.memory_space<hbm>>
      %dma_wait3A_45 = tpu.memref_squeeze %dma_wait3A_44 : memref<1x1x128xi32, #tpu.memory_space<hbm>> -> memref<128xi32, #tpu.memory_space<hbm>>
      tpu.wait_dma2 semaphore(%run_scoped3A_34 : memref<!tpu.dma_semaphore, #tpu.memory_space<semaphore_mem>>) src(%dma_wait3A_45 : memref<128xi32, #tpu.memory_space<hbm>>) dst(%arg11 : memref<128xi32, #tpu.memory_space<vmem>>)
      tpu.yield
    }) : () -> ()
    %dma_start3A = arith.constant 0 : i32
    %dma_start3A_11 = arith.constant 0 : i32
    %dma_start3A_12 = tpu.memref_slice %arg4[%dma_start3A, %dma_start3A_11] : memref<10240x128xf32, #tpu.memory_space<hbm>> -> memref<10240x128xf32, #tpu.memory_space<hbm>>
    tpu.enqueue_indirect_dma source(%dma_start3A_12 : memref<10240x128xf32, #tpu.memory_space<hbm>>) target(%arg7 : memref<128x128xf32, #tpu.memory_space<vmem>>) offsets(%arg9 : memref<128xi32, #tpu.memory_space<vmem>>) semaphore(%arg13 : memref<!tpu.dma_semaphore, #tpu.memory_space<semaphore_mem>>)
    %run_scoped3A_13 = arith.constant 1 : i32
    "tpu.region"() ({
      %run_scoped3A_34 = tpu.sem_alloc : memref<!tpu.dma_semaphore, #tpu.memory_space<semaphore_mem>>
      %dma_start3A_35 = arith.constant 0 : i32
      %dma_start3A_36 = tpu.memref_slice %arg2[%add3A, %run_scoped3A_13, %dma_start3A_35] : memref<32x80x128xi32, #tpu.memory_space<hbm>> -> memref<1x1x128xi32, #tpu.memory_space<hbm>>
      %dma_start3A_37 = tpu.memref_squeeze %dma_start3A_36 : memref<1x1x128xi32, #tpu.memory_space<hbm>> -> memref<128xi32, #tpu.memory_space<hbm>>
      %dma_start3A_38 = arith.constant 0 : i32
      %dma_start3A_39 = tpu.memref_slice %arg2[%add3A, %run_scoped3A_13, %dma_start3A_38] : memref<32x80x128xi32, #tpu.memory_space<hbm>> -> memref<1x1x128xi32, #tpu.memory_space<hbm>>
      %dma_start3A_40 = tpu.memref_squeeze %dma_start3A_39 : memref<1x1x128xi32, #tpu.memory_space<hbm>> -> memref<128xi32, #tpu.memory_space<hbm>>
      tpu.enqueue_dma source(%dma_start3A_40 : memref<128xi32, #tpu.memory_space<hbm>>) target(%arg10 : memref<128xi32, #tpu.memory_space<vmem>>) target_semaphore(%run_scoped3A_34 : memref<!tpu.dma_semaphore, #tpu.memory_space<semaphore_mem>>)
      %dma_wait3A = arith.constant 0 : i32
      %dma_wait3A_41 = tpu.memref_slice %arg2[%add3A, %run_scoped3A_13, %dma_wait3A] : memref<32x80x128xi32, #tpu.memory_space<hbm>> -> memref<1x1x128xi32, #tpu.memory_space<hbm>>
      %dma_wait3A_42 = tpu.memref_squeeze %dma_wait3A_41 : memref<1x1x128xi32, #tpu.memory_space<hbm>> -> memref<128xi32, #tpu.memory_space<hbm>>
      %dma_wait3A_43 = arith.constant 0 : i32
      %dma_wait3A_44 = tpu.memref_slice %arg2[%add3A, %run_scoped3A_13, %dma_wait3A_43] : memref<32x80x128xi32, #tpu.memory_space<hbm>> -> memref<1x1x128xi32, #tpu.memory_space<hbm>>
      %dma_wait3A_45 = tpu.memref_squeeze %dma_wait3A_44 : memref<1x1x128xi32, #tpu.memory_space<hbm>> -> memref<128xi32, #tpu.memory_space<hbm>>
      tpu.wait_dma2 semaphore(%run_scoped3A_34 : memref<!tpu.dma_semaphore, #tpu.memory_space<semaphore_mem>>) src(%dma_wait3A_45 : memref<128xi32, #tpu.memory_space<hbm>>) dst(%arg10 : memref<128xi32, #tpu.memory_space<vmem>>)
      tpu.yield
    }) : () -> ()
    %run_scoped3A_14 = arith.constant 1 : i32
    "tpu.region"() ({
      %run_scoped3A_34 = tpu.sem_alloc : memref<!tpu.dma_semaphore, #tpu.memory_space<semaphore_mem>>
      %dma_start3A_35 = arith.constant 0 : i32
      %dma_start3A_36 = tpu.memref_slice %arg3[%add3A, %run_scoped3A_14, %dma_start3A_35] : memref<32x80x128xi32, #tpu.memory_space<hbm>> -> memref<1x1x128xi32, #tpu.memory_space<hbm>>
      %dma_start3A_37 = tpu.memref_squeeze %dma_start3A_36 : memref<1x1x128xi32, #tpu.memory_space<hbm>> -> memref<128xi32, #tpu.memory_space<hbm>>
      %dma_start3A_38 = arith.constant 0 : i32
      %dma_start3A_39 = tpu.memref_slice %arg3[%add3A, %run_scoped3A_14, %dma_start3A_38] : memref<32x80x128xi32, #tpu.memory_space<hbm>> -> memref<1x1x128xi32, #tpu.memory_space<hbm>>
      %dma_start3A_40 = tpu.memref_squeeze %dma_start3A_39 : memref<1x1x128xi32, #tpu.memory_space<hbm>> -> memref<128xi32, #tpu.memory_space<hbm>>
      tpu.enqueue_dma source(%dma_start3A_40 : memref<128xi32, #tpu.memory_space<hbm>>) target(%arg12 : memref<128xi32, #tpu.memory_space<vmem>>) target_semaphore(%run_scoped3A_34 : memref<!tpu.dma_semaphore, #tpu.memory_space<semaphore_mem>>)
      %dma_wait3A = arith.constant 0 : i32
      %dma_wait3A_41 = tpu.memref_slice %arg3[%add3A, %run_scoped3A_14, %dma_wait3A] : memref<32x80x128xi32, #tpu.memory_space<hbm>> -> memref<1x1x128xi32, #tpu.memory_space<hbm>>
      %dma_wait3A_42 = tpu.memref_squeeze %dma_wait3A_41 : memref<1x1x128xi32, #tpu.memory_space<hbm>> -> memref<128xi32, #tpu.memory_space<hbm>>
      %dma_wait3A_43 = arith.constant 0 : i32
      %dma_wait3A_44 = tpu.memref_slice %arg3[%add3A, %run_scoped3A_14, %dma_wait3A_43] : memref<32x80x128xi32, #tpu.memory_space<hbm>> -> memref<1x1x128xi32, #tpu.memory_space<hbm>>
      %dma_wait3A_45 = tpu.memref_squeeze %dma_wait3A_44 : memref<1x1x128xi32, #tpu.memory_space<hbm>> -> memref<128xi32, #tpu.memory_space<hbm>>
      tpu.wait_dma2 semaphore(%run_scoped3A_34 : memref<!tpu.dma_semaphore, #tpu.memory_space<semaphore_mem>>) src(%dma_wait3A_45 : memref<128xi32, #tpu.memory_space<hbm>>) dst(%arg12 : memref<128xi32, #tpu.memory_space<vmem>>)
      tpu.yield
    }) : () -> ()
    %dma_start3A_15 = arith.constant 0 : i32
    %dma_start3A_16 = arith.constant 0 : i32
    %dma_start3A_17 = tpu.memref_slice %arg4[%dma_start3A_15, %dma_start3A_16] : memref<10240x128xf32, #tpu.memory_space<hbm>> -> memref<10240x128xf32, #tpu.memory_space<hbm>>
    tpu.enqueue_indirect_dma source(%dma_start3A_17 : memref<10240x128xf32, #tpu.memory_space<hbm>>) target(%arg8 : memref<128x128xf32, #tpu.memory_space<vmem>>) offsets(%arg10 : memref<128xi32, #tpu.memory_space<vmem>>) semaphore(%arg14 : memref<!tpu.dma_semaphore, #tpu.memory_space<semaphore_mem>>)
    %scan3A = arith.constant 0 : i32
    %scan3A_18 = arith.constant 0 : i32
    %scan3A_19 = arith.constant 40 : i32
    %scan3A_20 = arith.addi %scan3A_18, %scan3A_19 : i32
    %scan3A_21 = arith.constant 1 : i32
    scf.for %scan3A_34 = %scan3A_18 to %scan3A_20 step %scan3A_21  : i32 {
      %dma_wait3A = arith.constant 0 : i32
      %dma_wait3A_35 = arith.constant 0 : i32
      %dma_wait3A_36 = tpu.memref_slice %arg4[%dma_wait3A, %dma_wait3A_35] : memref<10240x128xf32, #tpu.memory_space<hbm>> -> memref<10240x128xf32, #tpu.memory_space<hbm>>
      tpu.wait_indirect_dma semaphore(%arg13 : memref<!tpu.dma_semaphore, #tpu.memory_space<semaphore_mem>>) src(%dma_wait3A_36 : memref<10240x128xf32, #tpu.memory_space<hbm>>) dst(%arg7 : memref<128x128xf32, #tpu.memory_space<vmem>>)
      "tpu.region"() ({
        %run_scoped3A_49 = tpu.sem_alloc : memref<!tpu.dma_semaphore, #tpu.memory_space<semaphore_mem>>
        %dma_start3A_50 = arith.constant 0 : i32
        %dma_start3A_51 = arith.constant 0 : i32
        %dma_start3A_52 = tpu.memref_slice %arg15[%dma_start3A_50, %dma_start3A_51] : memref<10240x128xf32, #tpu.memory_space<vmem_shared>> -> memref<10240x128xf32, #tpu.memory_space<vmem_shared>>
        tpu.enqueue_indirect_dma source(%arg7 : memref<128x128xf32, #tpu.memory_space<vmem>>) target(%dma_start3A_52 : memref<10240x128xf32, #tpu.memory_space<vmem_shared>>) offsets(%arg11 : memref<128xi32, #tpu.memory_space<vmem>>) semaphore(%run_scoped3A_49 : memref<!tpu.dma_semaphore, #tpu.memory_space<semaphore_mem>>) {add = true}
        %dma_wait3A_53 = arith.constant 0 : i32
        %dma_wait3A_54 = arith.constant 0 : i32
        %dma_wait3A_55 = tpu.memref_slice %arg15[%dma_wait3A_53, %dma_wait3A_54] : memref<10240x128xf32, #tpu.memory_space<vmem_shared>> -> memref<10240x128xf32, #tpu.memory_space<vmem_shared>>
        tpu.wait_indirect_dma semaphore(%run_scoped3A_49 : memref<!tpu.dma_semaphore, #tpu.memory_space<semaphore_mem>>) src(%arg7 : memref<128x128xf32, #tpu.memory_space<vmem>>) dst(%dma_wait3A_55 : memref<10240x128xf32, #tpu.memory_space<vmem_shared>>)
        tpu.yield
      }) : () -> ()
      %lt3A = arith.constant 39 : i32
      %lt3A_37 = arith.cmpi slt, %scan3A_34, %lt3A : i32
      %convert_element_type3A_38 = arith.extui %lt3A_37 : i1 to i32
      %cond3A_39 = arith.constant 0 : i32
      %cond3A_40 = arith.cmpi ne, %convert_element_type3A_38, %cond3A_39 : i32
      scf.if %cond3A_40 {
        %add3A_49 = arith.constant 1 : i32
        %add3A_50 = arith.addi %scan3A_34, %add3A_49 : i32
        %mul3A_51 = arith.constant 2 : i32
        %mul3A_52 = arith.muli %add3A_50, %mul3A_51 : i32
        %add3A_53 = arith.constant 0 : i32
        %add3A_54 = arith.addi %mul3A_52, %add3A_53 : i32
        "tpu.region"() ({
          %run_scoped3A_58 = tpu.sem_alloc : memref<!tpu.dma_semaphore, #tpu.memory_space<semaphore_mem>>
          %dma_start3A_59 = arith.constant 0 : i32
          %dma_start3A_60 = tpu.memref_slice %arg2[%add3A, %add3A_54, %dma_start3A_59] : memref<32x80x128xi32, #tpu.memory_space<hbm>> -> memref<1x1x128xi32, #tpu.memory_space<hbm>>
          %dma_start3A_61 = tpu.memref_squeeze %dma_start3A_60 : memref<1x1x128xi32, #tpu.memory_space<hbm>> -> memref<128xi32, #tpu.memory_space<hbm>>
          %dma_start3A_62 = arith.constant 0 : i32
          %dma_start3A_63 = tpu.memref_slice %arg2[%add3A, %add3A_54, %dma_start3A_62] : memref<32x80x128xi32, #tpu.memory_space<hbm>> -> memref<1x1x128xi32, #tpu.memory_space<hbm>>
          %dma_start3A_64 = tpu.memref_squeeze %dma_start3A_63 : memref<1x1x128xi32, #tpu.memory_space<hbm>> -> memref<128xi32, #tpu.memory_space<hbm>>
          tpu.enqueue_dma source(%dma_start3A_64 : memref<128xi32, #tpu.memory_space<hbm>>) target(%arg9 : memref<128xi32, #tpu.memory_space<vmem>>) target_semaphore(%run_scoped3A_58 : memref<!tpu.dma_semaphore, #tpu.memory_space<semaphore_mem>>)
          %dma_wait3A_65 = arith.constant 0 : i32
          %dma_wait3A_66 = tpu.memref_slice %arg2[%add3A, %add3A_54, %dma_wait3A_65] : memref<32x80x128xi32, #tpu.memory_space<hbm>> -> memref<1x1x128xi32, #tpu.memory_space<hbm>>
          %dma_wait3A_67 = tpu.memref_squeeze %dma_wait3A_66 : memref<1x1x128xi32, #tpu.memory_space<hbm>> -> memref<128xi32, #tpu.memory_space<hbm>>
          %dma_wait3A_68 = arith.constant 0 : i32
          %dma_wait3A_69 = tpu.memref_slice %arg2[%add3A, %add3A_54, %dma_wait3A_68] : memref<32x80x128xi32, #tpu.memory_space<hbm>> -> memref<1x1x128xi32, #tpu.memory_space<hbm>>
          %dma_wait3A_70 = tpu.memref_squeeze %dma_wait3A_69 : memref<1x1x128xi32, #tpu.memory_space<hbm>> -> memref<128xi32, #tpu.memory_space<hbm>>
          tpu.wait_dma2 semaphore(%run_scoped3A_58 : memref<!tpu.dma_semaphore, #tpu.memory_space<semaphore_mem>>) src(%dma_wait3A_70 : memref<128xi32, #tpu.memory_space<hbm>>) dst(%arg9 : memref<128xi32, #tpu.memory_space<vmem>>)
          tpu.yield
        }) : () -> ()
        "tpu.region"() ({
          %run_scoped3A_58 = tpu.sem_alloc : memref<!tpu.dma_semaphore, #tpu.memory_space<semaphore_mem>>
          %dma_start3A_59 = arith.constant 0 : i32
          %dma_start3A_60 = tpu.memref_slice %arg3[%add3A, %add3A_54, %dma_start3A_59] : memref<32x80x128xi32, #tpu.memory_space<hbm>> -> memref<1x1x128xi32, #tpu.memory_space<hbm>>
          %dma_start3A_61 = tpu.memref_squeeze %dma_start3A_60 : memref<1x1x128xi32, #tpu.memory_space<hbm>> -> memref<128xi32, #tpu.memory_space<hbm>>
          %dma_start3A_62 = arith.constant 0 : i32
          %dma_start3A_63 = tpu.memref_slice %arg3[%add3A, %add3A_54, %dma_start3A_62] : memref<32x80x128xi32, #tpu.memory_space<hbm>> -> memref<1x1x128xi32, #tpu.memory_space<hbm>>
          %dma_start3A_64 = tpu.memref_squeeze %dma_start3A_63 : memref<1x1x128xi32, #tpu.memory_space<hbm>> -> memref<128xi32, #tpu.memory_space<hbm>>
          tpu.enqueue_dma source(%dma_start3A_64 : memref<128xi32, #tpu.memory_space<hbm>>) target(%arg11 : memref<128xi32, #tpu.memory_space<vmem>>) target_semaphore(%run_scoped3A_58 : memref<!tpu.dma_semaphore, #tpu.memory_space<semaphore_mem>>)
          %dma_wait3A_65 = arith.constant 0 : i32
          %dma_wait3A_66 = tpu.memref_slice %arg3[%add3A, %add3A_54, %dma_wait3A_65] : memref<32x80x128xi32, #tpu.memory_space<hbm>> -> memref<1x1x128xi32, #tpu.memory_space<hbm>>
          %dma_wait3A_67 = tpu.memref_squeeze %dma_wait3A_66 : memref<1x1x128xi32, #tpu.memory_space<hbm>> -> memref<128xi32, #tpu.memory_space<hbm>>
          %dma_wait3A_68 = arith.constant 0 : i32
          %dma_wait3A_69 = tpu.memref_slice %arg3[%add3A, %add3A_54, %dma_wait3A_68] : memref<32x80x128xi32, #tpu.memory_space<hbm>> -> memref<1x1x128xi32, #tpu.memory_space<hbm>>
          %dma_wait3A_70 = tpu.memref_squeeze %dma_wait3A_69 : memref<1x1x128xi32, #tpu.memory_space<hbm>> -> memref<128xi32, #tpu.memory_space<hbm>>
          tpu.wait_dma2 semaphore(%run_scoped3A_58 : memref<!tpu.dma_semaphore, #tpu.memory_space<semaphore_mem>>) src(%dma_wait3A_70 : memref<128xi32, #tpu.memory_space<hbm>>) dst(%arg11 : memref<128xi32, #tpu.memory_space<vmem>>)
          tpu.yield
        }) : () -> ()
        %dma_start3A_55 = arith.constant 0 : i32
        %dma_start3A_56 = arith.constant 0 : i32
        %dma_start3A_57 = tpu.memref_slice %arg4[%dma_start3A_55, %dma_start3A_56] : memref<10240x128xf32, #tpu.memory_space<hbm>> -> memref<10240x128xf32, #tpu.memory_space<hbm>>
        tpu.enqueue_indirect_dma source(%dma_start3A_57 : memref<10240x128xf32, #tpu.memory_space<hbm>>) target(%arg7 : memref<128x128xf32, #tpu.memory_space<vmem>>) offsets(%arg9 : memref<128xi32, #tpu.memory_space<vmem>>) semaphore(%arg13 : memref<!tpu.dma_semaphore, #tpu.memory_space<semaphore_mem>>)
      } else {
      }
      %dma_wait3A_41 = arith.constant 0 : i32
      %dma_wait3A_42 = arith.constant 0 : i32
      %dma_wait3A_43 = tpu.memref_slice %arg4[%dma_wait3A_41, %dma_wait3A_42] : memref<10240x128xf32, #tpu.memory_space<hbm>> -> memref<10240x128xf32, #tpu.memory_space<hbm>>
      tpu.wait_indirect_dma semaphore(%arg14 : memref<!tpu.dma_semaphore, #tpu.memory_space<semaphore_mem>>) src(%dma_wait3A_43 : memref<10240x128xf32, #tpu.memory_space<hbm>>) dst(%arg8 : memref<128x128xf32, #tpu.memory_space<vmem>>)
      "tpu.region"() ({
        %run_scoped3A_49 = tpu.sem_alloc : memref<!tpu.dma_semaphore, #tpu.memory_space<semaphore_mem>>
        %dma_start3A_50 = arith.constant 0 : i32
        %dma_start3A_51 = arith.constant 0 : i32
        %dma_start3A_52 = tpu.memref_slice %arg15[%dma_start3A_50, %dma_start3A_51] : memref<10240x128xf32, #tpu.memory_space<vmem_shared>> -> memref<10240x128xf32, #tpu.memory_space<vmem_shared>>
        tpu.enqueue_indirect_dma source(%arg8 : memref<128x128xf32, #tpu.memory_space<vmem>>) target(%dma_start3A_52 : memref<10240x128xf32, #tpu.memory_space<vmem_shared>>) offsets(%arg12 : memref<128xi32, #tpu.memory_space<vmem>>) semaphore(%run_scoped3A_49 : memref<!tpu.dma_semaphore, #tpu.memory_space<semaphore_mem>>) {add = true}
        %dma_wait3A_53 = arith.constant 0 : i32
        %dma_wait3A_54 = arith.constant 0 : i32
        %dma_wait3A_55 = tpu.memref_slice %arg15[%dma_wait3A_53, %dma_wait3A_54] : memref<10240x128xf32, #tpu.memory_space<vmem_shared>> -> memref<10240x128xf32, #tpu.memory_space<vmem_shared>>
        tpu.wait_indirect_dma semaphore(%run_scoped3A_49 : memref<!tpu.dma_semaphore, #tpu.memory_space<semaphore_mem>>) src(%arg8 : memref<128x128xf32, #tpu.memory_space<vmem>>) dst(%dma_wait3A_55 : memref<10240x128xf32, #tpu.memory_space<vmem_shared>>)
        tpu.yield
      }) : () -> ()
      %lt3A_44 = arith.constant 39 : i32
      %lt3A_45 = arith.cmpi slt, %scan3A_34, %lt3A_44 : i32
      %convert_element_type3A_46 = arith.extui %lt3A_45 : i1 to i32
      %cond3A_47 = arith.constant 0 : i32
      %cond3A_48 = arith.cmpi ne, %convert_element_type3A_46, %cond3A_47 : i32
      scf.if %cond3A_48 {
        %add3A_49 = arith.constant 1 : i32
        %add3A_50 = arith.addi %scan3A_34, %add3A_49 : i32
        %mul3A_51 = arith.constant 2 : i32
        %mul3A_52 = arith.muli %add3A_50, %mul3A_51 : i32
        %add3A_53 = arith.constant 1 : i32
        %add3A_54 = arith.addi %mul3A_52, %add3A_53 : i32
        "tpu.region"() ({
          %run_scoped3A_58 = tpu.sem_alloc : memref<!tpu.dma_semaphore, #tpu.memory_space<semaphore_mem>>
          %dma_start3A_59 = arith.constant 0 : i32
          %dma_start3A_60 = tpu.memref_slice %arg2[%add3A, %add3A_54, %dma_start3A_59] : memref<32x80x128xi32, #tpu.memory_space<hbm>> -> memref<1x1x128xi32, #tpu.memory_space<hbm>>
          %dma_start3A_61 = tpu.memref_squeeze %dma_start3A_60 : memref<1x1x128xi32, #tpu.memory_space<hbm>> -> memref<128xi32, #tpu.memory_space<hbm>>
          %dma_start3A_62 = arith.constant 0 : i32
          %dma_start3A_63 = tpu.memref_slice %arg2[%add3A, %add3A_54, %dma_start3A_62] : memref<32x80x128xi32, #tpu.memory_space<hbm>> -> memref<1x1x128xi32, #tpu.memory_space<hbm>>
          %dma_start3A_64 = tpu.memref_squeeze %dma_start3A_63 : memref<1x1x128xi32, #tpu.memory_space<hbm>> -> memref<128xi32, #tpu.memory_space<hbm>>
          tpu.enqueue_dma source(%dma_start3A_64 : memref<128xi32, #tpu.memory_space<hbm>>) target(%arg10 : memref<128xi32, #tpu.memory_space<vmem>>) target_semaphore(%run_scoped3A_58 : memref<!tpu.dma_semaphore, #tpu.memory_space<semaphore_mem>>)
          %dma_wait3A_65 = arith.constant 0 : i32
          %dma_wait3A_66 = tpu.memref_slice %arg2[%add3A, %add3A_54, %dma_wait3A_65] : memref<32x80x128xi32, #tpu.memory_space<hbm>> -> memref<1x1x128xi32, #tpu.memory_space<hbm>>
          %dma_wait3A_67 = tpu.memref_squeeze %dma_wait3A_66 : memref<1x1x128xi32, #tpu.memory_space<hbm>> -> memref<128xi32, #tpu.memory_space<hbm>>
          %dma_wait3A_68 = arith.constant 0 : i32
          %dma_wait3A_69 = tpu.memref_slice %arg2[%add3A, %add3A_54, %dma_wait3A_68] : memref<32x80x128xi32, #tpu.memory_space<hbm>> -> memref<1x1x128xi32, #tpu.memory_space<hbm>>
          %dma_wait3A_70 = tpu.memref_squeeze %dma_wait3A_69 : memref<1x1x128xi32, #tpu.memory_space<hbm>> -> memref<128xi32, #tpu.memory_space<hbm>>
          tpu.wait_dma2 semaphore(%run_scoped3A_58 : memref<!tpu.dma_semaphore, #tpu.memory_space<semaphore_mem>>) src(%dma_wait3A_70 : memref<128xi32, #tpu.memory_space<hbm>>) dst(%arg10 : memref<128xi32, #tpu.memory_space<vmem>>)
          tpu.yield
        }) : () -> ()
        "tpu.region"() ({
          %run_scoped3A_58 = tpu.sem_alloc : memref<!tpu.dma_semaphore, #tpu.memory_space<semaphore_mem>>
          %dma_start3A_59 = arith.constant 0 : i32
          %dma_start3A_60 = tpu.memref_slice %arg3[%add3A, %add3A_54, %dma_start3A_59] : memref<32x80x128xi32, #tpu.memory_space<hbm>> -> memref<1x1x128xi32, #tpu.memory_space<hbm>>
          %dma_start3A_61 = tpu.memref_squeeze %dma_start3A_60 : memref<1x1x128xi32, #tpu.memory_space<hbm>> -> memref<128xi32, #tpu.memory_space<hbm>>
          %dma_start3A_62 = arith.constant 0 : i32
          %dma_start3A_63 = tpu.memref_slice %arg3[%add3A, %add3A_54, %dma_start3A_62] : memref<32x80x128xi32, #tpu.memory_space<hbm>> -> memref<1x1x128xi32, #tpu.memory_space<hbm>>
          %dma_start3A_64 = tpu.memref_squeeze %dma_start3A_63 : memref<1x1x128xi32, #tpu.memory_space<hbm>> -> memref<128xi32, #tpu.memory_space<hbm>>
          tpu.enqueue_dma source(%dma_start3A_64 : memref<128xi32, #tpu.memory_space<hbm>>) target(%arg12 : memref<128xi32, #tpu.memory_space<vmem>>) target_semaphore(%run_scoped3A_58 : memref<!tpu.dma_semaphore, #tpu.memory_space<semaphore_mem>>)
          %dma_wait3A_65 = arith.constant 0 : i32
          %dma_wait3A_66 = tpu.memref_slice %arg3[%add3A, %add3A_54, %dma_wait3A_65] : memref<32x80x128xi32, #tpu.memory_space<hbm>> -> memref<1x1x128xi32, #tpu.memory_space<hbm>>
          %dma_wait3A_67 = tpu.memref_squeeze %dma_wait3A_66 : memref<1x1x128xi32, #tpu.memory_space<hbm>> -> memref<128xi32, #tpu.memory_space<hbm>>
          %dma_wait3A_68 = arith.constant 0 : i32
          %dma_wait3A_69 = tpu.memref_slice %arg3[%add3A, %add3A_54, %dma_wait3A_68] : memref<32x80x128xi32, #tpu.memory_space<hbm>> -> memref<1x1x128xi32, #tpu.memory_space<hbm>>
          %dma_wait3A_70 = tpu.memref_squeeze %dma_wait3A_69 : memref<1x1x128xi32, #tpu.memory_space<hbm>> -> memref<128xi32, #tpu.memory_space<hbm>>
          tpu.wait_dma2 semaphore(%run_scoped3A_58 : memref<!tpu.dma_semaphore, #tpu.memory_space<semaphore_mem>>) src(%dma_wait3A_70 : memref<128xi32, #tpu.memory_space<hbm>>) dst(%arg12 : memref<128xi32, #tpu.memory_space<vmem>>)
          tpu.yield
        }) : () -> ()
        %dma_start3A_55 = arith.constant 0 : i32
        %dma_start3A_56 = arith.constant 0 : i32
        %dma_start3A_57 = tpu.memref_slice %arg4[%dma_start3A_55, %dma_start3A_56] : memref<10240x128xf32, #tpu.memory_space<hbm>> -> memref<10240x128xf32, #tpu.memory_space<hbm>>
        tpu.enqueue_indirect_dma source(%dma_start3A_57 : memref<10240x128xf32, #tpu.memory_space<hbm>>) target(%arg8 : memref<128x128xf32, #tpu.memory_space<vmem>>) offsets(%arg10 : memref<128xi32, #tpu.memory_space<vmem>>) semaphore(%arg14 : memref<!tpu.dma_semaphore, #tpu.memory_space<semaphore_mem>>)
      } else {
      }
    }
    %scan3A_22 = arith.constant 40 : i32
    %barrier3A_23 = arith.constant 0 : index
    tpu.barrier barrier_id(%barrier3A_23)
    %add3A_24 = arith.constant 0 : i32
    %add3A_25 = arith.addi %mul3A_2, %add3A_24 : i32
    "tpu.region"() ({
      %run_scoped3A_34 = tpu.sem_alloc : memref<!tpu.dma_semaphore, #tpu.memory_space<semaphore_mem>>
      %dma_start3A_35 = arith.constant 0 : i32
      %dma_start3A_36 = tpu.memref_slice %arg6[%arg0, %add3A_25, %dma_start3A_35] : memref<2x10240x128xf32, #tpu.memory_space<hbm>> -> memref<1x128x128xf32, #tpu.memory_space<hbm>>
      %dma_start3A_37 = tpu.memref_squeeze %dma_start3A_36 : memref<1x128x128xf32, #tpu.memory_space<hbm>> -> memref<128x128xf32, #tpu.memory_space<hbm>>
      %dma_start3A_38 = arith.constant 0 : i32
      %dma_start3A_39 = tpu.memref_slice %arg15[%add3A_25, %dma_start3A_38] : memref<10240x128xf32, #tpu.memory_space<vmem_shared>> -> memref<128x128xf32, #tpu.memory_space<vmem_shared>>
      tpu.enqueue_dma source(%dma_start3A_39 : memref<128x128xf32, #tpu.memory_space<vmem_shared>>) target(%dma_start3A_37 : memref<128x128xf32, #tpu.memory_space<hbm>>) target_semaphore(%run_scoped3A_34 : memref<!tpu.dma_semaphore, #tpu.memory_space<semaphore_mem>>)
      %dma_wait3A = arith.constant 0 : i32
      %dma_wait3A_40 = tpu.memref_slice %arg6[%arg0, %add3A_25, %dma_wait3A] : memref<2x10240x128xf32, #tpu.memory_space<hbm>> -> memref<1x128x128xf32, #tpu.memory_space<hbm>>
      %dma_wait3A_41 = tpu.memref_squeeze %dma_wait3A_40 : memref<1x128x128xf32, #tpu.memory_space<hbm>> -> memref<128x128xf32, #tpu.memory_space<hbm>>
      %dma_wait3A_42 = arith.constant 0 : i32
      %dma_wait3A_43 = tpu.memref_slice %arg15[%add3A_25, %dma_wait3A_42] : memref<10240x128xf32, #tpu.memory_space<vmem_shared>> -> memref<128x128xf32, #tpu.memory_space<vmem_shared>>
      tpu.wait_dma2 semaphore(%run_scoped3A_34 : memref<!tpu.dma_semaphore, #tpu.memory_space<semaphore_mem>>) src(%dma_wait3A_43 : memref<128x128xf32, #tpu.memory_space<vmem_shared>>) dst(%dma_wait3A_41 : memref<128x128xf32, #tpu.memory_space<hbm>>)
      tpu.yield
    }) : () -> ()
    %add3A_26 = arith.constant 128 : i32
    %add3A_27 = arith.addi %mul3A_2, %add3A_26 : i32
    "tpu.region"() ({
      %run_scoped3A_34 = tpu.sem_alloc : memref<!tpu.dma_semaphore, #tpu.memory_space<semaphore_mem>>
      %dma_start3A_35 = arith.constant 0 : i32
      %dma_start3A_36 = tpu.memref_slice %arg6[%arg0, %add3A_27, %dma_start3A_35] : memref<2x10240x128xf32, #tpu.memory_space<hbm>> -> memref<1x128x128xf32, #tpu.memory_space<hbm>>
      %dma_start3A_37 = tpu.memref_squeeze %dma_start3A_36 : memref<1x128x128xf32, #tpu.memory_space<hbm>> -> memref<128x128xf32, #tpu.memory_space<hbm>>
      %dma_start3A_38 = arith.constant 0 : i32
      %dma_start3A_39 = tpu.memref_slice %arg15[%add3A_27, %dma_start3A_38] : memref<10240x128xf32, #tpu.memory_space<vmem_shared>> -> memref<128x128xf32, #tpu.memory_space<vmem_shared>>
      tpu.enqueue_dma source(%dma_start3A_39 : memref<128x128xf32, #tpu.memory_space<vmem_shared>>) target(%dma_start3A_37 : memref<128x128xf32, #tpu.memory_space<hbm>>) target_semaphore(%run_scoped3A_34 : memref<!tpu.dma_semaphore, #tpu.memory_space<semaphore_mem>>)
      %dma_wait3A = arith.constant 0 : i32
      %dma_wait3A_40 = tpu.memref_slice %arg6[%arg0, %add3A_27, %dma_wait3A] : memref<2x10240x128xf32, #tpu.memory_space<hbm>> -> memref<1x128x128xf32, #tpu.memory_space<hbm>>
      %dma_wait3A_41 = tpu.memref_squeeze %dma_wait3A_40 : memref<1x128x128xf32, #tpu.memory_space<hbm>> -> memref<128x128xf32, #tpu.memory_space<hbm>>
      %dma_wait3A_42 = arith.constant 0 : i32
      %dma_wait3A_43 = tpu.memref_slice %arg15[%add3A_27, %dma_wait3A_42] : memref<10240x128xf32, #tpu.memory_space<vmem_shared>> -> memref<128x128xf32, #tpu.memory_space<vmem_shared>>
      tpu.wait_dma2 semaphore(%run_scoped3A_34 : memref<!tpu.dma_semaphore, #tpu.memory_space<semaphore_mem>>) src(%dma_wait3A_43 : memref<128x128xf32, #tpu.memory_space<vmem_shared>>) dst(%dma_wait3A_41 : memref<128x128xf32, #tpu.memory_space<hbm>>)
      tpu.yield
    }) : () -> ()
    %add3A_28 = arith.constant 256 : i32
    %add3A_29 = arith.addi %mul3A_2, %add3A_28 : i32
    "tpu.region"() ({
      %run_scoped3A_34 = tpu.sem_alloc : memref<!tpu.dma_semaphore, #tpu.memory_space<semaphore_mem>>
      %dma_start3A_35 = arith.constant 0 : i32
      %dma_start3A_36 = tpu.memref_slice %arg6[%arg0, %add3A_29, %dma_start3A_35] : memref<2x10240x128xf32, #tpu.memory_space<hbm>> -> memref<1x128x128xf32, #tpu.memory_space<hbm>>
      %dma_start3A_37 = tpu.memref_squeeze %dma_start3A_36 : memref<1x128x128xf32, #tpu.memory_space<hbm>> -> memref<128x128xf32, #tpu.memory_space<hbm>>
      %dma_start3A_38 = arith.constant 0 : i32
      %dma_start3A_39 = tpu.memref_slice %arg15[%add3A_29, %dma_start3A_38] : memref<10240x128xf32, #tpu.memory_space<vmem_shared>> -> memref<128x128xf32, #tpu.memory_space<vmem_shared>>
      tpu.enqueue_dma source(%dma_start3A_39 : memref<128x128xf32, #tpu.memory_space<vmem_shared>>) target(%dma_start3A_37 : memref<128x128xf32, #tpu.memory_space<hbm>>) target_semaphore(%run_scoped3A_34 : memref<!tpu.dma_semaphore, #tpu.memory_space<semaphore_mem>>)
      %dma_wait3A = arith.constant 0 : i32
      %dma_wait3A_40 = tpu.memref_slice %arg6[%arg0, %add3A_29, %dma_wait3A] : memref<2x10240x128xf32, #tpu.memory_space<hbm>> -> memref<1x128x128xf32, #tpu.memory_space<hbm>>
      %dma_wait3A_41 = tpu.memref_squeeze %dma_wait3A_40 : memref<1x128x128xf32, #tpu.memory_space<hbm>> -> memref<128x128xf32, #tpu.memory_space<hbm>>
      %dma_wait3A_42 = arith.constant 0 : i32
      %dma_wait3A_43 = tpu.memref_slice %arg15[%add3A_29, %dma_wait3A_42] : memref<10240x128xf32, #tpu.memory_space<vmem_shared>> -> memref<128x128xf32, #tpu.memory_space<vmem_shared>>
      tpu.wait_dma2 semaphore(%run_scoped3A_34 : memref<!tpu.dma_semaphore, #tpu.memory_space<semaphore_mem>>) src(%dma_wait3A_43 : memref<128x128xf32, #tpu.memory_space<vmem_shared>>) dst(%dma_wait3A_41 : memref<128x128xf32, #tpu.memory_space<hbm>>)
      tpu.yield
    }) : () -> ()
    %add3A_30 = arith.constant 384 : i32
    %add3A_31 = arith.addi %mul3A_2, %add3A_30 : i32
    "tpu.region"() ({
      %run_scoped3A_34 = tpu.sem_alloc : memref<!tpu.dma_semaphore, #tpu.memory_space<semaphore_mem>>
      %dma_start3A_35 = arith.constant 0 : i32
      %dma_start3A_36 = tpu.memref_slice %arg6[%arg0, %add3A_31, %dma_start3A_35] : memref<2x10240x128xf32, #tpu.memory_space<hbm>> -> memref<1x128x128xf32, #tpu.memory_space<hbm>>
      %dma_start3A_37 = tpu.memref_squeeze %dma_start3A_36 : memref<1x128x128xf32, #tpu.memory_space<hbm>> -> memref<128x128xf32, #tpu.memory_space<hbm>>
      %dma_start3A_38 = arith.constant 0 : i32
      %dma_start3A_39 = tpu.memref_slice %arg15[%add3A_31, %dma_start3A_38] : memref<10240x128xf32, #tpu.memory_space<vmem_shared>> -> memref<128x128xf32, #tpu.memory_space<vmem_shared>>
      tpu.enqueue_dma source(%dma_start3A_39 : memref<128x128xf32, #tpu.memory_space<vmem_shared>>) target(%dma_start3A_37 : memref<128x128xf32, #tpu.memory_space<hbm>>) target_semaphore(%run_scoped3A_34 : memref<!tpu.dma_semaphore, #tpu.memory_space<semaphore_mem>>)
      %dma_wait3A = arith.constant 0 : i32
      %dma_wait3A_40 = tpu.memref_slice %arg6[%arg0, %add3A_31, %dma_wait3A] : memref<2x10240x128xf32, #tpu.memory_space<hbm>> -> memref<1x128x128xf32, #tpu.memory_space<hbm>>
      %dma_wait3A_41 = tpu.memref_squeeze %dma_wait3A_40 : memref<1x128x128xf32, #tpu.memory_space<hbm>> -> memref<128x128xf32, #tpu.memory_space<hbm>>
      %dma_wait3A_42 = arith.constant 0 : i32
      %dma_wait3A_43 = tpu.memref_slice %arg15[%add3A_31, %dma_wait3A_42] : memref<10240x128xf32, #tpu.memory_space<vmem_shared>> -> memref<128x128xf32, #tpu.memory_space<vmem_shared>>
      tpu.wait_dma2 semaphore(%run_scoped3A_34 : memref<!tpu.dma_semaphore, #tpu.memory_space<semaphore_mem>>) src(%dma_wait3A_43 : memref<128x128xf32, #tpu.memory_space<vmem_shared>>) dst(%dma_wait3A_41 : memref<128x128xf32, #tpu.memory_space<hbm>>)
      tpu.yield
    }) : () -> ()
    %add3A_32 = arith.constant 512 : i32
    %add3A_33 = arith.addi %mul3A_2, %add3A_32 : i32
    "tpu.region"() ({
      %run_scoped3A_34 = tpu.sem_alloc : memref<!tpu.dma_semaphore, #tpu.memory_space<semaphore_mem>>
      %dma_start3A_35 = arith.constant 0 : i32
      %dma_start3A_36 = tpu.memref_slice %arg6[%arg0, %add3A_33, %dma_start3A_35] : memref<2x10240x128xf32, #tpu.memory_space<hbm>> -> memref<1x128x128xf32, #tpu.memory_space<hbm>>
      %dma_start3A_37 = tpu.memref_squeeze %dma_start3A_36 : memref<1x128x128xf32, #tpu.memory_space<hbm>> -> memref<128x128xf32, #tpu.memory_space<hbm>>
      %dma_start3A_38 = arith.constant 0 : i32
      %dma_start3A_39 = tpu.memref_slice %arg15[%add3A_33, %dma_start3A_38] : memref<10240x128xf32, #tpu.memory_space<vmem_shared>> -> memref<128x128xf32, #tpu.memory_space<vmem_shared>>
      tpu.enqueue_dma source(%dma_start3A_39 : memref<128x128xf32, #tpu.memory_space<vmem_shared>>) target(%dma_start3A_37 : memref<128x128xf32, #tpu.memory_space<hbm>>) target_semaphore(%run_scoped3A_34 : memref<!tpu.dma_semaphore, #tpu.memory_space<semaphore_mem>>)
      %dma_wait3A = arith.constant 0 : i32
      %dma_wait3A_40 = tpu.memref_slice %arg6[%arg0, %add3A_33, %dma_wait3A] : memref<2x10240x128xf32, #tpu.memory_space<hbm>> -> memref<1x128x128xf32, #tpu.memory_space<hbm>>
      %dma_wait3A_41 = tpu.memref_squeeze %dma_wait3A_40 : memref<1x128x128xf32, #tpu.memory_space<hbm>> -> memref<128x128xf32, #tpu.memory_space<hbm>>
      %dma_wait3A_42 = arith.constant 0 : i32
      %dma_wait3A_43 = tpu.memref_slice %arg15[%add3A_33, %dma_wait3A_42] : memref<10240x128xf32, #tpu.memory_space<vmem_shared>> -> memref<128x128xf32, #tpu.memory_space<vmem_shared>>
      tpu.wait_dma2 semaphore(%run_scoped3A_34 : memref<!tpu.dma_semaphore, #tpu.memory_space<semaphore_mem>>) src(%dma_wait3A_43 : memref<128x128xf32, #tpu.memory_space<vmem_shared>>) dst(%dma_wait3A_41 : memref<128x128xf32, #tpu.memory_space<hbm>>)
      tpu.yield
    }) : () -> ()
    return
  }
}

#map = affine_map<(d0, d1) -> (0, 0, 0)>
#map1 = affine_map<(d0, d1) -> (0, 0)>
module attributes {stable_mosaic.version = 14 : i64} {
  func.func @_sc_agg(%arg0: i32, %arg1: i32, %arg2: memref<32x80x128xi32, #tpu.memory_space<hbm>>, %arg3: memref<32x80x128xi32, #tpu.memory_space<hbm>>, %arg4: memref<10240x128xf32, #tpu.memory_space<hbm>>, %arg5: memref<10240x128xf32, #tpu.memory_space<hbm>>, %arg6: memref<2x10240x128xf32, #tpu.memory_space<hbm>>, %arg7: memref<128x128xf32, #tpu.memory_space<vmem>>, %arg8: memref<128x128xf32, #tpu.memory_space<vmem>>, %arg9: memref<128xi32, #tpu.memory_space<vmem>>, %arg10: memref<128xi32, #tpu.memory_space<vmem>>, %arg11: memref<128xi32, #tpu.memory_space<vmem>>, %arg12: memref<128xi32, #tpu.memory_space<vmem>>, %arg13: memref<!tpu.dma_semaphore, #tpu.memory_space<semaphore_mem>>, %arg14: memref<!tpu.dma_semaphore, #tpu.memory_space<semaphore_mem>>, %arg15: memref<10240x128xf32, #tpu.memory_space<vmem_shared>>) attributes {dimension_semantics = [#tpu.dimension_semantics<core_parallel>, #tpu.dimension_semantics<subcore_parallel>], iteration_bounds = array<i64: 2, 16>, scalar_prefetch = 0 : i64, scratch_operands = 9 : i64, tpu.core_type = #tpu.core_type<sc_vector_subcore>, window_params = [{transform_indices = #map}, {transform_indices = #map}, {transform_indices = #map1}, {transform_indices = #map1}, {transform_indices = #map}]} {
    %mul3A = arith.constant 16 : i32
    %mul3A_0 = arith.muli %arg0, %mul3A : i32
    %add3A = arith.addi %mul3A_0, %arg1 : i32
    %mul3A_1 = arith.constant 640 : i32
    %mul3A_2 = arith.muli %arg1, %mul3A_1 : i32
    %eq3A = arith.constant 0 : i32
    %eq3A_3 = arith.cmpi eq, %arg0, %eq3A : i32
    %convert_element_type3A = arith.extui %eq3A_3 : i1 to i32
    %cond3A = arith.constant 0 : i32
    %cond3A_4 = arith.cmpi ne, %convert_element_type3A, %cond3A : i32
    scf.if %cond3A_4 {
      %add3A_34 = arith.constant 0 : i32
      %add3A_35 = arith.addi %mul3A_2, %add3A_34 : i32
      "tpu.region"() ({
        %run_scoped3A_54 = tpu.sem_alloc : memref<!tpu.dma_semaphore, #tpu.memory_space<semaphore_mem>>
        %dma_start3A_55 = arith.constant 0 : i32
        %dma_start3A_56 = tpu.memref_slice %arg4[%add3A_35, %dma_start3A_55] : memref<10240x128xf32, #tpu.memory_space<hbm>> -> memref<128x128xf32, #tpu.memory_space<hbm>>
        %dma_start3A_57 = arith.constant 0 : i32
        %dma_start3A_58 = tpu.memref_slice %arg4[%add3A_35, %dma_start3A_57] : memref<10240x128xf32, #tpu.memory_space<hbm>> -> memref<128x128xf32, #tpu.memory_space<hbm>>
        tpu.enqueue_dma source(%dma_start3A_58 : memref<128x128xf32, #tpu.memory_space<hbm>>) target(%arg7 : memref<128x128xf32, #tpu.memory_space<vmem>>) target_semaphore(%run_scoped3A_54 : memref<!tpu.dma_semaphore, #tpu.memory_space<semaphore_mem>>)
        %dma_wait3A = arith.constant 0 : i32
        %dma_wait3A_59 = tpu.memref_slice %arg4[%add3A_35, %dma_wait3A] : memref<10240x128xf32, #tpu.memory_space<hbm>> -> memref<128x128xf32, #tpu.memory_space<hbm>>
        %dma_wait3A_60 = arith.constant 0 : i32
        %dma_wait3A_61 = tpu.memref_slice %arg4[%add3A_35, %dma_wait3A_60] : memref<10240x128xf32, #tpu.memory_space<hbm>> -> memref<128x128xf32, #tpu.memory_space<hbm>>
        tpu.wait_dma2 semaphore(%run_scoped3A_54 : memref<!tpu.dma_semaphore, #tpu.memory_space<semaphore_mem>>) src(%dma_wait3A_61 : memref<128x128xf32, #tpu.memory_space<hbm>>) dst(%arg7 : memref<128x128xf32, #tpu.memory_space<vmem>>)
        tpu.yield
      }) : () -> ()
      %add3A_36 = arith.constant 0 : i32
      %add3A_37 = arith.addi %mul3A_2, %add3A_36 : i32
      "tpu.region"() ({
        %run_scoped3A_54 = tpu.sem_alloc : memref<!tpu.dma_semaphore, #tpu.memory_space<semaphore_mem>>
        %dma_start3A_55 = arith.constant 0 : i32
        %dma_start3A_56 = tpu.memref_slice %arg15[%add3A_37, %dma_start3A_55] : memref<10240x128xf32, #tpu.memory_space<vmem_shared>> -> memref<128x128xf32, #tpu.memory_space<vmem_shared>>
        %dma_start3A_57 = arith.constant 0 : i32
        %dma_start3A_58 = tpu.memref_slice %arg15[%add3A_37, %dma_start3A_57] : memref<10240x128xf32, #tpu.memory_space<vmem_shared>> -> memref<128x128xf32, #tpu.memory_space<vmem_shared>>
        tpu.enqueue_dma source(%arg7 : memref<128x128xf32, #tpu.memory_space<vmem>>) target(%dma_start3A_58 : memref<128x128xf32, #tpu.memory_space<vmem_shared>>) target_semaphore(%run_scoped3A_54 : memref<!tpu.dma_semaphore, #tpu.memory_space<semaphore_mem>>)
        %dma_wait3A = arith.constant 0 : i32
        %dma_wait3A_59 = tpu.memref_slice %arg15[%add3A_37, %dma_wait3A] : memref<10240x128xf32, #tpu.memory_space<vmem_shared>> -> memref<128x128xf32, #tpu.memory_space<vmem_shared>>
        %dma_wait3A_60 = arith.constant 0 : i32
        %dma_wait3A_61 = tpu.memref_slice %arg15[%add3A_37, %dma_wait3A_60] : memref<10240x128xf32, #tpu.memory_space<vmem_shared>> -> memref<128x128xf32, #tpu.memory_space<vmem_shared>>
        tpu.wait_dma2 semaphore(%run_scoped3A_54 : memref<!tpu.dma_semaphore, #tpu.memory_space<semaphore_mem>>) src(%arg7 : memref<128x128xf32, #tpu.memory_space<vmem>>) dst(%dma_wait3A_61 : memref<128x128xf32, #tpu.memory_space<vmem_shared>>)
        tpu.yield
      }) : () -> ()
      %add3A_38 = arith.constant 128 : i32
      %add3A_39 = arith.addi %mul3A_2, %add3A_38 : i32
      "tpu.region"() ({
        %run_scoped3A_54 = tpu.sem_alloc : memref<!tpu.dma_semaphore, #tpu.memory_space<semaphore_mem>>
        %dma_start3A_55 = arith.constant 0 : i32
        %dma_start3A_56 = tpu.memref_slice %arg4[%add3A_39, %dma_start3A_55] : memref<10240x128xf32, #tpu.memory_space<hbm>> -> memref<128x128xf32, #tpu.memory_space<hbm>>
        %dma_start3A_57 = arith.constant 0 : i32
        %dma_start3A_58 = tpu.memref_slice %arg4[%add3A_39, %dma_start3A_57] : memref<10240x128xf32, #tpu.memory_space<hbm>> -> memref<128x128xf32, #tpu.memory_space<hbm>>
        tpu.enqueue_dma source(%dma_start3A_58 : memref<128x128xf32, #tpu.memory_space<hbm>>) target(%arg7 : memref<128x128xf32, #tpu.memory_space<vmem>>) target_semaphore(%run_scoped3A_54 : memref<!tpu.dma_semaphore, #tpu.memory_space<semaphore_mem>>)
        %dma_wait3A = arith.constant 0 : i32
        %dma_wait3A_59 = tpu.memref_slice %arg4[%add3A_39, %dma_wait3A] : memref<10240x128xf32, #tpu.memory_space<hbm>> -> memref<128x128xf32, #tpu.memory_space<hbm>>
        %dma_wait3A_60 = arith.constant 0 : i32
        %dma_wait3A_61 = tpu.memref_slice %arg4[%add3A_39, %dma_wait3A_60] : memref<10240x128xf32, #tpu.memory_space<hbm>> -> memref<128x128xf32, #tpu.memory_space<hbm>>
        tpu.wait_dma2 semaphore(%run_scoped3A_54 : memref<!tpu.dma_semaphore, #tpu.memory_space<semaphore_mem>>) src(%dma_wait3A_61 : memref<128x128xf32, #tpu.memory_space<hbm>>) dst(%arg7 : memref<128x128xf32, #tpu.memory_space<vmem>>)
        tpu.yield
      }) : () -> ()
      %add3A_40 = arith.constant 128 : i32
      %add3A_41 = arith.addi %mul3A_2, %add3A_40 : i32
      "tpu.region"() ({
        %run_scoped3A_54 = tpu.sem_alloc : memref<!tpu.dma_semaphore, #tpu.memory_space<semaphore_mem>>
        %dma_start3A_55 = arith.constant 0 : i32
        %dma_start3A_56 = tpu.memref_slice %arg15[%add3A_41, %dma_start3A_55] : memref<10240x128xf32, #tpu.memory_space<vmem_shared>> -> memref<128x128xf32, #tpu.memory_space<vmem_shared>>
        %dma_start3A_57 = arith.constant 0 : i32
        %dma_start3A_58 = tpu.memref_slice %arg15[%add3A_41, %dma_start3A_57] : memref<10240x128xf32, #tpu.memory_space<vmem_shared>> -> memref<128x128xf32, #tpu.memory_space<vmem_shared>>
        tpu.enqueue_dma source(%arg7 : memref<128x128xf32, #tpu.memory_space<vmem>>) target(%dma_start3A_58 : memref<128x128xf32, #tpu.memory_space<vmem_shared>>) target_semaphore(%run_scoped3A_54 : memref<!tpu.dma_semaphore, #tpu.memory_space<semaphore_mem>>)
        %dma_wait3A = arith.constant 0 : i32
        %dma_wait3A_59 = tpu.memref_slice %arg15[%add3A_41, %dma_wait3A] : memref<10240x128xf32, #tpu.memory_space<vmem_shared>> -> memref<128x128xf32, #tpu.memory_space<vmem_shared>>
        %dma_wait3A_60 = arith.constant 0 : i32
        %dma_wait3A_61 = tpu.memref_slice %arg15[%add3A_41, %dma_wait3A_60] : memref<10240x128xf32, #tpu.memory_space<vmem_shared>> -> memref<128x128xf32, #tpu.memory_space<vmem_shared>>
        tpu.wait_dma2 semaphore(%run_scoped3A_54 : memref<!tpu.dma_semaphore, #tpu.memory_space<semaphore_mem>>) src(%arg7 : memref<128x128xf32, #tpu.memory_space<vmem>>) dst(%dma_wait3A_61 : memref<128x128xf32, #tpu.memory_space<vmem_shared>>)
        tpu.yield
      }) : () -> ()
      %add3A_42 = arith.constant 256 : i32
      %add3A_43 = arith.addi %mul3A_2, %add3A_42 : i32
      "tpu.region"() ({
        %run_scoped3A_54 = tpu.sem_alloc : memref<!tpu.dma_semaphore, #tpu.memory_space<semaphore_mem>>
        %dma_start3A_55 = arith.constant 0 : i32
        %dma_start3A_56 = tpu.memref_slice %arg4[%add3A_43, %dma_start3A_55] : memref<10240x128xf32, #tpu.memory_space<hbm>> -> memref<128x128xf32, #tpu.memory_space<hbm>>
        %dma_start3A_57 = arith.constant 0 : i32
        %dma_start3A_58 = tpu.memref_slice %arg4[%add3A_43, %dma_start3A_57] : memref<10240x128xf32, #tpu.memory_space<hbm>> -> memref<128x128xf32, #tpu.memory_space<hbm>>
        tpu.enqueue_dma source(%dma_start3A_58 : memref<128x128xf32, #tpu.memory_space<hbm>>) target(%arg7 : memref<128x128xf32, #tpu.memory_space<vmem>>) target_semaphore(%run_scoped3A_54 : memref<!tpu.dma_semaphore, #tpu.memory_space<semaphore_mem>>)
        %dma_wait3A = arith.constant 0 : i32
        %dma_wait3A_59 = tpu.memref_slice %arg4[%add3A_43, %dma_wait3A] : memref<10240x128xf32, #tpu.memory_space<hbm>> -> memref<128x128xf32, #tpu.memory_space<hbm>>
        %dma_wait3A_60 = arith.constant 0 : i32
        %dma_wait3A_61 = tpu.memref_slice %arg4[%add3A_43, %dma_wait3A_60] : memref<10240x128xf32, #tpu.memory_space<hbm>> -> memref<128x128xf32, #tpu.memory_space<hbm>>
        tpu.wait_dma2 semaphore(%run_scoped3A_54 : memref<!tpu.dma_semaphore, #tpu.memory_space<semaphore_mem>>) src(%dma_wait3A_61 : memref<128x128xf32, #tpu.memory_space<hbm>>) dst(%arg7 : memref<128x128xf32, #tpu.memory_space<vmem>>)
        tpu.yield
      }) : () -> ()
      %add3A_44 = arith.constant 256 : i32
      %add3A_45 = arith.addi %mul3A_2, %add3A_44 : i32
      "tpu.region"() ({
        %run_scoped3A_54 = tpu.sem_alloc : memref<!tpu.dma_semaphore, #tpu.memory_space<semaphore_mem>>
        %dma_start3A_55 = arith.constant 0 : i32
        %dma_start3A_56 = tpu.memref_slice %arg15[%add3A_45, %dma_start3A_55] : memref<10240x128xf32, #tpu.memory_space<vmem_shared>> -> memref<128x128xf32, #tpu.memory_space<vmem_shared>>
        %dma_start3A_57 = arith.constant 0 : i32
        %dma_start3A_58 = tpu.memref_slice %arg15[%add3A_45, %dma_start3A_57] : memref<10240x128xf32, #tpu.memory_space<vmem_shared>> -> memref<128x128xf32, #tpu.memory_space<vmem_shared>>
        tpu.enqueue_dma source(%arg7 : memref<128x128xf32, #tpu.memory_space<vmem>>) target(%dma_start3A_58 : memref<128x128xf32, #tpu.memory_space<vmem_shared>>) target_semaphore(%run_scoped3A_54 : memref<!tpu.dma_semaphore, #tpu.memory_space<semaphore_mem>>)
        %dma_wait3A = arith.constant 0 : i32
        %dma_wait3A_59 = tpu.memref_slice %arg15[%add3A_45, %dma_wait3A] : memref<10240x128xf32, #tpu.memory_space<vmem_shared>> -> memref<128x128xf32, #tpu.memory_space<vmem_shared>>
        %dma_wait3A_60 = arith.constant 0 : i32
        %dma_wait3A_61 = tpu.memref_slice %arg15[%add3A_45, %dma_wait3A_60] : memref<10240x128xf32, #tpu.memory_space<vmem_shared>> -> memref<128x128xf32, #tpu.memory_space<vmem_shared>>
        tpu.wait_dma2 semaphore(%run_scoped3A_54 : memref<!tpu.dma_semaphore, #tpu.memory_space<semaphore_mem>>) src(%arg7 : memref<128x128xf32, #tpu.memory_space<vmem>>) dst(%dma_wait3A_61 : memref<128x128xf32, #tpu.memory_space<vmem_shared>>)
        tpu.yield
      }) : () -> ()
      %add3A_46 = arith.constant 384 : i32
      %add3A_47 = arith.addi %mul3A_2, %add3A_46 : i32
      "tpu.region"() ({
        %run_scoped3A_54 = tpu.sem_alloc : memref<!tpu.dma_semaphore, #tpu.memory_space<semaphore_mem>>
        %dma_start3A_55 = arith.constant 0 : i32
        %dma_start3A_56 = tpu.memref_slice %arg4[%add3A_47, %dma_start3A_55] : memref<10240x128xf32, #tpu.memory_space<hbm>> -> memref<128x128xf32, #tpu.memory_space<hbm>>
        %dma_start3A_57 = arith.constant 0 : i32
        %dma_start3A_58 = tpu.memref_slice %arg4[%add3A_47, %dma_start3A_57] : memref<10240x128xf32, #tpu.memory_space<hbm>> -> memref<128x128xf32, #tpu.memory_space<hbm>>
        tpu.enqueue_dma source(%dma_start3A_58 : memref<128x128xf32, #tpu.memory_space<hbm>>) target(%arg7 : memref<128x128xf32, #tpu.memory_space<vmem>>) target_semaphore(%run_scoped3A_54 : memref<!tpu.dma_semaphore, #tpu.memory_space<semaphore_mem>>)
        %dma_wait3A = arith.constant 0 : i32
        %dma_wait3A_59 = tpu.memref_slice %arg4[%add3A_47, %dma_wait3A] : memref<10240x128xf32, #tpu.memory_space<hbm>> -> memref<128x128xf32, #tpu.memory_space<hbm>>
        %dma_wait3A_60 = arith.constant 0 : i32
        %dma_wait3A_61 = tpu.memref_slice %arg4[%add3A_47, %dma_wait3A_60] : memref<10240x128xf32, #tpu.memory_space<hbm>> -> memref<128x128xf32, #tpu.memory_space<hbm>>
        tpu.wait_dma2 semaphore(%run_scoped3A_54 : memref<!tpu.dma_semaphore, #tpu.memory_space<semaphore_mem>>) src(%dma_wait3A_61 : memref<128x128xf32, #tpu.memory_space<hbm>>) dst(%arg7 : memref<128x128xf32, #tpu.memory_space<vmem>>)
        tpu.yield
      }) : () -> ()
      %add3A_48 = arith.constant 384 : i32
      %add3A_49 = arith.addi %mul3A_2, %add3A_48 : i32
      "tpu.region"() ({
        %run_scoped3A_54 = tpu.sem_alloc : memref<!tpu.dma_semaphore, #tpu.memory_space<semaphore_mem>>
        %dma_start3A_55 = arith.constant 0 : i32
        %dma_start3A_56 = tpu.memref_slice %arg15[%add3A_49, %dma_start3A_55] : memref<10240x128xf32, #tpu.memory_space<vmem_shared>> -> memref<128x128xf32, #tpu.memory_space<vmem_shared>>
        %dma_start3A_57 = arith.constant 0 : i32
        %dma_start3A_58 = tpu.memref_slice %arg15[%add3A_49, %dma_start3A_57] : memref<10240x128xf32, #tpu.memory_space<vmem_shared>> -> memref<128x128xf32, #tpu.memory_space<vmem_shared>>
        tpu.enqueue_dma source(%arg7 : memref<128x128xf32, #tpu.memory_space<vmem>>) target(%dma_start3A_58 : memref<128x128xf32, #tpu.memory_space<vmem_shared>>) target_semaphore(%run_scoped3A_54 : memref<!tpu.dma_semaphore, #tpu.memory_space<semaphore_mem>>)
        %dma_wait3A = arith.constant 0 : i32
        %dma_wait3A_59 = tpu.memref_slice %arg15[%add3A_49, %dma_wait3A] : memref<10240x128xf32, #tpu.memory_space<vmem_shared>> -> memref<128x128xf32, #tpu.memory_space<vmem_shared>>
        %dma_wait3A_60 = arith.constant 0 : i32
        %dma_wait3A_61 = tpu.memref_slice %arg15[%add3A_49, %dma_wait3A_60] : memref<10240x128xf32, #tpu.memory_space<vmem_shared>> -> memref<128x128xf32, #tpu.memory_space<vmem_shared>>
        tpu.wait_dma2 semaphore(%run_scoped3A_54 : memref<!tpu.dma_semaphore, #tpu.memory_space<semaphore_mem>>) src(%arg7 : memref<128x128xf32, #tpu.memory_space<vmem>>) dst(%dma_wait3A_61 : memref<128x128xf32, #tpu.memory_space<vmem_shared>>)
        tpu.yield
      }) : () -> ()
      %add3A_50 = arith.constant 512 : i32
      %add3A_51 = arith.addi %mul3A_2, %add3A_50 : i32
      "tpu.region"() ({
        %run_scoped3A_54 = tpu.sem_alloc : memref<!tpu.dma_semaphore, #tpu.memory_space<semaphore_mem>>
        %dma_start3A_55 = arith.constant 0 : i32
        %dma_start3A_56 = tpu.memref_slice %arg4[%add3A_51, %dma_start3A_55] : memref<10240x128xf32, #tpu.memory_space<hbm>> -> memref<128x128xf32, #tpu.memory_space<hbm>>
        %dma_start3A_57 = arith.constant 0 : i32
        %dma_start3A_58 = tpu.memref_slice %arg4[%add3A_51, %dma_start3A_57] : memref<10240x128xf32, #tpu.memory_space<hbm>> -> memref<128x128xf32, #tpu.memory_space<hbm>>
        tpu.enqueue_dma source(%dma_start3A_58 : memref<128x128xf32, #tpu.memory_space<hbm>>) target(%arg7 : memref<128x128xf32, #tpu.memory_space<vmem>>) target_semaphore(%run_scoped3A_54 : memref<!tpu.dma_semaphore, #tpu.memory_space<semaphore_mem>>)
        %dma_wait3A = arith.constant 0 : i32
        %dma_wait3A_59 = tpu.memref_slice %arg4[%add3A_51, %dma_wait3A] : memref<10240x128xf32, #tpu.memory_space<hbm>> -> memref<128x128xf32, #tpu.memory_space<hbm>>
        %dma_wait3A_60 = arith.constant 0 : i32
        %dma_wait3A_61 = tpu.memref_slice %arg4[%add3A_51, %dma_wait3A_60] : memref<10240x128xf32, #tpu.memory_space<hbm>> -> memref<128x128xf32, #tpu.memory_space<hbm>>
        tpu.wait_dma2 semaphore(%run_scoped3A_54 : memref<!tpu.dma_semaphore, #tpu.memory_space<semaphore_mem>>) src(%dma_wait3A_61 : memref<128x128xf32, #tpu.memory_space<hbm>>) dst(%arg7 : memref<128x128xf32, #tpu.memory_space<vmem>>)
        tpu.yield
      }) : () -> ()
      %add3A_52 = arith.constant 512 : i32
      %add3A_53 = arith.addi %mul3A_2, %add3A_52 : i32
      "tpu.region"() ({
        %run_scoped3A_54 = tpu.sem_alloc : memref<!tpu.dma_semaphore, #tpu.memory_space<semaphore_mem>>
        %dma_start3A_55 = arith.constant 0 : i32
        %dma_start3A_56 = tpu.memref_slice %arg15[%add3A_53, %dma_start3A_55] : memref<10240x128xf32, #tpu.memory_space<vmem_shared>> -> memref<128x128xf32, #tpu.memory_space<vmem_shared>>
        %dma_start3A_57 = arith.constant 0 : i32
        %dma_start3A_58 = tpu.memref_slice %arg15[%add3A_53, %dma_start3A_57] : memref<10240x128xf32, #tpu.memory_space<vmem_shared>> -> memref<128x128xf32, #tpu.memory_space<vmem_shared>>
        tpu.enqueue_dma source(%arg7 : memref<128x128xf32, #tpu.memory_space<vmem>>) target(%dma_start3A_58 : memref<128x128xf32, #tpu.memory_space<vmem_shared>>) target_semaphore(%run_scoped3A_54 : memref<!tpu.dma_semaphore, #tpu.memory_space<semaphore_mem>>)
        %dma_wait3A = arith.constant 0 : i32
        %dma_wait3A_59 = tpu.memref_slice %arg15[%add3A_53, %dma_wait3A] : memref<10240x128xf32, #tpu.memory_space<vmem_shared>> -> memref<128x128xf32, #tpu.memory_space<vmem_shared>>
        %dma_wait3A_60 = arith.constant 0 : i32
        %dma_wait3A_61 = tpu.memref_slice %arg15[%add3A_53, %dma_wait3A_60] : memref<10240x128xf32, #tpu.memory_space<vmem_shared>> -> memref<128x128xf32, #tpu.memory_space<vmem_shared>>
        tpu.wait_dma2 semaphore(%run_scoped3A_54 : memref<!tpu.dma_semaphore, #tpu.memory_space<semaphore_mem>>) src(%arg7 : memref<128x128xf32, #tpu.memory_space<vmem>>) dst(%dma_wait3A_61 : memref<128x128xf32, #tpu.memory_space<vmem_shared>>)
        tpu.yield
      }) : () -> ()
    } else {
    }
    %eq3A_5 = arith.constant 1 : i32
    %eq3A_6 = arith.cmpi eq, %arg0, %eq3A_5 : i32
    %convert_element_type3A_7 = arith.extui %eq3A_6 : i1 to i32
    %cond3A_8 = arith.constant 0 : i32
    %cond3A_9 = arith.cmpi ne, %convert_element_type3A_7, %cond3A_8 : i32
    scf.if %cond3A_9 {
      %add3A_34 = arith.constant 0 : i32
      %add3A_35 = arith.addi %mul3A_2, %add3A_34 : i32
      "tpu.region"() ({
        %run_scoped3A_54 = tpu.sem_alloc : memref<!tpu.dma_semaphore, #tpu.memory_space<semaphore_mem>>
        %dma_start3A_55 = arith.constant 0 : i32
        %dma_start3A_56 = tpu.memref_slice %arg5[%add3A_35, %dma_start3A_55] : memref<10240x128xf32, #tpu.memory_space<hbm>> -> memref<128x128xf32, #tpu.memory_space<hbm>>
        %dma_start3A_57 = arith.constant 0 : i32
        %dma_start3A_58 = tpu.memref_slice %arg5[%add3A_35, %dma_start3A_57] : memref<10240x128xf32, #tpu.memory_space<hbm>> -> memref<128x128xf32, #tpu.memory_space<hbm>>
        tpu.enqueue_dma source(%dma_start3A_58 : memref<128x128xf32, #tpu.memory_space<hbm>>) target(%arg7 : memref<128x128xf32, #tpu.memory_space<vmem>>) target_semaphore(%run_scoped3A_54 : memref<!tpu.dma_semaphore, #tpu.memory_space<semaphore_mem>>)
        %dma_wait3A = arith.constant 0 : i32
        %dma_wait3A_59 = tpu.memref_slice %arg5[%add3A_35, %dma_wait3A] : memref<10240x128xf32, #tpu.memory_space<hbm>> -> memref<128x128xf32, #tpu.memory_space<hbm>>
        %dma_wait3A_60 = arith.constant 0 : i32
        %dma_wait3A_61 = tpu.memref_slice %arg5[%add3A_35, %dma_wait3A_60] : memref<10240x128xf32, #tpu.memory_space<hbm>> -> memref<128x128xf32, #tpu.memory_space<hbm>>
        tpu.wait_dma2 semaphore(%run_scoped3A_54 : memref<!tpu.dma_semaphore, #tpu.memory_space<semaphore_mem>>) src(%dma_wait3A_61 : memref<128x128xf32, #tpu.memory_space<hbm>>) dst(%arg7 : memref<128x128xf32, #tpu.memory_space<vmem>>)
        tpu.yield
      }) : () -> ()
      %add3A_36 = arith.constant 0 : i32
      %add3A_37 = arith.addi %mul3A_2, %add3A_36 : i32
      "tpu.region"() ({
        %run_scoped3A_54 = tpu.sem_alloc : memref<!tpu.dma_semaphore, #tpu.memory_space<semaphore_mem>>
        %dma_start3A_55 = arith.constant 0 : i32
        %dma_start3A_56 = tpu.memref_slice %arg15[%add3A_37, %dma_start3A_55] : memref<10240x128xf32, #tpu.memory_space<vmem_shared>> -> memref<128x128xf32, #tpu.memory_space<vmem_shared>>
        %dma_start3A_57 = arith.constant 0 : i32
        %dma_start3A_58 = tpu.memref_slice %arg15[%add3A_37, %dma_start3A_57] : memref<10240x128xf32, #tpu.memory_space<vmem_shared>> -> memref<128x128xf32, #tpu.memory_space<vmem_shared>>
        tpu.enqueue_dma source(%arg7 : memref<128x128xf32, #tpu.memory_space<vmem>>) target(%dma_start3A_58 : memref<128x128xf32, #tpu.memory_space<vmem_shared>>) target_semaphore(%run_scoped3A_54 : memref<!tpu.dma_semaphore, #tpu.memory_space<semaphore_mem>>)
        %dma_wait3A = arith.constant 0 : i32
        %dma_wait3A_59 = tpu.memref_slice %arg15[%add3A_37, %dma_wait3A] : memref<10240x128xf32, #tpu.memory_space<vmem_shared>> -> memref<128x128xf32, #tpu.memory_space<vmem_shared>>
        %dma_wait3A_60 = arith.constant 0 : i32
        %dma_wait3A_61 = tpu.memref_slice %arg15[%add3A_37, %dma_wait3A_60] : memref<10240x128xf32, #tpu.memory_space<vmem_shared>> -> memref<128x128xf32, #tpu.memory_space<vmem_shared>>
        tpu.wait_dma2 semaphore(%run_scoped3A_54 : memref<!tpu.dma_semaphore, #tpu.memory_space<semaphore_mem>>) src(%arg7 : memref<128x128xf32, #tpu.memory_space<vmem>>) dst(%dma_wait3A_61 : memref<128x128xf32, #tpu.memory_space<vmem_shared>>)
        tpu.yield
      }) : () -> ()
      %add3A_38 = arith.constant 128 : i32
      %add3A_39 = arith.addi %mul3A_2, %add3A_38 : i32
      "tpu.region"() ({
        %run_scoped3A_54 = tpu.sem_alloc : memref<!tpu.dma_semaphore, #tpu.memory_space<semaphore_mem>>
        %dma_start3A_55 = arith.constant 0 : i32
        %dma_start3A_56 = tpu.memref_slice %arg5[%add3A_39, %dma_start3A_55] : memref<10240x128xf32, #tpu.memory_space<hbm>> -> memref<128x128xf32, #tpu.memory_space<hbm>>
        %dma_start3A_57 = arith.constant 0 : i32
        %dma_start3A_58 = tpu.memref_slice %arg5[%add3A_39, %dma_start3A_57] : memref<10240x128xf32, #tpu.memory_space<hbm>> -> memref<128x128xf32, #tpu.memory_space<hbm>>
        tpu.enqueue_dma source(%dma_start3A_58 : memref<128x128xf32, #tpu.memory_space<hbm>>) target(%arg7 : memref<128x128xf32, #tpu.memory_space<vmem>>) target_semaphore(%run_scoped3A_54 : memref<!tpu.dma_semaphore, #tpu.memory_space<semaphore_mem>>)
        %dma_wait3A = arith.constant 0 : i32
        %dma_wait3A_59 = tpu.memref_slice %arg5[%add3A_39, %dma_wait3A] : memref<10240x128xf32, #tpu.memory_space<hbm>> -> memref<128x128xf32, #tpu.memory_space<hbm>>
        %dma_wait3A_60 = arith.constant 0 : i32
        %dma_wait3A_61 = tpu.memref_slice %arg5[%add3A_39, %dma_wait3A_60] : memref<10240x128xf32, #tpu.memory_space<hbm>> -> memref<128x128xf32, #tpu.memory_space<hbm>>
        tpu.wait_dma2 semaphore(%run_scoped3A_54 : memref<!tpu.dma_semaphore, #tpu.memory_space<semaphore_mem>>) src(%dma_wait3A_61 : memref<128x128xf32, #tpu.memory_space<hbm>>) dst(%arg7 : memref<128x128xf32, #tpu.memory_space<vmem>>)
        tpu.yield
      }) : () -> ()
      %add3A_40 = arith.constant 128 : i32
      %add3A_41 = arith.addi %mul3A_2, %add3A_40 : i32
      "tpu.region"() ({
        %run_scoped3A_54 = tpu.sem_alloc : memref<!tpu.dma_semaphore, #tpu.memory_space<semaphore_mem>>
        %dma_start3A_55 = arith.constant 0 : i32
        %dma_start3A_56 = tpu.memref_slice %arg15[%add3A_41, %dma_start3A_55] : memref<10240x128xf32, #tpu.memory_space<vmem_shared>> -> memref<128x128xf32, #tpu.memory_space<vmem_shared>>
        %dma_start3A_57 = arith.constant 0 : i32
        %dma_start3A_58 = tpu.memref_slice %arg15[%add3A_41, %dma_start3A_57] : memref<10240x128xf32, #tpu.memory_space<vmem_shared>> -> memref<128x128xf32, #tpu.memory_space<vmem_shared>>
        tpu.enqueue_dma source(%arg7 : memref<128x128xf32, #tpu.memory_space<vmem>>) target(%dma_start3A_58 : memref<128x128xf32, #tpu.memory_space<vmem_shared>>) target_semaphore(%run_scoped3A_54 : memref<!tpu.dma_semaphore, #tpu.memory_space<semaphore_mem>>)
        %dma_wait3A = arith.constant 0 : i32
        %dma_wait3A_59 = tpu.memref_slice %arg15[%add3A_41, %dma_wait3A] : memref<10240x128xf32, #tpu.memory_space<vmem_shared>> -> memref<128x128xf32, #tpu.memory_space<vmem_shared>>
        %dma_wait3A_60 = arith.constant 0 : i32
        %dma_wait3A_61 = tpu.memref_slice %arg15[%add3A_41, %dma_wait3A_60] : memref<10240x128xf32, #tpu.memory_space<vmem_shared>> -> memref<128x128xf32, #tpu.memory_space<vmem_shared>>
        tpu.wait_dma2 semaphore(%run_scoped3A_54 : memref<!tpu.dma_semaphore, #tpu.memory_space<semaphore_mem>>) src(%arg7 : memref<128x128xf32, #tpu.memory_space<vmem>>) dst(%dma_wait3A_61 : memref<128x128xf32, #tpu.memory_space<vmem_shared>>)
        tpu.yield
      }) : () -> ()
      %add3A_42 = arith.constant 256 : i32
      %add3A_43 = arith.addi %mul3A_2, %add3A_42 : i32
      "tpu.region"() ({
        %run_scoped3A_54 = tpu.sem_alloc : memref<!tpu.dma_semaphore, #tpu.memory_space<semaphore_mem>>
        %dma_start3A_55 = arith.constant 0 : i32
        %dma_start3A_56 = tpu.memref_slice %arg5[%add3A_43, %dma_start3A_55] : memref<10240x128xf32, #tpu.memory_space<hbm>> -> memref<128x128xf32, #tpu.memory_space<hbm>>
        %dma_start3A_57 = arith.constant 0 : i32
        %dma_start3A_58 = tpu.memref_slice %arg5[%add3A_43, %dma_start3A_57] : memref<10240x128xf32, #tpu.memory_space<hbm>> -> memref<128x128xf32, #tpu.memory_space<hbm>>
        tpu.enqueue_dma source(%dma_start3A_58 : memref<128x128xf32, #tpu.memory_space<hbm>>) target(%arg7 : memref<128x128xf32, #tpu.memory_space<vmem>>) target_semaphore(%run_scoped3A_54 : memref<!tpu.dma_semaphore, #tpu.memory_space<semaphore_mem>>)
        %dma_wait3A = arith.constant 0 : i32
        %dma_wait3A_59 = tpu.memref_slice %arg5[%add3A_43, %dma_wait3A] : memref<10240x128xf32, #tpu.memory_space<hbm>> -> memref<128x128xf32, #tpu.memory_space<hbm>>
        %dma_wait3A_60 = arith.constant 0 : i32
        %dma_wait3A_61 = tpu.memref_slice %arg5[%add3A_43, %dma_wait3A_60] : memref<10240x128xf32, #tpu.memory_space<hbm>> -> memref<128x128xf32, #tpu.memory_space<hbm>>
        tpu.wait_dma2 semaphore(%run_scoped3A_54 : memref<!tpu.dma_semaphore, #tpu.memory_space<semaphore_mem>>) src(%dma_wait3A_61 : memref<128x128xf32, #tpu.memory_space<hbm>>) dst(%arg7 : memref<128x128xf32, #tpu.memory_space<vmem>>)
        tpu.yield
      }) : () -> ()
      %add3A_44 = arith.constant 256 : i32
      %add3A_45 = arith.addi %mul3A_2, %add3A_44 : i32
      "tpu.region"() ({
        %run_scoped3A_54 = tpu.sem_alloc : memref<!tpu.dma_semaphore, #tpu.memory_space<semaphore_mem>>
        %dma_start3A_55 = arith.constant 0 : i32
        %dma_start3A_56 = tpu.memref_slice %arg15[%add3A_45, %dma_start3A_55] : memref<10240x128xf32, #tpu.memory_space<vmem_shared>> -> memref<128x128xf32, #tpu.memory_space<vmem_shared>>
        %dma_start3A_57 = arith.constant 0 : i32
        %dma_start3A_58 = tpu.memref_slice %arg15[%add3A_45, %dma_start3A_57] : memref<10240x128xf32, #tpu.memory_space<vmem_shared>> -> memref<128x128xf32, #tpu.memory_space<vmem_shared>>
        tpu.enqueue_dma source(%arg7 : memref<128x128xf32, #tpu.memory_space<vmem>>) target(%dma_start3A_58 : memref<128x128xf32, #tpu.memory_space<vmem_shared>>) target_semaphore(%run_scoped3A_54 : memref<!tpu.dma_semaphore, #tpu.memory_space<semaphore_mem>>)
        %dma_wait3A = arith.constant 0 : i32
        %dma_wait3A_59 = tpu.memref_slice %arg15[%add3A_45, %dma_wait3A] : memref<10240x128xf32, #tpu.memory_space<vmem_shared>> -> memref<128x128xf32, #tpu.memory_space<vmem_shared>>
        %dma_wait3A_60 = arith.constant 0 : i32
        %dma_wait3A_61 = tpu.memref_slice %arg15[%add3A_45, %dma_wait3A_60] : memref<10240x128xf32, #tpu.memory_space<vmem_shared>> -> memref<128x128xf32, #tpu.memory_space<vmem_shared>>
        tpu.wait_dma2 semaphore(%run_scoped3A_54 : memref<!tpu.dma_semaphore, #tpu.memory_space<semaphore_mem>>) src(%arg7 : memref<128x128xf32, #tpu.memory_space<vmem>>) dst(%dma_wait3A_61 : memref<128x128xf32, #tpu.memory_space<vmem_shared>>)
        tpu.yield
      }) : () -> ()
      %add3A_46 = arith.constant 384 : i32
      %add3A_47 = arith.addi %mul3A_2, %add3A_46 : i32
      "tpu.region"() ({
        %run_scoped3A_54 = tpu.sem_alloc : memref<!tpu.dma_semaphore, #tpu.memory_space<semaphore_mem>>
        %dma_start3A_55 = arith.constant 0 : i32
        %dma_start3A_56 = tpu.memref_slice %arg5[%add3A_47, %dma_start3A_55] : memref<10240x128xf32, #tpu.memory_space<hbm>> -> memref<128x128xf32, #tpu.memory_space<hbm>>
        %dma_start3A_57 = arith.constant 0 : i32
        %dma_start3A_58 = tpu.memref_slice %arg5[%add3A_47, %dma_start3A_57] : memref<10240x128xf32, #tpu.memory_space<hbm>> -> memref<128x128xf32, #tpu.memory_space<hbm>>
        tpu.enqueue_dma source(%dma_start3A_58 : memref<128x128xf32, #tpu.memory_space<hbm>>) target(%arg7 : memref<128x128xf32, #tpu.memory_space<vmem>>) target_semaphore(%run_scoped3A_54 : memref<!tpu.dma_semaphore, #tpu.memory_space<semaphore_mem>>)
        %dma_wait3A = arith.constant 0 : i32
        %dma_wait3A_59 = tpu.memref_slice %arg5[%add3A_47, %dma_wait3A] : memref<10240x128xf32, #tpu.memory_space<hbm>> -> memref<128x128xf32, #tpu.memory_space<hbm>>
        %dma_wait3A_60 = arith.constant 0 : i32
        %dma_wait3A_61 = tpu.memref_slice %arg5[%add3A_47, %dma_wait3A_60] : memref<10240x128xf32, #tpu.memory_space<hbm>> -> memref<128x128xf32, #tpu.memory_space<hbm>>
        tpu.wait_dma2 semaphore(%run_scoped3A_54 : memref<!tpu.dma_semaphore, #tpu.memory_space<semaphore_mem>>) src(%dma_wait3A_61 : memref<128x128xf32, #tpu.memory_space<hbm>>) dst(%arg7 : memref<128x128xf32, #tpu.memory_space<vmem>>)
        tpu.yield
      }) : () -> ()
      %add3A_48 = arith.constant 384 : i32
      %add3A_49 = arith.addi %mul3A_2, %add3A_48 : i32
      "tpu.region"() ({
        %run_scoped3A_54 = tpu.sem_alloc : memref<!tpu.dma_semaphore, #tpu.memory_space<semaphore_mem>>
        %dma_start3A_55 = arith.constant 0 : i32
        %dma_start3A_56 = tpu.memref_slice %arg15[%add3A_49, %dma_start3A_55] : memref<10240x128xf32, #tpu.memory_space<vmem_shared>> -> memref<128x128xf32, #tpu.memory_space<vmem_shared>>
        %dma_start3A_57 = arith.constant 0 : i32
        %dma_start3A_58 = tpu.memref_slice %arg15[%add3A_49, %dma_start3A_57] : memref<10240x128xf32, #tpu.memory_space<vmem_shared>> -> memref<128x128xf32, #tpu.memory_space<vmem_shared>>
        tpu.enqueue_dma source(%arg7 : memref<128x128xf32, #tpu.memory_space<vmem>>) target(%dma_start3A_58 : memref<128x128xf32, #tpu.memory_space<vmem_shared>>) target_semaphore(%run_scoped3A_54 : memref<!tpu.dma_semaphore, #tpu.memory_space<semaphore_mem>>)
        %dma_wait3A = arith.constant 0 : i32
        %dma_wait3A_59 = tpu.memref_slice %arg15[%add3A_49, %dma_wait3A] : memref<10240x128xf32, #tpu.memory_space<vmem_shared>> -> memref<128x128xf32, #tpu.memory_space<vmem_shared>>
        %dma_wait3A_60 = arith.constant 0 : i32
        %dma_wait3A_61 = tpu.memref_slice %arg15[%add3A_49, %dma_wait3A_60] : memref<10240x128xf32, #tpu.memory_space<vmem_shared>> -> memref<128x128xf32, #tpu.memory_space<vmem_shared>>
        tpu.wait_dma2 semaphore(%run_scoped3A_54 : memref<!tpu.dma_semaphore, #tpu.memory_space<semaphore_mem>>) src(%arg7 : memref<128x128xf32, #tpu.memory_space<vmem>>) dst(%dma_wait3A_61 : memref<128x128xf32, #tpu.memory_space<vmem_shared>>)
        tpu.yield
      }) : () -> ()
      %add3A_50 = arith.constant 512 : i32
      %add3A_51 = arith.addi %mul3A_2, %add3A_50 : i32
      "tpu.region"() ({
        %run_scoped3A_54 = tpu.sem_alloc : memref<!tpu.dma_semaphore, #tpu.memory_space<semaphore_mem>>
        %dma_start3A_55 = arith.constant 0 : i32
        %dma_start3A_56 = tpu.memref_slice %arg5[%add3A_51, %dma_start3A_55] : memref<10240x128xf32, #tpu.memory_space<hbm>> -> memref<128x128xf32, #tpu.memory_space<hbm>>
        %dma_start3A_57 = arith.constant 0 : i32
        %dma_start3A_58 = tpu.memref_slice %arg5[%add3A_51, %dma_start3A_57] : memref<10240x128xf32, #tpu.memory_space<hbm>> -> memref<128x128xf32, #tpu.memory_space<hbm>>
        tpu.enqueue_dma source(%dma_start3A_58 : memref<128x128xf32, #tpu.memory_space<hbm>>) target(%arg7 : memref<128x128xf32, #tpu.memory_space<vmem>>) target_semaphore(%run_scoped3A_54 : memref<!tpu.dma_semaphore, #tpu.memory_space<semaphore_mem>>)
        %dma_wait3A = arith.constant 0 : i32
        %dma_wait3A_59 = tpu.memref_slice %arg5[%add3A_51, %dma_wait3A] : memref<10240x128xf32, #tpu.memory_space<hbm>> -> memref<128x128xf32, #tpu.memory_space<hbm>>
        %dma_wait3A_60 = arith.constant 0 : i32
        %dma_wait3A_61 = tpu.memref_slice %arg5[%add3A_51, %dma_wait3A_60] : memref<10240x128xf32, #tpu.memory_space<hbm>> -> memref<128x128xf32, #tpu.memory_space<hbm>>
        tpu.wait_dma2 semaphore(%run_scoped3A_54 : memref<!tpu.dma_semaphore, #tpu.memory_space<semaphore_mem>>) src(%dma_wait3A_61 : memref<128x128xf32, #tpu.memory_space<hbm>>) dst(%arg7 : memref<128x128xf32, #tpu.memory_space<vmem>>)
        tpu.yield
      }) : () -> ()
      %add3A_52 = arith.constant 512 : i32
      %add3A_53 = arith.addi %mul3A_2, %add3A_52 : i32
      "tpu.region"() ({
        %run_scoped3A_54 = tpu.sem_alloc : memref<!tpu.dma_semaphore, #tpu.memory_space<semaphore_mem>>
        %dma_start3A_55 = arith.constant 0 : i32
        %dma_start3A_56 = tpu.memref_slice %arg15[%add3A_53, %dma_start3A_55] : memref<10240x128xf32, #tpu.memory_space<vmem_shared>> -> memref<128x128xf32, #tpu.memory_space<vmem_shared>>
        %dma_start3A_57 = arith.constant 0 : i32
        %dma_start3A_58 = tpu.memref_slice %arg15[%add3A_53, %dma_start3A_57] : memref<10240x128xf32, #tpu.memory_space<vmem_shared>> -> memref<128x128xf32, #tpu.memory_space<vmem_shared>>
        tpu.enqueue_dma source(%arg7 : memref<128x128xf32, #tpu.memory_space<vmem>>) target(%dma_start3A_58 : memref<128x128xf32, #tpu.memory_space<vmem_shared>>) target_semaphore(%run_scoped3A_54 : memref<!tpu.dma_semaphore, #tpu.memory_space<semaphore_mem>>)
        %dma_wait3A = arith.constant 0 : i32
        %dma_wait3A_59 = tpu.memref_slice %arg15[%add3A_53, %dma_wait3A] : memref<10240x128xf32, #tpu.memory_space<vmem_shared>> -> memref<128x128xf32, #tpu.memory_space<vmem_shared>>
        %dma_wait3A_60 = arith.constant 0 : i32
        %dma_wait3A_61 = tpu.memref_slice %arg15[%add3A_53, %dma_wait3A_60] : memref<10240x128xf32, #tpu.memory_space<vmem_shared>> -> memref<128x128xf32, #tpu.memory_space<vmem_shared>>
        tpu.wait_dma2 semaphore(%run_scoped3A_54 : memref<!tpu.dma_semaphore, #tpu.memory_space<semaphore_mem>>) src(%arg7 : memref<128x128xf32, #tpu.memory_space<vmem>>) dst(%dma_wait3A_61 : memref<128x128xf32, #tpu.memory_space<vmem_shared>>)
        tpu.yield
      }) : () -> ()
    } else {
    }
    %barrier3A = arith.constant 0 : index
    tpu.barrier barrier_id(%barrier3A)
    %run_scoped3A = arith.constant 0 : i32
    "tpu.region"() ({
      %run_scoped3A_34 = tpu.sem_alloc : memref<!tpu.dma_semaphore, #tpu.memory_space<semaphore_mem>>
      %dma_start3A_35 = arith.constant 0 : i32
      %dma_start3A_36 = tpu.memref_slice %arg2[%add3A, %run_scoped3A, %dma_start3A_35] : memref<32x80x128xi32, #tpu.memory_space<hbm>> -> memref<1x1x128xi32, #tpu.memory_space<hbm>>
      %dma_start3A_37 = tpu.memref_squeeze %dma_start3A_36 : memref<1x1x128xi32, #tpu.memory_space<hbm>> -> memref<128xi32, #tpu.memory_space<hbm>>
      %dma_start3A_38 = arith.constant 0 : i32
      %dma_start3A_39 = tpu.memref_slice %arg2[%add3A, %run_scoped3A, %dma_start3A_38] : memref<32x80x128xi32, #tpu.memory_space<hbm>> -> memref<1x1x128xi32, #tpu.memory_space<hbm>>
      %dma_start3A_40 = tpu.memref_squeeze %dma_start3A_39 : memref<1x1x128xi32, #tpu.memory_space<hbm>> -> memref<128xi32, #tpu.memory_space<hbm>>
      tpu.enqueue_dma source(%dma_start3A_40 : memref<128xi32, #tpu.memory_space<hbm>>) target(%arg9 : memref<128xi32, #tpu.memory_space<vmem>>) target_semaphore(%run_scoped3A_34 : memref<!tpu.dma_semaphore, #tpu.memory_space<semaphore_mem>>)
      %dma_wait3A = arith.constant 0 : i32
      %dma_wait3A_41 = tpu.memref_slice %arg2[%add3A, %run_scoped3A, %dma_wait3A] : memref<32x80x128xi32, #tpu.memory_space<hbm>> -> memref<1x1x128xi32, #tpu.memory_space<hbm>>
      %dma_wait3A_42 = tpu.memref_squeeze %dma_wait3A_41 : memref<1x1x128xi32, #tpu.memory_space<hbm>> -> memref<128xi32, #tpu.memory_space<hbm>>
      %dma_wait3A_43 = arith.constant 0 : i32
      %dma_wait3A_44 = tpu.memref_slice %arg2[%add3A, %run_scoped3A, %dma_wait3A_43] : memref<32x80x128xi32, #tpu.memory_space<hbm>> -> memref<1x1x128xi32, #tpu.memory_space<hbm>>
      %dma_wait3A_45 = tpu.memref_squeeze %dma_wait3A_44 : memref<1x1x128xi32, #tpu.memory_space<hbm>> -> memref<128xi32, #tpu.memory_space<hbm>>
      tpu.wait_dma2 semaphore(%run_scoped3A_34 : memref<!tpu.dma_semaphore, #tpu.memory_space<semaphore_mem>>) src(%dma_wait3A_45 : memref<128xi32, #tpu.memory_space<hbm>>) dst(%arg9 : memref<128xi32, #tpu.memory_space<vmem>>)
      tpu.yield
    }) : () -> ()
    %run_scoped3A_10 = arith.constant 0 : i32
    "tpu.region"() ({
      %run_scoped3A_34 = tpu.sem_alloc : memref<!tpu.dma_semaphore, #tpu.memory_space<semaphore_mem>>
      %dma_start3A_35 = arith.constant 0 : i32
      %dma_start3A_36 = tpu.memref_slice %arg3[%add3A, %run_scoped3A_10, %dma_start3A_35] : memref<32x80x128xi32, #tpu.memory_space<hbm>> -> memref<1x1x128xi32, #tpu.memory_space<hbm>>
      %dma_start3A_37 = tpu.memref_squeeze %dma_start3A_36 : memref<1x1x128xi32, #tpu.memory_space<hbm>> -> memref<128xi32, #tpu.memory_space<hbm>>
      %dma_start3A_38 = arith.constant 0 : i32
      %dma_start3A_39 = tpu.memref_slice %arg3[%add3A, %run_scoped3A_10, %dma_start3A_38] : memref<32x80x128xi32, #tpu.memory_space<hbm>> -> memref<1x1x128xi32, #tpu.memory_space<hbm>>
      %dma_start3A_40 = tpu.memref_squeeze %dma_start3A_39 : memref<1x1x128xi32, #tpu.memory_space<hbm>> -> memref<128xi32, #tpu.memory_space<hbm>>
      tpu.enqueue_dma source(%dma_start3A_40 : memref<128xi32, #tpu.memory_space<hbm>>) target(%arg11 : memref<128xi32, #tpu.memory_space<vmem>>) target_semaphore(%run_scoped3A_34 : memref<!tpu.dma_semaphore, #tpu.memory_space<semaphore_mem>>)
      %dma_wait3A = arith.constant 0 : i32
      %dma_wait3A_41 = tpu.memref_slice %arg3[%add3A, %run_scoped3A_10, %dma_wait3A] : memref<32x80x128xi32, #tpu.memory_space<hbm>> -> memref<1x1x128xi32, #tpu.memory_space<hbm>>
      %dma_wait3A_42 = tpu.memref_squeeze %dma_wait3A_41 : memref<1x1x128xi32, #tpu.memory_space<hbm>> -> memref<128xi32, #tpu.memory_space<hbm>>
      %dma_wait3A_43 = arith.constant 0 : i32
      %dma_wait3A_44 = tpu.memref_slice %arg3[%add3A, %run_scoped3A_10, %dma_wait3A_43] : memref<32x80x128xi32, #tpu.memory_space<hbm>> -> memref<1x1x128xi32, #tpu.memory_space<hbm>>
      %dma_wait3A_45 = tpu.memref_squeeze %dma_wait3A_44 : memref<1x1x128xi32, #tpu.memory_space<hbm>> -> memref<128xi32, #tpu.memory_space<hbm>>
      tpu.wait_dma2 semaphore(%run_scoped3A_34 : memref<!tpu.dma_semaphore, #tpu.memory_space<semaphore_mem>>) src(%dma_wait3A_45 : memref<128xi32, #tpu.memory_space<hbm>>) dst(%arg11 : memref<128xi32, #tpu.memory_space<vmem>>)
      tpu.yield
    }) : () -> ()
    %dma_start3A = arith.constant 0 : i32
    %dma_start3A_11 = arith.constant 0 : i32
    %dma_start3A_12 = tpu.memref_slice %arg4[%dma_start3A, %dma_start3A_11] : memref<10240x128xf32, #tpu.memory_space<hbm>> -> memref<10240x128xf32, #tpu.memory_space<hbm>>
    tpu.enqueue_indirect_dma source(%dma_start3A_12 : memref<10240x128xf32, #tpu.memory_space<hbm>>) target(%arg7 : memref<128x128xf32, #tpu.memory_space<vmem>>) offsets(%arg9 : memref<128xi32, #tpu.memory_space<vmem>>) semaphore(%arg13 : memref<!tpu.dma_semaphore, #tpu.memory_space<semaphore_mem>>)
    %run_scoped3A_13 = arith.constant 1 : i32
    "tpu.region"() ({
      %run_scoped3A_34 = tpu.sem_alloc : memref<!tpu.dma_semaphore, #tpu.memory_space<semaphore_mem>>
      %dma_start3A_35 = arith.constant 0 : i32
      %dma_start3A_36 = tpu.memref_slice %arg2[%add3A, %run_scoped3A_13, %dma_start3A_35] : memref<32x80x128xi32, #tpu.memory_space<hbm>> -> memref<1x1x128xi32, #tpu.memory_space<hbm>>
      %dma_start3A_37 = tpu.memref_squeeze %dma_start3A_36 : memref<1x1x128xi32, #tpu.memory_space<hbm>> -> memref<128xi32, #tpu.memory_space<hbm>>
      %dma_start3A_38 = arith.constant 0 : i32
      %dma_start3A_39 = tpu.memref_slice %arg2[%add3A, %run_scoped3A_13, %dma_start3A_38] : memref<32x80x128xi32, #tpu.memory_space<hbm>> -> memref<1x1x128xi32, #tpu.memory_space<hbm>>
      %dma_start3A_40 = tpu.memref_squeeze %dma_start3A_39 : memref<1x1x128xi32, #tpu.memory_space<hbm>> -> memref<128xi32, #tpu.memory_space<hbm>>
      tpu.enqueue_dma source(%dma_start3A_40 : memref<128xi32, #tpu.memory_space<hbm>>) target(%arg10 : memref<128xi32, #tpu.memory_space<vmem>>) target_semaphore(%run_scoped3A_34 : memref<!tpu.dma_semaphore, #tpu.memory_space<semaphore_mem>>)
      %dma_wait3A = arith.constant 0 : i32
      %dma_wait3A_41 = tpu.memref_slice %arg2[%add3A, %run_scoped3A_13, %dma_wait3A] : memref<32x80x128xi32, #tpu.memory_space<hbm>> -> memref<1x1x128xi32, #tpu.memory_space<hbm>>
      %dma_wait3A_42 = tpu.memref_squeeze %dma_wait3A_41 : memref<1x1x128xi32, #tpu.memory_space<hbm>> -> memref<128xi32, #tpu.memory_space<hbm>>
      %dma_wait3A_43 = arith.constant 0 : i32
      %dma_wait3A_44 = tpu.memref_slice %arg2[%add3A, %run_scoped3A_13, %dma_wait3A_43] : memref<32x80x128xi32, #tpu.memory_space<hbm>> -> memref<1x1x128xi32, #tpu.memory_space<hbm>>
      %dma_wait3A_45 = tpu.memref_squeeze %dma_wait3A_44 : memref<1x1x128xi32, #tpu.memory_space<hbm>> -> memref<128xi32, #tpu.memory_space<hbm>>
      tpu.wait_dma2 semaphore(%run_scoped3A_34 : memref<!tpu.dma_semaphore, #tpu.memory_space<semaphore_mem>>) src(%dma_wait3A_45 : memref<128xi32, #tpu.memory_space<hbm>>) dst(%arg10 : memref<128xi32, #tpu.memory_space<vmem>>)
      tpu.yield
    }) : () -> ()
    %run_scoped3A_14 = arith.constant 1 : i32
    "tpu.region"() ({
      %run_scoped3A_34 = tpu.sem_alloc : memref<!tpu.dma_semaphore, #tpu.memory_space<semaphore_mem>>
      %dma_start3A_35 = arith.constant 0 : i32
      %dma_start3A_36 = tpu.memref_slice %arg3[%add3A, %run_scoped3A_14, %dma_start3A_35] : memref<32x80x128xi32, #tpu.memory_space<hbm>> -> memref<1x1x128xi32, #tpu.memory_space<hbm>>
      %dma_start3A_37 = tpu.memref_squeeze %dma_start3A_36 : memref<1x1x128xi32, #tpu.memory_space<hbm>> -> memref<128xi32, #tpu.memory_space<hbm>>
      %dma_start3A_38 = arith.constant 0 : i32
      %dma_start3A_39 = tpu.memref_slice %arg3[%add3A, %run_scoped3A_14, %dma_start3A_38] : memref<32x80x128xi32, #tpu.memory_space<hbm>> -> memref<1x1x128xi32, #tpu.memory_space<hbm>>
      %dma_start3A_40 = tpu.memref_squeeze %dma_start3A_39 : memref<1x1x128xi32, #tpu.memory_space<hbm>> -> memref<128xi32, #tpu.memory_space<hbm>>
      tpu.enqueue_dma source(%dma_start3A_40 : memref<128xi32, #tpu.memory_space<hbm>>) target(%arg12 : memref<128xi32, #tpu.memory_space<vmem>>) target_semaphore(%run_scoped3A_34 : memref<!tpu.dma_semaphore, #tpu.memory_space<semaphore_mem>>)
      %dma_wait3A = arith.constant 0 : i32
      %dma_wait3A_41 = tpu.memref_slice %arg3[%add3A, %run_scoped3A_14, %dma_wait3A] : memref<32x80x128xi32, #tpu.memory_space<hbm>> -> memref<1x1x128xi32, #tpu.memory_space<hbm>>
      %dma_wait3A_42 = tpu.memref_squeeze %dma_wait3A_41 : memref<1x1x128xi32, #tpu.memory_space<hbm>> -> memref<128xi32, #tpu.memory_space<hbm>>
      %dma_wait3A_43 = arith.constant 0 : i32
      %dma_wait3A_44 = tpu.memref_slice %arg3[%add3A, %run_scoped3A_14, %dma_wait3A_43] : memref<32x80x128xi32, #tpu.memory_space<hbm>> -> memref<1x1x128xi32, #tpu.memory_space<hbm>>
      %dma_wait3A_45 = tpu.memref_squeeze %dma_wait3A_44 : memref<1x1x128xi32, #tpu.memory_space<hbm>> -> memref<128xi32, #tpu.memory_space<hbm>>
      tpu.wait_dma2 semaphore(%run_scoped3A_34 : memref<!tpu.dma_semaphore, #tpu.memory_space<semaphore_mem>>) src(%dma_wait3A_45 : memref<128xi32, #tpu.memory_space<hbm>>) dst(%arg12 : memref<128xi32, #tpu.memory_space<vmem>>)
      tpu.yield
    }) : () -> ()
    %dma_start3A_15 = arith.constant 0 : i32
    %dma_start3A_16 = arith.constant 0 : i32
    %dma_start3A_17 = tpu.memref_slice %arg4[%dma_start3A_15, %dma_start3A_16] : memref<10240x128xf32, #tpu.memory_space<hbm>> -> memref<10240x128xf32, #tpu.memory_space<hbm>>
    tpu.enqueue_indirect_dma source(%dma_start3A_17 : memref<10240x128xf32, #tpu.memory_space<hbm>>) target(%arg8 : memref<128x128xf32, #tpu.memory_space<vmem>>) offsets(%arg10 : memref<128xi32, #tpu.memory_space<vmem>>) semaphore(%arg14 : memref<!tpu.dma_semaphore, #tpu.memory_space<semaphore_mem>>)
    %scan3A = arith.constant 0 : i32
    %scan3A_18 = arith.constant 0 : i32
    %scan3A_19 = arith.constant 40 : i32
    %scan3A_20 = arith.addi %scan3A_18, %scan3A_19 : i32
    %scan3A_21 = arith.constant 1 : i32
    scf.for %scan3A_34 = %scan3A_18 to %scan3A_20 step %scan3A_21  : i32 {
      %dma_wait3A = arith.constant 0 : i32
      %dma_wait3A_35 = arith.constant 0 : i32
      %dma_wait3A_36 = tpu.memref_slice %arg4[%dma_wait3A, %dma_wait3A_35] : memref<10240x128xf32, #tpu.memory_space<hbm>> -> memref<10240x128xf32, #tpu.memory_space<hbm>>
      tpu.wait_indirect_dma semaphore(%arg13 : memref<!tpu.dma_semaphore, #tpu.memory_space<semaphore_mem>>) src(%dma_wait3A_36 : memref<10240x128xf32, #tpu.memory_space<hbm>>) dst(%arg7 : memref<128x128xf32, #tpu.memory_space<vmem>>)
      "tpu.region"() ({
        %run_scoped3A_49 = tpu.sem_alloc : memref<!tpu.dma_semaphore, #tpu.memory_space<semaphore_mem>>
        %dma_start3A_50 = arith.constant 0 : i32
        %dma_start3A_51 = arith.constant 0 : i32
        %dma_start3A_52 = tpu.memref_slice %arg15[%dma_start3A_50, %dma_start3A_51] : memref<10240x128xf32, #tpu.memory_space<vmem_shared>> -> memref<10240x128xf32, #tpu.memory_space<vmem_shared>>
        tpu.enqueue_indirect_dma source(%arg7 : memref<128x128xf32, #tpu.memory_space<vmem>>) target(%dma_start3A_52 : memref<10240x128xf32, #tpu.memory_space<vmem_shared>>) offsets(%arg11 : memref<128xi32, #tpu.memory_space<vmem>>) semaphore(%run_scoped3A_49 : memref<!tpu.dma_semaphore, #tpu.memory_space<semaphore_mem>>) {add = true}
        %dma_wait3A_53 = arith.constant 0 : i32
        %dma_wait3A_54 = arith.constant 0 : i32
        %dma_wait3A_55 = tpu.memref_slice %arg15[%dma_wait3A_53, %dma_wait3A_54] : memref<10240x128xf32, #tpu.memory_space<vmem_shared>> -> memref<10240x128xf32, #tpu.memory_space<vmem_shared>>
        tpu.wait_indirect_dma semaphore(%run_scoped3A_49 : memref<!tpu.dma_semaphore, #tpu.memory_space<semaphore_mem>>) src(%arg7 : memref<128x128xf32, #tpu.memory_space<vmem>>) dst(%dma_wait3A_55 : memref<10240x128xf32, #tpu.memory_space<vmem_shared>>)
        tpu.yield
      }) : () -> ()
      %lt3A = arith.constant 39 : i32
      %lt3A_37 = arith.cmpi slt, %scan3A_34, %lt3A : i32
      %convert_element_type3A_38 = arith.extui %lt3A_37 : i1 to i32
      %cond3A_39 = arith.constant 0 : i32
      %cond3A_40 = arith.cmpi ne, %convert_element_type3A_38, %cond3A_39 : i32
      scf.if %cond3A_40 {
        %add3A_49 = arith.constant 1 : i32
        %add3A_50 = arith.addi %scan3A_34, %add3A_49 : i32
        %mul3A_51 = arith.constant 2 : i32
        %mul3A_52 = arith.muli %add3A_50, %mul3A_51 : i32
        %add3A_53 = arith.constant 0 : i32
        %add3A_54 = arith.addi %mul3A_52, %add3A_53 : i32
        "tpu.region"() ({
          %run_scoped3A_58 = tpu.sem_alloc : memref<!tpu.dma_semaphore, #tpu.memory_space<semaphore_mem>>
          %dma_start3A_59 = arith.constant 0 : i32
          %dma_start3A_60 = tpu.memref_slice %arg2[%add3A, %add3A_54, %dma_start3A_59] : memref<32x80x128xi32, #tpu.memory_space<hbm>> -> memref<1x1x128xi32, #tpu.memory_space<hbm>>
          %dma_start3A_61 = tpu.memref_squeeze %dma_start3A_60 : memref<1x1x128xi32, #tpu.memory_space<hbm>> -> memref<128xi32, #tpu.memory_space<hbm>>
          %dma_start3A_62 = arith.constant 0 : i32
          %dma_start3A_63 = tpu.memref_slice %arg2[%add3A, %add3A_54, %dma_start3A_62] : memref<32x80x128xi32, #tpu.memory_space<hbm>> -> memref<1x1x128xi32, #tpu.memory_space<hbm>>
          %dma_start3A_64 = tpu.memref_squeeze %dma_start3A_63 : memref<1x1x128xi32, #tpu.memory_space<hbm>> -> memref<128xi32, #tpu.memory_space<hbm>>
          tpu.enqueue_dma source(%dma_start3A_64 : memref<128xi32, #tpu.memory_space<hbm>>) target(%arg9 : memref<128xi32, #tpu.memory_space<vmem>>) target_semaphore(%run_scoped3A_58 : memref<!tpu.dma_semaphore, #tpu.memory_space<semaphore_mem>>)
          %dma_wait3A_65 = arith.constant 0 : i32
          %dma_wait3A_66 = tpu.memref_slice %arg2[%add3A, %add3A_54, %dma_wait3A_65] : memref<32x80x128xi32, #tpu.memory_space<hbm>> -> memref<1x1x128xi32, #tpu.memory_space<hbm>>
          %dma_wait3A_67 = tpu.memref_squeeze %dma_wait3A_66 : memref<1x1x128xi32, #tpu.memory_space<hbm>> -> memref<128xi32, #tpu.memory_space<hbm>>
          %dma_wait3A_68 = arith.constant 0 : i32
          %dma_wait3A_69 = tpu.memref_slice %arg2[%add3A, %add3A_54, %dma_wait3A_68] : memref<32x80x128xi32, #tpu.memory_space<hbm>> -> memref<1x1x128xi32, #tpu.memory_space<hbm>>
          %dma_wait3A_70 = tpu.memref_squeeze %dma_wait3A_69 : memref<1x1x128xi32, #tpu.memory_space<hbm>> -> memref<128xi32, #tpu.memory_space<hbm>>
          tpu.wait_dma2 semaphore(%run_scoped3A_58 : memref<!tpu.dma_semaphore, #tpu.memory_space<semaphore_mem>>) src(%dma_wait3A_70 : memref<128xi32, #tpu.memory_space<hbm>>) dst(%arg9 : memref<128xi32, #tpu.memory_space<vmem>>)
          tpu.yield
        }) : () -> ()
        "tpu.region"() ({
          %run_scoped3A_58 = tpu.sem_alloc : memref<!tpu.dma_semaphore, #tpu.memory_space<semaphore_mem>>
          %dma_start3A_59 = arith.constant 0 : i32
          %dma_start3A_60 = tpu.memref_slice %arg3[%add3A, %add3A_54, %dma_start3A_59] : memref<32x80x128xi32, #tpu.memory_space<hbm>> -> memref<1x1x128xi32, #tpu.memory_space<hbm>>
          %dma_start3A_61 = tpu.memref_squeeze %dma_start3A_60 : memref<1x1x128xi32, #tpu.memory_space<hbm>> -> memref<128xi32, #tpu.memory_space<hbm>>
          %dma_start3A_62 = arith.constant 0 : i32
          %dma_start3A_63 = tpu.memref_slice %arg3[%add3A, %add3A_54, %dma_start3A_62] : memref<32x80x128xi32, #tpu.memory_space<hbm>> -> memref<1x1x128xi32, #tpu.memory_space<hbm>>
          %dma_start3A_64 = tpu.memref_squeeze %dma_start3A_63 : memref<1x1x128xi32, #tpu.memory_space<hbm>> -> memref<128xi32, #tpu.memory_space<hbm>>
          tpu.enqueue_dma source(%dma_start3A_64 : memref<128xi32, #tpu.memory_space<hbm>>) target(%arg11 : memref<128xi32, #tpu.memory_space<vmem>>) target_semaphore(%run_scoped3A_58 : memref<!tpu.dma_semaphore, #tpu.memory_space<semaphore_mem>>)
          %dma_wait3A_65 = arith.constant 0 : i32
          %dma_wait3A_66 = tpu.memref_slice %arg3[%add3A, %add3A_54, %dma_wait3A_65] : memref<32x80x128xi32, #tpu.memory_space<hbm>> -> memref<1x1x128xi32, #tpu.memory_space<hbm>>
          %dma_wait3A_67 = tpu.memref_squeeze %dma_wait3A_66 : memref<1x1x128xi32, #tpu.memory_space<hbm>> -> memref<128xi32, #tpu.memory_space<hbm>>
          %dma_wait3A_68 = arith.constant 0 : i32
          %dma_wait3A_69 = tpu.memref_slice %arg3[%add3A, %add3A_54, %dma_wait3A_68] : memref<32x80x128xi32, #tpu.memory_space<hbm>> -> memref<1x1x128xi32, #tpu.memory_space<hbm>>
          %dma_wait3A_70 = tpu.memref_squeeze %dma_wait3A_69 : memref<1x1x128xi32, #tpu.memory_space<hbm>> -> memref<128xi32, #tpu.memory_space<hbm>>
          tpu.wait_dma2 semaphore(%run_scoped3A_58 : memref<!tpu.dma_semaphore, #tpu.memory_space<semaphore_mem>>) src(%dma_wait3A_70 : memref<128xi32, #tpu.memory_space<hbm>>) dst(%arg11 : memref<128xi32, #tpu.memory_space<vmem>>)
          tpu.yield
        }) : () -> ()
        %dma_start3A_55 = arith.constant 0 : i32
        %dma_start3A_56 = arith.constant 0 : i32
        %dma_start3A_57 = tpu.memref_slice %arg4[%dma_start3A_55, %dma_start3A_56] : memref<10240x128xf32, #tpu.memory_space<hbm>> -> memref<10240x128xf32, #tpu.memory_space<hbm>>
        tpu.enqueue_indirect_dma source(%dma_start3A_57 : memref<10240x128xf32, #tpu.memory_space<hbm>>) target(%arg7 : memref<128x128xf32, #tpu.memory_space<vmem>>) offsets(%arg9 : memref<128xi32, #tpu.memory_space<vmem>>) semaphore(%arg13 : memref<!tpu.dma_semaphore, #tpu.memory_space<semaphore_mem>>)
      } else {
      }
      %dma_wait3A_41 = arith.constant 0 : i32
      %dma_wait3A_42 = arith.constant 0 : i32
      %dma_wait3A_43 = tpu.memref_slice %arg4[%dma_wait3A_41, %dma_wait3A_42] : memref<10240x128xf32, #tpu.memory_space<hbm>> -> memref<10240x128xf32, #tpu.memory_space<hbm>>
      tpu.wait_indirect_dma semaphore(%arg14 : memref<!tpu.dma_semaphore, #tpu.memory_space<semaphore_mem>>) src(%dma_wait3A_43 : memref<10240x128xf32, #tpu.memory_space<hbm>>) dst(%arg8 : memref<128x128xf32, #tpu.memory_space<vmem>>)
      "tpu.region"() ({
        %run_scoped3A_49 = tpu.sem_alloc : memref<!tpu.dma_semaphore, #tpu.memory_space<semaphore_mem>>
        %dma_start3A_50 = arith.constant 0 : i32
        %dma_start3A_51 = arith.constant 0 : i32
        %dma_start3A_52 = tpu.memref_slice %arg15[%dma_start3A_50, %dma_start3A_51] : memref<10240x128xf32, #tpu.memory_space<vmem_shared>> -> memref<10240x128xf32, #tpu.memory_space<vmem_shared>>
        tpu.enqueue_indirect_dma source(%arg8 : memref<128x128xf32, #tpu.memory_space<vmem>>) target(%dma_start3A_52 : memref<10240x128xf32, #tpu.memory_space<vmem_shared>>) offsets(%arg12 : memref<128xi32, #tpu.memory_space<vmem>>) semaphore(%run_scoped3A_49 : memref<!tpu.dma_semaphore, #tpu.memory_space<semaphore_mem>>) {add = true}
        %dma_wait3A_53 = arith.constant 0 : i32
        %dma_wait3A_54 = arith.constant 0 : i32
        %dma_wait3A_55 = tpu.memref_slice %arg15[%dma_wait3A_53, %dma_wait3A_54] : memref<10240x128xf32, #tpu.memory_space<vmem_shared>> -> memref<10240x128xf32, #tpu.memory_space<vmem_shared>>
        tpu.wait_indirect_dma semaphore(%run_scoped3A_49 : memref<!tpu.dma_semaphore, #tpu.memory_space<semaphore_mem>>) src(%arg8 : memref<128x128xf32, #tpu.memory_space<vmem>>) dst(%dma_wait3A_55 : memref<10240x128xf32, #tpu.memory_space<vmem_shared>>)
        tpu.yield
      }) : () -> ()
      %lt3A_44 = arith.constant 39 : i32
      %lt3A_45 = arith.cmpi slt, %scan3A_34, %lt3A_44 : i32
      %convert_element_type3A_46 = arith.extui %lt3A_45 : i1 to i32
      %cond3A_47 = arith.constant 0 : i32
      %cond3A_48 = arith.cmpi ne, %convert_element_type3A_46, %cond3A_47 : i32
      scf.if %cond3A_48 {
        %add3A_49 = arith.constant 1 : i32
        %add3A_50 = arith.addi %scan3A_34, %add3A_49 : i32
        %mul3A_51 = arith.constant 2 : i32
        %mul3A_52 = arith.muli %add3A_50, %mul3A_51 : i32
        %add3A_53 = arith.constant 1 : i32
        %add3A_54 = arith.addi %mul3A_52, %add3A_53 : i32
        "tpu.region"() ({
          %run_scoped3A_58 = tpu.sem_alloc : memref<!tpu.dma_semaphore, #tpu.memory_space<semaphore_mem>>
          %dma_start3A_59 = arith.constant 0 : i32
          %dma_start3A_60 = tpu.memref_slice %arg2[%add3A, %add3A_54, %dma_start3A_59] : memref<32x80x128xi32, #tpu.memory_space<hbm>> -> memref<1x1x128xi32, #tpu.memory_space<hbm>>
          %dma_start3A_61 = tpu.memref_squeeze %dma_start3A_60 : memref<1x1x128xi32, #tpu.memory_space<hbm>> -> memref<128xi32, #tpu.memory_space<hbm>>
          %dma_start3A_62 = arith.constant 0 : i32
          %dma_start3A_63 = tpu.memref_slice %arg2[%add3A, %add3A_54, %dma_start3A_62] : memref<32x80x128xi32, #tpu.memory_space<hbm>> -> memref<1x1x128xi32, #tpu.memory_space<hbm>>
          %dma_start3A_64 = tpu.memref_squeeze %dma_start3A_63 : memref<1x1x128xi32, #tpu.memory_space<hbm>> -> memref<128xi32, #tpu.memory_space<hbm>>
          tpu.enqueue_dma source(%dma_start3A_64 : memref<128xi32, #tpu.memory_space<hbm>>) target(%arg10 : memref<128xi32, #tpu.memory_space<vmem>>) target_semaphore(%run_scoped3A_58 : memref<!tpu.dma_semaphore, #tpu.memory_space<semaphore_mem>>)
          %dma_wait3A_65 = arith.constant 0 : i32
          %dma_wait3A_66 = tpu.memref_slice %arg2[%add3A, %add3A_54, %dma_wait3A_65] : memref<32x80x128xi32, #tpu.memory_space<hbm>> -> memref<1x1x128xi32, #tpu.memory_space<hbm>>
          %dma_wait3A_67 = tpu.memref_squeeze %dma_wait3A_66 : memref<1x1x128xi32, #tpu.memory_space<hbm>> -> memref<128xi32, #tpu.memory_space<hbm>>
          %dma_wait3A_68 = arith.constant 0 : i32
          %dma_wait3A_69 = tpu.memref_slice %arg2[%add3A, %add3A_54, %dma_wait3A_68] : memref<32x80x128xi32, #tpu.memory_space<hbm>> -> memref<1x1x128xi32, #tpu.memory_space<hbm>>
          %dma_wait3A_70 = tpu.memref_squeeze %dma_wait3A_69 : memref<1x1x128xi32, #tpu.memory_space<hbm>> -> memref<128xi32, #tpu.memory_space<hbm>>
          tpu.wait_dma2 semaphore(%run_scoped3A_58 : memref<!tpu.dma_semaphore, #tpu.memory_space<semaphore_mem>>) src(%dma_wait3A_70 : memref<128xi32, #tpu.memory_space<hbm>>) dst(%arg10 : memref<128xi32, #tpu.memory_space<vmem>>)
          tpu.yield
        }) : () -> ()
        "tpu.region"() ({
          %run_scoped3A_58 = tpu.sem_alloc : memref<!tpu.dma_semaphore, #tpu.memory_space<semaphore_mem>>
          %dma_start3A_59 = arith.constant 0 : i32
          %dma_start3A_60 = tpu.memref_slice %arg3[%add3A, %add3A_54, %dma_start3A_59] : memref<32x80x128xi32, #tpu.memory_space<hbm>> -> memref<1x1x128xi32, #tpu.memory_space<hbm>>
          %dma_start3A_61 = tpu.memref_squeeze %dma_start3A_60 : memref<1x1x128xi32, #tpu.memory_space<hbm>> -> memref<128xi32, #tpu.memory_space<hbm>>
          %dma_start3A_62 = arith.constant 0 : i32
          %dma_start3A_63 = tpu.memref_slice %arg3[%add3A, %add3A_54, %dma_start3A_62] : memref<32x80x128xi32, #tpu.memory_space<hbm>> -> memref<1x1x128xi32, #tpu.memory_space<hbm>>
          %dma_start3A_64 = tpu.memref_squeeze %dma_start3A_63 : memref<1x1x128xi32, #tpu.memory_space<hbm>> -> memref<128xi32, #tpu.memory_space<hbm>>
          tpu.enqueue_dma source(%dma_start3A_64 : memref<128xi32, #tpu.memory_space<hbm>>) target(%arg12 : memref<128xi32, #tpu.memory_space<vmem>>) target_semaphore(%run_scoped3A_58 : memref<!tpu.dma_semaphore, #tpu.memory_space<semaphore_mem>>)
          %dma_wait3A_65 = arith.constant 0 : i32
          %dma_wait3A_66 = tpu.memref_slice %arg3[%add3A, %add3A_54, %dma_wait3A_65] : memref<32x80x128xi32, #tpu.memory_space<hbm>> -> memref<1x1x128xi32, #tpu.memory_space<hbm>>
          %dma_wait3A_67 = tpu.memref_squeeze %dma_wait3A_66 : memref<1x1x128xi32, #tpu.memory_space<hbm>> -> memref<128xi32, #tpu.memory_space<hbm>>
          %dma_wait3A_68 = arith.constant 0 : i32
          %dma_wait3A_69 = tpu.memref_slice %arg3[%add3A, %add3A_54, %dma_wait3A_68] : memref<32x80x128xi32, #tpu.memory_space<hbm>> -> memref<1x1x128xi32, #tpu.memory_space<hbm>>
          %dma_wait3A_70 = tpu.memref_squeeze %dma_wait3A_69 : memref<1x1x128xi32, #tpu.memory_space<hbm>> -> memref<128xi32, #tpu.memory_space<hbm>>
          tpu.wait_dma2 semaphore(%run_scoped3A_58 : memref<!tpu.dma_semaphore, #tpu.memory_space<semaphore_mem>>) src(%dma_wait3A_70 : memref<128xi32, #tpu.memory_space<hbm>>) dst(%arg12 : memref<128xi32, #tpu.memory_space<vmem>>)
          tpu.yield
        }) : () -> ()
        %dma_start3A_55 = arith.constant 0 : i32
        %dma_start3A_56 = arith.constant 0 : i32
        %dma_start3A_57 = tpu.memref_slice %arg4[%dma_start3A_55, %dma_start3A_56] : memref<10240x128xf32, #tpu.memory_space<hbm>> -> memref<10240x128xf32, #tpu.memory_space<hbm>>
        tpu.enqueue_indirect_dma source(%dma_start3A_57 : memref<10240x128xf32, #tpu.memory_space<hbm>>) target(%arg8 : memref<128x128xf32, #tpu.memory_space<vmem>>) offsets(%arg10 : memref<128xi32, #tpu.memory_space<vmem>>) semaphore(%arg14 : memref<!tpu.dma_semaphore, #tpu.memory_space<semaphore_mem>>)
      } else {
      }
    }
    %scan3A_22 = arith.constant 40 : i32
    %barrier3A_23 = arith.constant 0 : index
    tpu.barrier barrier_id(%barrier3A_23)
    %add3A_24 = arith.constant 0 : i32
    %add3A_25 = arith.addi %mul3A_2, %add3A_24 : i32
    "tpu.region"() ({
      %run_scoped3A_34 = tpu.sem_alloc : memref<!tpu.dma_semaphore, #tpu.memory_space<semaphore_mem>>
      %dma_start3A_35 = arith.constant 0 : i32
      %dma_start3A_36 = tpu.memref_slice %arg6[%arg0, %add3A_25, %dma_start3A_35] : memref<2x10240x128xf32, #tpu.memory_space<hbm>> -> memref<1x128x128xf32, #tpu.memory_space<hbm>>
      %dma_start3A_37 = tpu.memref_squeeze %dma_start3A_36 : memref<1x128x128xf32, #tpu.memory_space<hbm>> -> memref<128x128xf32, #tpu.memory_space<hbm>>
      %dma_start3A_38 = arith.constant 0 : i32
      %dma_start3A_39 = tpu.memref_slice %arg15[%add3A_25, %dma_start3A_38] : memref<10240x128xf32, #tpu.memory_space<vmem_shared>> -> memref<128x128xf32, #tpu.memory_space<vmem_shared>>
      tpu.enqueue_dma source(%dma_start3A_39 : memref<128x128xf32, #tpu.memory_space<vmem_shared>>) target(%dma_start3A_37 : memref<128x128xf32, #tpu.memory_space<hbm>>) target_semaphore(%run_scoped3A_34 : memref<!tpu.dma_semaphore, #tpu.memory_space<semaphore_mem>>)
      %dma_wait3A = arith.constant 0 : i32
      %dma_wait3A_40 = tpu.memref_slice %arg6[%arg0, %add3A_25, %dma_wait3A] : memref<2x10240x128xf32, #tpu.memory_space<hbm>> -> memref<1x128x128xf32, #tpu.memory_space<hbm>>
      %dma_wait3A_41 = tpu.memref_squeeze %dma_wait3A_40 : memref<1x128x128xf32, #tpu.memory_space<hbm>> -> memref<128x128xf32, #tpu.memory_space<hbm>>
      %dma_wait3A_42 = arith.constant 0 : i32
      %dma_wait3A_43 = tpu.memref_slice %arg15[%add3A_25, %dma_wait3A_42] : memref<10240x128xf32, #tpu.memory_space<vmem_shared>> -> memref<128x128xf32, #tpu.memory_space<vmem_shared>>
      tpu.wait_dma2 semaphore(%run_scoped3A_34 : memref<!tpu.dma_semaphore, #tpu.memory_space<semaphore_mem>>) src(%dma_wait3A_43 : memref<128x128xf32, #tpu.memory_space<vmem_shared>>) dst(%dma_wait3A_41 : memref<128x128xf32, #tpu.memory_space<hbm>>)
      tpu.yield
    }) : () -> ()
    %add3A_26 = arith.constant 128 : i32
    %add3A_27 = arith.addi %mul3A_2, %add3A_26 : i32
    "tpu.region"() ({
      %run_scoped3A_34 = tpu.sem_alloc : memref<!tpu.dma_semaphore, #tpu.memory_space<semaphore_mem>>
      %dma_start3A_35 = arith.constant 0 : i32
      %dma_start3A_36 = tpu.memref_slice %arg6[%arg0, %add3A_27, %dma_start3A_35] : memref<2x10240x128xf32, #tpu.memory_space<hbm>> -> memref<1x128x128xf32, #tpu.memory_space<hbm>>
      %dma_start3A_37 = tpu.memref_squeeze %dma_start3A_36 : memref<1x128x128xf32, #tpu.memory_space<hbm>> -> memref<128x128xf32, #tpu.memory_space<hbm>>
      %dma_start3A_38 = arith.constant 0 : i32
      %dma_start3A_39 = tpu.memref_slice %arg15[%add3A_27, %dma_start3A_38] : memref<10240x128xf32, #tpu.memory_space<vmem_shared>> -> memref<128x128xf32, #tpu.memory_space<vmem_shared>>
      tpu.enqueue_dma source(%dma_start3A_39 : memref<128x128xf32, #tpu.memory_space<vmem_shared>>) target(%dma_start3A_37 : memref<128x128xf32, #tpu.memory_space<hbm>>) target_semaphore(%run_scoped3A_34 : memref<!tpu.dma_semaphore, #tpu.memory_space<semaphore_mem>>)
      %dma_wait3A = arith.constant 0 : i32
      %dma_wait3A_40 = tpu.memref_slice %arg6[%arg0, %add3A_27, %dma_wait3A] : memref<2x10240x128xf32, #tpu.memory_space<hbm>> -> memref<1x128x128xf32, #tpu.memory_space<hbm>>
      %dma_wait3A_41 = tpu.memref_squeeze %dma_wait3A_40 : memref<1x128x128xf32, #tpu.memory_space<hbm>> -> memref<128x128xf32, #tpu.memory_space<hbm>>
      %dma_wait3A_42 = arith.constant 0 : i32
      %dma_wait3A_43 = tpu.memref_slice %arg15[%add3A_27, %dma_wait3A_42] : memref<10240x128xf32, #tpu.memory_space<vmem_shared>> -> memref<128x128xf32, #tpu.memory_space<vmem_shared>>
      tpu.wait_dma2 semaphore(%run_scoped3A_34 : memref<!tpu.dma_semaphore, #tpu.memory_space<semaphore_mem>>) src(%dma_wait3A_43 : memref<128x128xf32, #tpu.memory_space<vmem_shared>>) dst(%dma_wait3A_41 : memref<128x128xf32, #tpu.memory_space<hbm>>)
      tpu.yield
    }) : () -> ()
    %add3A_28 = arith.constant 256 : i32
    %add3A_29 = arith.addi %mul3A_2, %add3A_28 : i32
    "tpu.region"() ({
      %run_scoped3A_34 = tpu.sem_alloc : memref<!tpu.dma_semaphore, #tpu.memory_space<semaphore_mem>>
      %dma_start3A_35 = arith.constant 0 : i32
      %dma_start3A_36 = tpu.memref_slice %arg6[%arg0, %add3A_29, %dma_start3A_35] : memref<2x10240x128xf32, #tpu.memory_space<hbm>> -> memref<1x128x128xf32, #tpu.memory_space<hbm>>
      %dma_start3A_37 = tpu.memref_squeeze %dma_start3A_36 : memref<1x128x128xf32, #tpu.memory_space<hbm>> -> memref<128x128xf32, #tpu.memory_space<hbm>>
      %dma_start3A_38 = arith.constant 0 : i32
      %dma_start3A_39 = tpu.memref_slice %arg15[%add3A_29, %dma_start3A_38] : memref<10240x128xf32, #tpu.memory_space<vmem_shared>> -> memref<128x128xf32, #tpu.memory_space<vmem_shared>>
      tpu.enqueue_dma source(%dma_start3A_39 : memref<128x128xf32, #tpu.memory_space<vmem_shared>>) target(%dma_start3A_37 : memref<128x128xf32, #tpu.memory_space<hbm>>) target_semaphore(%run_scoped3A_34 : memref<!tpu.dma_semaphore, #tpu.memory_space<semaphore_mem>>)
      %dma_wait3A = arith.constant 0 : i32
      %dma_wait3A_40 = tpu.memref_slice %arg6[%arg0, %add3A_29, %dma_wait3A] : memref<2x10240x128xf32, #tpu.memory_space<hbm>> -> memref<1x128x128xf32, #tpu.memory_space<hbm>>
      %dma_wait3A_41 = tpu.memref_squeeze %dma_wait3A_40 : memref<1x128x128xf32, #tpu.memory_space<hbm>> -> memref<128x128xf32, #tpu.memory_space<hbm>>
      %dma_wait3A_42 = arith.constant 0 : i32
      %dma_wait3A_43 = tpu.memref_slice %arg15[%add3A_29, %dma_wait3A_42] : memref<10240x128xf32, #tpu.memory_space<vmem_shared>> -> memref<128x128xf32, #tpu.memory_space<vmem_shared>>
      tpu.wait_dma2 semaphore(%run_scoped3A_34 : memref<!tpu.dma_semaphore, #tpu.memory_space<semaphore_mem>>) src(%dma_wait3A_43 : memref<128x128xf32, #tpu.memory_space<vmem_shared>>) dst(%dma_wait3A_41 : memref<128x128xf32, #tpu.memory_space<hbm>>)
      tpu.yield
    }) : () -> ()
    %add3A_30 = arith.constant 384 : i32
    %add3A_31 = arith.addi %mul3A_2, %add3A_30 : i32
    "tpu.region"() ({
      %run_scoped3A_34 = tpu.sem_alloc : memref<!tpu.dma_semaphore, #tpu.memory_space<semaphore_mem>>
      %dma_start3A_35 = arith.constant 0 : i32
      %dma_start3A_36 = tpu.memref_slice %arg6[%arg0, %add3A_31, %dma_start3A_35] : memref<2x10240x128xf32, #tpu.memory_space<hbm>> -> memref<1x128x128xf32, #tpu.memory_space<hbm>>
      %dma_start3A_37 = tpu.memref_squeeze %dma_start3A_36 : memref<1x128x128xf32, #tpu.memory_space<hbm>> -> memref<128x128xf32, #tpu.memory_space<hbm>>
      %dma_start3A_38 = arith.constant 0 : i32
      %dma_start3A_39 = tpu.memref_slice %arg15[%add3A_31, %dma_start3A_38] : memref<10240x128xf32, #tpu.memory_space<vmem_shared>> -> memref<128x128xf32, #tpu.memory_space<vmem_shared>>
      tpu.enqueue_dma source(%dma_start3A_39 : memref<128x128xf32, #tpu.memory_space<vmem_shared>>) target(%dma_start3A_37 : memref<128x128xf32, #tpu.memory_space<hbm>>) target_semaphore(%run_scoped3A_34 : memref<!tpu.dma_semaphore, #tpu.memory_space<semaphore_mem>>)
      %dma_wait3A = arith.constant 0 : i32
      %dma_wait3A_40 = tpu.memref_slice %arg6[%arg0, %add3A_31, %dma_wait3A] : memref<2x10240x128xf32, #tpu.memory_space<hbm>> -> memref<1x128x128xf32, #tpu.memory_space<hbm>>
      %dma_wait3A_41 = tpu.memref_squeeze %dma_wait3A_40 : memref<1x128x128xf32, #tpu.memory_space<hbm>> -> memref<128x128xf32, #tpu.memory_space<hbm>>
      %dma_wait3A_42 = arith.constant 0 : i32
      %dma_wait3A_43 = tpu.memref_slice %arg15[%add3A_31, %dma_wait3A_42] : memref<10240x128xf32, #tpu.memory_space<vmem_shared>> -> memref<128x128xf32, #tpu.memory_space<vmem_shared>>
      tpu.wait_dma2 semaphore(%run_scoped3A_34 : memref<!tpu.dma_semaphore, #tpu.memory_space<semaphore_mem>>) src(%dma_wait3A_43 : memref<128x128xf32, #tpu.memory_space<vmem_shared>>) dst(%dma_wait3A_41 : memref<128x128xf32, #tpu.memory_space<hbm>>)
      tpu.yield
    }) : () -> ()
    %add3A_32 = arith.constant 512 : i32
    %add3A_33 = arith.addi %mul3A_2, %add3A_32 : i32
    "tpu.region"() ({
      %run_scoped3A_34 = tpu.sem_alloc : memref<!tpu.dma_semaphore, #tpu.memory_space<semaphore_mem>>
      %dma_start3A_35 = arith.constant 0 : i32
      %dma_start3A_36 = tpu.memref_slice %arg6[%arg0, %add3A_33, %dma_start3A_35] : memref<2x10240x128xf32, #tpu.memory_space<hbm>> -> memref<1x128x128xf32, #tpu.memory_space<hbm>>
      %dma_start3A_37 = tpu.memref_squeeze %dma_start3A_36 : memref<1x128x128xf32, #tpu.memory_space<hbm>> -> memref<128x128xf32, #tpu.memory_space<hbm>>
      %dma_start3A_38 = arith.constant 0 : i32
      %dma_start3A_39 = tpu.memref_slice %arg15[%add3A_33, %dma_start3A_38] : memref<10240x128xf32, #tpu.memory_space<vmem_shared>> -> memref<128x128xf32, #tpu.memory_space<vmem_shared>>
      tpu.enqueue_dma source(%dma_start3A_39 : memref<128x128xf32, #tpu.memory_space<vmem_shared>>) target(%dma_start3A_37 : memref<128x128xf32, #tpu.memory_space<hbm>>) target_semaphore(%run_scoped3A_34 : memref<!tpu.dma_semaphore, #tpu.memory_space<semaphore_mem>>)
      %dma_wait3A = arith.constant 0 : i32
      %dma_wait3A_40 = tpu.memref_slice %arg6[%arg0, %add3A_33, %dma_wait3A] : memref<2x10240x128xf32, #tpu.memory_space<hbm>> -> memref<1x128x128xf32, #tpu.memory_space<hbm>>
      %dma_wait3A_41 = tpu.memref_squeeze %dma_wait3A_40 : memref<1x128x128xf32, #tpu.memory_space<hbm>> -> memref<128x128xf32, #tpu.memory_space<hbm>>
      %dma_wait3A_42 = arith.constant 0 : i32
      %dma_wait3A_43 = tpu.memref_slice %arg15[%add3A_33, %dma_wait3A_42] : memref<10240x128xf32, #tpu.memory_space<vmem_shared>> -> memref<128x128xf32, #tpu.memory_space<vmem_shared>>
      tpu.wait_dma2 semaphore(%run_scoped3A_34 : memref<!tpu.dma_semaphore, #tpu.memory_space<semaphore_mem>>) src(%dma_wait3A_43 : memref<128x128xf32, #tpu.memory_space<vmem_shared>>) dst(%dma_wait3A_41 : memref<128x128xf32, #tpu.memory_space<hbm>>)
      tpu.yield
    }) : () -> ()
    return
  }
}

module attributes {stable_mosaic.version = 14 : i64} {
  func.func @_tc_first_body(%arg0: memref<10240x128xf32, #tpu.memory_space<vmem>>, %arg1: memref<128x128xf32, #tpu.memory_space<vmem>>, %arg2: memref<10240x1xf32, #tpu.memory_space<vmem>>, %arg3: memref<10240x128xf32, #tpu.memory_space<vmem>>) attributes {dimension_semantics = [], scalar_prefetch = 0 : i64, scratch_operands = 0 : i64, tpu.core_type = #tpu.core_type<tc>} {
    %get3A = arith.constant 0 : index
    %get3A_0 = arith.constant 0 : index
    %get3A_1 = vector.load %arg0[%get3A, %get3A_0] : memref<10240x128xf32, #tpu.memory_space<vmem>>, vector<10240x128xf32>
    %get3A_2 = arith.constant 0 : index
    %get3A_3 = arith.constant 0 : index
    %get3A_4 = vector.load %arg1[%get3A_2, %get3A_3] : memref<128x128xf32, #tpu.memory_space<vmem>>, vector<128x128xf32>
    %dot_general3A = arith.constant dense<0.000000e+00> : vector<10240x128xf32>
    %dot_general3A_5 = tpu.matmul %get3A_1, %get3A_4, %dot_general3A {dimension_numbers = #tpu.dot_dimension_numbers<[1], [0], [0], [1], [0, 0, 1, 1], [], []>, precision = #tpu.contract_precision<fp32>, transpose_lhs_hint = false} : vector<10240x128xf32>, vector<128x128xf32>, vector<10240x128xf32> -> vector<10240x128xf32>
    %get3A_6 = arith.constant 0 : index
    %get3A_7 = arith.constant 0 : index
    %get3A_8 = vector.load %arg2[%get3A_6, %get3A_7] : memref<10240x1xf32, #tpu.memory_space<vmem>>, vector<10240x1xf32>
    %mul3A = vector.broadcast %get3A_8 : vector<10240x1xf32> to vector<10240x128xf32>
    %mul3A_9 = arith.mulf %dot_general3A_5, %mul3A : vector<10240x128xf32>
    %swap3A = arith.constant 0 : index
    %swap3A_10 = arith.constant 0 : index
    %swap3A_11 = vector.load %arg3[%swap3A, %swap3A_10] : memref<10240x128xf32, #tpu.memory_space<vmem>>, vector<10240x128xf32>
    tpu.vector_store %arg3[%swap3A, %swap3A_10], %mul3A_9 {strides = array<i32>} : memref<10240x128xf32, #tpu.memory_space<vmem>>, vector<10240x128xf32>,
    return
  }
}

module attributes {stable_mosaic.version = 14 : i64} {
  func.func @_tc_mid_body(%arg0: memref<2x10240x128xf32, #tpu.memory_space<vmem>>, %arg1: memref<10240x1xf32, #tpu.memory_space<vmem>>, %arg2: memref<128x128xf32, #tpu.memory_space<vmem>>, %arg3: memref<1x128xf32, #tpu.memory_space<vmem>>, %arg4: memref<10240x128xf32, #tpu.memory_space<vmem>>) attributes {dimension_semantics = [], scalar_prefetch = 0 : i64, scratch_operands = 0 : i64, tpu.core_type = #tpu.core_type<tc>} {
    %get3A = arith.constant 0 : index
    %get3A_0 = arith.constant 0 : index
    %get3A_1 = arith.constant 0 : index
    %get3A_2 = vector.load %arg0[%get3A, %get3A_0, %get3A_1] : memref<2x10240x128xf32, #tpu.memory_space<vmem>>, vector<1x10240x128xf32>
    %get3A_3 = vector.shape_cast %get3A_2 : vector<1x10240x128xf32> to vector<10240x128xf32>
    %get3A_4 = arith.constant 1 : index
    %get3A_5 = arith.constant 0 : index
    %get3A_6 = arith.constant 0 : index
    %get3A_7 = vector.load %arg0[%get3A_4, %get3A_5, %get3A_6] : memref<2x10240x128xf32, #tpu.memory_space<vmem>>, vector<1x10240x128xf32>
    %get3A_8 = vector.shape_cast %get3A_7 : vector<1x10240x128xf32> to vector<10240x128xf32>
    %add3A = arith.addf %get3A_3, %get3A_8 : vector<10240x128xf32>
    %get3A_9 = arith.constant 0 : index
    %get3A_10 = arith.constant 0 : index
    %get3A_11 = vector.load %arg1[%get3A_9, %get3A_10] : memref<10240x1xf32, #tpu.memory_space<vmem>>, vector<10240x1xf32>
    %mul3A = vector.broadcast %get3A_11 : vector<10240x1xf32> to vector<10240x128xf32>
    %mul3A_12 = arith.mulf %add3A, %mul3A : vector<10240x128xf32>
    %get3A_13 = arith.constant 0 : index
    %get3A_14 = arith.constant 0 : index
    %get3A_15 = vector.load %arg3[%get3A_13, %get3A_14] : memref<1x128xf32, #tpu.memory_space<vmem>>, vector<1x128xf32>
    %add3A_16 = vector.broadcast %get3A_15 : vector<1x128xf32> to vector<10240x128xf32>
    %add3A_17 = arith.addf %mul3A_12, %add3A_16 : vector<10240x128xf32>
    %max3A = arith.constant 0.000000e+00 : f32
    %max3A_18 = vector.broadcast %max3A : f32 to vector<10240x128xf32>
    %max3A_19 = arith.maximumf %add3A_17, %max3A_18 : vector<10240x128xf32>
    %get3A_20 = arith.constant 0 : index
    %get3A_21 = arith.constant 0 : index
    %get3A_22 = vector.load %arg2[%get3A_20, %get3A_21] : memref<128x128xf32, #tpu.memory_space<vmem>>, vector<128x128xf32>
    %dot_general3A = arith.constant dense<0.000000e+00> : vector<10240x128xf32>
    %dot_general3A_23 = tpu.matmul %max3A_19, %get3A_22, %dot_general3A {dimension_numbers = #tpu.dot_dimension_numbers<[1], [0], [0], [1], [0, 0, 1, 1], [], []>, precision = #tpu.contract_precision<fp32>, transpose_lhs_hint = false} : vector<10240x128xf32>, vector<128x128xf32>, vector<10240x128xf32> -> vector<10240x128xf32>
    %get3A_24 = arith.constant 0 : index
    %get3A_25 = arith.constant 0 : index
    %get3A_26 = vector.load %arg1[%get3A_24, %get3A_25] : memref<10240x1xf32, #tpu.memory_space<vmem>>, vector<10240x1xf32>
    %mul3A_27 = vector.broadcast %get3A_26 : vector<10240x1xf32> to vector<10240x128xf32>
    %mul3A_28 = arith.mulf %dot_general3A_23, %mul3A_27 : vector<10240x128xf32>
    %swap3A = arith.constant 0 : index
    %swap3A_29 = arith.constant 0 : index
    %swap3A_30 = vector.load %arg4[%swap3A, %swap3A_29] : memref<10240x128xf32, #tpu.memory_space<vmem>>, vector<10240x128xf32>
    tpu.vector_store %arg4[%swap3A, %swap3A_29], %mul3A_28 {strides = array<i32>} : memref<10240x128xf32, #tpu.memory_space<vmem>>, vector<10240x128xf32>,
    return
  }
}

module attributes {stable_mosaic.version = 14 : i64} {
  func.func @_tc_pool_body(%arg0: memref<2x10240x128xf32, #tpu.memory_space<vmem>>, %arg1: memref<10240x1xf32, #tpu.memory_space<vmem>>, %arg2: memref<1x128xf32, #tpu.memory_space<vmem>>, %arg3: memref<1x10000xi32, #tpu.memory_space<vmem>>, %arg4: memref<64x128xf32, #tpu.memory_space<vmem>>) attributes {dimension_semantics = [], scalar_prefetch = 0 : i64, scratch_operands = 0 : i64, tpu.core_type = #tpu.core_type<tc>} {
    %get3A = arith.constant 0 : index
    %get3A_0 = arith.constant 0 : index
    %get3A_1 = arith.constant 0 : index
    %get3A_2 = vector.load %arg0[%get3A, %get3A_0, %get3A_1] : memref<2x10240x128xf32, #tpu.memory_space<vmem>>, vector<1x10240x128xf32>
    %get3A_3 = vector.shape_cast %get3A_2 : vector<1x10240x128xf32> to vector<10240x128xf32>
    %get3A_4 = arith.constant 1 : index
    %get3A_5 = arith.constant 0 : index
    %get3A_6 = arith.constant 0 : index
    %get3A_7 = vector.load %arg0[%get3A_4, %get3A_5, %get3A_6] : memref<2x10240x128xf32, #tpu.memory_space<vmem>>, vector<1x10240x128xf32>
    %get3A_8 = vector.shape_cast %get3A_7 : vector<1x10240x128xf32> to vector<10240x128xf32>
    %add3A = arith.addf %get3A_3, %get3A_8 : vector<10240x128xf32>
    %get3A_9 = arith.constant 0 : index
    %get3A_10 = arith.constant 0 : index
    %get3A_11 = vector.load %arg1[%get3A_9, %get3A_10] : memref<10240x1xf32, #tpu.memory_space<vmem>>, vector<10240x1xf32>
    %mul3A = vector.broadcast %get3A_11 : vector<10240x1xf32> to vector<10240x128xf32>
    %mul3A_12 = arith.mulf %add3A, %mul3A : vector<10240x128xf32>
    %get3A_13 = arith.constant 0 : index
    %get3A_14 = arith.constant 0 : index
    %get3A_15 = vector.load %arg2[%get3A_13, %get3A_14] : memref<1x128xf32, #tpu.memory_space<vmem>>, vector<1x128xf32>
    %add3A_16 = vector.broadcast %get3A_15 : vector<1x128xf32> to vector<10240x128xf32>
    %add3A_17 = arith.addf %mul3A_12, %add3A_16 : vector<10240x128xf32>
    %slice3A = vector.extract_strided_slice %add3A_17 {offsets = [0, 0], sizes = [10000, 128], strides = [1, 1]} : vector<10240x128xf32> to vector<10000x128xf32>
    %iota3A = tpu.iota {dimensions = array<i32: 0>} : vector<64x10000xi32>
    %get3A_18 = arith.constant 0 : index
    %get3A_19 = arith.constant 0 : index
    %get3A_20 = vector.load %arg3[%get3A_18, %get3A_19] : memref<1x10000xi32, #tpu.memory_space<vmem>>, vector<1x10000xi32>
    %eq3A = vector.broadcast %get3A_20 : vector<1x10000xi32> to vector<64x10000xi32>
    %eq3A_21 = arith.cmpi eq, %iota3A, %eq3A : vector<64x10000xi32>
    %jit3A = arith.constant 1.000000e+00 : f32
    %jit3A_22 = arith.constant 0.000000e+00 : f32
    %broadcast_in_dim3A = vector.broadcast %jit3A : f32 to vector<64x10000xf32>
    %broadcast_in_dim3A_23 = vector.broadcast %jit3A_22 : f32 to vector<64x10000xf32>
    %select_n3A = arith.select %eq3A_21, %broadcast_in_dim3A, %broadcast_in_dim3A_23 : vector<64x10000xi1>, vector<64x10000xf32>
    %dot_general3A = arith.constant dense<0.000000e+00> : vector<64x128xf32>
    %dot_general3A_24 = tpu.matmul %select_n3A, %slice3A, %dot_general3A {dimension_numbers = #tpu.dot_dimension_numbers<[1], [0], [0], [1], [0, 0, 1, 1], [], []>, precision = #tpu.contract_precision<fp32>, transpose_lhs_hint = false} : vector<64x10000xf32>, vector<10000x128xf32>, vector<64x128xf32> -> vector<64x128xf32>
    %reduce_sum3A = arith.constant dense<0.000000e+00> : vector<64xf32>
    %reduce_sum3A_25 = vector.multi_reduction <add>, %select_n3A, %reduce_sum3A [1] : vector<64x10000xf32> to vector<64xf32>
    %broadcast_in_dim3A_26 = vector.shape_cast %reduce_sum3A_25 : vector<64xf32> to vector<64x1xf32>
    %max3A = arith.constant 1.000000e+00 : f32
    %max3A_27 = vector.broadcast %max3A : f32 to vector<64x1xf32>
    %max3A_28 = arith.maximumf %broadcast_in_dim3A_26, %max3A_27 : vector<64x1xf32>
    %div3A = vector.broadcast %max3A_28 : vector<64x1xf32> to vector<64x128xf32>
    %div3A_29 = arith.divf %dot_general3A_24, %div3A : vector<64x128xf32>
    %swap3A = arith.constant 0 : index
    %swap3A_30 = arith.constant 0 : index
    %swap3A_31 = vector.load %arg4[%swap3A, %swap3A_30] : memref<64x128xf32, #tpu.memory_space<vmem>>, vector<64x128xf32>
    tpu.vector_store %arg4[%swap3A, %swap3A_30], %div3A_29 {strides = array<i32>} : memref<64x128xf32, #tpu.memory_space<vmem>>, vector<64x128xf32>,
    return
  }
}

</mosaic_0001>

<sc_bundles>
// kernel: kernel.10.cloned.1.call-start
scs
__scs_entry_jumppad:
0x0: {  	(pc) =	sbr.rel $0x88, $3  }
0x1: {  	(tag) =	ssettag $0x0;
	lr =	simm.s32 $0x1  }
0x2: {  	[smem:$0x3F98] =	sst lr;
	_ =	strace $0xD0000000  }
0x3: {  	_ = 	snop  }
0x4: {  	_ = 	snop  }
0x5: {  	_ = 	snop  }
0x6: {  	_ = 	snop  }
0x7: {  	_ = 	snop  }
__scs_overlays_trampoline_lowered:
0x8: {  	[smem:$0x3FA7] =	sst s0  }
0x9: {  	[smem:$0x3FA8] =	sst s1  }
0xa: {  	[smem:$0x3FA9] =	sst s2  }
0xb: {  	[smem:$0x3FAA] =	sst s3  }
0xc: {  	[smem:$0x3FAB] =	sst s4  }
0xd: {  	[smem:$0x3FAC] =	sst s5  }
0xe: {  	[smem:$0x3FAD] =	sst s6  }
0xf: {  	[smem:$0x3FAE] =	sst s7  }
0x10: {  	[smem:$0x3FAF] =	sst s8  }
0x11: {  	[smem:$0x3FB0] =	sst s9;
	s0 =	simm.s32 @!p0 $0x0  }
0x12: {  	s1 =	sld [smem:$0x3F96];
	s0 =	simm.s32 @p0 $0x1  }
0x13: {  	[smem:$0x3FB1] =	sst s0;
	s0 =	simm.s32 @!p1 $0x0  }
0x14: {  	s2 =	sld [smem:$0x3F95];
	s0 =	simm.s32 @p1 $0x1  }
0x15: {  	[smem:$0x3FB2] =	sst s0;
	s0 =	simm.s32 @!p2 $0x0  }
0x16: {  	s3 =	sld [smem:$0x3FDB];
	s0 =	simm.s32 @p2 $0x1  }
0x17: {  	s4 =	simm.s32 $0x1BF5;
	[smem:$0x3FB4] =	sst s0  }
0x18: {  	s0 =	sld [smem:$0x3F97];
	_ =	swait.ge [sflag:s4], $0x0  }
0x19: {  	s7 =	sld [smem:$0x3F98]  }
0x1a: {  	s8 =	sadd.s32 $0xFFFFE003, lr  }
0x1b: {  	s9 =	sadd.s32 $0xFFFFFEF7, lr;
	s5 =	simm.s32 $0xFFFFFFFF;
	p2 =	slt.u32 s8, $0xFFFFF086  }
0x1c: {  	p1 =	slt.u32 s9, $0xF7A;
	s5 =	simm.s32 @!p2 $0x0  }
0x1d: {  	s5 =	simm.s32 @p1 $0x1;
	p0 =	seq.s32 s7, s2  }
0x1e: {  	s7 =	smul.u32 @!p0 $0xF7A, s2;
	p2 =	seq.s32 @!p0 s5, $0x0  }
0x1f: {  	s9 =	smul.u32 $0xF7A, s1;
	s8 =	simm.s32 @!p0 $0x1BF5;
	p2 =	por !p2, p0  }
0x20: {  	[sflag:s8] =	ssyncset.s32 @!p0 $0xFFFFF086;
	s6 =	sadd.s32 @!p0 s3, s7;
	s7 =	simm.s32 @!p0 $0x108  }
0x21: {  	s3 =	sadd.s32 s3, s9;
	s6 =	sadd.s32 @!p0 $0x88, s6;
	s7 =	simm.s32 @p2 $0x1082  }
0x22: {  	[simem:s7], [sflag:s8] =	dma.local @!p0 [hbm:s6], $0xF7A  }
0x23: {  	s9 =	sor.u32 $0xD0000000, s2;
	s6 =	simm.s32 $0x108;
	_ =	swait.ge @!p0 [sflag:s8], $0x0  }
0x24: {  	s3 =	sadd.s32 $0x88, s3;
	s6 =	simm.s32 @!p1 $0x1082;
	[sflag:s4] =	ssyncset.s32 $0xFFFFF086  }
0x25: {  	[simem:s6], [sflag:s4] =	dma.local [hbm:s3], $0xF7A  }
0x26: {  	[smem:$0x3F98] =	sst s1;
	(tag) =	ssettag s2;
	_ =	strace s9  }
0x27: {  	s1 =	sld [smem:$0x3FA8]  }
0x28: {  	s2 =	sld [smem:$0x3FA9]  }
0x29: {  	s4 =	sld [smem:$0x3FAB]  }
0x2a: {  	p0 =	seq.s32 s5, $0x0;
	s5 =	sld [smem:$0x3FAC]  }
0x2b: {  	s6 =	sld [smem:$0x3FAD]  }
0x2c: {  	s7 =	sld [smem:$0x3FAE]  }
0x2d: {  	s3 =	simm.s32 $0x108;
	s8 =	sld [smem:$0x3FAF]  }
0x2e: {  	s3 =	simm.s32 @!p0 $0x1082;
	s9 =	sld [smem:$0x3FB0]  }
0x2f: {  	lr =	sadd.s32 s0, s3;
	s0 =	sld [smem:$0x3FA7]  }
0x30: {  	s3 =	sld [smem:$0x3FAA]  }
0x31: {  	[smem:$0x3FB3] =	sst s10  }
0x32: {  	s10 =	sld [smem:$0x3FB1];
	_ =	sdelay $0x3  }
0x33: {  	p0 =	seq.s32 s10, $0x1;
	s10 =	sld [smem:$0x3FB3];
	_ =	sdelay $0x3  }
0x34: {  	[smem:$0x3FB3] =	sst s10  }
0x35: {  	s10 =	sld [smem:$0x3FB2];
	_ =	sdelay $0x3  }
0x36: {  	p1 =	seq.s32 s10, $0x1;
	s10 =	sld [smem:$0x3FB3];
	_ =	sdelay $0x3  }
0x37: {  	[smem:$0x3FB3] =	sst s10  }
0x38: {  	s10 =	sld [smem:$0x3FB4]  }
0x39: {  	_ = 	snop;
	(pc) =	sbr.ind lr, $3  }
0x3a: {  	_ = 	snop  }
0x3b: {  	_ = 	snop  }
0x3c: {  	p2 =	seq.s32 s10, $0x1;
	s10 =	sld [smem:$0x3FB3]  }
0x3d: {  	_ =	shalt  }
0x3e: {  	_ =	shalt  }
0x3f: {  	_ =	shalt  }
0x40: {  	_ =	shalt  }
0x41: {  	_ =	shalt  }
0x42: {  	_ =	shalt  }
0x43: {  	_ =	shalt  }
0x44: {  	_ =	shalt  }
0x45: {  	_ =	shalt  }
0x46: {  	_ =	shalt  }
0x47: {  	_ =	shalt  }
0x48: {  	_ =	shalt  }
0x49: {  	_ =	shalt  }
0x4a: {  	_ =	shalt  }
0x4b: {  	_ =	shalt  }
0x4c: {  	_ =	shalt  }
0x4d: {  	_ =	shalt  }
0x4e: {  	_ =	shalt  }
0x4f: {  	_ =	shalt  }
0x50: {  	_ =	shalt  }
0x51: {  	_ =	shalt  }
0x52: {  	_ =	shalt  }
0x53: {  	_ =	shalt  }
0x54: {  	_ =	shalt  }
0x55: {  	_ =	shalt  }
0x56: {  	_ =	shalt  }
0x57: {  	_ =	shalt  }
0x58: {  	_ =	shalt  }
0x59: {  	_ =	shalt  }
0x5a: {  	_ =	shalt  }
0x5b: {  	_ =	shalt  }
0x5c: {  	_ =	shalt  }
0x5d: {  	_ =	shalt  }
0x5e: {  	_ =	shalt  }
0x5f: {  	_ =	shalt  }
0x60: {  	_ =	shalt  }
0x61: {  	_ =	shalt  }
0x62: {  	_ =	shalt  }
0x63: {  	_ =	shalt  }
0x64: {  	_ =	shalt  }
0x65: {  	_ =	shalt  }
0x66: {  	_ =	shalt  }
0x67: {  	_ =	shalt  }
0x68: {  	_ =	shalt  }
0x69: {  	_ =	shalt  }
0x6a: {  	_ =	shalt  }
0x6b: {  	_ =	shalt  }
0x6c: {  	_ =	shalt  }
0x6d: {  	_ =	shalt  }
0x6e: {  	_ =	shalt  }
0x6f: {  	_ =	shalt  }
0x70: {  	_ =	shalt  }
0x71: {  	_ =	shalt  }
0x72: {  	_ =	shalt  }
0x73: {  	_ =	shalt  }
0x74: {  	_ =	shalt  }
0x75: {  	_ =	shalt  }
0x76: {  	_ =	shalt  }
0x77: {  	_ =	shalt  }
0x78: {  	_ =	shalt  }
0x79: {  	_ =	shalt  }
0x7a: {  	_ =	shalt  }
0x7b: {  	_ =	shalt  }
0x7c: {  	_ =	shalt  }
0x7d: {  	_ =	shalt  }
0x7e: {  	_ =	shalt  }
0x7f: {  	_ =	shalt  }
0x80: {  	_ =	shalt  }
0x81: {  	_ =	shalt  }
0x82: {  	_ =	shalt  }
0x83: {  	_ =	shalt  }
0x84: {  	_ =	shalt  }
0x85: {  	_ =	shalt  }
0x86: {  	_ =	shalt  }
0x87: {  	_ =	shalt  }
.Lfunc_end0:
.L_simem_size_0:
called_computation_lowered:
.L_overlay_start_0:
0x88: {  	s2 =	sld [smem:$0x3FD9]  }
0x89: {  	s3 =	sld [smem:$0x3FFE];
	_ =	sdelay $0x1  }
0x8a: {  	s1 =	srdreg.scid  }
0x8b: {  	s0 =	sand.u32 $0x1, s1  }
0x8c: {  	s16 =	sshll.u32 s0, $0xA;
	s2 =	sadd.s32 s3, s2  }
0x8d: {  	s2 =	sadd.s32 s2, s16  }
0x8e: {  	[smem:$0x3FBF] =	sst s2  }
0x8f: {  	_ = 	snop  }
0x90: {  	(tm) =	ssettm $0x1  }
0x91: {  	s17 =	sld [smem:$0x3FFB];
	_ =	sdelay $0x3  }
0x92: {  	_ =	strace s17  }
0x93: {  	s2 =	sld [smem:$0x3FFC];
	_ =	sdelay $0x3  }
0x94: {  	_ =	strace s2  }
0x95: {  	s2 =	sld [smem:$0x3FFD];
	_ =	sdelay $0x3  }
0x96: {  	_ =	strace s2  }
0x97: {  	_ =	strace $0x8FFFFFFF  }
0x98: {  	s18 =	sld [smem:$0x3FDB];
	_ =	sdelay $0x1  }
0x99: {  	s19 =	simm.s32 $_scs_section_size  }
0x9a: {  	s4 =	simm.s32 $_size__tile_overlayer_lowered;
	s5 =	simm.s32 $_tile_overlayer_lowered  }
0x9b: {  	s22 =	simm.s32 $0x1BFF;
	s21 =	sshll.u32 s5, $0x1;
	s2 =	sadd.s32 s19, s18  }
0x9c: {  	s6 =	simm.s32 $0x0;
	s20 =	sshll.u32 s4, $0x1;
	s4 =	sadd.s32 s21, s2  }
0x9d: {  	[timem:s6], [sflag:s22] =	dma.local [hbm:s4], s20  }
0x9e: {  	_ =	swait.ge [sflag:s22], s20  }
0x9f: {  	s3 =	ssub.s32 $0x0, s20;
	[sflag:s22] =	ssyncset.done $0x0  }
0xa0: {  	[sflag:s22] =	ssyncadd.s32 s3;
	_ =	sdelay $0x1  }
0xa1: {  	s23 =	simm.s32 $0x1B8B  }
0xa2: {  	_ =	swait.ge [sflag:s23], $0x1  }
0xa3: {  	[sflag:s23] =	ssyncset.done $0x0  }
0xa4: {  	s25 =	simm.s32 $0x1B8E;
	s24 =	sld [smem:$0x3FFE];
	[sflag:s23] =	ssyncadd.s32 $0xFFFFFFFF  }
0xa5: {  	s26 =	simm.s32 $execute0_lowered;
	[smem:$0x3FD2] =	sst s25  }
0xa6: {  	s4 =	sshll.u32 s26, $0x1;
	_ =	strace $0x80000046;
	[dreg:$0x1] =	wrdreg $0xFFFFFFFF  }
0xa7: {  	s28 =	simm.s32 $_size_execute0_lowered;
	s2 =	sadd.s32 s2, s4;
	[dreg:$0x0] =	wrdreg $0x0  }
0xa8: {  	s4 =	sshll.u32 s28, $0x1;
	[dreg:$0x2] =	wrdreg s2  }
0xa9: {  	[dreg:$0x3] =	wrdreg s4  }
0xaa: {  	[dreg:$0x4] =	wrdreg $0xC0  }
0xab: {  	_ =	task [dreg:s6], $0x5FFFF  }
0xac: {  	[dreg:$0x1] =	wrdreg $0xFFFFFFFF  }
0xad: {  	[dreg:$0x0] =	wrdreg $0x60  }
0xae: {  	[dreg:$0x2] =	wrdreg s24  }
0xaf: {  	[dreg:$0x3] =	wrdreg $0x55000  }
0xb0: {  	[dreg:$0x4] =	wrdreg $0x9  }
0xb1: {  	_ =	task.clear_ibuf [dreg:s6], $0x5FFFF;
	_ =	strace $0x90000046  }
0xb2: {  	s29 =	simm.s32 $0x9;
	_ =	strace $0x80000048  }
0xb3: {  	_ =	swait.ge [sflag:s29], $0x1  }
0xb4: {  	[sflag:s29] =	ssyncadd.s32 $0xFFFFFFFF  }
0xb5: {  	_ =	strace $0x90000048  }
0xb6: {  	_ =	sfence  }
0xb7: {  	s30 =	sld [smem:$0x0];
	_ =	sdelay $0x2  }
0xb8: {  	s31 =	sshll.u32 s1, $0xD;
	s1 =	sshrl.u32 s1, $0x2  }
0xb9: {  	s3 =	sand.u32 $0x4000, s31;
	s1 =	sadd.s32 s1, s30  }
0xba: {  	s0 =	sor.u32 s3, s0;
	s1 =	sshll.u32 s1, $0x11  }
0xbb: {  	s0 =	sor.u32 s1, s0  }
0xbc: {  	s0 =	sadd.s32 $0x8F2B, s0  }
0xbd: {  	[sflag:s0] =	ssyncadd.remote.s32 $0x1  }
0xbe: {  	_ =	sfence.sel $0xFFFF  }
0xbf: {  	[dreg:$0x0] =	wrdreg $0xFFFFFFFF;
	(pc) =	sbr.abs _section_cstart, $3  }
0xc0: {  	[dreg:$0x1] =	wrdreg $0xFFFFFFFF  }
0xc1: {  	_ =	task.clear_ibuf [dreg:s6], $0x2FFFF;
	_ =	strace $0x9FFFFFFF  }
0xc2: {  	(tm) =	ssettm $0x7FFFFFFF  }
0xc3: {  	_ =	shalt  }
tec
execute0_lowered:
.L_overlay_start_1:
0x0: {  	(tag) =	ssettag $0x1  }
0x1: {  	s1 =	srdreg.scid  }
0x2: {  	s1 =	sand.u32 $0x1, s1  }
0x3: {  	p0 =	seq.s32 s1, $0x1  }
.Ltmp0:
0x4: {  	_ = 	snop;
	(pc) =	sbr.rel @p0 .LBB2_42-.Ltmp0, $4  }
0x5: {  	s4 =	rddreg [dreg:$0x0]  }
0x6: {  	s2 =	rddreg [dreg:$0x1];
	s3 =	simm.s32 $0x0  }
0x7: {  	[smem:$0x7FF] =	sst s3  }
0x8: {  	s0 =	rddreg [dreg:$0x2];
	_ =	strace $0x80000047;
	s1 =	stileid.u32  }
0x9: {  	s5 =	smul.u32 $0x2800, s1  }
0xa: {  	s3 =	smul.u32 $0x280, s1  }
0xb: {  	s8 =	smul.u32 $0x5000, s1  }
0xc: {  	s6 =	sshrl.u32 s1, $0x3;
	s24 =	smul.u32 $0x500, s1  }
0xd: {  	s22 =	sadd.s32 $0x2A00, s4;
	s29 =	sshll.u32 s1, $0x7;
	s6 =	smul.u32 $0x50000, s6  }
0xe: {  	s5 =	sshrl.u32 s5, $0x3;
	s7 =	sshrl.u32 s3, $0x3;
	s31 =	sshrl.u32 s8, $0x2  }
0xf: {  	s5 =	sadd.s32 s22, s5;
	s23 =	sadd.s32 s7, s4;
	s30 =	sshrl.u32 s6, $0x2  }
0x10: {  	s4 =	sand.u32 $0x380, s29;
	s19 =	sadd.s32 s31, s2;
	s21 =	sadd.s32 $0x5000, s5  }
0x11: {  	s5 =	sadd.s32 s30, s2;
	s18 =	sadd.s32 $0x80, s19;
	s17 =	sadd.s32 $0x100, s19  }
0x12: {  	s16 =	sadd.s32 $0x180, s19;
	s15 =	sadd.s32 $0x200, s19;
	s14 =	sadd.s32 $0x280, s19  }
0x13: {  	s13 =	sadd.s32 $0x300, s19;
	s12 =	sadd.s32 $0x380, s19;
	s11 =	sadd.s32 $0x14000, s19  }
0x14: {  	s10 =	sadd.s32 $0x14080, s19;
	s9 =	sadd.s32 $0x14100, s19;
	s8 =	sadd.s32 $0x14180, s19  }
0x15: {  	s7 =	sadd.s32 $0x14200, s19;
	s6 =	sadd.s32 $0x14280, s19;
	s2 =	sadd.s32 $0xCA00, s23  }
0x16: {  	s23 =	sadd.s32 s22, s24;
	s22 =	simm.s32 $0x40;
	s24 =	simm.s32 $0x0  }
0x17: {  	v0 =	vimm.f32 $0.0e+00;
	s20 =	sadd.s32 s4, s5;
	s5 =	sadd.s32 $0x14300, s19;
	s4 =	sadd.s32 $0x14380, s19  }
.LBB2_2:
0x18: {  	p0 =	sne.s32 s22, $0x9FC0;
	[tilespmem:s24+$0x0] =	vst v0;
	s24 =	smov.u32 s22;
	s22 =	sadd.s32 $0x40, s22  }
.Ltmp1:
0x19: {  	(pc) =	sbr.rel @p0 .LBB2_2-.Ltmp1, $2  }
0x1a: {  	_ =	sdelay $0x2  }
0x1b: {  	s24 =	sshra.s32 s24, $0x2  }
0x1c: {  	[tilespmem:s24+$0x0] =	vst v0;
	s22 =	simm.s32 $0x0;
	s30 =	simm.s32 $0x2800;
	s31 =	simm.s32 $0x1  }
0x1d: {  	[tilespmem:s30], [sflag:$0x1] =	stream.linear.gather [hbm4b:s23+s22], $0x2800, $0x38;
	[tilespmem:$0x7D00] =	vst v63  }
0x1e: {  	_ =	swait.ge [sflag:s31], $0x2800  }
0x1f: {  	[sflag:s31] =	ssyncset.done $0x0  }
0x20: {  	v0 =	vimm.f32 $1.000000000e+00;
	s23 =	simm.s32 $0x0;
	[sflag:s31] =	ssyncadd.s32 $0xFFFFD800  }
.LBB2_4:
0x21: {  	s24 =	sshra.s32 s23, $0x2  }
0x22: {  	v1 =	vld [tilespmem:s24+$0x2800];
	_ =	sdelay $0x7  }
0x23: {  	[tilespmem:v1+s22+$0x0] =	vst.idx.add.f32.msk $0xffff, v0  }
0x24: {  	v1 =	vld [tilespmem:s24+$0x2810];
	_ =	sdelay $0x7  }
0x25: {  	[tilespmem:v1+s22+$0x0] =	vst.idx.add.f32.msk $0xffff, v0  }
0x26: {  	v1 =	vld [tilespmem:s24+$0x2820];
	_ =	sdelay $0x7  }
0x27: {  	[tilespmem:v1+s22+$0x0] =	vst.idx.add.f32.msk $0xffff, v0  }
0x28: {  	v1 =	vld [tilespmem:s24+$0x2830];
	_ =	sdelay $0x7  }
0x29: {  	[tilespmem:v1+s22+$0x0] =	vst.idx.add.f32.msk $0xffff, v0  }
0x2a: {  	v1 =	vld [tilespmem:s24+$0x2840];
	_ =	sdelay $0x7  }
0x2b: {  	[tilespmem:v1+s22+$0x0] =	vst.idx.add.f32.msk $0xffff, v0  }
0x2c: {  	v1 =	vld [tilespmem:s24+$0x2850];
	_ =	sdelay $0x7  }
0x2d: {  	[tilespmem:v1+s22+$0x0] =	vst.idx.add.f32.msk $0xffff, v0  }
0x2e: {  	v1 =	vld [tilespmem:s24+$0x2860];
	_ =	sdelay $0x7  }
0x2f: {  	[tilespmem:v1+s22+$0x0] =	vst.idx.add.f32.msk $0xffff, v0  }
0x30: {  	v1 =	vld [tilespmem:s24+$0x2870];
	_ =	sdelay $0x2  }
0x31: {  	p0 =	sne.s32 s23, $0x9E00  }
.Ltmp2:
0x32: {  	_ = 	snop;
	(pc) =	sbr.rel @p0 .LBB2_4-.Ltmp2, $2  }
0x33: {  	_ =	sdelay $0x2  }
0x34: {  	s23 =	sadd.s32 $0x200, s23;
	[tilespmem:v1+s22+$0x0] =	vst.idx.add.f32.msk $0xffff, v0  }
0x35: {  	s22 =	simm.s32 $0x0;
	s23 =	simm.s32 $0x2800;
	s31 =	simm.s32 $0x1  }
0x36: {  	[tilespmem:s23], [sflag:$0x1] =	stream.linear.gather [hbm4b:s21+s22], $0x2800, $0x38;
	[tilespmem:$0x7D00] =	vst v63  }
0x37: {  	_ =	swait.ge [sflag:s31], $0x2800  }
0x38: {  	[sflag:s31] =	ssyncset.done $0x0  }
0x39: {  	v0 =	vimm.f32 $1.000000000e+00;
	s21 =	simm.s32 $0x0;
	[sflag:s31] =	ssyncadd.s32 $0xFFFFD800  }
.LBB2_6:
0x3a: {  	s23 =	sshra.s32 s21, $0x2  }
0x3b: {  	v1 =	vld [tilespmem:s23+$0x2800];
	_ =	sdelay $0x7  }
0x3c: {  	[tilespmem:v1+s22+$0x0] =	vst.idx.add.f32.msk $0xffff, v0  }
0x3d: {  	v1 =	vld [tilespmem:s23+$0x2810];
	_ =	sdelay $0x7  }
0x3e: {  	[tilespmem:v1+s22+$0x0] =	vst.idx.add.f32.msk $0xffff, v0  }
0x3f: {  	v1 =	vld [tilespmem:s23+$0x2820];
	_ =	sdelay $0x7  }
0x40: {  	[tilespmem:v1+s22+$0x0] =	vst.idx.add.f32.msk $0xffff, v0  }
0x41: {  	v1 =	vld [tilespmem:s23+$0x2830];
	_ =	sdelay $0x7  }
0x42: {  	[tilespmem:v1+s22+$0x0] =	vst.idx.add.f32.msk $0xffff, v0  }
0x43: {  	v1 =	vld [tilespmem:s23+$0x2840];
	_ =	sdelay $0x7  }
0x44: {  	[tilespmem:v1+s22+$0x0] =	vst.idx.add.f32.msk $0xffff, v0  }
0x45: {  	v1 =	vld [tilespmem:s23+$0x2850];
	_ =	sdelay $0x7  }
0x46: {  	[tilespmem:v1+s22+$0x0] =	vst.idx.add.f32.msk $0xffff, v0  }
0x47: {  	v1 =	vld [tilespmem:s23+$0x2860];
	_ =	sdelay $0x7  }
0x48: {  	[tilespmem:v1+s22+$0x0] =	vst.idx.add.f32.msk $0xffff, v0  }
0x49: {  	v1 =	vld [tilespmem:s23+$0x2870];
	_ =	sdelay $0x2  }
0x4a: {  	p0 =	sne.s32 s21, $0x9E00  }
.Ltmp3:
0x4b: {  	_ = 	snop;
	(pc) =	sbr.rel @p0 .LBB2_6-.Ltmp3, $2  }
0x4c: {  	_ =	sdelay $0x2  }
0x4d: {  	s21 =	sadd.s32 $0x200, s21;
	[tilespmem:v1+s22+$0x0] =	vst.idx.add.f32.msk $0xffff, v0  }
0x4e: {  	s21 =	simm.s32 $0x80  }
0x4f: {  	s22 =	simm.s32 $0x400;
	s23 =	simm.s32 $0x0;
	s30 =	simm.s32 $0x1  }
0x50: {  	[spmem:s20] =	stream.strided.scatter [tilespmem:s23], [sflag:$0x1], $0x2800, s22, s21, $0x38;
	[tilespmem:$0x7D00] =	vst v63  }
0x51: {  	_ =	swait.ge [sflag:s30], $0x2800  }
0x52: {  	[sflag:s30] =	ssyncset.done $0x0  }
0x53: {  	[sflag:s30] =	ssyncadd.s32 $0xFFFFD800  }
0x54: {  	v0 =	vimm.f32 $0.0e+00;
	[bflag:$0x0] =	sbarrier.arrive $0xFFFF  }
0x55: {  	[tilespmem:$0x5000] =	vst v0  }
0x56: {  	[tilespmem:$0x5010] =	vst v0  }
0x57: {  	[tilespmem:$0x5020] =	vst v0  }
0x58: {  	[tilespmem:$0x5030] =	vst v0  }
0x59: {  	[tilespmem:$0x5040] =	vst v0  }
0x5a: {  	[tilespmem:$0x5050] =	vst v0  }
0x5b: {  	[tilespmem:$0x5060] =	vst v0  }
0x5c: {  	[tilespmem:$0x5070] =	vst v0  }
0x5d: {  	[tilespmem:$0x5080] =	vst v0  }
0x5e: {  	[tilespmem:$0x5090] =	vst v0  }
0x5f: {  	[tilespmem:$0x50A0] =	vst v0  }
0x60: {  	[tilespmem:$0x50B0] =	vst v0  }
0x61: {  	[tilespmem:$0x50C0] =	vst v0  }
0x62: {  	[tilespmem:$0x50D0] =	vst v0  }
0x63: {  	[tilespmem:$0x50E0] =	vst v0  }
0x64: {  	[tilespmem:$0x50F0] =	vst v0  }
0x65: {  	[tilespmem:$0x5100] =	vst v0  }
0x66: {  	[tilespmem:$0x5110] =	vst v0  }
0x67: {  	[tilespmem:$0x5120] =	vst v0  }
0x68: {  	[tilespmem:$0x5130] =	vst v0  }
0x69: {  	[tilespmem:$0x5140] =	vst v0  }
0x6a: {  	[tilespmem:$0x5150] =	vst v0  }
0x6b: {  	[tilespmem:$0x5160] =	vst v0  }
0x6c: {  	[tilespmem:$0x5170] =	vst v0  }
0x6d: {  	[tilespmem:$0x5180] =	vst v0  }
0x6e: {  	[tilespmem:$0x5190] =	vst v0  }
0x6f: {  	[tilespmem:$0x51A0] =	vst v0  }
0x70: {  	[tilespmem:$0x51B0] =	vst v0  }
0x71: {  	[tilespmem:$0x51C0] =	vst v0  }
0x72: {  	[tilespmem:$0x51D0] =	vst v0  }
0x73: {  	[tilespmem:$0x51E0] =	vst v0  }
0x74: {  	[tilespmem:$0x51F0] =	vst v0  }
0x75: {  	[tilespmem:$0x5200] =	vst v0  }
0x76: {  	[tilespmem:$0x5210] =	vst v0  }
0x77: {  	[tilespmem:$0x5220] =	vst v0  }
0x78: {  	[tilespmem:$0x5230] =	vst v0  }
0x79: {  	[tilespmem:$0x5240] =	vst v0  }
0x7a: {  	[tilespmem:$0x5250] =	vst v0  }
0x7b: {  	[tilespmem:$0x5260] =	vst v0  }
0x7c: {  	s31 =	simm.s32 $0x5280;
	[tilespmem:$0x5270] =	vst v0  }
0x7d: {  	[tilespmem:s31], [sflag:$0x1] =	stream.strided.gather [spmem:s19], $0x280, s22, s21, $0x38;
	[tilespmem:$0x7D00] =	vst v63  }
0x7e: {  	_ =	swait.ge [sflag:s30], $0x280  }
0x7f: {  	[sflag:s30] =	ssyncset.done $0x0  }
0x80: {  	s19 =	simm.s32 $0x0;
	[sflag:s30] =	ssyncadd.s32 $0xFFFFFD80  }
0x81: {  	s20 =	simm.s32 $0x40;
	v0 =	vld [tilespmem:s19+$0x5280]  }
.LBB2_8:
0x82: {  	p0 =	sne.s32 s20, $0x9C0;
	v1 =	vld [tilespmem:s19+$0x5000];
	_ =	sdelay $0x2  }
.Ltmp4:
0x83: {  	(pc) =	sbr.rel @p0 .LBB2_8-.Ltmp4, $4  }
0x84: {  	_ = 	snop  }
0x85: {  	v1 =	vadd.f32 v0, v1  }
0x86: {  	s21 =	sshra.s32 s20, $0x2  }
0x87: {  	s20 =	sadd.s32 $0x40, s20;
	v0 =	vld [tilespmem:s21+$0x5280];
	[tilespmem:s19+$0x5000] =	vst v1;
	s19 =	smov.u32 s21  }
0x88: {  	v1 =	vld [tilespmem:s19+$0x5000];
	_ =	sdelay $0x4  }
0x89: {  	v0 =	vadd.f32 v0, v1  }
0x8a: {  	s30 =	simm.s32 $0x80  }
0x8b: {  	s20 =	simm.s32 $0x400;
	s21 =	simm.s32 $0x5280;
	s31 =	simm.s32 $0x1;
	[tilespmem:s19+$0x5000] =	vst v0  }
0x8c: {  	[tilespmem:s21], [sflag:$0x1] =	stream.strided.gather [spmem:s18], $0x280, s20, s30, $0x38;
	[tilespmem:$0x7D00] =	vst v63  }
0x8d: {  	_ =	swait.ge [sflag:s31], $0x280  }
0x8e: {  	[sflag:s31] =	ssyncset.done $0x0  }
0x8f: {  	s18 =	simm.s32 $0x0;
	[sflag:s31] =	ssyncadd.s32 $0xFFFFFD80  }
0x90: {  	s19 =	simm.s32 $0x40;
	v0 =	vld [tilespmem:s18+$0x5280]  }
.LBB2_10:
0x91: {  	p0 =	sne.s32 s19, $0x9C0;
	v1 =	vld [tilespmem:s18+$0x5000];
	_ =	sdelay $0x2  }
.Ltmp5:
0x92: {  	(pc) =	sbr.rel @p0 .LBB2_10-.Ltmp5, $4  }
0x93: {  	_ = 	snop  }
0x94: {  	v1 =	vadd.f32 v0, v1  }
0x95: {  	s20 =	sshra.s32 s19, $0x2  }
0x96: {  	s19 =	sadd.s32 $0x40, s19;
	v0 =	vld [tilespmem:s20+$0x5280];
	[tilespmem:s18+$0x5000] =	vst v1;
	s18 =	smov.u32 s20  }
0x97: {  	v1 =	vld [tilespmem:s18+$0x5000];
	_ =	sdelay $0x4  }
0x98: {  	v0 =	vadd.f32 v0, v1  }
0x99: {  	s30 =	simm.s32 $0x80  }
0x9a: {  	s19 =	simm.s32 $0x400;
	s20 =	simm.s32 $0x5280;
	s31 =	simm.s32 $0x1;
	[tilespmem:s18+$0x5000] =	vst v0  }
0x9b: {  	[tilespmem:s20], [sflag:$0x1] =	stream.strided.gather [spmem:s17], $0x280, s19, s30, $0x38;
	[tilespmem:$0x7D00] =	vst v63  }
0x9c: {  	_ =	swait.ge [sflag:s31], $0x280  }
0x9d: {  	[sflag:s31] =	ssyncset.done $0x0  }
0x9e: {  	s17 =	simm.s32 $0x0;
	[sflag:s31] =	ssyncadd.s32 $0xFFFFFD80  }
0x9f: {  	s18 =	simm.s32 $0x40;
	v0 =	vld [tilespmem:s17+$0x5280]  }
.LBB2_12:
0xa0: {  	p0 =	sne.s32 s18, $0x9C0;
	v1 =	vld [tilespmem:s17+$0x5000];
	_ =	sdelay $0x2  }
.Ltmp6:
0xa1: {  	(pc) =	sbr.rel @p0 .LBB2_12-.Ltmp6, $4  }
0xa2: {  	_ = 	snop  }
0xa3: {  	v1 =	vadd.f32 v0, v1  }
0xa4: {  	s19 =	sshra.s32 s18, $0x2  }
0xa5: {  	s18 =	sadd.s32 $0x40, s18;
	v0 =	vld [tilespmem:s19+$0x5280];
	[tilespmem:s17+$0x5000] =	vst v1;
	s17 =	smov.u32 s19  }
0xa6: {  	v1 =	vld [tilespmem:s17+$0x5000];
	_ =	sdelay $0x4  }
0xa7: {  	v0 =	vadd.f32 v0, v1  }
0xa8: {  	s30 =	simm.s32 $0x80  }
0xa9: {  	s18 =	simm.s32 $0x400;
	s19 =	simm.s32 $0x5280;
	s31 =	simm.s32 $0x1;
	[tilespmem:s17+$0x5000] =	vst v0  }
0xaa: {  	[tilespmem:s19], [sflag:$0x1] =	stream.strided.gather [spmem:s16], $0x280, s18, s30, $0x38;
	[tilespmem:$0x7D00] =	vst v63  }
0xab: {  	_ =	swait.ge [sflag:s31], $0x280  }
0xac: {  	[sflag:s31] =	ssyncset.done $0x0  }
0xad: {  	s16 =	simm.s32 $0x0;
	[sflag:s31] =	ssyncadd.s32 $0xFFFFFD80  }
0xae: {  	s17 =	simm.s32 $0x40;
	v0 =	vld [tilespmem:s16+$0x5280]  }
.LBB2_14:
0xaf: {  	p0 =	sne.s32 s17, $0x9C0;
	v1 =	vld [tilespmem:s16+$0x5000];
	_ =	sdelay $0x2  }
.Ltmp7:
0xb0: {  	(pc) =	sbr.rel @p0 .LBB2_14-.Ltmp7, $4  }
0xb1: {  	_ = 	snop  }
0xb2: {  	v1 =	vadd.f32 v0, v1  }
0xb3: {  	s18 =	sshra.s32 s17, $0x2  }
0xb4: {  	s17 =	sadd.s32 $0x40, s17;
	v0 =	vld [tilespmem:s18+$0x5280];
	[tilespmem:s16+$0x5000] =	vst v1;
	s16 =	smov.u32 s18  }
0xb5: {  	v1 =	vld [tilespmem:s16+$0x5000];
	_ =	sdelay $0x4  }
0xb6: {  	v0 =	vadd.f32 v0, v1  }
0xb7: {  	s30 =	simm.s32 $0x80  }
0xb8: {  	s17 =	simm.s32 $0x400;
	s18 =	simm.s32 $0x5280;
	s31 =	simm.s32 $0x1;
	[tilespmem:s16+$0x5000] =	vst v0  }
0xb9: {  	[tilespmem:s18], [sflag:$0x1] =	stream.strided.gather [spmem:s15], $0x280, s17, s30, $0x38;
	[tilespmem:$0x7D00] =	vst v63  }
0xba: {  	_ =	swait.ge [sflag:s31], $0x280  }
0xbb: {  	[sflag:s31] =	ssyncset.done $0x0  }
0xbc: {  	s15 =	simm.s32 $0x0;
	[sflag:s31] =	ssyncadd.s32 $0xFFFFFD80  }
0xbd: {  	s16 =	simm.s32 $0x40;
	v0 =	vld [tilespmem:s15+$0x5280]  }
.LBB2_16:
0xbe: {  	p0 =	sne.s32 s16, $0x9C0;
	v1 =	vld [tilespmem:s15+$0x5000];
	_ =	sdelay $0x2  }
.Ltmp8:
0xbf: {  	(pc) =	sbr.rel @p0 .LBB2_16-.Ltmp8, $4  }
0xc0: {  	_ = 	snop  }
0xc1: {  	v1 =	vadd.f32 v0, v1  }
0xc2: {  	s17 =	sshra.s32 s16, $0x2  }
0xc3: {  	s16 =	sadd.s32 $0x40, s16;
	v0 =	vld [tilespmem:s17+$0x5280];
	[tilespmem:s15+$0x5000] =	vst v1;
	s15 =	smov.u32 s17  }
0xc4: {  	v1 =	vld [tilespmem:s15+$0x5000];
	_ =	sdelay $0x4  }
0xc5: {  	v0 =	vadd.f32 v0, v1  }
0xc6: {  	s30 =	simm.s32 $0x80  }
0xc7: {  	s16 =	simm.s32 $0x400;
	s17 =	simm.s32 $0x5280;
	s31 =	simm.s32 $0x1;
	[tilespmem:s15+$0x5000] =	vst v0  }
0xc8: {  	[tilespmem:s17], [sflag:$0x1] =	stream.strided.gather [spmem:s14], $0x280, s16, s30, $0x38;
	[tilespmem:$0x7D00] =	vst v63  }
0xc9: {  	_ =	swait.ge [sflag:s31], $0x280  }
0xca: {  	[sflag:s31] =	ssyncset.done $0x0  }
0xcb: {  	s14 =	simm.s32 $0x0;
	[sflag:s31] =	ssyncadd.s32 $0xFFFFFD80  }
0xcc: {  	s15 =	simm.s32 $0x40;
	v0 =	vld [tilespmem:s14+$0x5280]  }
.LBB2_18:
0xcd: {  	p0 =	sne.s32 s15, $0x9C0;
	v1 =	vld [tilespmem:s14+$0x5000];
	_ =	sdelay $0x2  }
.Ltmp9:
0xce: {  	(pc) =	sbr.rel @p0 .LBB2_18-.Ltmp9, $4  }
0xcf: {  	_ = 	snop  }
0xd0: {  	v1 =	vadd.f32 v0, v1  }
0xd1: {  	s16 =	sshra.s32 s15, $0x2  }
0xd2: {  	s15 =	sadd.s32 $0x40, s15;
	v0 =	vld [tilespmem:s16+$0x5280];
	[tilespmem:s14+$0x5000] =	vst v1;
	s14 =	smov.u32 s16  }
0xd3: {  	v1 =	vld [tilespmem:s14+$0x5000];
	_ =	sdelay $0x4  }
0xd4: {  	v0 =	vadd.f32 v0, v1  }
0xd5: {  	s30 =	simm.s32 $0x80  }
0xd6: {  	s15 =	simm.s32 $0x400;
	s16 =	simm.s32 $0x5280;
	s31 =	simm.s32 $0x1;
	[tilespmem:s14+$0x5000] =	vst v0  }
0xd7: {  	[tilespmem:s16], [sflag:$0x1] =	stream.strided.gather [spmem:s13], $0x280, s15, s30, $0x38;
	[tilespmem:$0x7D00] =	vst v63  }
0xd8: {  	_ =	swait.ge [sflag:s31], $0x280  }
0xd9: {  	[sflag:s31] =	ssyncset.done $0x0  }
0xda: {  	s13 =	simm.s32 $0x0;
	[sflag:s31] =	ssyncadd.s32 $0xFFFFFD80  }
0xdb: {  	s14 =	simm.s32 $0x40;
	v0 =	vld [tilespmem:s13+$0x5280]  }
.LBB2_20:
0xdc: {  	p0 =	sne.s32 s14, $0x9C0;
	v1 =	vld [tilespmem:s13+$0x5000];
	_ =	sdelay $0x2  }
.Ltmp10:
0xdd: {  	(pc) =	sbr.rel @p0 .LBB2_20-.Ltmp10, $4  }
0xde: {  	_ = 	snop  }
0xdf: {  	v1 =	vadd.f32 v0, v1  }
0xe0: {  	s15 =	sshra.s32 s14, $0x2  }
0xe1: {  	s14 =	sadd.s32 $0x40, s14;
	v0 =	vld [tilespmem:s15+$0x5280];
	[tilespmem:s13+$0x5000] =	vst v1;
	s13 =	smov.u32 s15  }
0xe2: {  	v1 =	vld [tilespmem:s13+$0x5000];
	_ =	sdelay $0x4  }
0xe3: {  	v0 =	vadd.f32 v0, v1  }
0xe4: {  	s30 =	simm.s32 $0x80  }
0xe5: {  	s14 =	simm.s32 $0x400;
	s15 =	simm.s32 $0x5280;
	s31 =	simm.s32 $0x1;
	[tilespmem:s13+$0x5000] =	vst v0  }
0xe6: {  	[tilespmem:s15], [sflag:$0x1] =	stream.strided.gather [spmem:s12], $0x280, s14, s30, $0x38;
	[tilespmem:$0x7D00] =	vst v63  }
0xe7: {  	_ =	swait.ge [sflag:s31], $0x280  }
0xe8: {  	[sflag:s31] =	ssyncset.done $0x0  }
0xe9: {  	s12 =	simm.s32 $0x0;
	[sflag:s31] =	ssyncadd.s32 $0xFFFFFD80  }
0xea: {  	s13 =	simm.s32 $0x40;
	v0 =	vld [tilespmem:s12+$0x5280]  }
.LBB2_22:
0xeb: {  	p0 =	sne.s32 s13, $0x9C0;
	v1 =	vld [tilespmem:s12+$0x5000];
	_ =	sdelay $0x2  }
.Ltmp11:
0xec: {  	(pc) =	sbr.rel @p0 .LBB2_22-.Ltmp11, $4  }
0xed: {  	_ = 	snop  }
0xee: {  	v1 =	vadd.f32 v0, v1  }
0xef: {  	s14 =	sshra.s32 s13, $0x2  }
0xf0: {  	s13 =	sadd.s32 $0x40, s13;
	v0 =	vld [tilespmem:s14+$0x5280];
	[tilespmem:s12+$0x5000] =	vst v1;
	s12 =	smov.u32 s14  }
0xf1: {  	v1 =	vld [tilespmem:s12+$0x5000];
	_ =	sdelay $0x4  }
0xf2: {  	v0 =	vadd.f32 v0, v1  }
0xf3: {  	s30 =	simm.s32 $0x80  }
0xf4: {  	s13 =	simm.s32 $0x400;
	s14 =	simm.s32 $0x5280;
	s31 =	simm.s32 $0x1;
	[tilespmem:s12+$0x5000] =	vst v0  }
0xf5: {  	[tilespmem:s14], [sflag:$0x1] =	stream.strided.gather [spmem:s11], $0x280, s13, s30, $0x38;
	[tilespmem:$0x7D00] =	vst v63  }
0xf6: {  	_ =	swait.ge [sflag:s31], $0x280  }
0xf7: {  	[sflag:s31] =	ssyncset.done $0x0  }
0xf8: {  	s11 =	simm.s32 $0x0;
	[sflag:s31] =	ssyncadd.s32 $0xFFFFFD80  }
0xf9: {  	s12 =	simm.s32 $0x40;
	v0 =	vld [tilespmem:s11+$0x5280]  }
.LBB2_24:
0xfa: {  	p0 =	sne.s32 s12, $0x9C0;
	v1 =	vld [tilespmem:s11+$0x5000];
	_ =	sdelay $0x2  }
.Ltmp12:
0xfb: {  	(pc) =	sbr.rel @p0 .LBB2_24-.Ltmp12, $4  }
0xfc: {  	_ = 	snop  }
0xfd: {  	v1 =	vadd.f32 v0, v1  }
0xfe: {  	s13 =	sshra.s32 s12, $0x2  }
0xff: {  	s12 =	sadd.s32 $0x40, s12;
	v0 =	vld [tilespmem:s13+$0x5280];
	[tilespmem:s11+$0x5000] =	vst v1;
	s11 =	smov.u32 s13  }
0x100: {  	v1 =	vld [tilespmem:s11+$0x5000];
	_ =	sdelay $0x4  }
0x101: {  	v0 =	vadd.f32 v0, v1  }
0x102: {  	s30 =	simm.s32 $0x80  }
0x103: {  	s12 =	simm.s32 $0x400;
	s13 =	simm.s32 $0x5280;
	s31 =	simm.s32 $0x1;
	[tilespmem:s11+$0x5000] =	vst v0  }
0x104: {  	[tilespmem:s13], [sflag:$0x1] =	stream.strided.gather [spmem:s10], $0x280, s12, s30, $0x38;
	[tilespmem:$0x7D00] =	vst v63  }
0x105: {  	_ =	swait.ge [sflag:s31], $0x280  }
0x106: {  	[sflag:s31] =	ssyncset.done $0x0  }
0x107: {  	s10 =	simm.s32 $0x0;
	[sflag:s31] =	ssyncadd.s32 $0xFFFFFD80  }
0x108: {  	s11 =	simm.s32 $0x40;
	v0 =	vld [tilespmem:s10+$0x5280]  }
.LBB2_26:
0x109: {  	p0 =	sne.s32 s11, $0x9C0;
	v1 =	vld [tilespmem:s10+$0x5000];
	_ =	sdelay $0x2  }
.Ltmp13:
0x10a: {  	(pc) =	sbr.rel @p0 .LBB2_26-.Ltmp13, $4  }
0x10b: {  	_ = 	snop  }
0x10c: {  	v1 =	vadd.f32 v0, v1  }
0x10d: {  	s12 =	sshra.s32 s11, $0x2  }
0x10e: {  	s11 =	sadd.s32 $0x40, s11;
	v0 =	vld [tilespmem:s12+$0x5280];
	[tilespmem:s10+$0x5000] =	vst v1;
	s10 =	smov.u32 s12  }
0x10f: {  	v1 =	vld [tilespmem:s10+$0x5000];
	_ =	sdelay $0x4  }
0x110: {  	v0 =	vadd.f32 v0, v1  }
0x111: {  	s30 =	simm.s32 $0x80  }
0x112: {  	s11 =	simm.s32 $0x400;
	s12 =	simm.s32 $0x5280;
	s31 =	simm.s32 $0x1;
	[tilespmem:s10+$0x5000] =	vst v0  }
0x113: {  	[tilespmem:s12], [sflag:$0x1] =	stream.strided.gather [spmem:s9], $0x280, s11, s30, $0x38;
	[tilespmem:$0x7D00] =	vst v63  }
0x114: {  	_ =	swait.ge [sflag:s31], $0x280  }
0x115: {  	[sflag:s31] =	ssyncset.done $0x0  }
0x116: {  	s9 =	simm.s32 $0x0;
	[sflag:s31] =	ssyncadd.s32 $0xFFFFFD80  }
0x117: {  	s10 =	simm.s32 $0x40;
	v0 =	vld [tilespmem:s9+$0x5280]  }
.LBB2_28:
0x118: {  	p0 =	sne.s32 s10, $0x9C0;
	v1 =	vld [tilespmem:s9+$0x5000];
	_ =	sdelay $0x2  }
.Ltmp14:
0x119: {  	(pc) =	sbr.rel @p0 .LBB2_28-.Ltmp14, $4  }
0x11a: {  	_ = 	snop  }
0x11b: {  	v1 =	vadd.f32 v0, v1  }
0x11c: {  	s11 =	sshra.s32 s10, $0x2  }
0x11d: {  	s10 =	sadd.s32 $0x40, s10;
	v0 =	vld [tilespmem:s11+$0x5280];
	[tilespmem:s9+$0x5000] =	vst v1;
	s9 =	smov.u32 s11  }
0x11e: {  	v1 =	vld [tilespmem:s9+$0x5000];
	_ =	sdelay $0x4  }
0x11f: {  	v0 =	vadd.f32 v0, v1  }
0x120: {  	s30 =	simm.s32 $0x80  }
0x121: {  	s10 =	simm.s32 $0x400;
	s11 =	simm.s32 $0x5280;
	s31 =	simm.s32 $0x1;
	[tilespmem:s9+$0x5000] =	vst v0  }
0x122: {  	[tilespmem:s11], [sflag:$0x1] =	stream.strided.gather [spmem:s8], $0x280, s10, s30, $0x38;
	[tilespmem:$0x7D00] =	vst v63  }
0x123: {  	_ =	swait.ge [sflag:s31], $0x280  }
0x124: {  	[sflag:s31] =	ssyncset.done $0x0  }
0x125: {  	s8 =	simm.s32 $0x0;
	[sflag:s31] =	ssyncadd.s32 $0xFFFFFD80  }
0x126: {  	s9 =	simm.s32 $0x40;
	v0 =	vld [tilespmem:s8+$0x5280]  }
.LBB2_30:
0x127: {  	p0 =	sne.s32 s9, $0x9C0;
	v1 =	vld [tilespmem:s8+$0x5000];
	_ =	sdelay $0x2  }
.Ltmp15:
0x128: {  	(pc) =	sbr.rel @p0 .LBB2_30-.Ltmp15, $4  }
0x129: {  	_ = 	snop  }
0x12a: {  	v1 =	vadd.f32 v0, v1  }
0x12b: {  	s10 =	sshra.s32 s9, $0x2  }
0x12c: {  	s9 =	sadd.s32 $0x40, s9;
	v0 =	vld [tilespmem:s10+$0x5280];
	[tilespmem:s8+$0x5000] =	vst v1;
	s8 =	smov.u32 s10  }
0x12d: {  	v1 =	vld [tilespmem:s8+$0x5000];
	_ =	sdelay $0x4  }
0x12e: {  	v0 =	vadd.f32 v0, v1  }
0x12f: {  	s30 =	simm.s32 $0x80  }
0x130: {  	s9 =	simm.s32 $0x400;
	s10 =	simm.s32 $0x5280;
	s31 =	simm.s32 $0x1;
	[tilespmem:s8+$0x5000] =	vst v0  }
0x131: {  	[tilespmem:s10], [sflag:$0x1] =	stream.strided.gather [spmem:s7], $0x280, s9, s30, $0x38;
	[tilespmem:$0x7D00] =	vst v63  }
0x132: {  	_ =	swait.ge [sflag:s31], $0x280  }
0x133: {  	[sflag:s31] =	ssyncset.done $0x0  }
0x134: {  	s7 =	simm.s32 $0x0;
	[sflag:s31] =	ssyncadd.s32 $0xFFFFFD80  }
0x135: {  	s8 =	simm.s32 $0x40;
	v0 =	vld [tilespmem:s7+$0x5280]  }
.LBB2_32:
0x136: {  	p0 =	sne.s32 s8, $0x9C0;
	v1 =	vld [tilespmem:s7+$0x5000];
	_ =	sdelay $0x2  }
.Ltmp16:
0x137: {  	(pc) =	sbr.rel @p0 .LBB2_32-.Ltmp16, $4  }
0x138: {  	_ = 	snop  }
0x139: {  	v1 =	vadd.f32 v0, v1  }
0x13a: {  	s9 =	sshra.s32 s8, $0x2  }
0x13b: {  	s8 =	sadd.s32 $0x40, s8;
	v0 =	vld [tilespmem:s9+$0x5280];
	[tilespmem:s7+$0x5000] =	vst v1;
	s7 =	smov.u32 s9  }
0x13c: {  	v1 =	vld [tilespmem:s7+$0x5000];
	_ =	sdelay $0x4  }
0x13d: {  	v0 =	vadd.f32 v0, v1  }
0x13e: {  	s30 =	simm.s32 $0x80  }
0x13f: {  	s8 =	simm.s32 $0x400;
	s9 =	simm.s32 $0x5280;
	s31 =	simm.s32 $0x1;
	[tilespmem:s7+$0x5000] =	vst v0  }
0x140: {  	[tilespmem:s9], [sflag:$0x1] =	stream.strided.gather [spmem:s6], $0x280, s8, s30, $0x38;
	[tilespmem:$0x7D00] =	vst v63  }
0x141: {  	_ =	swait.ge [sflag:s31], $0x280  }
0x142: {  	[sflag:s31] =	ssyncset.done $0x0  }
0x143: {  	s6 =	simm.s32 $0x0;
	[sflag:s31] =	ssyncadd.s32 $0xFFFFFD80  }
0x144: {  	s7 =	simm.s32 $0x40;
	v0 =	vld [tilespmem:s6+$0x5280]  }
.LBB2_34:
0x145: {  	p0 =	sne.s32 s7, $0x9C0;
	v1 =	vld [tilespmem:s6+$0x5000];
	_ =	sdelay $0x2  }
.Ltmp17:
0x146: {  	(pc) =	sbr.rel @p0 .LBB2_34-.Ltmp17, $4  }
0x147: {  	_ = 	snop  }
0x148: {  	v1 =	vadd.f32 v0, v1  }
0x149: {  	s8 =	sshra.s32 s7, $0x2  }
0x14a: {  	s7 =	sadd.s32 $0x40, s7;
	v0 =	vld [tilespmem:s8+$0x5280];
	[tilespmem:s6+$0x5000] =	vst v1;
	s6 =	smov.u32 s8  }
0x14b: {  	v1 =	vld [tilespmem:s6+$0x5000];
	_ =	sdelay $0x4  }
0x14c: {  	v0 =	vadd.f32 v0, v1  }
0x14d: {  	s30 =	simm.s32 $0x80  }
0x14e: {  	s7 =	simm.s32 $0x400;
	s8 =	simm.s32 $0x5280;
	s31 =	simm.s32 $0x1;
	[tilespmem:s6+$0x5000] =	vst v0  }
0x14f: {  	[tilespmem:s8], [sflag:$0x1] =	stream.strided.gather [spmem:s5], $0x280, s7, s30, $0x38;
	[tilespmem:$0x7D00] =	vst v63  }
0x150: {  	_ =	swait.ge [sflag:s31], $0x280  }
0x151: {  	[sflag:s31] =	ssyncset.done $0x0  }
0x152: {  	s5 =	simm.s32 $0x0;
	[sflag:s31] =	ssyncadd.s32 $0xFFFFFD80  }
0x153: {  	s6 =	simm.s32 $0x40;
	v0 =	vld [tilespmem:s5+$0x5280]  }
.LBB2_36:
0x154: {  	p0 =	sne.s32 s6, $0x9C0;
	v1 =	vld [tilespmem:s5+$0x5000];
	_ =	sdelay $0x2  }
.Ltmp18:
0x155: {  	(pc) =	sbr.rel @p0 .LBB2_36-.Ltmp18, $4  }
0x156: {  	_ = 	snop  }
0x157: {  	v1 =	vadd.f32 v0, v1  }
0x158: {  	s7 =	sshra.s32 s6, $0x2  }
0x159: {  	s6 =	sadd.s32 $0x40, s6;
	v0 =	vld [tilespmem:s7+$0x5280];
	[tilespmem:s5+$0x5000] =	vst v1;
	s5 =	smov.u32 s7  }
0x15a: {  	v1 =	vld [tilespmem:s5+$0x5000];
	_ =	sdelay $0x4  }
0x15b: {  	v0 =	vadd.f32 v0, v1  }
0x15c: {  	s30 =	simm.s32 $0x80  }
0x15d: {  	s6 =	simm.s32 $0x400;
	s7 =	simm.s32 $0x5280;
	s31 =	simm.s32 $0x1;
	[tilespmem:s5+$0x5000] =	vst v0  }
0x15e: {  	[tilespmem:s7], [sflag:$0x1] =	stream.strided.gather [spmem:s4], $0x280, s6, s30, $0x38;
	[tilespmem:$0x7D00] =	vst v63  }
0x15f: {  	_ =	swait.ge [sflag:s31], $0x280  }
0x160: {  	[sflag:s31] =	ssyncset.done $0x0  }
0x161: {  	s4 =	simm.s32 $0x0;
	[sflag:s31] =	ssyncadd.s32 $0xFFFFFD80  }
0x162: {  	s5 =	simm.s32 $0x0;
	s6 =	simm.s32 $0x40;
	v0 =	vld [tilespmem:s4+$0x5280]  }
.LBB2_38:
0x163: {  	p0 =	sne.s32 s6, $0x9C0;
	v1 =	vld [tilespmem:s5+$0x5000];
	_ =	sdelay $0x2  }
.Ltmp19:
0x164: {  	(pc) =	sbr.rel @p0 .LBB2_38-.Ltmp19, $4  }
0x165: {  	_ = 	snop  }
0x166: {  	v1 =	vadd.f32 v0, v1  }
0x167: {  	s7 =	sshra.s32 s6, $0x2  }
0x168: {  	s6 =	sadd.s32 $0x40, s6;
	v0 =	vld [tilespmem:s7+$0x5280];
	[tilespmem:s5+$0x5000] =	vst v1;
	s5 =	smov.u32 s7  }
0x169: {  	v1 =	vld [tilespmem:s5+$0x5000];
	_ =	sdelay $0x4  }
0x16a: {  	v0 =	vadd.f32 v0, v1;
	_ =	sdelay $0x1  }
0x16b: {  	[tilespmem:s5+$0x5000] =	vst v0  }
0x16c: {  	s5 =	simm.s32 $0x10;
	v0 =	vld [tilespmem:s4+$0x5000]  }
0x16d: {  	v1 =	vld [tilespmem:s5+$0x5000];
	_ =	sdelay $0x3  }
0x16e: {  	v0 =	vadd.f32 $1.000000000e+00, v0  }
0x16f: {  	s6 =	simm.s32 $0x20;
	v1 =	vadd.f32 $1.000000000e+00, v1  }
0x170: {  	s7 =	simm.s32 $0x30;
	v3 =	vld [tilespmem:s6+$0x5000];
	v2 =	vshrl.u32 v0, $0x1;
	v11 =	vmul.f32 $5.000000000e-01, v0  }
0x171: {  	v5 =	vshrl.u32 v1, $0x1;
	v4 =	vmul.f32 $5.000000000e-01, v1;
	v1 =	vld [tilespmem:s7+$0x5000];
	v0 =	vsub.s32 $0x5F3759DF, v2  }
0x172: {  	v2 =	vmul.f32 v0, v11  }
0x173: {  	v5 =	vsub.s32 $0x5F3759DF, v5  }
0x174: {  	v6 =	vmul.f32 v5, v4;
	v2 =	vmul.f32 v0, v2  }
0x175: {  	v3 =	vadd.f32 $1.000000000e+00, v3  }
0x176: {  	v6 =	vmul.f32 v5, v6;
	v1 =	vadd.f32 $1.000000000e+00, v1;
	v2 =	vsub.f32 $1.500000000e+00, v2  }
0x177: {  	v7 =	vshrl.u32 v3, $0x1  }
0x178: {  	v6 =	vsub.f32 $1.500000000e+00, v6;
	v10 =	vshrl.u32 v1, $0x1;
	v2 =	vmul.f32 v0, v2  }
0x179: {  	v1 =	vmul.f32 $5.000000000e-01, v1;
	v0 =	vmul.f32 $5.000000000e-01, v3;
	v3 =	vsub.s32 $0x5F3759DF, v7  }
0x17a: {  	s8 =	simm.s32 $0x40;
	v10 =	vsub.s32 $0x5F3759DF, v10;
	v5 =	vmul.f32 v5, v6;
	v7 =	vmul.f32 v2, v11  }
0x17b: {  	v9 =	vld [tilespmem:s8+$0x5000];
	v6 =	vmul.f32 v10, v1;
	v8 =	vmul.f32 v3, v0  }
0x17c: {  	v7 =	vmul.f32 v7, v2  }
0x17d: {  	s9 =	simm.s32 $0x50;
	v6 =	vmul.f32 v10, v6;
	v8 =	vmul.f32 v3, v8  }
0x17e: {  	v12 =	vld [tilespmem:s9+$0x5000];
	v7 =	vsub.f32 $1.500000000e+00, v7  }
0x17f: {  	v6 =	vsub.f32 $1.500000000e+00, v6;
	v8 =	vsub.f32 $1.500000000e+00, v8  }
0x180: {  	v13 =	vmul.f32 v5, v4;
	v14 =	vmul.f32 v7, v2;
	v2 =	vadd.f32 $1.000000000e+00, v9  }
0x181: {  	v19 =	vmul.f32 v10, v6;
	v8 =	vmul.f32 v3, v8  }
0x182: {  	v7 =	vmul.f32 v13, v5;
	v3 =	vshrl.u32 v2, $0x1;
	v2 =	vmul.f32 $5.000000000e-01, v2  }
0x183: {  	s10 =	simm.s32 $0x60;
	v9 =	vadd.f32 $1.000000000e+00, v12;
	v13 =	vsub.s32 $0x5F3759DF, v3;
	v3 =	vmul.f32 v8, v0  }
0x184: {  	v17 =	vld [tilespmem:s10+$0x5000];
	v16 =	vmul.f32 v14, v11;
	v15 =	vmul.f32 v13, v2  }
0x185: {  	v12 =	vshrl.u32 v9, $0x1;
	v18 =	vmul.f32 v3, v8;
	v3 =	vmul.f32 $5.000000000e-01, v9  }
0x186: {  	v7 =	vsub.f32 $1.500000000e+00, v7;
	v12 =	vsub.s32 $0x5F3759DF, v12;
	v6 =	vmul.f32 v16, v14  }
0x187: {  	v9 =	vmul.f32 v13, v15;
	v10 =	vmul.f32 v12, v3;
	v15 =	vsub.f32 $1.500000000e+00, v18  }
0x188: {  	v7 =	vmul.f32 v7, v5;
	v5 =	vmul.f32 v19, v1;
	v16 =	vsub.f32 $1.500000000e+00, v6  }
0x189: {  	v18 =	vmul.f32 v12, v10;
	v6 =	vmul.f32 v15, v8;
	v10 =	vadd.f32 $1.000000000e+00, v17  }
0x18a: {  	s11 =	simm.s32 $0x70;
	v15 =	vsub.f32 $1.500000000e+00, v9;
	v17 =	vmul.f32 v5, v19;
	v8 =	vmul.f32 v16, v14  }
0x18b: {  	v20 =	vld [tilespmem:s11+$0x5000];
	v14 =	vmul.f32 v7, v4;
	v9 =	vshrl.u32 v10, $0x1;
	v5 =	vmul.f32 $5.000000000e-01, v10  }
0x18c: {  	v10 =	vmul.f32 v13, v15;
	v13 =	vmul.f32 v8, v11;
	v9 =	vsub.s32 $0x5F3759DF, v9  }
0x18d: {  	v17 =	vsub.f32 $1.500000000e+00, v17;
	v14 =	vmul.f32 v14, v7;
	v15 =	vmul.f32 v9, v5  }
0x18e: {  	v11 =	vsub.f32 $1.500000000e+00, v18;
	v21 =	vmul.f32 v10, v2;
	v22 =	vmul.f32 v13, v8  }
0x18f: {  	s12 =	sadd.s32 $0x10, s3;
	v13 =	vmul.f32 v17, v19;
	v18 =	vsub.f32 $1.500000000e+00, v14;
	v16 =	vmul.f32 v9, v15  }
0x190: {  	s14 =	simm.s32 $0x200;
	s13 =	smov.u32 s12;
	v17 =	vadd.f32 $1.000000000e+00, v20;
	v14 =	vmul.f32 v21, v10;
	v15 =	vsub.f32 $1.500000000e+00, v22  }
.LBB2_40:
0x191: {  	v16 =	vsub.f32 $1.500000000e+00, v16;
	v19 =	vmul.f32 v6, v0;
	s12 =	sadd.s32 $0x10, s12;
	s15 =	smov.u32 s10;
	s16 =	smov.u32 s14  }
0x192: {  	v18 =	vmul.f32 v18, v7;
	v20 =	vmovc v9;
	v21 =	vmovc v10;
	v7 =	vmov v6;
	v6 =	vmov v13;
	s10 =	smov.u32 s11;
	s11 =	sshra.s32 s14, $0x2;
	s16 =	sadd.s32 $0x40, s14  }
0x193: {  	p0 =	sne.s32 s14, $0x9C0;
	v9 =	vshrl.u32 v17, $0x1;
	v23 =	vmul.f32 $5.000000000e-01, v17;
	v13 =	vmul.f32 v15, v8;
	v22 =	vld [tilespmem:s11+$0x5000]  }
.Ltmp20:
0x194: {  	v10 =	vmul.f32 v12, v11;
	p1 =	slt.u32 s3, $0x2710;
	s3 =	smov.u32 s13;
	v9 =	vsub.s32 $0x5F3759DF, v9;
	v12 =	vmul.f32 v18, v4;
	v11 =	vmovc v16;
	v8 =	vmovc v18;
	(pc) =	sbr.rel @p0 .LBB2_40-.Ltmp20, $4  }
0x195: {  	v14 =	vsub.f32 $1.500000000e+00, v14;
	s13 =	smov.u32 s12;
	v17 =	vmul.f32 v19, v7;
	v4 =	vmovc v0;
	v0 =	vmovc v1;
	v15 =	vmul.f32 v9, v23  }
0x196: {  	v19 =	vmul.f32 v10, v3;
	v1 =	vmovc v2;
	v2 =	vmovc v3;
	s14 =	smov.u32 s16;
	v24 =	vpsel !p1, $0x0, v13;
	v25 =	vmul.f32 v12, v8  }
0x197: {  	v3 =	vmovc v5;
	v13 =	vmul.f32 v14, v21;
	v18 =	vsub.f32 $1.500000000e+00, v17;
	v16 =	vmul.f32 v9, v15;
	[tilespmem:s4+$0x5280] =	vst v24;
	s4 =	smov.u32 s5;
	s5 =	smov.u32 s6;
	s6 =	smov.u32 s7  }
0x198: {  	v5 =	vmovc v23;
	v14 =	vmul.f32 v19, v10;
	v15 =	vsub.f32 $1.500000000e+00, v25;
	v12 =	vmovc v20;
	s7 =	smov.u32 s8;
	s8 =	smov.u32 s9;
	s9 =	smov.u32 s15;
	v17 =	vadd.f32 $1.000000000e+00, v22  }
0x199: {  	_ = 	snop  }
0x19a: {  	v19 =	vshrl.u32 v17, $0x1;
	v28 =	vmul.f32 $5.000000000e-01, v17  }
0x19b: {  	v19 =	vsub.s32 $0x5F3759DF, v19  }
0x19c: {  	v20 =	vmul.f32 v19, v28  }
0x19d: {  	v7 =	vmul.f32 v18, v7;
	v11 =	vmul.f32 v12, v11  }
0x19e: {  	v29 =	vsub.f32 $1.500000000e+00, v16;
	v30 =	vmul.f32 v6, v0;
	v31 =	vmul.f32 v19, v20  }
0x19f: {  	v35 =	vmul.f32 v13, v1;
	v8 =	vmul.f32 v15, v8;
	v14 =	vsub.f32 $1.500000000e+00, v14  }
0x1a0: {  	v4 =	vmul.f32 v7, v4;
	v32 =	vmul.f32 v30, v6;
	v18 =	vsub.f32 $1.500000000e+00, v31  }
0x1a1: {  	v33 =	vmul.f32 v11, v3;
	v9 =	vmul.f32 v9, v29  }
0x1a2: {  	v10 =	vmul.f32 v14, v10;
	v34 =	vmul.f32 v19, v18  }
0x1a3: {  	v14 =	vmul.f32 v35, v13;
	v36 =	vmul.f32 v9, v5  }
0x1a4: {  	v16 =	vmul.f32 v33, v11;
	v19 =	vmul.f32 v34, v28  }
0x1a5: {  	v4 =	vmul.f32 v4, v7;
	v15 =	vsub.f32 $1.500000000e+00, v32;
	v18 =	vmul.f32 v36, v9  }
0x1a6: {  	v42 =	vmul.f32 v10, v2;
	v38 =	vsub.f32 $1.500000000e+00, v16;
	v39 =	vmul.f32 v19, v34  }
0x1a7: {  	v4 =	vsub.f32 $1.500000000e+00, v4;
	v37 =	vmul.f32 v15, v6;
	v41 =	vsub.f32 $1.500000000e+00, v18  }
0x1a8: {  	v44 =	vmul.f32 v42, v10;
	v11 =	vmul.f32 v38, v11;
	v16 =	vsub.f32 $1.500000000e+00, v39  }
0x1a9: {  	v40 =	vsub.f32 $1.500000000e+00, v14;
	v4 =	vmul.f32 v4, v7;
	v9 =	vmul.f32 v41, v9  }
0x1aa: {  	v43 =	vmul.f32 v11, v3;
	v12 =	vmul.f32 v16, v34  }
0x1ab: {  	v7 =	vmul.f32 v40, v13;
	v45 =	vmul.f32 v9, v5  }
0x1ac: {  	v13 =	vmul.f32 v43, v11;
	v16 =	vmul.f32 v12, v28  }
0x1ad: {  	v46 =	vmul.f32 v37, v0;
	v14 =	vsub.f32 $1.500000000e+00, v44;
	v15 =	vmul.f32 v45, v9  }
0x1ae: {  	v47 =	vmul.f32 v7, v1;
	v13 =	vsub.f32 $1.500000000e+00, v13;
	v16 =	vmul.f32 v16, v12  }
0x1af: {  	v0 =	vmul.f32 v46, v37;
	v10 =	vmul.f32 v14, v10;
	v48 =	vsub.f32 $1.500000000e+00, v15  }
0x1b0: {  	p0 =	slt.u32 s3, $0x2710;
	v1 =	vmul.f32 v47, v7;
	v11 =	vmul.f32 v13, v11;
	v49 =	vsub.f32 $1.500000000e+00, v16  }
0x1b1: {  	p6 =	slt.u32 s13, $0x2710;
	v8 =	vpsel !p0, $0x0, v8;
	v50 =	vmul.f32 v10, v2;
	v9 =	vmul.f32 v48, v9  }
0x1b2: {  	v4 =	vpsel !p6, $0x0, v4;
	v51 =	vmul.f32 v11, v3;
	v12 =	vmul.f32 v49, v12  }
0x1b3: {  	v0 =	vsub.f32 $1.500000000e+00, v0;
	v2 =	vmul.f32 v50, v10;
	v52 =	vmul.f32 v9, v5  }
0x1b4: {  	v1 =	vsub.f32 $1.500000000e+00, v1;
	v3 =	vmul.f32 v51, v11;
	v13 =	vmul.f32 v12, v28  }
0x1b5: {  	s22 =	sadd.s32 $0x10, s12;
	v0 =	vmul.f32 v0, v37;
	v2 =	vsub.f32 $1.500000000e+00, v2;
	v5 =	vmul.f32 v52, v9  }
0x1b6: {  	s23 =	sadd.s32 $0x10, s22;
	p1 =	slt.u32 s22, $0x2710;
	[tilespmem:s4+$0x5280] =	vst v8;
	v1 =	vmul.f32 v1, v7;
	v3 =	vsub.f32 $1.500000000e+00, v3;
	v53 =	vmul.f32 v13, v12  }
0x1b7: {  	s24 =	sadd.s32 $0x10, s23;
	p2 =	slt.u32 s23, $0x2710;
	[tilespmem:s5+$0x5280] =	vst v4;
	v0 =	vpsel !p1, $0x0, v0;
	v2 =	vmul.f32 v2, v10;
	v54 =	vsub.f32 $1.500000000e+00, v5  }
0x1b8: {  	s25 =	sadd.s32 $0x10, s24;
	p3 =	slt.u32 s24, $0x2710;
	[tilespmem:s6+$0x5280] =	vst v0;
	v55 =	vpsel !p2, $0x0, v1;
	v56 =	vmul.f32 v3, v11;
	v57 =	vsub.f32 $1.500000000e+00, v53  }
0x1b9: {  	s26 =	sadd.s32 $0x10, s25;
	p4 =	slt.u32 s25, $0x2710;
	[tilespmem:s7+$0x5280] =	vst v55;
	v58 =	vpsel !p3, $0x0, v2;
	v59 =	vmul.f32 v54, v9  }
0x1ba: {  	s28 =	sadd.s32 $0x10, s26;
	p5 =	slt.u32 s26, $0x2710;
	[tilespmem:s8+$0x5280] =	vst v58;
	v60 =	vpsel !p4, $0x0, v56;
	v61 =	vmul.f32 v57, v12  }
0x1bb: {  	p6 =	slt.u32 s28, $0x2710;
	[tilespmem:s9+$0x5280] =	vst v60;
	v62 =	vpsel !p5, $0x0, v59  }
0x1bc: {  	[tilespmem:s10+$0x5280] =	vst v62;
	v63 =	vpsel !p6, $0x0, v61  }
0x1bd: {  	s29 =	simm.s32 $0x0;
	s30 =	simm.s32 $0x5280;
	s31 =	simm.s32 $0x1;
	[tilespmem:s11+$0x5280] =	vst v63  }
0x1be: {  	[hbm4b:s2+s29] =	stream.linear.scatter [tilespmem:s30], [sflag:$0x1], $0x280, $0x38;
	[tilespmem:$0x7D00] =	vst v63  }
0x1bf: {  	_ =	swait.ge [sflag:s31], $0x280  }
0x1c0: {  	[sflag:s31] =	ssyncset.done $0x0  }
0x1c1: {  	[sflag:s31] =	ssyncadd.s32 $0xFFFFFD80  }
.LBB2_42:
0x1c2: {  	_ =	sfence.sel $0x180000  }
0x1c3: {  	[bflag:$0x0] =	sbarrier.arrive $0xFFFF  }
0x1c4: {  	p0 =	sne.s32 s1, $0x0;
	_ =	strace $0x90000047  }
0x1c5: {  	s0 =	sadd.s32 @!p0 $0x100000, s0;
	[bflag:$0x2] =	sbarrier.arrive $0xFFFF  }
0x1c6: {  	[sflag:s0] =	ssyncadd.tile.s32 @!p0 $0x1;
	_ =	shalt  }
.Lfunc_end2:
_tile_overlayer_lowered:
.L_overlay_start_2:
0x1c7: {  	(tag) =	ssettag $0x2  }
0x1c8: {  	s0 =	rddreg [dreg:$0x0];
	s2 =	stileid.u32  }
0x1c9: {  	s1 =	rddreg [dreg:$0x1];
	p0 =	sne.s32 s2, $0x0  }
0x1ca: {  	s3 =	rddreg [dreg:$0x2];
	[bflag:$0x3] =	sbarrier.arrive $0xFFFF;
	s2 =	simm.s32 @!p0 $0x1C01  }
0x1cb: {  	[timem:s3], [sflag:s2] =	dma.local @!p0 [hbm:s0], s1  }
0x1cc: {  	s0 =	simm.s32 @!p0 $0x1  }
0x1cd: {  	_ =	swait.ge @!p0 [sflag:s0], s1  }
0x1ce: {  	s1 =	ssub.s32 @!p0 $0x0, s1;
	[sflag:s0] =	ssyncset.done @!p0 $0x0  }
0x1cf: {  	[sflag:s0] =	ssyncadd.s32 @!p0 s1  }
0x1d0: {  	[bflag:$0x3] =	sbarrier.arrive $0xFFFF  }
0x1d1: {  	_ =	shalt  }

// kernel: kernel.13.cloned.1.call-start
scs
__scs_entry_jumppad:
0x0: {  	(pc) =	sbr.rel $0x88, $3  }
0x1: {  	(tag) =	ssettag $0x0;
	lr =	simm.s32 $0x1  }
0x2: {  	[smem:$0x3F98] =	sst lr;
	_ =	strace $0xD0000000  }
0x3: {  	_ = 	snop  }
0x4: {  	_ = 	snop  }
0x5: {  	_ = 	snop  }
0x6: {  	_ = 	snop  }
0x7: {  	_ = 	snop  }
__scs_overlays_trampoline_lowered:
0x8: {  	[smem:$0x3FA7] =	sst s0  }
0x9: {  	[smem:$0x3FA8] =	sst s1  }
0xa: {  	[smem:$0x3FA9] =	sst s2  }
0xb: {  	[smem:$0x3FAA] =	sst s3  }
0xc: {  	[smem:$0x3FAB] =	sst s4  }
0xd: {  	[smem:$0x3FAC] =	sst s5  }
0xe: {  	[smem:$0x3FAD] =	sst s6  }
0xf: {  	[smem:$0x3FAE] =	sst s7  }
0x10: {  	[smem:$0x3FAF] =	sst s8  }
0x11: {  	[smem:$0x3FB0] =	sst s9;
	s0 =	simm.s32 @!p0 $0x0  }
0x12: {  	s1 =	sld [smem:$0x3F96];
	s0 =	simm.s32 @p0 $0x1  }
0x13: {  	[smem:$0x3FB1] =	sst s0;
	s0 =	simm.s32 @!p1 $0x0  }
0x14: {  	s2 =	sld [smem:$0x3F95];
	s0 =	simm.s32 @p1 $0x1  }
0x15: {  	[smem:$0x3FB2] =	sst s0;
	s0 =	simm.s32 @!p2 $0x0  }
0x16: {  	s3 =	sld [smem:$0x3FDB];
	s0 =	simm.s32 @p2 $0x1  }
0x17: {  	s4 =	simm.s32 $0x1BF5;
	[smem:$0x3FB4] =	sst s0  }
0x18: {  	s0 =	sld [smem:$0x3F97];
	_ =	swait.ge [sflag:s4], $0x0  }
0x19: {  	s7 =	sld [smem:$0x3F98]  }
0x1a: {  	s8 =	sadd.s32 $0xFFFFE003, lr  }
0x1b: {  	s9 =	sadd.s32 $0xFFFFFEF7, lr;
	s5 =	simm.s32 $0xFFFFFFFF;
	p2 =	slt.u32 s8, $0xFFFFF086  }
0x1c: {  	p1 =	slt.u32 s9, $0xF7A;
	s5 =	simm.s32 @!p2 $0x0  }
0x1d: {  	s5 =	simm.s32 @p1 $0x1;
	p0 =	seq.s32 s7, s2  }
0x1e: {  	s7 =	smul.u32 @!p0 $0xF7A, s2;
	p2 =	seq.s32 @!p0 s5, $0x0  }
0x1f: {  	s9 =	smul.u32 $0xF7A, s1;
	s8 =	simm.s32 @!p0 $0x1BF5;
	p2 =	por !p2, p0  }
0x20: {  	[sflag:s8] =	ssyncset.s32 @!p0 $0xFFFFF086;
	s6 =	sadd.s32 @!p0 s3, s7;
	s7 =	simm.s32 @!p0 $0x108  }
0x21: {  	s3 =	sadd.s32 s3, s9;
	s6 =	sadd.s32 @!p0 $0x88, s6;
	s7 =	simm.s32 @p2 $0x1082  }
0x22: {  	[simem:s7], [sflag:s8] =	dma.local @!p0 [hbm:s6], $0xF7A  }
0x23: {  	s9 =	sor.u32 $0xD0000000, s2;
	s6 =	simm.s32 $0x108;
	_ =	swait.ge @!p0 [sflag:s8], $0x0  }
0x24: {  	s3 =	sadd.s32 $0x88, s3;
	s6 =	simm.s32 @!p1 $0x1082;
	[sflag:s4] =	ssyncset.s32 $0xFFFFF086  }
0x25: {  	[simem:s6], [sflag:s4] =	dma.local [hbm:s3], $0xF7A  }
0x26: {  	[smem:$0x3F98] =	sst s1;
	(tag) =	ssettag s2;
	_ =	strace s9  }
0x27: {  	s1 =	sld [smem:$0x3FA8]  }
0x28: {  	s2 =	sld [smem:$0x3FA9]  }
0x29: {  	s4 =	sld [smem:$0x3FAB]  }
0x2a: {  	p0 =	seq.s32 s5, $0x0;
	s5 =	sld [smem:$0x3FAC]  }
0x2b: {  	s6 =	sld [smem:$0x3FAD]  }
0x2c: {  	s7 =	sld [smem:$0x3FAE]  }
0x2d: {  	s3 =	simm.s32 $0x108;
	s8 =	sld [smem:$0x3FAF]  }
0x2e: {  	s3 =	simm.s32 @!p0 $0x1082;
	s9 =	sld [smem:$0x3FB0]  }
0x2f: {  	lr =	sadd.s32 s0, s3;
	s0 =	sld [smem:$0x3FA7]  }
0x30: {  	s3 =	sld [smem:$0x3FAA]  }
0x31: {  	[smem:$0x3FB3] =	sst s10  }
0x32: {  	s10 =	sld [smem:$0x3FB1];
	_ =	sdelay $0x3  }
0x33: {  	p0 =	seq.s32 s10, $0x1;
	s10 =	sld [smem:$0x3FB3];
	_ =	sdelay $0x3  }
0x34: {  	[smem:$0x3FB3] =	sst s10  }
0x35: {  	s10 =	sld [smem:$0x3FB2];
	_ =	sdelay $0x3  }
0x36: {  	p1 =	seq.s32 s10, $0x1;
	s10 =	sld [smem:$0x3FB3];
	_ =	sdelay $0x3  }
0x37: {  	[smem:$0x3FB3] =	sst s10  }
0x38: {  	s10 =	sld [smem:$0x3FB4]  }
0x39: {  	_ = 	snop;
	(pc) =	sbr.ind lr, $3  }
0x3a: {  	_ = 	snop  }
0x3b: {  	_ = 	snop  }
0x3c: {  	p2 =	seq.s32 s10, $0x1;
	s10 =	sld [smem:$0x3FB3]  }
0x3d: {  	_ =	shalt  }
0x3e: {  	_ =	shalt  }
0x3f: {  	_ =	shalt  }
0x40: {  	_ =	shalt  }
0x41: {  	_ =	shalt  }
0x42: {  	_ =	shalt  }
0x43: {  	_ =	shalt  }
0x44: {  	_ =	shalt  }
0x45: {  	_ =	shalt  }
0x46: {  	_ =	shalt  }
0x47: {  	_ =	shalt  }
0x48: {  	_ =	shalt  }
0x49: {  	_ =	shalt  }
0x4a: {  	_ =	shalt  }
0x4b: {  	_ =	shalt  }
0x4c: {  	_ =	shalt  }
0x4d: {  	_ =	shalt  }
0x4e: {  	_ =	shalt  }
0x4f: {  	_ =	shalt  }
0x50: {  	_ =	shalt  }
0x51: {  	_ =	shalt  }
0x52: {  	_ =	shalt  }
0x53: {  	_ =	shalt  }
0x54: {  	_ =	shalt  }
0x55: {  	_ =	shalt  }
0x56: {  	_ =	shalt  }
0x57: {  	_ =	shalt  }
0x58: {  	_ =	shalt  }
0x59: {  	_ =	shalt  }
0x5a: {  	_ =	shalt  }
0x5b: {  	_ =	shalt  }
0x5c: {  	_ =	shalt  }
0x5d: {  	_ =	shalt  }
0x5e: {  	_ =	shalt  }
0x5f: {  	_ =	shalt  }
0x60: {  	_ =	shalt  }
0x61: {  	_ =	shalt  }
0x62: {  	_ =	shalt  }
0x63: {  	_ =	shalt  }
0x64: {  	_ =	shalt  }
0x65: {  	_ =	shalt  }
0x66: {  	_ =	shalt  }
0x67: {  	_ =	shalt  }
0x68: {  	_ =	shalt  }
0x69: {  	_ =	shalt  }
0x6a: {  	_ =	shalt  }
0x6b: {  	_ =	shalt  }
0x6c: {  	_ =	shalt  }
0x6d: {  	_ =	shalt  }
0x6e: {  	_ =	shalt  }
0x6f: {  	_ =	shalt  }
0x70: {  	_ =	shalt  }
0x71: {  	_ =	shalt  }
0x72: {  	_ =	shalt  }
0x73: {  	_ =	shalt  }
0x74: {  	_ =	shalt  }
0x75: {  	_ =	shalt  }
0x76: {  	_ =	shalt  }
0x77: {  	_ =	shalt  }
0x78: {  	_ =	shalt  }
0x79: {  	_ =	shalt  }
0x7a: {  	_ =	shalt  }
0x7b: {  	_ =	shalt  }
0x7c: {  	_ =	shalt  }
0x7d: {  	_ =	shalt  }
0x7e: {  	_ =	shalt  }
0x7f: {  	_ =	shalt  }
0x80: {  	_ =	shalt  }
0x81: {  	_ =	shalt  }
0x82: {  	_ =	shalt  }
0x83: {  	_ =	shalt  }
0x84: {  	_ =	shalt  }
0x85: {  	_ =	shalt  }
0x86: {  	_ =	shalt  }
0x87: {  	_ =	shalt  }
.Lfunc_end0:
.L_simem_size_0:
called_computation.1_lowered:
.L_overlay_start_0:
0x88: {  	s2 =	sld [smem:$0x3FD9]  }
0x89: {  	s3 =	sld [smem:$0x3FFE];
	_ =	sdelay $0x1  }
0x8a: {  	s1 =	srdreg.scid  }
0x8b: {  	s0 =	sand.u32 $0x1, s1  }
0x8c: {  	s16 =	sshll.u32 s0, $0xA;
	s2 =	sadd.s32 s3, s2  }
0x8d: {  	s2 =	sadd.s32 s2, s16  }
0x8e: {  	[smem:$0x3FBF] =	sst s2  }
0x8f: {  	_ = 	snop  }
0x90: {  	(tm) =	ssettm $0x1  }
0x91: {  	s17 =	sld [smem:$0x3FFB];
	_ =	sdelay $0x3  }
0x92: {  	_ =	strace s17  }
0x93: {  	s2 =	sld [smem:$0x3FFC];
	_ =	sdelay $0x3  }
0x94: {  	_ =	strace s2  }
0x95: {  	s2 =	sld [smem:$0x3FFD];
	_ =	sdelay $0x3  }
0x96: {  	_ =	strace s2  }
0x97: {  	_ =	strace $0x8FFFFFFF  }
0x98: {  	s18 =	sld [smem:$0x3FDB];
	_ =	sdelay $0x1  }
0x99: {  	s19 =	simm.s32 $_scs_section_size  }
0x9a: {  	s4 =	simm.s32 $_size__tile_overlayer_lowered;
	s5 =	simm.s32 $_tile_overlayer_lowered  }
0x9b: {  	s22 =	simm.s32 $0x1BFF;
	s21 =	sshll.u32 s5, $0x1;
	s2 =	sadd.s32 s19, s18  }
0x9c: {  	s6 =	simm.s32 $0x0;
	s20 =	sshll.u32 s4, $0x1;
	s4 =	sadd.s32 s21, s2  }
0x9d: {  	[timem:s6], [sflag:s22] =	dma.local [hbm:s4], s20  }
0x9e: {  	_ =	swait.ge [sflag:s22], s20  }
0x9f: {  	s3 =	ssub.s32 $0x0, s20;
	[sflag:s22] =	ssyncset.done $0x0  }
0xa0: {  	[sflag:s22] =	ssyncadd.s32 s3;
	_ =	sdelay $0x1  }
0xa1: {  	s23 =	simm.s32 $0x1B8B  }
0xa2: {  	_ =	swait.ge [sflag:s23], $0x1  }
0xa3: {  	[sflag:s23] =	ssyncset.done $0x0  }
0xa4: {  	s25 =	simm.s32 $0x1B8E;
	s24 =	sld [smem:$0x3FFE];
	[sflag:s23] =	ssyncadd.s32 $0xFFFFFFFF  }
0xa5: {  	s26 =	simm.s32 $execute0_lowered;
	[smem:$0x3FD2] =	sst s25  }
0xa6: {  	s4 =	sshll.u32 s26, $0x1;
	_ =	strace $0x80000049;
	[dreg:$0x1] =	wrdreg $0xFFFFFFFF  }
0xa7: {  	s28 =	simm.s32 $_size_execute0_lowered;
	s2 =	sadd.s32 s2, s4;
	[dreg:$0x0] =	wrdreg $0x0  }
0xa8: {  	s4 =	sshll.u32 s28, $0x1;
	[dreg:$0x2] =	wrdreg s2  }
0xa9: {  	[dreg:$0x3] =	wrdreg s4  }
0xaa: {  	[dreg:$0x4] =	wrdreg $0xC0  }
0xab: {  	_ =	task [dreg:s6], $0x5FFFF  }
0xac: {  	[dreg:$0x1] =	wrdreg $0xFFFFFFFF  }
0xad: {  	[dreg:$0x0] =	wrdreg $0x60  }
0xae: {  	[dreg:$0x2] =	wrdreg s24  }
0xaf: {  	[dreg:$0x3] =	wrdreg $0x82000  }
0xb0: {  	[dreg:$0x4] =	wrdreg $0x9  }
0xb1: {  	_ =	task.clear_ibuf [dreg:s6], $0x5FFFF;
	_ =	strace $0x90000049  }
0xb2: {  	s29 =	simm.s32 $0x9;
	_ =	strace $0x8000004B  }
0xb3: {  	_ =	swait.ge [sflag:s29], $0x1  }
0xb4: {  	[sflag:s29] =	ssyncadd.s32 $0xFFFFFFFF  }
0xb5: {  	_ =	strace $0x9000004B  }
0xb6: {  	_ =	sfence  }
0xb7: {  	s30 =	sld [smem:$0x0];
	_ =	sdelay $0x2  }
0xb8: {  	s31 =	sshll.u32 s1, $0xD;
	s1 =	sshrl.u32 s1, $0x2  }
0xb9: {  	s3 =	sand.u32 $0x4000, s31;
	s1 =	sadd.s32 s1, s30  }
0xba: {  	s0 =	sor.u32 s3, s0;
	s1 =	sshll.u32 s1, $0x11  }
0xbb: {  	s0 =	sor.u32 s1, s0  }
0xbc: {  	s0 =	sadd.s32 $0x8F2B, s0  }
0xbd: {  	[sflag:s0] =	ssyncadd.remote.s32 $0x1  }
0xbe: {  	_ =	sfence.sel $0xFFFF  }
0xbf: {  	[dreg:$0x0] =	wrdreg $0xFFFFFFFF;
	(pc) =	sbr.abs _section_cstart, $3  }
0xc0: {  	[dreg:$0x1] =	wrdreg $0xFFFFFFFF  }
0xc1: {  	_ =	task.clear_ibuf [dreg:s6], $0x2FFFF;
	_ =	strace $0x9FFFFFFF  }
0xc2: {  	(tm) =	ssettm $0x7FFFFFFF  }
0xc3: {  	_ =	shalt  }
tec
execute0_lowered:
.L_overlay_start_1:
0x0: {  	(tag) =	ssettag $0x1  }
0x1: {  	s0 =	rddreg [dreg:$0x0]  }
0x2: {  	s1 =	rddreg [dreg:$0x1]  }
0x3: {  	s2 =	simm.s32 $0x0;
	s4 =	srdreg.scid;
	s21 =	stileid.u32  }
0x4: {  	s29 =	simm.s32 $0x3;
	s30 =	simm.s32 $0x8000;
	s31 =	simm.s32 $0x8100  }
0x5: {  	[smem:$0x7FF] =	sst s2;
	s3 =	sadd.s32 $0xD000, s0;
	s5 =	sadd.s32 $0x2A00, s0  }
0x6: {  	s6 =	sadd.s32 $0x17000, s0;
	s12 =	sadd.s32 $0x3F000, s0;
	s11 =	smul.u32 $0x280, s21  }
0x7: {  	s4 =	sand.u32 $0x1, s4;
	s0 =	sadd.s32 $0x67000, s0;
	s10 =	smul.u32 $0x50000, s21  }
0x8: {  	s15 =	smul.u32 $0x2800, s21;
	_ =	strace $0x8000004A;
	s7 =	ssub.s32 $0x2, s4  }
0x9: {  	s9 =	sshll.u32 s4, $0x4;
	p0 =	seq.s32 s4, $0x1;
	s4 =	smul.u32 $0x140000, s4  }
0xa: {  	s8 =	sshrl.u32 s7, $0x1;
	s14 =	sor.u32 s21, s9;
	s22 =	sshrl.u32 s10, $0x2  }
0xb: {  	s23 =	sadd.s32 $0x80, s11;
	s24 =	sadd.s32 $0x100, s11;
	s25 =	sadd.s32 $0x180, s11  }
0xc: {  	s21 =	smul.u32 $0x14000, s21;
	s11 =	sadd.s32 $0x200, s11;
	s13 =	ssub.s32 s7, s8  }
0xd: {  	s7 =	sadd.s32 s22, s1;
	s16 =	sshll.u32 s23, $0x7;
	s18 =	sshll.u32 s23, $0x4  }
0xe: {  	s19 =	sshll.u32 s24, $0x4;
	s17 =	sshll.u32 s24, $0x7;
	s20 =	sshll.u32 s25, $0x7  }
0xf: {  	s22 =	sshll.u32 s25, $0x4;
	s23 =	sshll.u32 s11, $0x4;
	s24 =	sshll.u32 s11, $0x7  }
0x10: {  	s11 =	smul.u32 $0x2800, s14;
	s8 =	sadd.s32 s16, s1;
	s9 =	sadd.s32 s17, s1  }
0x11: {  	s10 =	sadd.s32 s20, s1;
	s21 =	sadd.s32 s21, s4;
	s16 =	sadd.s32 s4, s16  }
0x12: {  	s25 =	sadd.s32 s4, s17;
	s28 =	smax.u32 s13, $0x1;
	s13 =	simm.s32 $0x4000  }
0x13: {  	s21 =	sshrl.u32 s21, $0x3;
	s16 =	sshrl.u32 s16, $0x3;
	s14 =	sshrl.u32 s25, $0x3  }
0x14: {  	s26 =	sadd.s32 s0, s21;
	s21 =	sadd.s32 s0, s16;
	s14 =	sadd.s32 s0, s14  }
0x15: {  	[dreg:$0x3] =	wrdreg s26;
	s26 =	sadd.s32 s4, s20;
	s4 =	sadd.s32 s4, s24  }
0x16: {  	[dreg:$0x4] =	wrdreg s21;
	s16 =	sshrl.u32 s26, $0x3;
	s4 =	sshrl.u32 s4, $0x3  }
0x17: {  	[dreg:$0x5] =	wrdreg s14;
	s17 =	sadd.s32 s0, s16;
	s0 =	sadd.s32 s0, s4  }
0x18: {  	s20 =	sshrl.u32 s11, $0x3;
	[dreg:$0x7] =	wrdreg s0;
	s0 =	smov.u32 s6  }
0x19: {  	s14 =	simm.s32 $0x1;
	s26 =	sor.u32 $0x10, s20;
	s0 =	smov.u32 @p0 s12  }
0x1a: {  	s4 =	simm.s32 $0x8080;
	[dreg:$0x6] =	wrdreg s17;
	s12 =	sadd.s32 s0, s15  }
0x1b: {  	s16 =	simm.s32 $0x0;
	s21 =	sadd.s32 s0, s18;
	[dreg:$0x8] =	wrdreg s12  }
0x1c: {  	s17 =	sadd.s32 s24, s1;
	s24 =	sadd.s32 s0, s19;
	[dreg:$0x9] =	wrdreg s21  }
0x1d: {  	s25 =	sadd.s32 s0, s22;
	s0 =	sadd.s32 s0, s23;
	[dreg:$0xa] =	wrdreg s24  }
0x1e: {  	s23 =	sadd.s32 s3, s20;
	s15 =	simm.s32 $0x2;
	[dreg:$0xb] =	wrdreg s25  }
0x1f: {  	[dreg:$0xc] =	wrdreg s0;
	s24 =	sadd.s32 s5, s20;
	s25 =	sadd.s32 s3, s26  }
0x20: {  	s26 =	sadd.s32 s5, s26;
	s0 =	simm.s32 $0x80;
	s12 =	simm.s32 $0x8180  }
.LBB2_1:
0x21: {  	s18 =	rddreg [dreg:$0x8]  }
0x22: {  	[tilespmem:s2], [sflag:$0x3] =	stream.linear.gather [hbm4b:s18+s2], $0x4000, $0x38;
	[tilespmem:$0x1C200] =	vst v63  }
0x23: {  	_ =	swait.ge [sflag:s29], $0x4000  }
0x24: {  	[sflag:s29] =	ssyncset.done $0x0  }
0x25: {  	[sflag:s29] =	ssyncadd.s32 $0xFFFFC000  }
0x26: {  	[spmem:s7] =	stream.linear.scatter [tilespmem:s2], [sflag:$0x3], $0x4000, $0x38;
	[tilespmem:$0x1C200] =	vst v63  }
0x27: {  	_ =	swait.ge [sflag:s29], $0x4000  }
0x28: {  	[sflag:s29] =	ssyncset.done $0x0  }
0x29: {  	s20 =	rddreg [dreg:$0x9];
	[sflag:s29] =	ssyncadd.s32 $0xFFFFC000  }
0x2a: {  	[tilespmem:s2], [sflag:$0x3] =	stream.linear.gather [hbm4b:s20+s2], $0x4000, $0x38;
	[tilespmem:$0x1C200] =	vst v63  }
0x2b: {  	_ =	swait.ge [sflag:s29], $0x4000  }
0x2c: {  	[sflag:s29] =	ssyncset.done $0x0  }
0x2d: {  	[sflag:s29] =	ssyncadd.s32 $0xFFFFC000  }
0x2e: {  	[spmem:s8] =	stream.linear.scatter [tilespmem:s2], [sflag:$0x3], $0x4000, $0x38;
	[tilespmem:$0x1C200] =	vst v63  }
0x2f: {  	_ =	swait.ge [sflag:s29], $0x4000  }
0x30: {  	[sflag:s29] =	ssyncset.done $0x0  }
0x31: {  	s21 =	rddreg [dreg:$0xa];
	[sflag:s29] =	ssyncadd.s32 $0xFFFFC000  }
0x32: {  	[tilespmem:s2], [sflag:$0x3] =	stream.linear.gather [hbm4b:s21+s2], $0x4000, $0x38;
	[tilespmem:$0x1C200] =	vst v63  }
0x33: {  	_ =	swait.ge [sflag:s29], $0x4000  }
0x34: {  	[sflag:s29] =	ssyncset.done $0x0  }
0x35: {  	[sflag:s29] =	ssyncadd.s32 $0xFFFFC000  }
0x36: {  	[spmem:s9] =	stream.linear.scatter [tilespmem:s2], [sflag:$0x3], $0x4000, $0x38;
	[tilespmem:$0x1C200] =	vst v63  }
0x37: {  	_ =	swait.ge [sflag:s29], $0x4000  }
0x38: {  	[sflag:s29] =	ssyncset.done $0x0  }
0x39: {  	s22 =	rddreg [dreg:$0xb];
	[sflag:s29] =	ssyncadd.s32 $0xFFFFC000  }
0x3a: {  	[tilespmem:s2], [sflag:$0x3] =	stream.linear.gather [hbm4b:s22+s2], $0x4000, $0x38;
	[tilespmem:$0x1C200] =	vst v63  }
0x3b: {  	_ =	swait.ge [sflag:s29], $0x4000  }
0x3c: {  	[sflag:s29] =	ssyncset.done $0x0  }
0x3d: {  	[sflag:s29] =	ssyncadd.s32 $0xFFFFC000  }
0x3e: {  	[spmem:s10] =	stream.linear.scatter [tilespmem:s2], [sflag:$0x3], $0x4000, $0x38;
	[tilespmem:$0x1C200] =	vst v63  }
0x3f: {  	_ =	swait.ge [sflag:s29], $0x4000  }
0x40: {  	[sflag:s29] =	ssyncset.done $0x0  }
0x41: {  	s19 =	rddreg [dreg:$0xc];
	[sflag:s29] =	ssyncadd.s32 $0xFFFFC000  }
0x42: {  	[tilespmem:s2], [sflag:$0x3] =	stream.linear.gather [hbm4b:s19+s2], $0x4000, $0x38;
	[tilespmem:$0x1C200] =	vst v63  }
0x43: {  	_ =	swait.ge [sflag:s29], $0x4000  }
0x44: {  	[sflag:s29] =	ssyncset.done $0x0  }
0x45: {  	[sflag:s29] =	ssyncadd.s32 $0xFFFFC000  }
0x46: {  	[spmem:s17] =	stream.linear.scatter [tilespmem:s2], [sflag:$0x3], $0x4000, $0x38;
	[tilespmem:$0x1C200] =	vst v63  }
0x47: {  	_ =	swait.ge [sflag:s29], $0x4000  }
0x48: {  	[sflag:s29] =	ssyncset.done $0x0  }
0x49: {  	[sflag:s29] =	ssyncadd.s32 $0xFFFFC000  }
0x4a: {  	[bflag:$0x0] =	sbarrier.arrive $0xFFFF  }
0x4b: {  	[tilespmem:s30], [sflag:$0x3] =	stream.linear.gather [hbm4b:s23+s2], $0x80, $0x38;
	[tilespmem:$0x1C200] =	vst v63  }
0x4c: {  	_ =	swait.ge [sflag:s29], $0x80  }
0x4d: {  	[sflag:s29] =	ssyncset.done $0x0  }
0x4e: {  	[sflag:s29] =	ssyncadd.s32 $0xFFFFFF80  }
0x4f: {  	[tilespmem:s31], [sflag:$0x3] =	stream.linear.gather [hbm4b:s24+s2], $0x80, $0x38;
	[tilespmem:$0x1C200] =	vst v63  }
0x50: {  	_ =	swait.ge [sflag:s29], $0x80  }
0x51: {  	[sflag:s29] =	ssyncset.done $0x0  }
0x52: {  	[sflag:s29] =	ssyncadd.s32 $0xFFFFFF80  }
0x53: {  	[tilespmem:s2], [sflag:$0x1] =	stream.indirect.gather [hbm4b:s6+s0], $0x80, s30, s0, $0xb8;
	[tilespmem:$0x1C200] =	vst v63  }
0x54: {  	_ = 	snop  }
0x55: {  	[tilespmem:s4], [sflag:$0x3] =	stream.linear.gather [hbm4b:s25+s2], $0x80, $0x38;
	[tilespmem:$0x1C200] =	vst v63  }
0x56: {  	_ =	swait.ge [sflag:s29], $0x80  }
0x57: {  	[sflag:s29] =	ssyncset.done $0x0  }
0x58: {  	[sflag:s29] =	ssyncadd.s32 $0xFFFFFF80  }
0x59: {  	[tilespmem:s12], [sflag:$0x3] =	stream.linear.gather [hbm4b:s26+s2], $0x80, $0x38;
	[tilespmem:$0x1C200] =	vst v63  }
0x5a: {  	_ =	swait.ge [sflag:s29], $0x80  }
0x5b: {  	[sflag:s29] =	ssyncset.done $0x0  }
0x5c: {  	[sflag:s29] =	ssyncadd.s32 $0xFFFFFF80  }
0x5d: {  	[tilespmem:s13], [sflag:$0x2] =	stream.indirect.gather [hbm4b:s6+s0], $0x80, s4, s0, $0xb8;
	[tilespmem:$0x1C200] =	vst v63  }
0x5e: {  	s20 =	simm.s32 $0x100;
	_ =	swait.ge [sflag:s14], $0x4000  }
0x5f: {  	s19 =	sand.u32 $0x7C00, s20;
	[sflag:s14] =	ssyncset.done $0x0  }
0x60: {  	s18 =	sand.u32 $0x300, s20;
	s19 =	sadd.s32 s11, s19;
	[sflag:s14] =	ssyncadd.s32 $0xFFFFC000  }
0x61: {  	[spmem:s1] =	stream.indirect.scatter.add.f32 [tilespmem:s2], [sflag:$0x3], $0x80, s31, s0, $0xb8;
	[tilespmem:$0x1C200] =	vst v63  }
0x62: {  	s18 =	sor.u32 s18, s19;
	_ =	swait.ge [sflag:s29], $0x4000  }
0x63: {  	s18 =	sshrl.u32 s18, $0x3;
	[sflag:s29] =	ssyncset.done $0x0  }
0x64: {  	s21 =	sadd.s32 s3, s18;
	[sflag:s29] =	ssyncadd.s32 $0xFFFFC000  }
0x65: {  	[tilespmem:s30], [sflag:$0x3] =	stream.linear.gather [hbm4b:s21+s2], $0x80, $0x38;
	[tilespmem:$0x1C200] =	vst v63  }
0x66: {  	_ =	swait.ge [sflag:s29], $0x80  }
0x67: {  	[sflag:s29] =	ssyncset.done $0x0  }
0x68: {  	s18 =	sadd.s32 s5, s18;
	[sflag:s29] =	ssyncadd.s32 $0xFFFFFF80  }
0x69: {  	[tilespmem:s31], [sflag:$0x3] =	stream.linear.gather [hbm4b:s18+s2], $0x80, $0x38;
	[tilespmem:$0x1C200] =	vst v63  }
0x6a: {  	_ =	swait.ge [sflag:s29], $0x80  }
0x6b: {  	[sflag:s29] =	ssyncset.done $0x0  }
0x6c: {  	[sflag:s29] =	ssyncadd.s32 $0xFFFFFF80  }
0x6d: {  	[tilespmem:s2], [sflag:$0x1] =	stream.indirect.gather [hbm4b:s6+s0], $0x80, s30, s0, $0xb8;
	[tilespmem:$0x1C200] =	vst v63  }
0x6e: {  	s22 =	simm.s32 $0x180;
	_ =	swait.ge [sflag:s15], $0x4000  }
0x6f: {  	s20 =	sand.u32 $0x7C00, s22;
	[sflag:s15] =	ssyncset.done $0x0  }
0x70: {  	s19 =	sadd.s32 s11, s20;
	s18 =	sand.u32 $0x380, s22;
	[sflag:s15] =	ssyncadd.s32 $0xFFFFC000  }
0x71: {  	[spmem:s1] =	stream.indirect.scatter.add.f32 [tilespmem:s13], [sflag:$0x3], $0x80, s12, s0, $0xb8;
	[tilespmem:$0x1C200] =	vst v63  }
0x72: {  	s18 =	sor.u32 s18, s19;
	_ =	swait.ge [sflag:s29], $0x4000  }
0x73: {  	s18 =	sshrl.u32 s18, $0x3;
	[sflag:s29] =	ssyncset.done $0x0  }
0x74: {  	s21 =	sadd.s32 s3, s18;
	[sflag:s29] =	ssyncadd.s32 $0xFFFFC000  }
0x75: {  	[tilespmem:s4], [sflag:$0x3] =	stream.linear.gather [hbm4b:s21+s2], $0x80, $0x38;
	[tilespmem:$0x1C200] =	vst v63  }
0x76: {  	_ =	swait.ge [sflag:s29], $0x80  }
0x77: {  	[sflag:s29] =	ssyncset.done $0x0  }
0x78: {  	s18 =	sadd.s32 s5, s18;
	[sflag:s29] =	ssyncadd.s32 $0xFFFFFF80  }
0x79: {  	[tilespmem:s12], [sflag:$0x3] =	stream.linear.gather [hbm4b:s18+s2], $0x80, $0x38;
	[tilespmem:$0x1C200] =	vst v63  }
0x7a: {  	s22 =	simm.s32 $0x200;
	_ =	swait.ge [sflag:s29], $0x80  }
0x7b: {  	s20 =	sand.u32 $0x7C00, s22;
	[sflag:s29] =	ssyncset.done $0x0  }
0x7c: {  	s19 =	sand.u32 $0x300, s22;
	s20 =	sadd.s32 s11, s20;
	[sflag:s29] =	ssyncadd.s32 $0xFFFFFF80  }
0x7d: {  	[tilespmem:s13], [sflag:$0x2] =	stream.indirect.gather [hbm4b:s6+s0], $0x80, s4, s0, $0xb8;
	[tilespmem:$0x1C200] =	vst v63  }
0x7e: {  	s20 =	sor.u32 s19, s20;
	_ =	swait.ge [sflag:s14], $0x4000  }
0x7f: {  	s19 =	simm.s32 $0x380;
	s18 =	simm.s32 $0x280;
	[sflag:s14] =	ssyncset.done $0x0  }
.LBB2_2:
0x80: {  	s20 =	sshrl.u32 s20, $0x3  }
0x81: {  	[sflag:s14] =	ssyncadd.s32 $0xFFFFC000;
	s22 =	smov.u32 s19;
	s21 =	sadd.s32 $0x100, s19  }
0x82: {  	[spmem:s1] =	stream.indirect.scatter.add.f32 [tilespmem:s2], [sflag:$0x3], $0x80, s31, s0, $0xb8;
	[tilespmem:$0x1C200] =	vst v63  }
0x83: {  	p0 =	sne.s32 s19, $0x2780;
	_ =	swait.ge [sflag:s29], $0x4000  }
0x84: {  	[sflag:s29] =	ssyncset.done $0x0  }
0x85: {  	s19 =	sadd.s32 s3, s20;
	[sflag:s29] =	ssyncadd.s32 $0xFFFFC000  }
0x86: {  	[tilespmem:s30], [sflag:$0x3] =	stream.linear.gather [hbm4b:s19+s2], $0x80, $0x38;
	[tilespmem:$0x1C200] =	vst v63  }
0x87: {  	_ =	swait.ge [sflag:s29], $0x80  }
0x88: {  	[sflag:s29] =	ssyncset.done $0x0  }
0x89: {  	s19 =	sadd.s32 s5, s20;
	[sflag:s29] =	ssyncadd.s32 $0xFFFFFF80  }
0x8a: {  	[tilespmem:s31], [sflag:$0x3] =	stream.linear.gather [hbm4b:s19+s2], $0x80, $0x38;
	[tilespmem:$0x1C200] =	vst v63  }
0x8b: {  	_ =	swait.ge [sflag:s29], $0x80  }
0x8c: {  	[sflag:s29] =	ssyncset.done $0x0  }
0x8d: {  	[sflag:s29] =	ssyncadd.s32 $0xFFFFFF80  }
0x8e: {  	[tilespmem:s2], [sflag:$0x1] =	stream.indirect.gather [hbm4b:s6+s0], $0x80, s30, s0, $0xb8;
	[tilespmem:$0x1C200] =	vst v63  }
0x8f: {  	_ =	swait.ge [sflag:s15], $0x4000  }
0x90: {  	[sflag:s15] =	ssyncset.done $0x0  }
0x91: {  	s19 =	sand.u32 $0x7C00, s18;
	[sflag:s15] =	ssyncadd.s32 $0xFFFFC000  }
0x92: {  	[spmem:s1] =	stream.indirect.scatter.add.f32 [tilespmem:s13], [sflag:$0x3], $0x80, s12, s0, $0xb8;
	[tilespmem:$0x1C200] =	vst v63  }
0x93: {  	s18 =	sand.u32 $0x380, s18;
	s19 =	sadd.s32 s11, s19;
	_ =	swait.ge [sflag:s29], $0x4000  }
0x94: {  	s19 =	sor.u32 s18, s19;
	s18 =	smov.u32 s22;
	[sflag:s29] =	ssyncset.done $0x0  }
0x95: {  	s19 =	sshrl.u32 s19, $0x3;
	[sflag:s29] =	ssyncadd.s32 $0xFFFFC000  }
0x96: {  	s20 =	sadd.s32 s3, s19  }
0x97: {  	[tilespmem:s4], [sflag:$0x3] =	stream.linear.gather [hbm4b:s20+s2], $0x80, $0x38;
	[tilespmem:$0x1C200] =	vst v63  }
0x98: {  	_ =	swait.ge [sflag:s29], $0x80  }
0x99: {  	[sflag:s29] =	ssyncset.done $0x0  }
0x9a: {  	s19 =	sadd.s32 s5, s19;
	[sflag:s29] =	ssyncadd.s32 $0xFFFFFF80  }
0x9b: {  	[tilespmem:s12], [sflag:$0x3] =	stream.linear.gather [hbm4b:s19+s2], $0x80, $0x38;
	[tilespmem:$0x1C200] =	vst v63  }
0x9c: {  	_ =	swait.ge [sflag:s29], $0x80  }
.Ltmp0:
0x9d: {  	s19 =	sadd.s32 $0xFFFFFF80, s18;
	[sflag:s29] =	ssyncset.done $0x0;
	(pc) =	sbr.rel @p0 .LBB2_2-.Ltmp0, $4  }
0x9e: {  	s20 =	sand.u32 $0x7C00, s19;
	[sflag:s29] =	ssyncadd.s32 $0xFFFFFF80  }
0x9f: {  	[tilespmem:s13], [sflag:$0x2] =	stream.indirect.gather [hbm4b:s6+s0], $0x80, s4, s0, $0xb8;
	[tilespmem:$0x1C200] =	vst v63  }
0xa0: {  	s19 =	sand.u32 $0x300, s19;
	s20 =	sadd.s32 s11, s20;
	_ =	swait.ge [sflag:s14], $0x4000  }
0xa1: {  	s20 =	sor.u32 s19, s20;
	s19 =	smov.u32 s21;
	[sflag:s14] =	ssyncset.done $0x0  }
0xa2: {  	[sflag:s14] =	ssyncadd.s32 $0xFFFFC000  }
0xa3: {  	[spmem:s1] =	stream.indirect.scatter.add.f32 [tilespmem:s2], [sflag:$0x3], $0x80, s31, s0, $0xb8;
	[tilespmem:$0x1C200] =	vst v63  }
0xa4: {  	_ =	swait.ge [sflag:s29], $0x4000  }
0xa5: {  	s19 =	sshrl.u32 s20, $0x3;
	[sflag:s29] =	ssyncset.done $0x0  }
0xa6: {  	s20 =	sadd.s32 s3, s19;
	[sflag:s29] =	ssyncadd.s32 $0xFFFFC000  }
0xa7: {  	[tilespmem:s30], [sflag:$0x3] =	stream.linear.gather [hbm4b:s20+s2], $0x80, $0x38;
	[tilespmem:$0x1C200] =	vst v63  }
0xa8: {  	_ =	swait.ge [sflag:s29], $0x80  }
0xa9: {  	[sflag:s29] =	ssyncset.done $0x0  }
0xaa: {  	s19 =	sadd.s32 s5, s19;
	[sflag:s29] =	ssyncadd.s32 $0xFFFFFF80  }
0xab: {  	[tilespmem:s31], [sflag:$0x3] =	stream.linear.gather [hbm4b:s19+s2], $0x80, $0x38;
	[tilespmem:$0x1C200] =	vst v63  }
0xac: {  	_ =	swait.ge [sflag:s29], $0x80  }
0xad: {  	[sflag:s29] =	ssyncset.done $0x0  }
0xae: {  	[sflag:s29] =	ssyncadd.s32 $0xFFFFFF80  }
0xaf: {  	[tilespmem:s2], [sflag:$0x1] =	stream.indirect.gather [hbm4b:s6+s0], $0x80, s30, s0, $0xb8;
	[tilespmem:$0x1C200] =	vst v63  }
0xb0: {  	_ =	swait.ge [sflag:s15], $0x4000  }
0xb1: {  	s20 =	sand.u32 $0x7C00, s18;
	[sflag:s15] =	ssyncset.done $0x0  }
0xb2: {  	s21 =	sand.u32 $0x380, s18;
	s19 =	sadd.s32 s11, s20;
	[sflag:s15] =	ssyncadd.s32 $0xFFFFC000  }
0xb3: {  	[spmem:s1] =	stream.indirect.scatter.add.f32 [tilespmem:s13], [sflag:$0x3], $0x80, s12, s0, $0xb8;
	[tilespmem:$0x1C200] =	vst v63  }
0xb4: {  	s18 =	sor.u32 s21, s19;
	_ =	swait.ge [sflag:s29], $0x4000  }
0xb5: {  	s18 =	sshrl.u32 s18, $0x3;
	[sflag:s29] =	ssyncset.done $0x0  }
0xb6: {  	s22 =	sadd.s32 s3, s18;
	[sflag:s29] =	ssyncadd.s32 $0xFFFFC000  }
0xb7: {  	[tilespmem:s4], [sflag:$0x3] =	stream.linear.gather [hbm4b:s22+s2], $0x80, $0x38;
	[tilespmem:$0x1C200] =	vst v63  }
0xb8: {  	_ =	swait.ge [sflag:s29], $0x80  }
0xb9: {  	[sflag:s29] =	ssyncset.done $0x0  }
0xba: {  	s18 =	sadd.s32 s5, s18;
	[sflag:s29] =	ssyncadd.s32 $0xFFFFFF80  }
0xbb: {  	[tilespmem:s12], [sflag:$0x3] =	stream.linear.gather [hbm4b:s18+s2], $0x80, $0x38;
	[tilespmem:$0x1C200] =	vst v63  }
0xbc: {  	_ =	swait.ge [sflag:s29], $0x80  }
0xbd: {  	[sflag:s29] =	ssyncset.done $0x0  }
0xbe: {  	[sflag:s29] =	ssyncadd.s32 $0xFFFFFF80  }
0xbf: {  	[tilespmem:s13], [sflag:$0x2] =	stream.indirect.gather [hbm4b:s6+s0], $0x80, s4, s0, $0xb8;
	[tilespmem:$0x1C200] =	vst v63  }
0xc0: {  	_ =	swait.ge [sflag:s14], $0x4000  }
0xc1: {  	[sflag:s14] =	ssyncset.done $0x0  }
0xc2: {  	[sflag:s14] =	ssyncadd.s32 $0xFFFFC000  }
0xc3: {  	[spmem:s1] =	stream.indirect.scatter.add.f32 [tilespmem:s2], [sflag:$0x3], $0x80, s31, s0, $0xb8;
	[tilespmem:$0x1C200] =	vst v63  }
0xc4: {  	_ =	swait.ge [sflag:s29], $0x4000  }
0xc5: {  	[sflag:s29] =	ssyncset.done $0x0  }
0xc6: {  	[sflag:s29] =	ssyncadd.s32 $0xFFFFC000  }
0xc7: {  	_ =	swait.ge [sflag:s15], $0x4000  }
0xc8: {  	[sflag:s15] =	ssyncset.done $0x0  }
0xc9: {  	[sflag:s15] =	ssyncadd.s32 $0xFFFFC000  }
0xca: {  	[spmem:s1] =	stream.indirect.scatter.add.f32 [tilespmem:s13], [sflag:$0x3], $0x80, s12, s0, $0xb8;
	[tilespmem:$0x1C200] =	vst v63  }
0xcb: {  	_ =	swait.ge [sflag:s29], $0x4000  }
0xcc: {  	[sflag:s29] =	ssyncset.done $0x0  }
0xcd: {  	s20 =	stileid.u32;
	[sflag:s29] =	ssyncadd.s32 $0xFFFFC000  }
0xce: {  	s18 =	sshll.u32 s20, $0x6;
	[bflag:$0x0] =	sbarrier.arrive $0xFFFF  }
0xcf: {  	s21 =	sshrl.u32 s7, $0x3;
	s18 =	sor.u32 $0x1C03, s18;
	s22 =	rddreg [dreg:$0x3]  }
0xd0: {  	[hbm:s22], [sflag:s18] =	dma.local [spmem:s21], $0x800  }
0xd1: {  	_ =	swait.ge [sflag:s29], $0x800  }
0xd2: {  	[sflag:s29] =	ssyncset.done $0x0  }
0xd3: {  	s21 =	sshrl.u32 s8, $0x3;
	s22 =	rddreg [dreg:$0x4];
	[sflag:s29] =	ssyncadd.s32 $0xFFFFF800  }
0xd4: {  	[hbm:s22], [sflag:s18] =	dma.local [spmem:s21], $0x800  }
0xd5: {  	_ =	swait.ge [sflag:s29], $0x800  }
0xd6: {  	[sflag:s29] =	ssyncset.done $0x0  }
0xd7: {  	s21 =	sshrl.u32 s9, $0x3;
	s22 =	rddreg [dreg:$0x5];
	[sflag:s29] =	ssyncadd.s32 $0xFFFFF800  }
0xd8: {  	[hbm:s22], [sflag:s18] =	dma.local [spmem:s21], $0x800  }
0xd9: {  	_ =	swait.ge [sflag:s29], $0x800  }
0xda: {  	[sflag:s29] =	ssyncset.done $0x0  }
0xdb: {  	s21 =	sshrl.u32 s10, $0x3;
	s22 =	rddreg [dreg:$0x6];
	[sflag:s29] =	ssyncadd.s32 $0xFFFFF800  }
0xdc: {  	[hbm:s22], [sflag:s18] =	dma.local [spmem:s21], $0x800  }
0xdd: {  	s16 =	sadd.s32 $0x1, s16;
	_ =	swait.ge [sflag:s29], $0x800  }
0xde: {  	p0 =	sne.s32 s16, s28;
	s21 =	sshrl.u32 s17, $0x3;
	[sflag:s29] =	ssyncset.done $0x0  }
.Ltmp1:
0xdf: {  	s22 =	rddreg [dreg:$0x7];
	[sflag:s29] =	ssyncadd.s32 $0xFFFFF800;
	(pc) =	sbr.rel @p0 .LBB2_1-.Ltmp1, $4  }
0xe0: {  	[hbm:s22], [sflag:s18] =	dma.local [spmem:s21], $0x800  }
0xe1: {  	_ =	swait.ge [sflag:s29], $0x800  }
0xe2: {  	[sflag:s29] =	ssyncset.done $0x0  }
0xe3: {  	[sflag:s29] =	ssyncadd.s32 $0xFFFFF800  }
0xe4: {  	_ =	sfence.sel $0x180000  }
0xe5: {  	[bflag:$0x0] =	sbarrier.arrive $0xFFFF  }
0xe6: {  	_ =	strace $0x9000004A  }
0xe7: {  	s0 =	stileid.u32;
	[bflag:$0x2] =	sbarrier.arrive $0xFFFF  }
0xe8: {  	p0 =	sne.s32 s0, $0x0;
	s0 =	rddreg [dreg:$0x2]  }
0xe9: {  	s0 =	sadd.s32 @!p0 $0x100000, s0  }
0xea: {  	[sflag:s0] =	ssyncadd.tile.s32 @!p0 $0x1;
	_ =	shalt  }
.Lfunc_end2:
_tile_overlayer_lowered:
.L_overlay_start_2:
0xeb: {  	(tag) =	ssettag $0x2  }
0xec: {  	s0 =	rddreg [dreg:$0x0];
	s2 =	stileid.u32  }
0xed: {  	s1 =	rddreg [dreg:$0x1];
	p0 =	sne.s32 s2, $0x0  }
0xee: {  	s3 =	rddreg [dreg:$0x2];
	[bflag:$0x3] =	sbarrier.arrive $0xFFFF;
	s2 =	simm.s32 @!p0 $0x1C03  }
0xef: {  	[timem:s3], [sflag:s2] =	dma.local @!p0 [hbm:s0], s1  }
0xf0: {  	s0 =	simm.s32 @!p0 $0x3  }
0xf1: {  	_ =	swait.ge @!p0 [sflag:s0], s1  }
0xf2: {  	s1 =	ssub.s32 @!p0 $0x0, s1;
	[sflag:s0] =	ssyncset.done @!p0 $0x0  }
0xf3: {  	[sflag:s0] =	ssyncadd.s32 @!p0 s1  }
0xf4: {  	[bflag:$0x3] =	sbarrier.arrive $0xFFFF  }
0xf5: {  	_ =	shalt  }

// kernel: kernel.16.cloned.1.call-start
scs
__scs_entry_jumppad:
0x0: {  	(pc) =	sbr.rel $0x88, $3  }
0x1: {  	(tag) =	ssettag $0x0;
	lr =	simm.s32 $0x1  }
0x2: {  	[smem:$0x3F98] =	sst lr;
	_ =	strace $0xD0000000  }
0x3: {  	_ = 	snop  }
0x4: {  	_ = 	snop  }
0x5: {  	_ = 	snop  }
0x6: {  	_ = 	snop  }
0x7: {  	_ = 	snop  }
__scs_overlays_trampoline_lowered:
0x8: {  	[smem:$0x3FA7] =	sst s0  }
0x9: {  	[smem:$0x3FA8] =	sst s1  }
0xa: {  	[smem:$0x3FA9] =	sst s2  }
0xb: {  	[smem:$0x3FAA] =	sst s3  }
0xc: {  	[smem:$0x3FAB] =	sst s4  }
0xd: {  	[smem:$0x3FAC] =	sst s5  }
0xe: {  	[smem:$0x3FAD] =	sst s6  }
0xf: {  	[smem:$0x3FAE] =	sst s7  }
0x10: {  	[smem:$0x3FAF] =	sst s8  }
0x11: {  	[smem:$0x3FB0] =	sst s9;
	s0 =	simm.s32 @!p0 $0x0  }
0x12: {  	s1 =	sld [smem:$0x3F96];
	s0 =	simm.s32 @p0 $0x1  }
0x13: {  	[smem:$0x3FB1] =	sst s0;
	s0 =	simm.s32 @!p1 $0x0  }
0x14: {  	s2 =	sld [smem:$0x3F95];
	s0 =	simm.s32 @p1 $0x1  }
0x15: {  	[smem:$0x3FB2] =	sst s0;
	s0 =	simm.s32 @!p2 $0x0  }
0x16: {  	s3 =	sld [smem:$0x3FDB];
	s0 =	simm.s32 @p2 $0x1  }
0x17: {  	s4 =	simm.s32 $0x1BF5;
	[smem:$0x3FB4] =	sst s0  }
0x18: {  	s0 =	sld [smem:$0x3F97];
	_ =	swait.ge [sflag:s4], $0x0  }
0x19: {  	s7 =	sld [smem:$0x3F98]  }
0x1a: {  	s8 =	sadd.s32 $0xFFFFE003, lr  }
0x1b: {  	s9 =	sadd.s32 $0xFFFFFEF7, lr;
	s5 =	simm.s32 $0xFFFFFFFF;
	p2 =	slt.u32 s8, $0xFFFFF086  }
0x1c: {  	p1 =	slt.u32 s9, $0xF7A;
	s5 =	simm.s32 @!p2 $0x0  }
0x1d: {  	s5 =	simm.s32 @p1 $0x1;
	p0 =	seq.s32 s7, s2  }
0x1e: {  	s7 =	smul.u32 @!p0 $0xF7A, s2;
	p2 =	seq.s32 @!p0 s5, $0x0  }
0x1f: {  	s9 =	smul.u32 $0xF7A, s1;
	s8 =	simm.s32 @!p0 $0x1BF5;
	p2 =	por !p2, p0  }
0x20: {  	[sflag:s8] =	ssyncset.s32 @!p0 $0xFFFFF086;
	s6 =	sadd.s32 @!p0 s3, s7;
	s7 =	simm.s32 @!p0 $0x108  }
0x21: {  	s3 =	sadd.s32 s3, s9;
	s6 =	sadd.s32 @!p0 $0x88, s6;
	s7 =	simm.s32 @p2 $0x1082  }
0x22: {  	[simem:s7], [sflag:s8] =	dma.local @!p0 [hbm:s6], $0xF7A  }
0x23: {  	s9 =	sor.u32 $0xD0000000, s2;
	s6 =	simm.s32 $0x108;
	_ =	swait.ge @!p0 [sflag:s8], $0x0  }
0x24: {  	s3 =	sadd.s32 $0x88, s3;
	s6 =	simm.s32 @!p1 $0x1082;
	[sflag:s4] =	ssyncset.s32 $0xFFFFF086  }
0x25: {  	[simem:s6], [sflag:s4] =	dma.local [hbm:s3], $0xF7A  }
0x26: {  	[smem:$0x3F98] =	sst s1;
	(tag) =	ssettag s2;
	_ =	strace s9  }
0x27: {  	s1 =	sld [smem:$0x3FA8]  }
0x28: {  	s2 =	sld [smem:$0x3FA9]  }
0x29: {  	s4 =	sld [smem:$0x3FAB]  }
0x2a: {  	p0 =	seq.s32 s5, $0x0;
	s5 =	sld [smem:$0x3FAC]  }
0x2b: {  	s6 =	sld [smem:$0x3FAD]  }
0x2c: {  	s7 =	sld [smem:$0x3FAE]  }
0x2d: {  	s3 =	simm.s32 $0x108;
	s8 =	sld [smem:$0x3FAF]  }
0x2e: {  	s3 =	simm.s32 @!p0 $0x1082;
	s9 =	sld [smem:$0x3FB0]  }
0x2f: {  	lr =	sadd.s32 s0, s3;
	s0 =	sld [smem:$0x3FA7]  }
0x30: {  	s3 =	sld [smem:$0x3FAA]  }
0x31: {  	[smem:$0x3FB3] =	sst s10  }
0x32: {  	s10 =	sld [smem:$0x3FB1];
	_ =	sdelay $0x3  }
0x33: {  	p0 =	seq.s32 s10, $0x1;
	s10 =	sld [smem:$0x3FB3];
	_ =	sdelay $0x3  }
0x34: {  	[smem:$0x3FB3] =	sst s10  }
0x35: {  	s10 =	sld [smem:$0x3FB2];
	_ =	sdelay $0x3  }
0x36: {  	p1 =	seq.s32 s10, $0x1;
	s10 =	sld [smem:$0x3FB3];
	_ =	sdelay $0x3  }
0x37: {  	[smem:$0x3FB3] =	sst s10  }
0x38: {  	s10 =	sld [smem:$0x3FB4]  }
0x39: {  	_ = 	snop;
	(pc) =	sbr.ind lr, $3  }
0x3a: {  	_ = 	snop  }
0x3b: {  	_ = 	snop  }
0x3c: {  	p2 =	seq.s32 s10, $0x1;
	s10 =	sld [smem:$0x3FB3]  }
0x3d: {  	_ =	shalt  }
0x3e: {  	_ =	shalt  }
0x3f: {  	_ =	shalt  }
0x40: {  	_ =	shalt  }
0x41: {  	_ =	shalt  }
0x42: {  	_ =	shalt  }
0x43: {  	_ =	shalt  }
0x44: {  	_ =	shalt  }
0x45: {  	_ =	shalt  }
0x46: {  	_ =	shalt  }
0x47: {  	_ =	shalt  }
0x48: {  	_ =	shalt  }
0x49: {  	_ =	shalt  }
0x4a: {  	_ =	shalt  }
0x4b: {  	_ =	shalt  }
0x4c: {  	_ =	shalt  }
0x4d: {  	_ =	shalt  }
0x4e: {  	_ =	shalt  }
0x4f: {  	_ =	shalt  }
0x50: {  	_ =	shalt  }
0x51: {  	_ =	shalt  }
0x52: {  	_ =	shalt  }
0x53: {  	_ =	shalt  }
0x54: {  	_ =	shalt  }
0x55: {  	_ =	shalt  }
0x56: {  	_ =	shalt  }
0x57: {  	_ =	shalt  }
0x58: {  	_ =	shalt  }
0x59: {  	_ =	shalt  }
0x5a: {  	_ =	shalt  }
0x5b: {  	_ =	shalt  }
0x5c: {  	_ =	shalt  }
0x5d: {  	_ =	shalt  }
0x5e: {  	_ =	shalt  }
0x5f: {  	_ =	shalt  }
0x60: {  	_ =	shalt  }
0x61: {  	_ =	shalt  }
0x62: {  	_ =	shalt  }
0x63: {  	_ =	shalt  }
0x64: {  	_ =	shalt  }
0x65: {  	_ =	shalt  }
0x66: {  	_ =	shalt  }
0x67: {  	_ =	shalt  }
0x68: {  	_ =	shalt  }
0x69: {  	_ =	shalt  }
0x6a: {  	_ =	shalt  }
0x6b: {  	_ =	shalt  }
0x6c: {  	_ =	shalt  }
0x6d: {  	_ =	shalt  }
0x6e: {  	_ =	shalt  }
0x6f: {  	_ =	shalt  }
0x70: {  	_ =	shalt  }
0x71: {  	_ =	shalt  }
0x72: {  	_ =	shalt  }
0x73: {  	_ =	shalt  }
0x74: {  	_ =	shalt  }
0x75: {  	_ =	shalt  }
0x76: {  	_ =	shalt  }
0x77: {  	_ =	shalt  }
0x78: {  	_ =	shalt  }
0x79: {  	_ =	shalt  }
0x7a: {  	_ =	shalt  }
0x7b: {  	_ =	shalt  }
0x7c: {  	_ =	shalt  }
0x7d: {  	_ =	shalt  }
0x7e: {  	_ =	shalt  }
0x7f: {  	_ =	shalt  }
0x80: {  	_ =	shalt  }
0x81: {  	_ =	shalt  }
0x82: {  	_ =	shalt  }
0x83: {  	_ =	shalt  }
0x84: {  	_ =	shalt  }
0x85: {  	_ =	shalt  }
0x86: {  	_ =	shalt  }
0x87: {  	_ =	shalt  }
.Lfunc_end0:
.L_simem_size_0:
called_computation.2_lowered:
.L_overlay_start_0:
0x88: {  	s2 =	sld [smem:$0x3FD9]  }
0x89: {  	s3 =	sld [smem:$0x3FFE];
	_ =	sdelay $0x1  }
0x8a: {  	s1 =	srdreg.scid  }
0x8b: {  	s0 =	sand.u32 $0x1, s1  }
0x8c: {  	s16 =	sshll.u32 s0, $0xA;
	s2 =	sadd.s32 s3, s2  }
0x8d: {  	s2 =	sadd.s32 s2, s16  }
0x8e: {  	[smem:$0x3FBF] =	sst s2  }
0x8f: {  	_ = 	snop  }
0x90: {  	(tm) =	ssettm $0x1  }
0x91: {  	s17 =	sld [smem:$0x3FFB];
	_ =	sdelay $0x3  }
0x92: {  	_ =	strace s17  }
0x93: {  	s2 =	sld [smem:$0x3FFC];
	_ =	sdelay $0x3  }
0x94: {  	_ =	strace s2  }
0x95: {  	s2 =	sld [smem:$0x3FFD];
	_ =	sdelay $0x3  }
0x96: {  	_ =	strace s2  }
0x97: {  	_ =	strace $0x8FFFFFFF  }
0x98: {  	s18 =	sld [smem:$0x3FDB];
	_ =	sdelay $0x1  }
0x99: {  	s19 =	simm.s32 $_scs_section_size  }
0x9a: {  	s4 =	simm.s32 $_size__tile_overlayer_lowered;
	s5 =	simm.s32 $_tile_overlayer_lowered  }
0x9b: {  	s22 =	simm.s32 $0x1BFF;
	s21 =	sshll.u32 s5, $0x1;
	s2 =	sadd.s32 s19, s18  }
0x9c: {  	s6 =	simm.s32 $0x0;
	s20 =	sshll.u32 s4, $0x1;
	s4 =	sadd.s32 s21, s2  }
0x9d: {  	[timem:s6], [sflag:s22] =	dma.local [hbm:s4], s20  }
0x9e: {  	_ =	swait.ge [sflag:s22], s20  }
0x9f: {  	s3 =	ssub.s32 $0x0, s20;
	[sflag:s22] =	ssyncset.done $0x0  }
0xa0: {  	[sflag:s22] =	ssyncadd.s32 s3;
	_ =	sdelay $0x1  }
0xa1: {  	s23 =	simm.s32 $0x1B8B  }
0xa2: {  	_ =	swait.ge [sflag:s23], $0x1  }
0xa3: {  	[sflag:s23] =	ssyncset.done $0x0  }
0xa4: {  	s25 =	simm.s32 $0x1B8E;
	s24 =	sld [smem:$0x3FFE];
	[sflag:s23] =	ssyncadd.s32 $0xFFFFFFFF  }
0xa5: {  	s26 =	simm.s32 $execute0_lowered;
	[smem:$0x3FD2] =	sst s25  }
0xa6: {  	s4 =	sshll.u32 s26, $0x1;
	_ =	strace $0x8000004C;
	[dreg:$0x1] =	wrdreg $0xFFFFFFFF  }
0xa7: {  	s28 =	simm.s32 $_size_execute0_lowered;
	s2 =	sadd.s32 s2, s4;
	[dreg:$0x0] =	wrdreg $0x0  }
0xa8: {  	s4 =	sshll.u32 s28, $0x1;
	[dreg:$0x2] =	wrdreg s2  }
0xa9: {  	[dreg:$0x3] =	wrdreg s4  }
0xaa: {  	[dreg:$0x4] =	wrdreg $0xC0  }
0xab: {  	_ =	task [dreg:s6], $0x5FFFF  }
0xac: {  	[dreg:$0x1] =	wrdreg $0xFFFFFFFF  }
0xad: {  	[dreg:$0x0] =	wrdreg $0x60  }
0xae: {  	[dreg:$0x2] =	wrdreg s24  }
0xaf: {  	[dreg:$0x3] =	wrdreg $0x82000  }
0xb0: {  	[dreg:$0x4] =	wrdreg $0x9  }
0xb1: {  	_ =	task.clear_ibuf [dreg:s6], $0x5FFFF;
	_ =	strace $0x9000004C  }
0xb2: {  	s29 =	simm.s32 $0x9;
	_ =	strace $0x8000004E  }
0xb3: {  	_ =	swait.ge [sflag:s29], $0x1  }
0xb4: {  	[sflag:s29] =	ssyncadd.s32 $0xFFFFFFFF  }
0xb5: {  	_ =	strace $0x9000004E  }
0xb6: {  	_ =	sfence  }
0xb7: {  	s30 =	sld [smem:$0x0];
	_ =	sdelay $0x2  }
0xb8: {  	s31 =	sshll.u32 s1, $0xD;
	s1 =	sshrl.u32 s1, $0x2  }
0xb9: {  	s3 =	sand.u32 $0x4000, s31;
	s1 =	sadd.s32 s1, s30  }
0xba: {  	s0 =	sor.u32 s3, s0;
	s1 =	sshll.u32 s1, $0x11  }
0xbb: {  	s0 =	sor.u32 s1, s0  }
0xbc: {  	s0 =	sadd.s32 $0x8F2B, s0  }
0xbd: {  	[sflag:s0] =	ssyncadd.remote.s32 $0x1  }
0xbe: {  	_ =	sfence.sel $0xFFFF  }
0xbf: {  	[dreg:$0x0] =	wrdreg $0xFFFFFFFF;
	(pc) =	sbr.abs _section_cstart, $3  }
0xc0: {  	[dreg:$0x1] =	wrdreg $0xFFFFFFFF  }
0xc1: {  	_ =	task.clear_ibuf [dreg:s6], $0x2FFFF;
	_ =	strace $0x9FFFFFFF  }
0xc2: {  	(tm) =	ssettm $0x7FFFFFFF  }
0xc3: {  	_ =	shalt  }
tec
execute0_lowered:
.L_overlay_start_1:
0x0: {  	(tag) =	ssettag $0x1  }
0x1: {  	s0 =	rddreg [dreg:$0x0]  }
0x2: {  	s1 =	rddreg [dreg:$0x1]  }
0x3: {  	s2 =	simm.s32 $0x0;
	s4 =	srdreg.scid;
	s21 =	stileid.u32  }
0x4: {  	s29 =	simm.s32 $0x3;
	s30 =	simm.s32 $0x8000;
	s31 =	simm.s32 $0x8100  }
0x5: {  	[smem:$0x7FF] =	sst s2;
	s3 =	sadd.s32 $0xD000, s0;
	s5 =	sadd.s32 $0x2A00, s0  }
0x6: {  	s6 =	sadd.s32 $0x17000, s0;
	s12 =	sadd.s32 $0x3F000, s0;
	s11 =	smul.u32 $0x280, s21  }
0x7: {  	s4 =	sand.u32 $0x1, s4;
	s0 =	sadd.s32 $0x67000, s0;
	s10 =	smul.u32 $0x50000, s21  }
0x8: {  	s15 =	smul.u32 $0x2800, s21;
	_ =	strace $0x8000004D;
	s7 =	ssub.s32 $0x2, s4  }
0x9: {  	s9 =	sshll.u32 s4, $0x4;
	p0 =	seq.s32 s4, $0x1;
	s4 =	smul.u32 $0x140000, s4  }
0xa: {  	s8 =	sshrl.u32 s7, $0x1;
	s14 =	sor.u32 s21, s9;
	s22 =	sshrl.u32 s10, $0x2  }
0xb: {  	s23 =	sadd.s32 $0x80, s11;
	s24 =	sadd.s32 $0x100, s11;
	s25 =	sadd.s32 $0x180, s11  }
0xc: {  	s21 =	smul.u32 $0x14000, s21;
	s11 =	sadd.s32 $0x200, s11;
	s13 =	ssub.s32 s7, s8  }
0xd: {  	s7 =	sadd.s32 s22, s1;
	s16 =	sshll.u32 s23, $0x7;
	s18 =	sshll.u32 s23, $0x4  }
0xe: {  	s19 =	sshll.u32 s24, $0x4;
	s17 =	sshll.u32 s24, $0x7;
	s20 =	sshll.u32 s25, $0x7  }
0xf: {  	s22 =	sshll.u32 s25, $0x4;
	s23 =	sshll.u32 s11, $0x4;
	s24 =	sshll.u32 s11, $0x7  }
0x10: {  	s11 =	smul.u32 $0x2800, s14;
	s8 =	sadd.s32 s16, s1;
	s9 =	sadd.s32 s17, s1  }
0x11: {  	s10 =	sadd.s32 s20, s1;
	s21 =	sadd.s32 s21, s4;
	s16 =	sadd.s32 s4, s16  }
0x12: {  	s25 =	sadd.s32 s4, s17;
	s28 =	smax.u32 s13, $0x1;
	s13 =	simm.s32 $0x4000  }
0x13: {  	s21 =	sshrl.u32 s21, $0x3;
	s16 =	sshrl.u32 s16, $0x3;
	s14 =	sshrl.u32 s25, $0x3  }
0x14: {  	s26 =	sadd.s32 s0, s21;
	s21 =	sadd.s32 s0, s16;
	s14 =	sadd.s32 s0, s14  }
0x15: {  	[dreg:$0x3] =	wrdreg s26;
	s26 =	sadd.s32 s4, s20;
	s4 =	sadd.s32 s4, s24  }
0x16: {  	[dreg:$0x4] =	wrdreg s21;
	s16 =	sshrl.u32 s26, $0x3;
	s4 =	sshrl.u32 s4, $0x3  }
0x17: {  	[dreg:$0x5] =	wrdreg s14;
	s17 =	sadd.s32 s0, s16;
	s0 =	sadd.s32 s0, s4  }
0x18: {  	s20 =	sshrl.u32 s11, $0x3;
	[dreg:$0x7] =	wrdreg s0;
	s0 =	smov.u32 s6  }
0x19: {  	s14 =	simm.s32 $0x1;
	s26 =	sor.u32 $0x10, s20;
	s0 =	smov.u32 @p0 s12  }
0x1a: {  	s4 =	simm.s32 $0x8080;
	[dreg:$0x6] =	wrdreg s17;
	s12 =	sadd.s32 s0, s15  }
0x1b: {  	s16 =	simm.s32 $0x0;
	s21 =	sadd.s32 s0, s18;
	[dreg:$0x8] =	wrdreg s12  }
0x1c: {  	s17 =	sadd.s32 s24, s1;
	s24 =	sadd.s32 s0, s19;
	[dreg:$0x9] =	wrdreg s21  }
0x1d: {  	s25 =	sadd.s32 s0, s22;
	s0 =	sadd.s32 s0, s23;
	[dreg:$0xa] =	wrdreg s24  }
0x1e: {  	s23 =	sadd.s32 s3, s20;
	s15 =	simm.s32 $0x2;
	[dreg:$0xb] =	wrdreg s25  }
0x1f: {  	[dreg:$0xc] =	wrdreg s0;
	s24 =	sadd.s32 s5, s20;
	s25 =	sadd.s32 s3, s26  }
0x20: {  	s26 =	sadd.s32 s5, s26;
	s0 =	simm.s32 $0x80;
	s12 =	simm.s32 $0x8180  }
.LBB2_1:
0x21: {  	s18 =	rddreg [dreg:$0x8]  }
0x22: {  	[tilespmem:s2], [sflag:$0x3] =	stream.linear.gather [hbm4b:s18+s2], $0x4000, $0x38;
	[tilespmem:$0x1C200] =	vst v63  }
0x23: {  	_ =	swait.ge [sflag:s29], $0x4000  }
0x24: {  	[sflag:s29] =	ssyncset.done $0x0  }
0x25: {  	[sflag:s29] =	ssyncadd.s32 $0xFFFFC000  }
0x26: {  	[spmem:s7] =	stream.linear.scatter [tilespmem:s2], [sflag:$0x3], $0x4000, $0x38;
	[tilespmem:$0x1C200] =	vst v63  }
0x27: {  	_ =	swait.ge [sflag:s29], $0x4000  }
0x28: {  	[sflag:s29] =	ssyncset.done $0x0  }
0x29: {  	s20 =	rddreg [dreg:$0x9];
	[sflag:s29] =	ssyncadd.s32 $0xFFFFC000  }
0x2a: {  	[tilespmem:s2], [sflag:$0x3] =	stream.linear.gather [hbm4b:s20+s2], $0x4000, $0x38;
	[tilespmem:$0x1C200] =	vst v63  }
0x2b: {  	_ =	swait.ge [sflag:s29], $0x4000  }
0x2c: {  	[sflag:s29] =	ssyncset.done $0x0  }
0x2d: {  	[sflag:s29] =	ssyncadd.s32 $0xFFFFC000  }
0x2e: {  	[spmem:s8] =	stream.linear.scatter [tilespmem:s2], [sflag:$0x3], $0x4000, $0x38;
	[tilespmem:$0x1C200] =	vst v63  }
0x2f: {  	_ =	swait.ge [sflag:s29], $0x4000  }
0x30: {  	[sflag:s29] =	ssyncset.done $0x0  }
0x31: {  	s21 =	rddreg [dreg:$0xa];
	[sflag:s29] =	ssyncadd.s32 $0xFFFFC000  }
0x32: {  	[tilespmem:s2], [sflag:$0x3] =	stream.linear.gather [hbm4b:s21+s2], $0x4000, $0x38;
	[tilespmem:$0x1C200] =	vst v63  }
0x33: {  	_ =	swait.ge [sflag:s29], $0x4000  }
0x34: {  	[sflag:s29] =	ssyncset.done $0x0  }
0x35: {  	[sflag:s29] =	ssyncadd.s32 $0xFFFFC000  }
0x36: {  	[spmem:s9] =	stream.linear.scatter [tilespmem:s2], [sflag:$0x3], $0x4000, $0x38;
	[tilespmem:$0x1C200] =	vst v63  }
0x37: {  	_ =	swait.ge [sflag:s29], $0x4000  }
0x38: {  	[sflag:s29] =	ssyncset.done $0x0  }
0x39: {  	s22 =	rddreg [dreg:$0xb];
	[sflag:s29] =	ssyncadd.s32 $0xFFFFC000  }
0x3a: {  	[tilespmem:s2], [sflag:$0x3] =	stream.linear.gather [hbm4b:s22+s2], $0x4000, $0x38;
	[tilespmem:$0x1C200] =	vst v63  }
0x3b: {  	_ =	swait.ge [sflag:s29], $0x4000  }
0x3c: {  	[sflag:s29] =	ssyncset.done $0x0  }
0x3d: {  	[sflag:s29] =	ssyncadd.s32 $0xFFFFC000  }
0x3e: {  	[spmem:s10] =	stream.linear.scatter [tilespmem:s2], [sflag:$0x3], $0x4000, $0x38;
	[tilespmem:$0x1C200] =	vst v63  }
0x3f: {  	_ =	swait.ge [sflag:s29], $0x4000  }
0x40: {  	[sflag:s29] =	ssyncset.done $0x0  }
0x41: {  	s19 =	rddreg [dreg:$0xc];
	[sflag:s29] =	ssyncadd.s32 $0xFFFFC000  }
0x42: {  	[tilespmem:s2], [sflag:$0x3] =	stream.linear.gather [hbm4b:s19+s2], $0x4000, $0x38;
	[tilespmem:$0x1C200] =	vst v63  }
0x43: {  	_ =	swait.ge [sflag:s29], $0x4000  }
0x44: {  	[sflag:s29] =	ssyncset.done $0x0  }
0x45: {  	[sflag:s29] =	ssyncadd.s32 $0xFFFFC000  }
0x46: {  	[spmem:s17] =	stream.linear.scatter [tilespmem:s2], [sflag:$0x3], $0x4000, $0x38;
	[tilespmem:$0x1C200] =	vst v63  }
0x47: {  	_ =	swait.ge [sflag:s29], $0x4000  }
0x48: {  	[sflag:s29] =	ssyncset.done $0x0  }
0x49: {  	[sflag:s29] =	ssyncadd.s32 $0xFFFFC000  }
0x4a: {  	[bflag:$0x0] =	sbarrier.arrive $0xFFFF  }
0x4b: {  	[tilespmem:s30], [sflag:$0x3] =	stream.linear.gather [hbm4b:s23+s2], $0x80, $0x38;
	[tilespmem:$0x1C200] =	vst v63  }
0x4c: {  	_ =	swait.ge [sflag:s29], $0x80  }
0x4d: {  	[sflag:s29] =	ssyncset.done $0x0  }
0x4e: {  	[sflag:s29] =	ssyncadd.s32 $0xFFFFFF80  }
0x4f: {  	[tilespmem:s31], [sflag:$0x3] =	stream.linear.gather [hbm4b:s24+s2], $0x80, $0x38;
	[tilespmem:$0x1C200] =	vst v63  }
0x50: {  	_ =	swait.ge [sflag:s29], $0x80  }
0x51: {  	[sflag:s29] =	ssyncset.done $0x0  }
0x52: {  	[sflag:s29] =	ssyncadd.s32 $0xFFFFFF80  }
0x53: {  	[tilespmem:s2], [sflag:$0x1] =	stream.indirect.gather [hbm4b:s6+s0], $0x80, s30, s0, $0xb8;
	[tilespmem:$0x1C200] =	vst v63  }
0x54: {  	_ = 	snop  }
0x55: {  	[tilespmem:s4], [sflag:$0x3] =	stream.linear.gather [hbm4b:s25+s2], $0x80, $0x38;
	[tilespmem:$0x1C200] =	vst v63  }
0x56: {  	_ =	swait.ge [sflag:s29], $0x80  }
0x57: {  	[sflag:s29] =	ssyncset.done $0x0  }
0x58: {  	[sflag:s29] =	ssyncadd.s32 $0xFFFFFF80  }
0x59: {  	[tilespmem:s12], [sflag:$0x3] =	stream.linear.gather [hbm4b:s26+s2], $0x80, $0x38;
	[tilespmem:$0x1C200] =	vst v63  }
0x5a: {  	_ =	swait.ge [sflag:s29], $0x80  }
0x5b: {  	[sflag:s29] =	ssyncset.done $0x0  }
0x5c: {  	[sflag:s29] =	ssyncadd.s32 $0xFFFFFF80  }
0x5d: {  	[tilespmem:s13], [sflag:$0x2] =	stream.indirect.gather [hbm4b:s6+s0], $0x80, s4, s0, $0xb8;
	[tilespmem:$0x1C200] =	vst v63  }
0x5e: {  	s20 =	simm.s32 $0x100;
	_ =	swait.ge [sflag:s14], $0x4000  }
0x5f: {  	s19 =	sand.u32 $0x7C00, s20;
	[sflag:s14] =	ssyncset.done $0x0  }
0x60: {  	s18 =	sand.u32 $0x300, s20;
	s19 =	sadd.s32 s11, s19;
	[sflag:s14] =	ssyncadd.s32 $0xFFFFC000  }
0x61: {  	[spmem:s1] =	stream.indirect.scatter.add.f32 [tilespmem:s2], [sflag:$0x3], $0x80, s31, s0, $0xb8;
	[tilespmem:$0x1C200] =	vst v63  }
0x62: {  	s18 =	sor.u32 s18, s19;
	_ =	swait.ge [sflag:s29], $0x4000  }
0x63: {  	s18 =	sshrl.u32 s18, $0x3;
	[sflag:s29] =	ssyncset.done $0x0  }
0x64: {  	s21 =	sadd.s32 s3, s18;
	[sflag:s29] =	ssyncadd.s32 $0xFFFFC000  }
0x65: {  	[tilespmem:s30], [sflag:$0x3] =	stream.linear.gather [hbm4b:s21+s2], $0x80, $0x38;
	[tilespmem:$0x1C200] =	vst v63  }
0x66: {  	_ =	swait.ge [sflag:s29], $0x80  }
0x67: {  	[sflag:s29] =	ssyncset.done $0x0  }
0x68: {  	s18 =	sadd.s32 s5, s18;
	[sflag:s29] =	ssyncadd.s32 $0xFFFFFF80  }
0x69: {  	[tilespmem:s31], [sflag:$0x3] =	stream.linear.gather [hbm4b:s18+s2], $0x80, $0x38;
	[tilespmem:$0x1C200] =	vst v63  }
0x6a: {  	_ =	swait.ge [sflag:s29], $0x80  }
0x6b: {  	[sflag:s29] =	ssyncset.done $0x0  }
0x6c: {  	[sflag:s29] =	ssyncadd.s32 $0xFFFFFF80  }
0x6d: {  	[tilespmem:s2], [sflag:$0x1] =	stream.indirect.gather [hbm4b:s6+s0], $0x80, s30, s0, $0xb8;
	[tilespmem:$0x1C200] =	vst v63  }
0x6e: {  	s22 =	simm.s32 $0x180;
	_ =	swait.ge [sflag:s15], $0x4000  }
0x6f: {  	s20 =	sand.u32 $0x7C00, s22;
	[sflag:s15] =	ssyncset.done $0x0  }
0x70: {  	s19 =	sadd.s32 s11, s20;
	s18 =	sand.u32 $0x380, s22;
	[sflag:s15] =	ssyncadd.s32 $0xFFFFC000  }
0x71: {  	[spmem:s1] =	stream.indirect.scatter.add.f32 [tilespmem:s13], [sflag:$0x3], $0x80, s12, s0, $0xb8;
	[tilespmem:$0x1C200] =	vst v63  }
0x72: {  	s18 =	sor.u32 s18, s19;
	_ =	swait.ge [sflag:s29], $0x4000  }
0x73: {  	s18 =	sshrl.u32 s18, $0x3;
	[sflag:s29] =	ssyncset.done $0x0  }
0x74: {  	s21 =	sadd.s32 s3, s18;
	[sflag:s29] =	ssyncadd.s32 $0xFFFFC000  }
0x75: {  	[tilespmem:s4], [sflag:$0x3] =	stream.linear.gather [hbm4b:s21+s2], $0x80, $0x38;
	[tilespmem:$0x1C200] =	vst v63  }
0x76: {  	_ =	swait.ge [sflag:s29], $0x80  }
0x77: {  	[sflag:s29] =	ssyncset.done $0x0  }
0x78: {  	s18 =	sadd.s32 s5, s18;
	[sflag:s29] =	ssyncadd.s32 $0xFFFFFF80  }
0x79: {  	[tilespmem:s12], [sflag:$0x3] =	stream.linear.gather [hbm4b:s18+s2], $0x80, $0x38;
	[tilespmem:$0x1C200] =	vst v63  }
0x7a: {  	s22 =	simm.s32 $0x200;
	_ =	swait.ge [sflag:s29], $0x80  }
0x7b: {  	s20 =	sand.u32 $0x7C00, s22;
	[sflag:s29] =	ssyncset.done $0x0  }
0x7c: {  	s19 =	sand.u32 $0x300, s22;
	s20 =	sadd.s32 s11, s20;
	[sflag:s29] =	ssyncadd.s32 $0xFFFFFF80  }
0x7d: {  	[tilespmem:s13], [sflag:$0x2] =	stream.indirect.gather [hbm4b:s6+s0], $0x80, s4, s0, $0xb8;
	[tilespmem:$0x1C200] =	vst v63  }
0x7e: {  	s20 =	sor.u32 s19, s20;
	_ =	swait.ge [sflag:s14], $0x4000  }
0x7f: {  	s19 =	simm.s32 $0x380;
	s18 =	simm.s32 $0x280;
	[sflag:s14] =	ssyncset.done $0x0  }
.LBB2_2:
0x80: {  	s20 =	sshrl.u32 s20, $0x3  }
0x81: {  	[sflag:s14] =	ssyncadd.s32 $0xFFFFC000;
	s22 =	smov.u32 s19;
	s21 =	sadd.s32 $0x100, s19  }
0x82: {  	[spmem:s1] =	stream.indirect.scatter.add.f32 [tilespmem:s2], [sflag:$0x3], $0x80, s31, s0, $0xb8;
	[tilespmem:$0x1C200] =	vst v63  }
0x83: {  	p0 =	sne.s32 s19, $0x2780;
	_ =	swait.ge [sflag:s29], $0x4000  }
0x84: {  	[sflag:s29] =	ssyncset.done $0x0  }
0x85: {  	s19 =	sadd.s32 s3, s20;
	[sflag:s29] =	ssyncadd.s32 $0xFFFFC000  }
0x86: {  	[tilespmem:s30], [sflag:$0x3] =	stream.linear.gather [hbm4b:s19+s2], $0x80, $0x38;
	[tilespmem:$0x1C200] =	vst v63  }
0x87: {  	_ =	swait.ge [sflag:s29], $0x80  }
0x88: {  	[sflag:s29] =	ssyncset.done $0x0  }
0x89: {  	s19 =	sadd.s32 s5, s20;
	[sflag:s29] =	ssyncadd.s32 $0xFFFFFF80  }
0x8a: {  	[tilespmem:s31], [sflag:$0x3] =	stream.linear.gather [hbm4b:s19+s2], $0x80, $0x38;
	[tilespmem:$0x1C200] =	vst v63  }
0x8b: {  	_ =	swait.ge [sflag:s29], $0x80  }
0x8c: {  	[sflag:s29] =	ssyncset.done $0x0  }
0x8d: {  	[sflag:s29] =	ssyncadd.s32 $0xFFFFFF80  }
0x8e: {  	[tilespmem:s2], [sflag:$0x1] =	stream.indirect.gather [hbm4b:s6+s0], $0x80, s30, s0, $0xb8;
	[tilespmem:$0x1C200] =	vst v63  }
0x8f: {  	_ =	swait.ge [sflag:s15], $0x4000  }
0x90: {  	[sflag:s15] =	ssyncset.done $0x0  }
0x91: {  	s19 =	sand.u32 $0x7C00, s18;
	[sflag:s15] =	ssyncadd.s32 $0xFFFFC000  }
0x92: {  	[spmem:s1] =	stream.indirect.scatter.add.f32 [tilespmem:s13], [sflag:$0x3], $0x80, s12, s0, $0xb8;
	[tilespmem:$0x1C200] =	vst v63  }
0x93: {  	s18 =	sand.u32 $0x380, s18;
	s19 =	sadd.s32 s11, s19;
	_ =	swait.ge [sflag:s29], $0x4000  }
0x94: {  	s19 =	sor.u32 s18, s19;
	s18 =	smov.u32 s22;
	[sflag:s29] =	ssyncset.done $0x0  }
0x95: {  	s19 =	sshrl.u32 s19, $0x3;
	[sflag:s29] =	ssyncadd.s32 $0xFFFFC000  }
0x96: {  	s20 =	sadd.s32 s3, s19  }
0x97: {  	[tilespmem:s4], [sflag:$0x3] =	stream.linear.gather [hbm4b:s20+s2], $0x80, $0x38;
	[tilespmem:$0x1C200] =	vst v63  }
0x98: {  	_ =	swait.ge [sflag:s29], $0x80  }
0x99: {  	[sflag:s29] =	ssyncset.done $0x0  }
0x9a: {  	s19 =	sadd.s32 s5, s19;
	[sflag:s29] =	ssyncadd.s32 $0xFFFFFF80  }
0x9b: {  	[tilespmem:s12], [sflag:$0x3] =	stream.linear.gather [hbm4b:s19+s2], $0x80, $0x38;
	[tilespmem:$0x1C200] =	vst v63  }
0x9c: {  	_ =	swait.ge [sflag:s29], $0x80  }
.Ltmp0:
0x9d: {  	s19 =	sadd.s32 $0xFFFFFF80, s18;
	[sflag:s29] =	ssyncset.done $0x0;
	(pc) =	sbr.rel @p0 .LBB2_2-.Ltmp0, $4  }
0x9e: {  	s20 =	sand.u32 $0x7C00, s19;
	[sflag:s29] =	ssyncadd.s32 $0xFFFFFF80  }
0x9f: {  	[tilespmem:s13], [sflag:$0x2] =	stream.indirect.gather [hbm4b:s6+s0], $0x80, s4, s0, $0xb8;
	[tilespmem:$0x1C200] =	vst v63  }
0xa0: {  	s19 =	sand.u32 $0x300, s19;
	s20 =	sadd.s32 s11, s20;
	_ =	swait.ge [sflag:s14], $0x4000  }
0xa1: {  	s20 =	sor.u32 s19, s20;
	s19 =	smov.u32 s21;
	[sflag:s14] =	ssyncset.done $0x0  }
0xa2: {  	[sflag:s14] =	ssyncadd.s32 $0xFFFFC000  }
0xa3: {  	[spmem:s1] =	stream.indirect.scatter.add.f32 [tilespmem:s2], [sflag:$0x3], $0x80, s31, s0, $0xb8;
	[tilespmem:$0x1C200] =	vst v63  }
0xa4: {  	_ =	swait.ge [sflag:s29], $0x4000  }
0xa5: {  	s19 =	sshrl.u32 s20, $0x3;
	[sflag:s29] =	ssyncset.done $0x0  }
0xa6: {  	s20 =	sadd.s32 s3, s19;
	[sflag:s29] =	ssyncadd.s32 $0xFFFFC000  }
0xa7: {  	[tilespmem:s30], [sflag:$0x3] =	stream.linear.gather [hbm4b:s20+s2], $0x80, $0x38;
	[tilespmem:$0x1C200] =	vst v63  }
0xa8: {  	_ =	swait.ge [sflag:s29], $0x80  }
0xa9: {  	[sflag:s29] =	ssyncset.done $0x0  }
0xaa: {  	s19 =	sadd.s32 s5, s19;
	[sflag:s29] =	ssyncadd.s32 $0xFFFFFF80  }
0xab: {  	[tilespmem:s31], [sflag:$0x3] =	stream.linear.gather [hbm4b:s19+s2], $0x80, $0x38;
	[tilespmem:$0x1C200] =	vst v63  }
0xac: {  	_ =	swait.ge [sflag:s29], $0x80  }
0xad: {  	[sflag:s29] =	ssyncset.done $0x0  }
0xae: {  	[sflag:s29] =	ssyncadd.s32 $0xFFFFFF80  }
0xaf: {  	[tilespmem:s2], [sflag:$0x1] =	stream.indirect.gather [hbm4b:s6+s0], $0x80, s30, s0, $0xb8;
	[tilespmem:$0x1C200] =	vst v63  }
0xb0: {  	_ =	swait.ge [sflag:s15], $0x4000  }
0xb1: {  	s20 =	sand.u32 $0x7C00, s18;
	[sflag:s15] =	ssyncset.done $0x0  }
0xb2: {  	s21 =	sand.u32 $0x380, s18;
	s19 =	sadd.s32 s11, s20;
	[sflag:s15] =	ssyncadd.s32 $0xFFFFC000  }
0xb3: {  	[spmem:s1] =	stream.indirect.scatter.add.f32 [tilespmem:s13], [sflag:$0x3], $0x80, s12, s0, $0xb8;
	[tilespmem:$0x1C200] =	vst v63  }
0xb4: {  	s18 =	sor.u32 s21, s19;
	_ =	swait.ge [sflag:s29], $0x4000  }
0xb5: {  	s18 =	sshrl.u32 s18, $0x3;
	[sflag:s29] =	ssyncset.done $0x0  }
0xb6: {  	s22 =	sadd.s32 s3, s18;
	[sflag:s29] =	ssyncadd.s32 $0xFFFFC000  }
0xb7: {  	[tilespmem:s4], [sflag:$0x3] =	stream.linear.gather [hbm4b:s22+s2], $0x80, $0x38;
	[tilespmem:$0x1C200] =	vst v63  }
0xb8: {  	_ =	swait.ge [sflag:s29], $0x80  }
0xb9: {  	[sflag:s29] =	ssyncset.done $0x0  }
0xba: {  	s18 =	sadd.s32 s5, s18;
	[sflag:s29] =	ssyncadd.s32 $0xFFFFFF80  }
0xbb: {  	[tilespmem:s12], [sflag:$0x3] =	stream.linear.gather [hbm4b:s18+s2], $0x80, $0x38;
	[tilespmem:$0x1C200] =	vst v63  }
0xbc: {  	_ =	swait.ge [sflag:s29], $0x80  }
0xbd: {  	[sflag:s29] =	ssyncset.done $0x0  }
0xbe: {  	[sflag:s29] =	ssyncadd.s32 $0xFFFFFF80  }
0xbf: {  	[tilespmem:s13], [sflag:$0x2] =	stream.indirect.gather [hbm4b:s6+s0], $0x80, s4, s0, $0xb8;
	[tilespmem:$0x1C200] =	vst v63  }
0xc0: {  	_ =	swait.ge [sflag:s14], $0x4000  }
0xc1: {  	[sflag:s14] =	ssyncset.done $0x0  }
0xc2: {  	[sflag:s14] =	ssyncadd.s32 $0xFFFFC000  }
0xc3: {  	[spmem:s1] =	stream.indirect.scatter.add.f32 [tilespmem:s2], [sflag:$0x3], $0x80, s31, s0, $0xb8;
	[tilespmem:$0x1C200] =	vst v63  }
0xc4: {  	_ =	swait.ge [sflag:s29], $0x4000  }
0xc5: {  	[sflag:s29] =	ssyncset.done $0x0  }
0xc6: {  	[sflag:s29] =	ssyncadd.s32 $0xFFFFC000  }
0xc7: {  	_ =	swait.ge [sflag:s15], $0x4000  }
0xc8: {  	[sflag:s15] =	ssyncset.done $0x0  }
0xc9: {  	[sflag:s15] =	ssyncadd.s32 $0xFFFFC000  }
0xca: {  	[spmem:s1] =	stream.indirect.scatter.add.f32 [tilespmem:s13], [sflag:$0x3], $0x80, s12, s0, $0xb8;
	[tilespmem:$0x1C200] =	vst v63  }
0xcb: {  	_ =	swait.ge [sflag:s29], $0x4000  }
0xcc: {  	[sflag:s29] =	ssyncset.done $0x0  }
0xcd: {  	s20 =	stileid.u32;
	[sflag:s29] =	ssyncadd.s32 $0xFFFFC000  }
0xce: {  	s18 =	sshll.u32 s20, $0x6;
	[bflag:$0x0] =	sbarrier.arrive $0xFFFF  }
0xcf: {  	s21 =	sshrl.u32 s7, $0x3;
	s18 =	sor.u32 $0x1C03, s18;
	s22 =	rddreg [dreg:$0x3]  }
0xd0: {  	[hbm:s22], [sflag:s18] =	dma.local [spmem:s21], $0x800  }
0xd1: {  	_ =	swait.ge [sflag:s29], $0x800  }
0xd2: {  	[sflag:s29] =	ssyncset.done $0x0  }
0xd3: {  	s21 =	sshrl.u32 s8, $0x3;
	s22 =	rddreg [dreg:$0x4];
	[sflag:s29] =	ssyncadd.s32 $0xFFFFF800  }
0xd4: {  	[hbm:s22], [sflag:s18] =	dma.local [spmem:s21], $0x800  }
0xd5: {  	_ =	swait.ge [sflag:s29], $0x800  }
0xd6: {  	[sflag:s29] =	ssyncset.done $0x0  }
0xd7: {  	s21 =	sshrl.u32 s9, $0x3;
	s22 =	rddreg [dreg:$0x5];
	[sflag:s29] =	ssyncadd.s32 $0xFFFFF800  }
0xd8: {  	[hbm:s22], [sflag:s18] =	dma.local [spmem:s21], $0x800  }
0xd9: {  	_ =	swait.ge [sflag:s29], $0x800  }
0xda: {  	[sflag:s29] =	ssyncset.done $0x0  }
0xdb: {  	s21 =	sshrl.u32 s10, $0x3;
	s22 =	rddreg [dreg:$0x6];
	[sflag:s29] =	ssyncadd.s32 $0xFFFFF800  }
0xdc: {  	[hbm:s22], [sflag:s18] =	dma.local [spmem:s21], $0x800  }
0xdd: {  	s16 =	sadd.s32 $0x1, s16;
	_ =	swait.ge [sflag:s29], $0x800  }
0xde: {  	p0 =	sne.s32 s16, s28;
	s21 =	sshrl.u32 s17, $0x3;
	[sflag:s29] =	ssyncset.done $0x0  }
.Ltmp1:
0xdf: {  	s22 =	rddreg [dreg:$0x7];
	[sflag:s29] =	ssyncadd.s32 $0xFFFFF800;
	(pc) =	sbr.rel @p0 .LBB2_1-.Ltmp1, $4  }
0xe0: {  	[hbm:s22], [sflag:s18] =	dma.local [spmem:s21], $0x800  }
0xe1: {  	_ =	swait.ge [sflag:s29], $0x800  }
0xe2: {  	[sflag:s29] =	ssyncset.done $0x0  }
0xe3: {  	[sflag:s29] =	ssyncadd.s32 $0xFFFFF800  }
0xe4: {  	_ =	sfence.sel $0x180000  }
0xe5: {  	[bflag:$0x0] =	sbarrier.arrive $0xFFFF  }
0xe6: {  	_ =	strace $0x9000004D  }
0xe7: {  	s0 =	stileid.u32;
	[bflag:$0x2] =	sbarrier.arrive $0xFFFF  }
0xe8: {  	p0 =	sne.s32 s0, $0x0;
	s0 =	rddreg [dreg:$0x2]  }
0xe9: {  	s0 =	sadd.s32 @!p0 $0x100000, s0  }
0xea: {  	[sflag:s0] =	ssyncadd.tile.s32 @!p0 $0x1;
	_ =	shalt  }
.Lfunc_end2:
_tile_overlayer_lowered:
.L_overlay_start_2:
0xeb: {  	(tag) =	ssettag $0x2  }
0xec: {  	s0 =	rddreg [dreg:$0x0];
	s2 =	stileid.u32  }
0xed: {  	s1 =	rddreg [dreg:$0x1];
	p0 =	sne.s32 s2, $0x0  }
0xee: {  	s3 =	rddreg [dreg:$0x2];
	[bflag:$0x3] =	sbarrier.arrive $0xFFFF;
	s2 =	simm.s32 @!p0 $0x1C03  }
0xef: {  	[timem:s3], [sflag:s2] =	dma.local @!p0 [hbm:s0], s1  }
0xf0: {  	s0 =	simm.s32 @!p0 $0x3  }
0xf1: {  	_ =	swait.ge @!p0 [sflag:s0], s1  }
0xf2: {  	s1 =	ssub.s32 @!p0 $0x0, s1;
	[sflag:s0] =	ssyncset.done @!p0 $0x0  }
0xf3: {  	[sflag:s0] =	ssyncadd.s32 @!p0 s1  }
0xf4: {  	[bflag:$0x3] =	sbarrier.arrive $0xFFFF  }
0xf5: {  	_ =	shalt  }

// kernel: kernel.19.cloned.1.call-start
scs
__scs_entry_jumppad:
0x0: {  	(pc) =	sbr.rel $0x88, $3  }
0x1: {  	(tag) =	ssettag $0x0;
	lr =	simm.s32 $0x1  }
0x2: {  	[smem:$0x3F98] =	sst lr;
	_ =	strace $0xD0000000  }
0x3: {  	_ = 	snop  }
0x4: {  	_ = 	snop  }
0x5: {  	_ = 	snop  }
0x6: {  	_ = 	snop  }
0x7: {  	_ = 	snop  }
__scs_overlays_trampoline_lowered:
0x8: {  	[smem:$0x3FA7] =	sst s0  }
0x9: {  	[smem:$0x3FA8] =	sst s1  }
0xa: {  	[smem:$0x3FA9] =	sst s2  }
0xb: {  	[smem:$0x3FAA] =	sst s3  }
0xc: {  	[smem:$0x3FAB] =	sst s4  }
0xd: {  	[smem:$0x3FAC] =	sst s5  }
0xe: {  	[smem:$0x3FAD] =	sst s6  }
0xf: {  	[smem:$0x3FAE] =	sst s7  }
0x10: {  	[smem:$0x3FAF] =	sst s8  }
0x11: {  	[smem:$0x3FB0] =	sst s9;
	s0 =	simm.s32 @!p0 $0x0  }
0x12: {  	s1 =	sld [smem:$0x3F96];
	s0 =	simm.s32 @p0 $0x1  }
0x13: {  	[smem:$0x3FB1] =	sst s0;
	s0 =	simm.s32 @!p1 $0x0  }
0x14: {  	s2 =	sld [smem:$0x3F95];
	s0 =	simm.s32 @p1 $0x1  }
0x15: {  	[smem:$0x3FB2] =	sst s0;
	s0 =	simm.s32 @!p2 $0x0  }
0x16: {  	s3 =	sld [smem:$0x3FDB];
	s0 =	simm.s32 @p2 $0x1  }
0x17: {  	s4 =	simm.s32 $0x1BF5;
	[smem:$0x3FB4] =	sst s0  }
0x18: {  	s0 =	sld [smem:$0x3F97];
	_ =	swait.ge [sflag:s4], $0x0  }
0x19: {  	s7 =	sld [smem:$0x3F98]  }
0x1a: {  	s8 =	sadd.s32 $0xFFFFE003, lr  }
0x1b: {  	s9 =	sadd.s32 $0xFFFFFEF7, lr;
	s5 =	simm.s32 $0xFFFFFFFF;
	p2 =	slt.u32 s8, $0xFFFFF086  }
0x1c: {  	p1 =	slt.u32 s9, $0xF7A;
	s5 =	simm.s32 @!p2 $0x0  }
0x1d: {  	s5 =	simm.s32 @p1 $0x1;
	p0 =	seq.s32 s7, s2  }
0x1e: {  	s7 =	smul.u32 @!p0 $0xF7A, s2;
	p2 =	seq.s32 @!p0 s5, $0x0  }
0x1f: {  	s9 =	smul.u32 $0xF7A, s1;
	s8 =	simm.s32 @!p0 $0x1BF5;
	p2 =	por !p2, p0  }
0x20: {  	[sflag:s8] =	ssyncset.s32 @!p0 $0xFFFFF086;
	s6 =	sadd.s32 @!p0 s3, s7;
	s7 =	simm.s32 @!p0 $0x108  }
0x21: {  	s3 =	sadd.s32 s3, s9;
	s6 =	sadd.s32 @!p0 $0x88, s6;
	s7 =	simm.s32 @p2 $0x1082  }
0x22: {  	[simem:s7], [sflag:s8] =	dma.local @!p0 [hbm:s6], $0xF7A  }
0x23: {  	s9 =	sor.u32 $0xD0000000, s2;
	s6 =	simm.s32 $0x108;
	_ =	swait.ge @!p0 [sflag:s8], $0x0  }
0x24: {  	s3 =	sadd.s32 $0x88, s3;
	s6 =	simm.s32 @!p1 $0x1082;
	[sflag:s4] =	ssyncset.s32 $0xFFFFF086  }
0x25: {  	[simem:s6], [sflag:s4] =	dma.local [hbm:s3], $0xF7A  }
0x26: {  	[smem:$0x3F98] =	sst s1;
	(tag) =	ssettag s2;
	_ =	strace s9  }
0x27: {  	s1 =	sld [smem:$0x3FA8]  }
0x28: {  	s2 =	sld [smem:$0x3FA9]  }
0x29: {  	s4 =	sld [smem:$0x3FAB]  }
0x2a: {  	p0 =	seq.s32 s5, $0x0;
	s5 =	sld [smem:$0x3FAC]  }
0x2b: {  	s6 =	sld [smem:$0x3FAD]  }
0x2c: {  	s7 =	sld [smem:$0x3FAE]  }
0x2d: {  	s3 =	simm.s32 $0x108;
	s8 =	sld [smem:$0x3FAF]  }
0x2e: {  	s3 =	simm.s32 @!p0 $0x1082;
	s9 =	sld [smem:$0x3FB0]  }
0x2f: {  	lr =	sadd.s32 s0, s3;
	s0 =	sld [smem:$0x3FA7]  }
0x30: {  	s3 =	sld [smem:$0x3FAA]  }
0x31: {  	[smem:$0x3FB3] =	sst s10  }
0x32: {  	s10 =	sld [smem:$0x3FB1];
	_ =	sdelay $0x3  }
0x33: {  	p0 =	seq.s32 s10, $0x1;
	s10 =	sld [smem:$0x3FB3];
	_ =	sdelay $0x3  }
0x34: {  	[smem:$0x3FB3] =	sst s10  }
0x35: {  	s10 =	sld [smem:$0x3FB2];
	_ =	sdelay $0x3  }
0x36: {  	p1 =	seq.s32 s10, $0x1;
	s10 =	sld [smem:$0x3FB3];
	_ =	sdelay $0x3  }
0x37: {  	[smem:$0x3FB3] =	sst s10  }
0x38: {  	s10 =	sld [smem:$0x3FB4]  }
0x39: {  	_ = 	snop;
	(pc) =	sbr.ind lr, $3  }
0x3a: {  	_ = 	snop  }
0x3b: {  	_ = 	snop  }
0x3c: {  	p2 =	seq.s32 s10, $0x1;
	s10 =	sld [smem:$0x3FB3]  }
0x3d: {  	_ =	shalt  }
0x3e: {  	_ =	shalt  }
0x3f: {  	_ =	shalt  }
0x40: {  	_ =	shalt  }
0x41: {  	_ =	shalt  }
0x42: {  	_ =	shalt  }
0x43: {  	_ =	shalt  }
0x44: {  	_ =	shalt  }
0x45: {  	_ =	shalt  }
0x46: {  	_ =	shalt  }
0x47: {  	_ =	shalt  }
0x48: {  	_ =	shalt  }
0x49: {  	_ =	shalt  }
0x4a: {  	_ =	shalt  }
0x4b: {  	_ =	shalt  }
0x4c: {  	_ =	shalt  }
0x4d: {  	_ =	shalt  }
0x4e: {  	_ =	shalt  }
0x4f: {  	_ =	shalt  }
0x50: {  	_ =	shalt  }
0x51: {  	_ =	shalt  }
0x52: {  	_ =	shalt  }
0x53: {  	_ =	shalt  }
0x54: {  	_ =	shalt  }
0x55: {  	_ =	shalt  }
0x56: {  	_ =	shalt  }
0x57: {  	_ =	shalt  }
0x58: {  	_ =	shalt  }
0x59: {  	_ =	shalt  }
0x5a: {  	_ =	shalt  }
0x5b: {  	_ =	shalt  }
0x5c: {  	_ =	shalt  }
0x5d: {  	_ =	shalt  }
0x5e: {  	_ =	shalt  }
0x5f: {  	_ =	shalt  }
0x60: {  	_ =	shalt  }
0x61: {  	_ =	shalt  }
0x62: {  	_ =	shalt  }
0x63: {  	_ =	shalt  }
0x64: {  	_ =	shalt  }
0x65: {  	_ =	shalt  }
0x66: {  	_ =	shalt  }
0x67: {  	_ =	shalt  }
0x68: {  	_ =	shalt  }
0x69: {  	_ =	shalt  }
0x6a: {  	_ =	shalt  }
0x6b: {  	_ =	shalt  }
0x6c: {  	_ =	shalt  }
0x6d: {  	_ =	shalt  }
0x6e: {  	_ =	shalt  }
0x6f: {  	_ =	shalt  }
0x70: {  	_ =	shalt  }
0x71: {  	_ =	shalt  }
0x72: {  	_ =	shalt  }
0x73: {  	_ =	shalt  }
0x74: {  	_ =	shalt  }
0x75: {  	_ =	shalt  }
0x76: {  	_ =	shalt  }
0x77: {  	_ =	shalt  }
0x78: {  	_ =	shalt  }
0x79: {  	_ =	shalt  }
0x7a: {  	_ =	shalt  }
0x7b: {  	_ =	shalt  }
0x7c: {  	_ =	shalt  }
0x7d: {  	_ =	shalt  }
0x7e: {  	_ =	shalt  }
0x7f: {  	_ =	shalt  }
0x80: {  	_ =	shalt  }
0x81: {  	_ =	shalt  }
0x82: {  	_ =	shalt  }
0x83: {  	_ =	shalt  }
0x84: {  	_ =	shalt  }
0x85: {  	_ =	shalt  }
0x86: {  	_ =	shalt  }
0x87: {  	_ =	shalt  }
.Lfunc_end0:
.L_simem_size_0:
called_computation.3_lowered:
.L_overlay_start_0:
0x88: {  	s2 =	sld [smem:$0x3FD9]  }
0x89: {  	s3 =	sld [smem:$0x3FFE];
	_ =	sdelay $0x1  }
0x8a: {  	s1 =	srdreg.scid  }
0x8b: {  	s0 =	sand.u32 $0x1, s1  }
0x8c: {  	s16 =	sshll.u32 s0, $0xA;
	s2 =	sadd.s32 s3, s2  }
0x8d: {  	s2 =	sadd.s32 s2, s16  }
0x8e: {  	[smem:$0x3FBF] =	sst s2  }
0x8f: {  	_ = 	snop  }
0x90: {  	(tm) =	ssettm $0x1  }
0x91: {  	s17 =	sld [smem:$0x3FFB];
	_ =	sdelay $0x3  }
0x92: {  	_ =	strace s17  }
0x93: {  	s2 =	sld [smem:$0x3FFC];
	_ =	sdelay $0x3  }
0x94: {  	_ =	strace s2  }
0x95: {  	s2 =	sld [smem:$0x3FFD];
	_ =	sdelay $0x3  }
0x96: {  	_ =	strace s2  }
0x97: {  	_ =	strace $0x8FFFFFFF  }
0x98: {  	s18 =	sld [smem:$0x3FDB];
	_ =	sdelay $0x1  }
0x99: {  	s19 =	simm.s32 $_scs_section_size  }
0x9a: {  	s4 =	simm.s32 $_size__tile_overlayer_lowered;
	s5 =	simm.s32 $_tile_overlayer_lowered  }
0x9b: {  	s22 =	simm.s32 $0x1BFF;
	s21 =	sshll.u32 s5, $0x1;
	s2 =	sadd.s32 s19, s18  }
0x9c: {  	s6 =	simm.s32 $0x0;
	s20 =	sshll.u32 s4, $0x1;
	s4 =	sadd.s32 s21, s2  }
0x9d: {  	[timem:s6], [sflag:s22] =	dma.local [hbm:s4], s20  }
0x9e: {  	_ =	swait.ge [sflag:s22], s20  }
0x9f: {  	s3 =	ssub.s32 $0x0, s20;
	[sflag:s22] =	ssyncset.done $0x0  }
0xa0: {  	[sflag:s22] =	ssyncadd.s32 s3;
	_ =	sdelay $0x1  }
0xa1: {  	s23 =	simm.s32 $0x1B8B  }
0xa2: {  	_ =	swait.ge [sflag:s23], $0x1  }
0xa3: {  	[sflag:s23] =	ssyncset.done $0x0  }
0xa4: {  	s25 =	simm.s32 $0x1B8E;
	s24 =	sld [smem:$0x3FFE];
	[sflag:s23] =	ssyncadd.s32 $0xFFFFFFFF  }
0xa5: {  	s26 =	simm.s32 $execute0_lowered;
	[smem:$0x3FD2] =	sst s25  }
0xa6: {  	s4 =	sshll.u32 s26, $0x1;
	_ =	strace $0x8000004F;
	[dreg:$0x1] =	wrdreg $0xFFFFFFFF  }
0xa7: {  	s28 =	simm.s32 $_size_execute0_lowered;
	s2 =	sadd.s32 s2, s4;
	[dreg:$0x0] =	wrdreg $0x0  }
0xa8: {  	s4 =	sshll.u32 s28, $0x1;
	[dreg:$0x2] =	wrdreg s2  }
0xa9: {  	[dreg:$0x3] =	wrdreg s4  }
0xaa: {  	[dreg:$0x4] =	wrdreg $0xC0  }
0xab: {  	_ =	task [dreg:s6], $0x5FFFF  }
0xac: {  	[dreg:$0x1] =	wrdreg $0xFFFFFFFF  }
0xad: {  	[dreg:$0x0] =	wrdreg $0x60  }
0xae: {  	[dreg:$0x2] =	wrdreg s24  }
0xaf: {  	[dreg:$0x3] =	wrdreg $0x82000  }
0xb0: {  	[dreg:$0x4] =	wrdreg $0x9  }
0xb1: {  	_ =	task.clear_ibuf [dreg:s6], $0x5FFFF;
	_ =	strace $0x9000004F  }
0xb2: {  	s29 =	simm.s32 $0x9;
	_ =	strace $0x80000051  }
0xb3: {  	_ =	swait.ge [sflag:s29], $0x1  }
0xb4: {  	[sflag:s29] =	ssyncadd.s32 $0xFFFFFFFF  }
0xb5: {  	_ =	strace $0x90000051  }
0xb6: {  	_ =	sfence  }
0xb7: {  	s30 =	sld [smem:$0x0];
	_ =	sdelay $0x2  }
0xb8: {  	s31 =	sshll.u32 s1, $0xD;
	s1 =	sshrl.u32 s1, $0x2  }
0xb9: {  	s3 =	sand.u32 $0x4000, s31;
	s1 =	sadd.s32 s1, s30  }
0xba: {  	s0 =	sor.u32 s3, s0;
	s1 =	sshll.u32 s1, $0x11  }
0xbb: {  	s0 =	sor.u32 s1, s0  }
0xbc: {  	s0 =	sadd.s32 $0x8F2B, s0  }
0xbd: {  	[sflag:s0] =	ssyncadd.remote.s32 $0x1  }
0xbe: {  	_ =	sfence.sel $0xFFFF  }
0xbf: {  	[dreg:$0x0] =	wrdreg $0xFFFFFFFF;
	(pc) =	sbr.abs _section_cstart, $3  }
0xc0: {  	[dreg:$0x1] =	wrdreg $0xFFFFFFFF  }
0xc1: {  	_ =	task.clear_ibuf [dreg:s6], $0x2FFFF;
	_ =	strace $0x9FFFFFFF  }
0xc2: {  	(tm) =	ssettm $0x7FFFFFFF  }
0xc3: {  	_ =	shalt  }
tec
execute0_lowered:
.L_overlay_start_1:
0x0: {  	(tag) =	ssettag $0x1  }
0x1: {  	s0 =	rddreg [dreg:$0x0]  }
0x2: {  	s1 =	rddreg [dreg:$0x1]  }
0x3: {  	s2 =	simm.s32 $0x0;
	s4 =	srdreg.scid;
	s21 =	stileid.u32  }
0x4: {  	s29 =	simm.s32 $0x3;
	s30 =	simm.s32 $0x8000;
	s31 =	simm.s32 $0x8100  }
0x5: {  	[smem:$0x7FF] =	sst s2;
	s3 =	sadd.s32 $0xD000, s0;
	s5 =	sadd.s32 $0x2A00, s0  }
0x6: {  	s6 =	sadd.s32 $0x17000, s0;
	s12 =	sadd.s32 $0x3F000, s0;
	s11 =	smul.u32 $0x280, s21  }
0x7: {  	s4 =	sand.u32 $0x1, s4;
	s0 =	sadd.s32 $0x67000, s0;
	s10 =	smul.u32 $0x50000, s21  }
0x8: {  	s15 =	smul.u32 $0x2800, s21;
	_ =	strace $0x80000050;
	s7 =	ssub.s32 $0x2, s4  }
0x9: {  	s9 =	sshll.u32 s4, $0x4;
	p0 =	seq.s32 s4, $0x1;
	s4 =	smul.u32 $0x140000, s4  }
0xa: {  	s8 =	sshrl.u32 s7, $0x1;
	s14 =	sor.u32 s21, s9;
	s22 =	sshrl.u32 s10, $0x2  }
0xb: {  	s23 =	sadd.s32 $0x80, s11;
	s24 =	sadd.s32 $0x100, s11;
	s25 =	sadd.s32 $0x180, s11  }
0xc: {  	s21 =	smul.u32 $0x14000, s21;
	s11 =	sadd.s32 $0x200, s11;
	s13 =	ssub.s32 s7, s8  }
0xd: {  	s7 =	sadd.s32 s22, s1;
	s16 =	sshll.u32 s23, $0x7;
	s18 =	sshll.u32 s23, $0x4  }
0xe: {  	s19 =	sshll.u32 s24, $0x4;
	s17 =	sshll.u32 s24, $0x7;
	s20 =	sshll.u32 s25, $0x7  }
0xf: {  	s22 =	sshll.u32 s25, $0x4;
	s23 =	sshll.u32 s11, $0x4;
	s24 =	sshll.u32 s11, $0x7  }
0x10: {  	s11 =	smul.u32 $0x2800, s14;
	s8 =	sadd.s32 s16, s1;
	s9 =	sadd.s32 s17, s1  }
0x11: {  	s10 =	sadd.s32 s20, s1;
	s21 =	sadd.s32 s21, s4;
	s16 =	sadd.s32 s4, s16  }
0x12: {  	s25 =	sadd.s32 s4, s17;
	s28 =	smax.u32 s13, $0x1;
	s13 =	simm.s32 $0x4000  }
0x13: {  	s21 =	sshrl.u32 s21, $0x3;
	s16 =	sshrl.u32 s16, $0x3;
	s14 =	sshrl.u32 s25, $0x3  }
0x14: {  	s26 =	sadd.s32 s0, s21;
	s21 =	sadd.s32 s0, s16;
	s14 =	sadd.s32 s0, s14  }
0x15: {  	[dreg:$0x3] =	wrdreg s26;
	s26 =	sadd.s32 s4, s20;
	s4 =	sadd.s32 s4, s24  }
0x16: {  	[dreg:$0x4] =	wrdreg s21;
	s16 =	sshrl.u32 s26, $0x3;
	s4 =	sshrl.u32 s4, $0x3  }
0x17: {  	[dreg:$0x5] =	wrdreg s14;
	s17 =	sadd.s32 s0, s16;
	s0 =	sadd.s32 s0, s4  }
0x18: {  	s20 =	sshrl.u32 s11, $0x3;
	[dreg:$0x7] =	wrdreg s0;
	s0 =	smov.u32 s6  }
0x19: {  	s14 =	simm.s32 $0x1;
	s26 =	sor.u32 $0x10, s20;
	s0 =	smov.u32 @p0 s12  }
0x1a: {  	s4 =	simm.s32 $0x8080;
	[dreg:$0x6] =	wrdreg s17;
	s12 =	sadd.s32 s0, s15  }
0x1b: {  	s16 =	simm.s32 $0x0;
	s21 =	sadd.s32 s0, s18;
	[dreg:$0x8] =	wrdreg s12  }
0x1c: {  	s17 =	sadd.s32 s24, s1;
	s24 =	sadd.s32 s0, s19;
	[dreg:$0x9] =	wrdreg s21  }
0x1d: {  	s25 =	sadd.s32 s0, s22;
	s0 =	sadd.s32 s0, s23;
	[dreg:$0xa] =	wrdreg s24  }
0x1e: {  	s23 =	sadd.s32 s3, s20;
	s15 =	simm.s32 $0x2;
	[dreg:$0xb] =	wrdreg s25  }
0x1f: {  	[dreg:$0xc] =	wrdreg s0;
	s24 =	sadd.s32 s5, s20;
	s25 =	sadd.s32 s3, s26  }
0x20: {  	s26 =	sadd.s32 s5, s26;
	s0 =	simm.s32 $0x80;
	s12 =	simm.s32 $0x8180  }
.LBB2_1:
0x21: {  	s18 =	rddreg [dreg:$0x8]  }
0x22: {  	[tilespmem:s2], [sflag:$0x3] =	stream.linear.gather [hbm4b:s18+s2], $0x4000, $0x38;
	[tilespmem:$0x1C200] =	vst v63  }
0x23: {  	_ =	swait.ge [sflag:s29], $0x4000  }
0x24: {  	[sflag:s29] =	ssyncset.done $0x0  }
0x25: {  	[sflag:s29] =	ssyncadd.s32 $0xFFFFC000  }
0x26: {  	[spmem:s7] =	stream.linear.scatter [tilespmem:s2], [sflag:$0x3], $0x4000, $0x38;
	[tilespmem:$0x1C200] =	vst v63  }
0x27: {  	_ =	swait.ge [sflag:s29], $0x4000  }
0x28: {  	[sflag:s29] =	ssyncset.done $0x0  }
0x29: {  	s20 =	rddreg [dreg:$0x9];
	[sflag:s29] =	ssyncadd.s32 $0xFFFFC000  }
0x2a: {  	[tilespmem:s2], [sflag:$0x3] =	stream.linear.gather [hbm4b:s20+s2], $0x4000, $0x38;
	[tilespmem:$0x1C200] =	vst v63  }
0x2b: {  	_ =	swait.ge [sflag:s29], $0x4000  }
0x2c: {  	[sflag:s29] =	ssyncset.done $0x0  }
0x2d: {  	[sflag:s29] =	ssyncadd.s32 $0xFFFFC000  }
0x2e: {  	[spmem:s8] =	stream.linear.scatter [tilespmem:s2], [sflag:$0x3], $0x4000, $0x38;
	[tilespmem:$0x1C200] =	vst v63  }
0x2f: {  	_ =	swait.ge [sflag:s29], $0x4000  }
0x30: {  	[sflag:s29] =	ssyncset.done $0x0  }
0x31: {  	s21 =	rddreg [dreg:$0xa];
	[sflag:s29] =	ssyncadd.s32 $0xFFFFC000  }
0x32: {  	[tilespmem:s2], [sflag:$0x3] =	stream.linear.gather [hbm4b:s21+s2], $0x4000, $0x38;
	[tilespmem:$0x1C200] =	vst v63  }
0x33: {  	_ =	swait.ge [sflag:s29], $0x4000  }
0x34: {  	[sflag:s29] =	ssyncset.done $0x0  }
0x35: {  	[sflag:s29] =	ssyncadd.s32 $0xFFFFC000  }
0x36: {  	[spmem:s9] =	stream.linear.scatter [tilespmem:s2], [sflag:$0x3], $0x4000, $0x38;
	[tilespmem:$0x1C200] =	vst v63  }
0x37: {  	_ =	swait.ge [sflag:s29], $0x4000  }
0x38: {  	[sflag:s29] =	ssyncset.done $0x0  }
0x39: {  	s22 =	rddreg [dreg:$0xb];
	[sflag:s29] =	ssyncadd.s32 $0xFFFFC000  }
0x3a: {  	[tilespmem:s2], [sflag:$0x3] =	stream.linear.gather [hbm4b:s22+s2], $0x4000, $0x38;
	[tilespmem:$0x1C200] =	vst v63  }
0x3b: {  	_ =	swait.ge [sflag:s29], $0x4000  }
0x3c: {  	[sflag:s29] =	ssyncset.done $0x0  }
0x3d: {  	[sflag:s29] =	ssyncadd.s32 $0xFFFFC000  }
0x3e: {  	[spmem:s10] =	stream.linear.scatter [tilespmem:s2], [sflag:$0x3], $0x4000, $0x38;
	[tilespmem:$0x1C200] =	vst v63  }
0x3f: {  	_ =	swait.ge [sflag:s29], $0x4000  }
0x40: {  	[sflag:s29] =	ssyncset.done $0x0  }
0x41: {  	s19 =	rddreg [dreg:$0xc];
	[sflag:s29] =	ssyncadd.s32 $0xFFFFC000  }
0x42: {  	[tilespmem:s2], [sflag:$0x3] =	stream.linear.gather [hbm4b:s19+s2], $0x4000, $0x38;
	[tilespmem:$0x1C200] =	vst v63  }
0x43: {  	_ =	swait.ge [sflag:s29], $0x4000  }
0x44: {  	[sflag:s29] =	ssyncset.done $0x0  }
0x45: {  	[sflag:s29] =	ssyncadd.s32 $0xFFFFC000  }
0x46: {  	[spmem:s17] =	stream.linear.scatter [tilespmem:s2], [sflag:$0x3], $0x4000, $0x38;
	[tilespmem:$0x1C200] =	vst v63  }
0x47: {  	_ =	swait.ge [sflag:s29], $0x4000  }
0x48: {  	[sflag:s29] =	ssyncset.done $0x0  }
0x49: {  	[sflag:s29] =	ssyncadd.s32 $0xFFFFC000  }
0x4a: {  	[bflag:$0x0] =	sbarrier.arrive $0xFFFF  }
0x4b: {  	[tilespmem:s30], [sflag:$0x3] =	stream.linear.gather [hbm4b:s23+s2], $0x80, $0x38;
	[tilespmem:$0x1C200] =	vst v63  }
0x4c: {  	_ =	swait.ge [sflag:s29], $0x80  }
0x4d: {  	[sflag:s29] =	ssyncset.done $0x0  }
0x4e: {  	[sflag:s29] =	ssyncadd.s32 $0xFFFFFF80  }
0x4f: {  	[tilespmem:s31], [sflag:$0x3] =	stream.linear.gather [hbm4b:s24+s2], $0x80, $0x38;
	[tilespmem:$0x1C200] =	vst v63  }
0x50: {  	_ =	swait.ge [sflag:s29], $0x80  }
0x51: {  	[sflag:s29] =	ssyncset.done $0x0  }
0x52: {  	[sflag:s29] =	ssyncadd.s32 $0xFFFFFF80  }
0x53: {  	[tilespmem:s2], [sflag:$0x1] =	stream.indirect.gather [hbm4b:s6+s0], $0x80, s30, s0, $0xb8;
	[tilespmem:$0x1C200] =	vst v63  }
0x54: {  	_ = 	snop  }
0x55: {  	[tilespmem:s4], [sflag:$0x3] =	stream.linear.gather [hbm4b:s25+s2], $0x80, $0x38;
	[tilespmem:$0x1C200] =	vst v63  }
0x56: {  	_ =	swait.ge [sflag:s29], $0x80  }
0x57: {  	[sflag:s29] =	ssyncset.done $0x0  }
0x58: {  	[sflag:s29] =	ssyncadd.s32 $0xFFFFFF80  }
0x59: {  	[tilespmem:s12], [sflag:$0x3] =	stream.linear.gather [hbm4b:s26+s2], $0x80, $0x38;
	[tilespmem:$0x1C200] =	vst v63  }
0x5a: {  	_ =	swait.ge [sflag:s29], $0x80  }
0x5b: {  	[sflag:s29] =	ssyncset.done $0x0  }
0x5c: {  	[sflag:s29] =	ssyncadd.s32 $0xFFFFFF80  }
0x5d: {  	[tilespmem:s13], [sflag:$0x2] =	stream.indirect.gather [hbm4b:s6+s0], $0x80, s4, s0, $0xb8;
	[tilespmem:$0x1C200] =	vst v63  }
0x5e: {  	s20 =	simm.s32 $0x100;
	_ =	swait.ge [sflag:s14], $0x4000  }
0x5f: {  	s19 =	sand.u32 $0x7C00, s20;
	[sflag:s14] =	ssyncset.done $0x0  }
0x60: {  	s18 =	sand.u32 $0x300, s20;
	s19 =	sadd.s32 s11, s19;
	[sflag:s14] =	ssyncadd.s32 $0xFFFFC000  }
0x61: {  	[spmem:s1] =	stream.indirect.scatter.add.f32 [tilespmem:s2], [sflag:$0x3], $0x80, s31, s0, $0xb8;
	[tilespmem:$0x1C200] =	vst v63  }
0x62: {  	s18 =	sor.u32 s18, s19;
	_ =	swait.ge [sflag:s29], $0x4000  }
0x63: {  	s18 =	sshrl.u32 s18, $0x3;
	[sflag:s29] =	ssyncset.done $0x0  }
0x64: {  	s21 =	sadd.s32 s3, s18;
	[sflag:s29] =	ssyncadd.s32 $0xFFFFC000  }
0x65: {  	[tilespmem:s30], [sflag:$0x3] =	stream.linear.gather [hbm4b:s21+s2], $0x80, $0x38;
	[tilespmem:$0x1C200] =	vst v63  }
0x66: {  	_ =	swait.ge [sflag:s29], $0x80  }
0x67: {  	[sflag:s29] =	ssyncset.done $0x0  }
0x68: {  	s18 =	sadd.s32 s5, s18;
	[sflag:s29] =	ssyncadd.s32 $0xFFFFFF80  }
0x69: {  	[tilespmem:s31], [sflag:$0x3] =	stream.linear.gather [hbm4b:s18+s2], $0x80, $0x38;
	[tilespmem:$0x1C200] =	vst v63  }
0x6a: {  	_ =	swait.ge [sflag:s29], $0x80  }
0x6b: {  	[sflag:s29] =	ssyncset.done $0x0  }
0x6c: {  	[sflag:s29] =	ssyncadd.s32 $0xFFFFFF80  }
0x6d: {  	[tilespmem:s2], [sflag:$0x1] =	stream.indirect.gather [hbm4b:s6+s0], $0x80, s30, s0, $0xb8;
	[tilespmem:$0x1C200] =	vst v63  }
0x6e: {  	s22 =	simm.s32 $0x180;
	_ =	swait.ge [sflag:s15], $0x4000  }
0x6f: {  	s20 =	sand.u32 $0x7C00, s22;
	[sflag:s15] =	ssyncset.done $0x0  }
0x70: {  	s19 =	sadd.s32 s11, s20;
	s18 =	sand.u32 $0x380, s22;
	[sflag:s15] =	ssyncadd.s32 $0xFFFFC000  }
0x71: {  	[spmem:s1] =	stream.indirect.scatter.add.f32 [tilespmem:s13], [sflag:$0x3], $0x80, s12, s0, $0xb8;
	[tilespmem:$0x1C200] =	vst v63  }
0x72: {  	s18 =	sor.u32 s18, s19;
	_ =	swait.ge [sflag:s29], $0x4000  }
0x73: {  	s18 =	sshrl.u32 s18, $0x3;
	[sflag:s29] =	ssyncset.done $0x0  }
0x74: {  	s21 =	sadd.s32 s3, s18;
	[sflag:s29] =	ssyncadd.s32 $0xFFFFC000  }
0x75: {  	[tilespmem:s4], [sflag:$0x3] =	stream.linear.gather [hbm4b:s21+s2], $0x80, $0x38;
	[tilespmem:$0x1C200] =	vst v63  }
0x76: {  	_ =	swait.ge [sflag:s29], $0x80  }
0x77: {  	[sflag:s29] =	ssyncset.done $0x0  }
0x78: {  	s18 =	sadd.s32 s5, s18;
	[sflag:s29] =	ssyncadd.s32 $0xFFFFFF80  }
0x79: {  	[tilespmem:s12], [sflag:$0x3] =	stream.linear.gather [hbm4b:s18+s2], $0x80, $0x38;
	[tilespmem:$0x1C200] =	vst v63  }
0x7a: {  	s22 =	simm.s32 $0x200;
	_ =	swait.ge [sflag:s29], $0x80  }
0x7b: {  	s20 =	sand.u32 $0x7C00, s22;
	[sflag:s29] =	ssyncset.done $0x0  }
0x7c: {  	s19 =	sand.u32 $0x300, s22;
	s20 =	sadd.s32 s11, s20;
	[sflag:s29] =	ssyncadd.s32 $0xFFFFFF80  }
0x7d: {  	[tilespmem:s13], [sflag:$0x2] =	stream.indirect.gather [hbm4b:s6+s0], $0x80, s4, s0, $0xb8;
	[tilespmem:$0x1C200] =	vst v63  }
0x7e: {  	s20 =	sor.u32 s19, s20;
	_ =	swait.ge [sflag:s14], $0x4000  }
0x7f: {  	s19 =	simm.s32 $0x380;
	s18 =	simm.s32 $0x280;
	[sflag:s14] =	ssyncset.done $0x0  }
.LBB2_2:
0x80: {  	s20 =	sshrl.u32 s20, $0x3  }
0x81: {  	[sflag:s14] =	ssyncadd.s32 $0xFFFFC000;
	s22 =	smov.u32 s19;
	s21 =	sadd.s32 $0x100, s19  }
0x82: {  	[spmem:s1] =	stream.indirect.scatter.add.f32 [tilespmem:s2], [sflag:$0x3], $0x80, s31, s0, $0xb8;
	[tilespmem:$0x1C200] =	vst v63  }
0x83: {  	p0 =	sne.s32 s19, $0x2780;
	_ =	swait.ge [sflag:s29], $0x4000  }
0x84: {  	[sflag:s29] =	ssyncset.done $0x0  }
0x85: {  	s19 =	sadd.s32 s3, s20;
	[sflag:s29] =	ssyncadd.s32 $0xFFFFC000  }
0x86: {  	[tilespmem:s30], [sflag:$0x3] =	stream.linear.gather [hbm4b:s19+s2], $0x80, $0x38;
	[tilespmem:$0x1C200] =	vst v63  }
0x87: {  	_ =	swait.ge [sflag:s29], $0x80  }
0x88: {  	[sflag:s29] =	ssyncset.done $0x0  }
0x89: {  	s19 =	sadd.s32 s5, s20;
	[sflag:s29] =	ssyncadd.s32 $0xFFFFFF80  }
0x8a: {  	[tilespmem:s31], [sflag:$0x3] =	stream.linear.gather [hbm4b:s19+s2], $0x80, $0x38;
	[tilespmem:$0x1C200] =	vst v63  }
0x8b: {  	_ =	swait.ge [sflag:s29], $0x80  }
0x8c: {  	[sflag:s29] =	ssyncset.done $0x0  }
0x8d: {  	[sflag:s29] =	ssyncadd.s32 $0xFFFFFF80  }
0x8e: {  	[tilespmem:s2], [sflag:$0x1] =	stream.indirect.gather [hbm4b:s6+s0], $0x80, s30, s0, $0xb8;
	[tilespmem:$0x1C200] =	vst v63  }
0x8f: {  	_ =	swait.ge [sflag:s15], $0x4000  }
0x90: {  	[sflag:s15] =	ssyncset.done $0x0  }
0x91: {  	s19 =	sand.u32 $0x7C00, s18;
	[sflag:s15] =	ssyncadd.s32 $0xFFFFC000  }
0x92: {  	[spmem:s1] =	stream.indirect.scatter.add.f32 [tilespmem:s13], [sflag:$0x3], $0x80, s12, s0, $0xb8;
	[tilespmem:$0x1C200] =	vst v63  }
0x93: {  	s18 =	sand.u32 $0x380, s18;
	s19 =	sadd.s32 s11, s19;
	_ =	swait.ge [sflag:s29], $0x4000  }
0x94: {  	s19 =	sor.u32 s18, s19;
	s18 =	smov.u32 s22;
	[sflag:s29] =	ssyncset.done $0x0  }
0x95: {  	s19 =	sshrl.u32 s19, $0x3;
	[sflag:s29] =	ssyncadd.s32 $0xFFFFC000  }
0x96: {  	s20 =	sadd.s32 s3, s19  }
0x97: {  	[tilespmem:s4], [sflag:$0x3] =	stream.linear.gather [hbm4b:s20+s2], $0x80, $0x38;
	[tilespmem:$0x1C200] =	vst v63  }
0x98: {  	_ =	swait.ge [sflag:s29], $0x80  }
0x99: {  	[sflag:s29] =	ssyncset.done $0x0  }
0x9a: {  	s19 =	sadd.s32 s5, s19;
	[sflag:s29] =	ssyncadd.s32 $0xFFFFFF80  }
0x9b: {  	[tilespmem:s12], [sflag:$0x3] =	stream.linear.gather [hbm4b:s19+s2], $0x80, $0x38;
	[tilespmem:$0x1C200] =	vst v63  }
0x9c: {  	_ =	swait.ge [sflag:s29], $0x80  }
.Ltmp0:
0x9d: {  	s19 =	sadd.s32 $0xFFFFFF80, s18;
	[sflag:s29] =	ssyncset.done $0x0;
	(pc) =	sbr.rel @p0 .LBB2_2-.Ltmp0, $4  }
0x9e: {  	s20 =	sand.u32 $0x7C00, s19;
	[sflag:s29] =	ssyncadd.s32 $0xFFFFFF80  }
0x9f: {  	[tilespmem:s13], [sflag:$0x2] =	stream.indirect.gather [hbm4b:s6+s0], $0x80, s4, s0, $0xb8;
	[tilespmem:$0x1C200] =	vst v63  }
0xa0: {  	s19 =	sand.u32 $0x300, s19;
	s20 =	sadd.s32 s11, s20;
	_ =	swait.ge [sflag:s14], $0x4000  }
0xa1: {  	s20 =	sor.u32 s19, s20;
	s19 =	smov.u32 s21;
	[sflag:s14] =	ssyncset.done $0x0  }
0xa2: {  	[sflag:s14] =	ssyncadd.s32 $0xFFFFC000  }
0xa3: {  	[spmem:s1] =	stream.indirect.scatter.add.f32 [tilespmem:s2], [sflag:$0x3], $0x80, s31, s0, $0xb8;
	[tilespmem:$0x1C200] =	vst v63  }
0xa4: {  	_ =	swait.ge [sflag:s29], $0x4000  }
0xa5: {  	s19 =	sshrl.u32 s20, $0x3;
	[sflag:s29] =	ssyncset.done $0x0  }
0xa6: {  	s20 =	sadd.s32 s3, s19;
	[sflag:s29] =	ssyncadd.s32 $0xFFFFC000  }
0xa7: {  	[tilespmem:s30], [sflag:$0x3] =	stream.linear.gather [hbm4b:s20+s2], $0x80, $0x38;
	[tilespmem:$0x1C200] =	vst v63  }
0xa8: {  	_ =	swait.ge [sflag:s29], $0x80  }
0xa9: {  	[sflag:s29] =	ssyncset.done $0x0  }
0xaa: {  	s19 =	sadd.s32 s5, s19;
	[sflag:s29] =	ssyncadd.s32 $0xFFFFFF80  }
0xab: {  	[tilespmem:s31], [sflag:$0x3] =	stream.linear.gather [hbm4b:s19+s2], $0x80, $0x38;
	[tilespmem:$0x1C200] =	vst v63  }
0xac: {  	_ =	swait.ge [sflag:s29], $0x80  }
0xad: {  	[sflag:s29] =	ssyncset.done $0x0  }
0xae: {  	[sflag:s29] =	ssyncadd.s32 $0xFFFFFF80  }
0xaf: {  	[tilespmem:s2], [sflag:$0x1] =	stream.indirect.gather [hbm4b:s6+s0], $0x80, s30, s0, $0xb8;
	[tilespmem:$0x1C200] =	vst v63  }
0xb0: {  	_ =	swait.ge [sflag:s15], $0x4000  }
0xb1: {  	s20 =	sand.u32 $0x7C00, s18;
	[sflag:s15] =	ssyncset.done $0x0  }
0xb2: {  	s21 =	sand.u32 $0x380, s18;
	s19 =	sadd.s32 s11, s20;
	[sflag:s15] =	ssyncadd.s32 $0xFFFFC000  }
0xb3: {  	[spmem:s1] =	stream.indirect.scatter.add.f32 [tilespmem:s13], [sflag:$0x3], $0x80, s12, s0, $0xb8;
	[tilespmem:$0x1C200] =	vst v63  }
0xb4: {  	s18 =	sor.u32 s21, s19;
	_ =	swait.ge [sflag:s29], $0x4000  }
0xb5: {  	s18 =	sshrl.u32 s18, $0x3;
	[sflag:s29] =	ssyncset.done $0x0  }
0xb6: {  	s22 =	sadd.s32 s3, s18;
	[sflag:s29] =	ssyncadd.s32 $0xFFFFC000  }
0xb7: {  	[tilespmem:s4], [sflag:$0x3] =	stream.linear.gather [hbm4b:s22+s2], $0x80, $0x38;
	[tilespmem:$0x1C200] =	vst v63  }
0xb8: {  	_ =	swait.ge [sflag:s29], $0x80  }
0xb9: {  	[sflag:s29] =	ssyncset.done $0x0  }
0xba: {  	s18 =	sadd.s32 s5, s18;
	[sflag:s29] =	ssyncadd.s32 $0xFFFFFF80  }
0xbb: {  	[tilespmem:s12], [sflag:$0x3] =	stream.linear.gather [hbm4b:s18+s2], $0x80, $0x38;
	[tilespmem:$0x1C200] =	vst v63  }
0xbc: {  	_ =	swait.ge [sflag:s29], $0x80  }
0xbd: {  	[sflag:s29] =	ssyncset.done $0x0  }
0xbe: {  	[sflag:s29] =	ssyncadd.s32 $0xFFFFFF80  }
0xbf: {  	[tilespmem:s13], [sflag:$0x2] =	stream.indirect.gather [hbm4b:s6+s0], $0x80, s4, s0, $0xb8;
	[tilespmem:$0x1C200] =	vst v63  }
0xc0: {  	_ =	swait.ge [sflag:s14], $0x4000  }
0xc1: {  	[sflag:s14] =	ssyncset.done $0x0  }
0xc2: {  	[sflag:s14] =	ssyncadd.s32 $0xFFFFC000  }
0xc3: {  	[spmem:s1] =	stream.indirect.scatter.add.f32 [tilespmem:s2], [sflag:$0x3], $0x80, s31, s0, $0xb8;
	[tilespmem:$0x1C200] =	vst v63  }
0xc4: {  	_ =	swait.ge [sflag:s29], $0x4000  }
0xc5: {  	[sflag:s29] =	ssyncset.done $0x0  }
0xc6: {  	[sflag:s29] =	ssyncadd.s32 $0xFFFFC000  }
0xc7: {  	_ =	swait.ge [sflag:s15], $0x4000  }
0xc8: {  	[sflag:s15] =	ssyncset.done $0x0  }
0xc9: {  	[sflag:s15] =	ssyncadd.s32 $0xFFFFC000  }
0xca: {  	[spmem:s1] =	stream.indirect.scatter.add.f32 [tilespmem:s13], [sflag:$0x3], $0x80, s12, s0, $0xb8;
	[tilespmem:$0x1C200] =	vst v63  }
0xcb: {  	_ =	swait.ge [sflag:s29], $0x4000  }
0xcc: {  	[sflag:s29] =	ssyncset.done $0x0  }
0xcd: {  	s20 =	stileid.u32;
	[sflag:s29] =	ssyncadd.s32 $0xFFFFC000  }
0xce: {  	s18 =	sshll.u32 s20, $0x6;
	[bflag:$0x0] =	sbarrier.arrive $0xFFFF  }
0xcf: {  	s21 =	sshrl.u32 s7, $0x3;
	s18 =	sor.u32 $0x1C03, s18;
	s22 =	rddreg [dreg:$0x3]  }
0xd0: {  	[hbm:s22], [sflag:s18] =	dma.local [spmem:s21], $0x800  }
0xd1: {  	_ =	swait.ge [sflag:s29], $0x800  }
0xd2: {  	[sflag:s29] =	ssyncset.done $0x0  }
0xd3: {  	s21 =	sshrl.u32 s8, $0x3;
	s22 =	rddreg [dreg:$0x4];
	[sflag:s29] =	ssyncadd.s32 $0xFFFFF800  }
0xd4: {  	[hbm:s22], [sflag:s18] =	dma.local [spmem:s21], $0x800  }
0xd5: {  	_ =	swait.ge [sflag:s29], $0x800  }
0xd6: {  	[sflag:s29] =	ssyncset.done $0x0  }
0xd7: {  	s21 =	sshrl.u32 s9, $0x3;
	s22 =	rddreg [dreg:$0x5];
	[sflag:s29] =	ssyncadd.s32 $0xFFFFF800  }
0xd8: {  	[hbm:s22], [sflag:s18] =	dma.local [spmem:s21], $0x800  }
0xd9: {  	_ =	swait.ge [sflag:s29], $0x800  }
0xda: {  	[sflag:s29] =	ssyncset.done $0x0  }
0xdb: {  	s21 =	sshrl.u32 s10, $0x3;
	s22 =	rddreg [dreg:$0x6];
	[sflag:s29] =	ssyncadd.s32 $0xFFFFF800  }
0xdc: {  	[hbm:s22], [sflag:s18] =	dma.local [spmem:s21], $0x800  }
0xdd: {  	s16 =	sadd.s32 $0x1, s16;
	_ =	swait.ge [sflag:s29], $0x800  }
0xde: {  	p0 =	sne.s32 s16, s28;
	s21 =	sshrl.u32 s17, $0x3;
	[sflag:s29] =	ssyncset.done $0x0  }
.Ltmp1:
0xdf: {  	s22 =	rddreg [dreg:$0x7];
	[sflag:s29] =	ssyncadd.s32 $0xFFFFF800;
	(pc) =	sbr.rel @p0 .LBB2_1-.Ltmp1, $4  }
0xe0: {  	[hbm:s22], [sflag:s18] =	dma.local [spmem:s21], $0x800  }
0xe1: {  	_ =	swait.ge [sflag:s29], $0x800  }
0xe2: {  	[sflag:s29] =	ssyncset.done $0x0  }
0xe3: {  	[sflag:s29] =	ssyncadd.s32 $0xFFFFF800  }
0xe4: {  	_ =	sfence.sel $0x180000  }
0xe5: {  	[bflag:$0x0] =	sbarrier.arrive $0xFFFF  }
0xe6: {  	_ =	strace $0x90000050  }
0xe7: {  	s0 =	stileid.u32;
	[bflag:$0x2] =	sbarrier.arrive $0xFFFF  }
0xe8: {  	p0 =	sne.s32 s0, $0x0;
	s0 =	rddreg [dreg:$0x2]  }
0xe9: {  	s0 =	sadd.s32 @!p0 $0x100000, s0  }
0xea: {  	[sflag:s0] =	ssyncadd.tile.s32 @!p0 $0x1;
	_ =	shalt  }
.Lfunc_end2:
_tile_overlayer_lowered:
.L_overlay_start_2:
0xeb: {  	(tag) =	ssettag $0x2  }
0xec: {  	s0 =	rddreg [dreg:$0x0];
	s2 =	stileid.u32  }
0xed: {  	s1 =	rddreg [dreg:$0x1];
	p0 =	sne.s32 s2, $0x0  }
0xee: {  	s3 =	rddreg [dreg:$0x2];
	[bflag:$0x3] =	sbarrier.arrive $0xFFFF;
	s2 =	simm.s32 @!p0 $0x1C03  }
0xef: {  	[timem:s3], [sflag:s2] =	dma.local @!p0 [hbm:s0], s1  }
0xf0: {  	s0 =	simm.s32 @!p0 $0x3  }
0xf1: {  	_ =	swait.ge @!p0 [sflag:s0], s1  }
0xf2: {  	s1 =	ssub.s32 @!p0 $0x0, s1;
	[sflag:s0] =	ssyncset.done @!p0 $0x0  }
0xf3: {  	[sflag:s0] =	ssyncadd.s32 @!p0 s1  }
0xf4: {  	[bflag:$0x3] =	sbarrier.arrive $0xFFFF  }
0xf5: {  	_ =	shalt  }

</sc_bundles>
